<compile_context>
chip_gen: v7x
topology: tpu7x:2x2x1
jax: 0.10.2.dev20260603
libtpu: 0.0.44.dev20260713+nightly
codegen_flags: <defaults>
</compile_context>

<pallas_src>
import jax
import jax.numpy as jnp
from jax import lax
from jax.experimental import pallas as pl
from jax.experimental.pallas import tpu as pltpu
from jax.experimental.pallas import tpu_sc as plsc

N = 10000
E = 320000
DIN = 128
H = 32

NC = 2
NS = 16
LANES = 16
NW = NC * NS
PW = E // NW
C = 125
NCHUNK = PW // C
N_PAD = 10240
NPS = N_PAD // NS


def _relu(x):
    return jnp.maximum(x, 0.0)



def _norm_body(e_ref, o_ref):
    o_ref[...] = jnp.max(jnp.abs(e_ref[...]), keepdims=True).reshape(1, 1)


def _node0_body(nodes_ref, wne_ref, bne_ref, wes_ref, wer_ref,
                hn_ref, ps_ref, pr_ref):
    hn = _relu(jnp.dot(nodes_ref[...], wne_ref[...],
                       preferred_element_type=jnp.float32) + bne_ref[...])
    hn_ref[...] = hn
    ps_ref[...] = jnp.dot(hn, wes_ref[...], preferred_element_type=jnp.float32)
    pr_ref[...] = jnp.dot(hn, wer_ref[...], preferred_element_type=jnp.float32)


def _nodeupd_body(hn_ref, agg2_ref, wnh_ref, wna_ref, bn_ref, wes_ref, wer_ref,
                  hn_out, ps_ref, pr_ref):
    agg = agg2_ref[0, :N, :] + agg2_ref[1, :N, :]
    hn = _relu(jnp.dot(hn_ref[...], wnh_ref[...],
                       preferred_element_type=jnp.float32)
               + jnp.dot(agg, wna_ref[...], preferred_element_type=jnp.float32)
               + bn_ref[...])
    hn_out[...] = hn
    ps_ref[...] = jnp.dot(hn, wes_ref[...], preferred_element_type=jnp.float32)
    pr_ref[...] = jnp.dot(hn, wer_ref[...], preferred_element_type=jnp.float32)


def _q0_body(e4t_ref, norm_ref, s_ref, bee4_ref, bd0_ref, be04_ref, q_ref):
    inv = 1.0 / norm_ref[0, 0]
    pre = lax.dot_general(e4t_ref[...], s_ref[...], (((0,), (0,)), ((), ())),
                          preferred_element_type=jnp.float32)
    he = _relu(pre * inv + bee4_ref[...])
    q_ref[...] = jnp.dot(he, bd0_ref[...],
                         preferred_element_type=jnp.float32) + be04_ref[...]


def _q_body(m4_ref, bd_ref, be4_ref, q_ref):
    q_ref[...] = jnp.dot(m4_ref[...], bd_ref[...],
                         preferred_element_type=jnp.float32) + be4_ref[...]


def _dec_body(m4_ref, wedbd8_ref, d_ref):
    d_ref[...] = lax.dot_general(wedbd8_ref[...], m4_ref[...],
                                 (((1,), (1,)), ((), ())),
                                 preferred_element_type=jnp.float32)


def _out_body(dec_ref, e_ref, r_ref, s_ref, bed_ref, norm_ref, alpha_ref,
              o_ref):
    val = e_ref[...] + alpha_ref[0, 0] * norm_ref[0, 0] * (
        dec_ref[...] + bed_ref[0, 0])
    o_ref[...] = jnp.where(r_ref[...] >= s_ref[...], val, 0.0)


BE4 = 8000
BQ0 = 16000

_f32 = jnp.float32


def _blk(shape):
    return pl.BlockSpec(shape, lambda i: (i,) + (0,) * (len(shape) - 1))


def _rep(shape):
    return pl.BlockSpec(shape, lambda i: (0,) * len(shape))



def _make_sc_edge(with_agg):
    out_type = [jax.ShapeDtypeStruct((E, H), _f32)]
    scratch = [
        pltpu.VMEM((NCHUNK, C), jnp.int32),
        pltpu.VMEM((NCHUNK, C), jnp.int32),
        pltpu.VMEM((C, H), _f32),
        pltpu.VMEM((C, H), _f32),
        pltpu.VMEM((C, H), _f32),
        pltpu.VMEM((C, H), _f32),
        pltpu.VMEM((C, H), _f32),
        pltpu.VMEM((C, H), _f32),
        pltpu.VMEM((C, H), _f32),
        pltpu.VMEM((C, H), _f32),
    ] + [pltpu.SemaphoreType.DMA] * 8 + [
        pltpu.VMEM_SHARED((N, H), _f32),
    ]
    if with_agg:
        out_type.append(jax.ShapeDtypeStruct((NC, N_PAD, H), _f32))
        scratch.append(pltpu.VMEM((NPS, H), _f32))
        scratch.append(pltpu.VMEM_SHARED((N_PAD, H), _f32))

    mesh = plsc.VectorSubcoreMesh(core_axis_name="c", subcore_axis_name="s",
                                  num_cores=NC, num_subcores=NS)

    def body(ps_hbm, pr_hbm, q_hbm, snd_hbm, rcv_hbm, m_hbm, *rest):
        if with_agg:
            (agg_hbm, s_all, r_all, a0, a1, b0, b1, q0, q1, m0, m1,
             sa0, sa1, sb0, sb1, sq0, sq1, sm0, sm1,
             ps_sh, zbuf, agg_sh) = rest
        else:
            (s_all, r_all, a0, a1, b0, b1, q0, q1, m0, m1,
             sa0, sa1, sb0, sb1, sq0, sq1, sm0, sm1, ps_sh) = rest
        A, B, Q, M = (a0, a1), (b0, b1), (q0, q1), (m0, m1)
        SA, SB, SQ, SM = (sa0, sa1), (sb0, sb1), (sq0, sq1), (sm0, sm1)
        cid = lax.axis_index("c")
        sid = lax.axis_index("s")
        wid = sid * NC + cid
        base = wid * PW

        pltpu.sync_copy(snd_hbm.at[wid], s_all)
        pltpu.sync_copy(rcv_hbm.at[wid], r_all)

        nsl = N // NS
        psl = pl.ds(sid * nsl, nsl)
        pltpu.sync_copy(ps_hbm.at[psl], ps_sh.at[psl])
        plsc.subcore_barrier()

        if with_agg:
            def zrow(i, carry):
                zbuf[i, pl.ds(0, LANES)] = jnp.zeros((LANES,), _f32)
                zbuf[i, pl.ds(LANES, LANES)] = jnp.zeros((LANES,), _f32)
                return carry
            lax.fori_loop(0, NPS, zrow, 0)
            pltpu.sync_copy(zbuf, agg_sh.at[pl.ds(sid * NPS, NPS)])
            plsc.subcore_barrier()

        def fire(j, k):
            pltpu.async_copy(ps_sh.at[s_all.at[j]], A[k], SA[k])
            pltpu.async_copy(pr_hbm.at[r_all.at[j]], B[k], SB[k])
            pltpu.async_copy(q_hbm.at[pl.ds(base + j * C, C)], Q[k], SQ[k])

        def process(j, k, mwait):
            pltpu.make_async_copy(ps_sh.at[s_all.at[j]], A[k], SA[k]).wait()
            pltpu.make_async_copy(pr_hbm.at[r_all.at[j]], B[k], SB[k]).wait()
            pltpu.make_async_copy(q_hbm.at[pl.ds(base + j * C, C)], Q[k],
                                  SQ[k]).wait()
            if mwait:
                pltpu.make_async_copy(M[k], m_hbm.at[pl.ds(base, C)],
                                      SM[k]).wait()

            def row(c, carry):
                for h in range(H // LANES):
                    sl = pl.ds(h * LANES, LANES)
                    M[k][c, sl] = jnp.maximum(
                        Q[k][c, sl] + A[k][c, sl] + B[k][c, sl], 0.0)
                return carry
            lax.fori_loop(0, C, row, 0)

            pltpu.async_copy(M[k], m_hbm.at[pl.ds(base + j * C, C)], SM[k])
            if with_agg:
                pltpu.sync_copy(M[k], agg_sh.at[r_all.at[j]], add=True)

        fire(0, 0)
        fire(1, 1)
        process(0, 0, False)
        fire(2, 0)
        process(1, 1, False)
        fire(3, 1)

        def pair(t, carry):
            process(2 * t, 0, True)
            fire(2 * t + 2, 0)
            process(2 * t + 1, 1, True)
            fire(2 * t + 3, 1)
            return carry
        lax.fori_loop(1, NCHUNK // 2 - 1, pair, 0)

        process(NCHUNK - 2, 0, True)
        process(NCHUNK - 1, 1, True)
        pltpu.make_async_copy(M[0], m_hbm.at[pl.ds(base, C)], SM[0]).wait()
        pltpu.make_async_copy(M[1], m_hbm.at[pl.ds(base, C)], SM[1]).wait()

        if with_agg:
            plsc.subcore_barrier()
            pltpu.sync_copy(agg_sh.at[pl.ds(sid * NPS, NPS)],
                            agg_hbm.at[cid, pl.ds(sid * NPS, NPS)])

    return pl.kernel(body, out_type=tuple(out_type), mesh=mesh,
                     scratch_types=tuple(scratch),
                     compiler_params=pltpu.CompilerParams(
                         use_tc_tiling_on_sc=False))


_sc_edge_agg = _make_sc_edge(True)
_sc_edge_noagg = _make_sc_edge(False)



@jax.jit
def kernel(nodes, edges, receivers, senders, Wne, bne, Wee, bee, We, be, Wn,
           bn, Wed, bed, alpha):
    e2d = edges.reshape(E // 128, 128)
    r2d = receivers.reshape(E // 128, 128)
    s2d = senders.reshape(E // 128, 128)

    norm = pl.pallas_call(
        _norm_body,
        out_shape=jax.ShapeDtypeStruct((1, 1), _f32),
    )(e2d)

    eye4 = jnp.eye(4, dtype=_f32)
    bne2 = bne.reshape(1, H)
    bee4 = jnp.tile(bee.reshape(1, H), (1, 4))
    smat = jnp.kron(eye4, Wee)
    wedbd = jnp.kron(eye4, Wed)
    bed2 = bed.reshape(1, 1)
    alpha2 = alpha.reshape(1, 1)
    wes = [We[i, :H] for i in range(3)]
    wer = [We[i, H:2 * H] for i in range(3)]
    bd = [jnp.kron(eye4, We[i, 2 * H:]) for i in range(3)]
    be4 = [jnp.tile(be[i].reshape(1, H), (1, 4)) for i in range(3)]
    wnh = [Wn[i, :H] for i in range(2)]
    wna = [Wn[i, H:] for i in range(2)]
    bni = [bn[i].reshape(1, H) for i in range(2)]

    hn, ps, pr = pl.pallas_call(
        _node0_body,
        out_shape=[jax.ShapeDtypeStruct((N, H), _f32)] * 3,
    )(nodes, Wne, bne2, wes[0], wer[0])

    e4t = jnp.concatenate(
        [e2d.reshape(E // 4, 4).T,
         jnp.zeros((4, E // 4), _f32)], axis=0)
    smat8 = jnp.concatenate([smat, jnp.zeros((4, 128), _f32)], axis=0)
    q4 = pl.pallas_call(
        _q0_body,
        grid=(E // 4 // BQ0,),
        in_specs=[pl.BlockSpec((8, BQ0), lambda i: (0, i)), _rep((1, 1)),
                  _rep((8, 128)), _rep((1, 128)), _rep((128, 128)),
                  _rep((1, 128))],
        out_specs=_blk((BQ0, 128)),
        out_shape=jax.ShapeDtypeStruct((E // 4, 128), _f32),
    )(e4t, norm, smat8, bee4, bd[0], be4[0])

    snd3 = senders.reshape(NW, NCHUNK, C)
    rcv3 = receivers.reshape(NW, NCHUNK, C)

    m = None
    agg2 = None
    for i in range(3):
        if i > 0:
            hn, ps, pr = pl.pallas_call(
                _nodeupd_body,
                out_shape=[jax.ShapeDtypeStruct((N, H), _f32)] * 3,
            )(hn, agg2, wnh[i - 1], wna[i - 1], bni[i - 1], wes[i], wer[i])
            q4 = pl.pallas_call(
                _q_body,
                grid=(E // 4 // BE4,),
                in_specs=[_blk((BE4, 128)), _rep((128, 128)), _rep((1, 128))],
                out_specs=_blk((BE4, 128)),
                out_shape=jax.ShapeDtypeStruct((E // 4, 128), _f32),
            )(m4, bd[i], be4[i])
        q = q4.reshape(E, H)
        if i < 2:
            m, agg2 = _sc_edge_agg(ps, pr, q, snd3, rcv3)
        else:
            m = _sc_edge_noagg(ps, pr, q, snd3, rcv3)
            if isinstance(m, (tuple, list)):
                m = m[0]
        m4 = m.reshape(E // 4, 128)

    wedbd8 = jnp.concatenate(
        [wedbd.T, jnp.zeros((4, 128), _f32)], axis=0)
    dect = pl.pallas_call(
        _dec_body,
        grid=(E // 4 // BQ0,),
        in_specs=[_blk((BQ0, 128)), _rep((8, 128))],
        out_specs=pl.BlockSpec((8, BQ0), lambda i: (0, i)),
        out_shape=jax.ShapeDtypeStruct((8, E // 4), _f32),
    )(m4, wedbd8)
    dec2d = dect[:4].T.reshape(E // 128, 128)

    out2 = pl.pallas_call(
        _out_body,
        out_shape=jax.ShapeDtypeStruct((E // 128, 128), _f32),
    )(dec2d, e2d, r2d, s2d, bed2, norm, alpha2)
    return out2.reshape(E)

# --- scband reference (transcript-rebuilt; emitter-appended) ---
"""Pipeline reference for scband-correction-net-kap-set-16226386444586 (READ-ONLY COPY).

The authoritative reference and input builder live on the scoring server;
editing this copy changes nothing except your own understanding.
"""

import jax, jax.numpy as jnp
import numpy as np

N = 10000
E = 320000
DIN = 128
H = 32
L = 3


def setup_inputs(seed: int = 0) -> dict:
    key = jax.random.key(seed)
    ks = jax.random.split(key, 16)
    inp = {}
    inp['nodes'] = jax.random.normal(ks[0], (N, DIN), dtype=jnp.float32)
    inp['edges'] = jax.random.normal(ks[1], (E, 1), dtype=jnp.float32)
    inp['receivers'] = jax.random.randint(ks[2], (E,), 0, N, dtype=jnp.int32)
    inp['senders'] = jax.random.randint(ks[3], (E,), 0, N, dtype=jnp.int32)
    # Learned parameters
    inp['Wne'] = jax.random.normal(ks[4], (DIN, H), dtype=jnp.float32) * 0.1
    inp['bne'] = jnp.zeros((H,), dtype=jnp.float32)
    inp['Wee'] = jax.random.normal(ks[5], (1, H), dtype=jnp.float32) * 0.1
    inp['bee'] = jnp.zeros((H,), dtype=jnp.float32)
    inp['We'] = jax.random.normal(ks[6], (L, 3 * H, H), dtype=jnp.float32) * 0.1
    inp['be'] = jnp.zeros((L, H), dtype=jnp.float32)
    inp['Wn'] = jax.random.normal(ks[7], (L, 2 * H, H), dtype=jnp.float32) * 0.1
    inp['bn'] = jnp.zeros((L, H), dtype=jnp.float32)
    inp['Wed'] = jax.random.normal(ks[8], (H, 1), dtype=jnp.float32) * 0.1
    inp['bed'] = jnp.zeros((1,), dtype=jnp.float32)
    inp['alpha'] = jnp.asarray(0.1, dtype=jnp.float32)
    return inp


def reference(nodes, edges, receivers, senders, Wne, bne, Wee, bee, We, be, Wn, bn, Wed, bed, alpha):
    # L = L + alpha * GNN(L); output is the data of the lower-triangular sparse matrix
    edges_init = edges
    norm = jnp.abs(edges_init).max()
    e = edges_init / norm
    # NodeEncoder / EdgeEncoder (applied with leading batch dim of 1 in the original; equivalent here)
    h_n = jax.nn.relu(nodes @ Wne + bne)          # [N, H]
    h_e = jax.nn.relu(e @ Wee + bee)              # [E, H]
    # MessagePass: L rounds of edge update + scatter-add node aggregation
    for i in range(L):
        m = jnp.concatenate([h_n[senders], h_n[receivers], h_e], axis=-1)  # gather
        m = jax.nn.relu(m @ We[i] + be[i])        # [E, H]
        h_e = m
        agg = jax.ops.segment_sum(m, receivers, num_segments=N)            # scatter-add
        h_n = jax.nn.relu(jnp.concatenate([h_n, agg], axis=-1) @ Wn[i] + bn[i])
    # EdgeDecoder
    dec = h_e @ Wed + bed                          # [E, 1]
    dec = dec * norm
    out_e = edges_init + alpha * dec               # [E, 1]
    out_e = jnp.squeeze(out_e, axis=-1)            # [E]
    # graph_tril: keep lower-triangular edges (row=receiver >= col=sender), zero the rest
    mask = receivers >= senders
    out_e = jnp.where(mask, out_e, jnp.zeros_like(out_e))
    # graph_to_low_tri_mat_sparse: the sparse L matrix is (out_e, receivers, senders);
    # we return its data array (indices are the constant receivers/senders).
    return out_e

if __name__ == "__main__":
    import jax
    _d = setup_inputs()
    print(jax.jit(kernel)(*tuple(_d.values())))

</pallas_src>

<mosaic_0001>
#map = affine_map<(d0, d1) -> (0, 0)>
#map1 = affine_map<(d0, d1) -> (0, 0, 0)>
module attributes {stable_mosaic.version = 14 : i64} {
  func.func @body(%arg0: i32, %arg1: i32, %arg2: memref<10000x32xf32, #tpu.memory_space<hbm>>, %arg3: memref<10000x32xf32, #tpu.memory_space<hbm>>, %arg4: memref<320000x32xf32, #tpu.memory_space<hbm>>, %arg5: memref<32x80x125xi32, #tpu.memory_space<hbm>>, %arg6: memref<32x80x125xi32, #tpu.memory_space<hbm>>, %arg7: memref<320000x32xf32, #tpu.memory_space<hbm>>, %arg8: memref<80x125xi32, #tpu.memory_space<vmem>>, %arg9: memref<80x125xi32, #tpu.memory_space<vmem>>, %arg10: memref<125x32xf32, #tpu.memory_space<vmem>>, %arg11: memref<125x32xf32, #tpu.memory_space<vmem>>, %arg12: memref<125x32xf32, #tpu.memory_space<vmem>>, %arg13: memref<125x32xf32, #tpu.memory_space<vmem>>, %arg14: memref<125x32xf32, #tpu.memory_space<vmem>>, %arg15: memref<125x32xf32, #tpu.memory_space<vmem>>, %arg16: memref<125x32xf32, #tpu.memory_space<vmem>>, %arg17: memref<125x32xf32, #tpu.memory_space<vmem>>, %arg18: memref<!tpu.dma_semaphore, #tpu.memory_space<semaphore_mem>>, %arg19: memref<!tpu.dma_semaphore, #tpu.memory_space<semaphore_mem>>, %arg20: memref<!tpu.dma_semaphore, #tpu.memory_space<semaphore_mem>>, %arg21: memref<!tpu.dma_semaphore, #tpu.memory_space<semaphore_mem>>, %arg22: memref<!tpu.dma_semaphore, #tpu.memory_space<semaphore_mem>>, %arg23: memref<!tpu.dma_semaphore, #tpu.memory_space<semaphore_mem>>, %arg24: memref<!tpu.dma_semaphore, #tpu.memory_space<semaphore_mem>>, %arg25: memref<!tpu.dma_semaphore, #tpu.memory_space<semaphore_mem>>, %arg26: memref<10000x32xf32, #tpu.memory_space<vmem_shared>>) attributes {dimension_semantics = [#tpu.dimension_semantics<core_parallel>, #tpu.dimension_semantics<subcore_parallel>], iteration_bounds = array<i64: 2, 16>, scalar_prefetch = 0 : i64, scratch_operands = 19 : i64, tpu.core_type = #tpu.core_type<sc_vector_subcore>, window_params = [{transform_indices = #map}, {transform_indices = #map}, {transform_indices = #map}, {transform_indices = #map1}, {transform_indices = #map1}, {transform_indices = #map}]} {
    %mul3A = arith.constant 2 : i32
    %mul3A_0 = arith.muli %arg1, %mul3A : i32
    %add3A = arith.addi %mul3A_0, %arg0 : i32
    %mul3A_1 = arith.constant 10000 : i32
    %mul3A_2 = arith.muli %add3A, %mul3A_1 : i32
    "tpu.region"() ({
      %run_scoped3A = tpu.sem_alloc : memref<!tpu.dma_semaphore, #tpu.memory_space<semaphore_mem>>
      %dma_start3A_232 = arith.constant 0 : i32
      %dma_start3A_233 = arith.constant 0 : i32
      %dma_start3A_234 = tpu.memref_slice %arg5[%add3A, %dma_start3A_232, %dma_start3A_233] : memref<32x80x125xi32, #tpu.memory_space<hbm>> -> memref<1x80x125xi32, #tpu.memory_space<hbm>>
      %dma_start3A_235 = tpu.memref_squeeze %dma_start3A_234 : memref<1x80x125xi32, #tpu.memory_space<hbm>> -> memref<80x125xi32, #tpu.memory_space<hbm>>
      %dma_start3A_236 = arith.constant 0 : i32
      %dma_start3A_237 = arith.constant 0 : i32
      %dma_start3A_238 = tpu.memref_slice %arg5[%add3A, %dma_start3A_236, %dma_start3A_237] : memref<32x80x125xi32, #tpu.memory_space<hbm>> -> memref<1x80x125xi32, #tpu.memory_space<hbm>>
      %dma_start3A_239 = tpu.memref_squeeze %dma_start3A_238 : memref<1x80x125xi32, #tpu.memory_space<hbm>> -> memref<80x125xi32, #tpu.memory_space<hbm>>
      tpu.enqueue_dma source(%dma_start3A_239 : memref<80x125xi32, #tpu.memory_space<hbm>>) target(%arg8 : memref<80x125xi32, #tpu.memory_space<vmem>>) target_semaphore(%run_scoped3A : memref<!tpu.dma_semaphore, #tpu.memory_space<semaphore_mem>>)
      %dma_wait3A_240 = arith.constant 0 : i32
      %dma_wait3A_241 = arith.constant 0 : i32
      %dma_wait3A_242 = tpu.memref_slice %arg5[%add3A, %dma_wait3A_240, %dma_wait3A_241] : memref<32x80x125xi32, #tpu.memory_space<hbm>> -> memref<1x80x125xi32, #tpu.memory_space<hbm>>
      %dma_wait3A_243 = tpu.memref_squeeze %dma_wait3A_242 : memref<1x80x125xi32, #tpu.memory_space<hbm>> -> memref<80x125xi32, #tpu.memory_space<hbm>>
      %dma_wait3A_244 = arith.constant 0 : i32
      %dma_wait3A_245 = arith.constant 0 : i32
      %dma_wait3A_246 = tpu.memref_slice %arg5[%add3A, %dma_wait3A_244, %dma_wait3A_245] : memref<32x80x125xi32, #tpu.memory_space<hbm>> -> memref<1x80x125xi32, #tpu.memory_space<hbm>>
      %dma_wait3A_247 = tpu.memref_squeeze %dma_wait3A_246 : memref<1x80x125xi32, #tpu.memory_space<hbm>> -> memref<80x125xi32, #tpu.memory_space<hbm>>
      tpu.wait_dma2 semaphore(%run_scoped3A : memref<!tpu.dma_semaphore, #tpu.memory_space<semaphore_mem>>) src(%dma_wait3A_247 : memref<80x125xi32, #tpu.memory_space<hbm>>) dst(%arg8 : memref<80x125xi32, #tpu.memory_space<vmem>>)
      tpu.yield
    }) : () -> ()
    "tpu.region"() ({
      %run_scoped3A = tpu.sem_alloc : memref<!tpu.dma_semaphore, #tpu.memory_space<semaphore_mem>>
      %dma_start3A_232 = arith.constant 0 : i32
      %dma_start3A_233 = arith.constant 0 : i32
      %dma_start3A_234 = tpu.memref_slice %arg6[%add3A, %dma_start3A_232, %dma_start3A_233] : memref<32x80x125xi32, #tpu.memory_space<hbm>> -> memref<1x80x125xi32, #tpu.memory_space<hbm>>
      %dma_start3A_235 = tpu.memref_squeeze %dma_start3A_234 : memref<1x80x125xi32, #tpu.memory_space<hbm>> -> memref<80x125xi32, #tpu.memory_space<hbm>>
      %dma_start3A_236 = arith.constant 0 : i32
      %dma_start3A_237 = arith.constant 0 : i32
      %dma_start3A_238 = tpu.memref_slice %arg6[%add3A, %dma_start3A_236, %dma_start3A_237] : memref<32x80x125xi32, #tpu.memory_space<hbm>> -> memref<1x80x125xi32, #tpu.memory_space<hbm>>
      %dma_start3A_239 = tpu.memref_squeeze %dma_start3A_238 : memref<1x80x125xi32, #tpu.memory_space<hbm>> -> memref<80x125xi32, #tpu.memory_space<hbm>>
      tpu.enqueue_dma source(%dma_start3A_239 : memref<80x125xi32, #tpu.memory_space<hbm>>) target(%arg9 : memref<80x125xi32, #tpu.memory_space<vmem>>) target_semaphore(%run_scoped3A : memref<!tpu.dma_semaphore, #tpu.memory_space<semaphore_mem>>)
      %dma_wait3A_240 = arith.constant 0 : i32
      %dma_wait3A_241 = arith.constant 0 : i32
      %dma_wait3A_242 = tpu.memref_slice %arg6[%add3A, %dma_wait3A_240, %dma_wait3A_241] : memref<32x80x125xi32, #tpu.memory_space<hbm>> -> memref<1x80x125xi32, #tpu.memory_space<hbm>>
      %dma_wait3A_243 = tpu.memref_squeeze %dma_wait3A_242 : memref<1x80x125xi32, #tpu.memory_space<hbm>> -> memref<80x125xi32, #tpu.memory_space<hbm>>
      %dma_wait3A_244 = arith.constant 0 : i32
      %dma_wait3A_245 = arith.constant 0 : i32
      %dma_wait3A_246 = tpu.memref_slice %arg6[%add3A, %dma_wait3A_244, %dma_wait3A_245] : memref<32x80x125xi32, #tpu.memory_space<hbm>> -> memref<1x80x125xi32, #tpu.memory_space<hbm>>
      %dma_wait3A_247 = tpu.memref_squeeze %dma_wait3A_246 : memref<1x80x125xi32, #tpu.memory_space<hbm>> -> memref<80x125xi32, #tpu.memory_space<hbm>>
      tpu.wait_dma2 semaphore(%run_scoped3A : memref<!tpu.dma_semaphore, #tpu.memory_space<semaphore_mem>>) src(%dma_wait3A_247 : memref<80x125xi32, #tpu.memory_space<hbm>>) dst(%arg9 : memref<80x125xi32, #tpu.memory_space<vmem>>)
      tpu.yield
    }) : () -> ()
    %mul3A_3 = arith.constant 625 : i32
    %mul3A_4 = arith.muli %arg1, %mul3A_3 : i32
    "tpu.region"() ({
      %run_scoped3A = tpu.sem_alloc : memref<!tpu.dma_semaphore, #tpu.memory_space<semaphore_mem>>
      %dma_start3A_232 = arith.constant 0 : i32
      %dma_start3A_233 = tpu.memref_slice %arg26[%mul3A_4, %dma_start3A_232] : memref<10000x32xf32, #tpu.memory_space<vmem_shared>> -> memref<625x32xf32, #tpu.memory_space<vmem_shared>>
      %dma_start3A_234 = arith.constant 0 : i32
      %dma_start3A_235 = tpu.memref_slice %arg2[%mul3A_4, %dma_start3A_234] : memref<10000x32xf32, #tpu.memory_space<hbm>> -> memref<625x32xf32, #tpu.memory_space<hbm>>
      tpu.enqueue_dma source(%dma_start3A_235 : memref<625x32xf32, #tpu.memory_space<hbm>>) target(%dma_start3A_233 : memref<625x32xf32, #tpu.memory_space<vmem_shared>>) target_semaphore(%run_scoped3A : memref<!tpu.dma_semaphore, #tpu.memory_space<semaphore_mem>>)
      %dma_wait3A_236 = arith.constant 0 : i32
      %dma_wait3A_237 = tpu.memref_slice %arg26[%mul3A_4, %dma_wait3A_236] : memref<10000x32xf32, #tpu.memory_space<vmem_shared>> -> memref<625x32xf32, #tpu.memory_space<vmem_shared>>
      %dma_wait3A_238 = arith.constant 0 : i32
      %dma_wait3A_239 = tpu.memref_slice %arg2[%mul3A_4, %dma_wait3A_238] : memref<10000x32xf32, #tpu.memory_space<hbm>> -> memref<625x32xf32, #tpu.memory_space<hbm>>
      tpu.wait_dma2 semaphore(%run_scoped3A : memref<!tpu.dma_semaphore, #tpu.memory_space<semaphore_mem>>) src(%dma_wait3A_239 : memref<625x32xf32, #tpu.memory_space<hbm>>) dst(%dma_wait3A_237 : memref<625x32xf32, #tpu.memory_space<vmem_shared>>)
      tpu.yield
    }) : () -> ()
    %barrier3A = arith.constant 0 : index
    tpu.barrier barrier_id(%barrier3A)
    %dma_start3A = arith.constant 0 : i32
    %dma_start3A_5 = arith.constant 0 : i32
    %dma_start3A_6 = tpu.memref_slice %arg8[%dma_start3A, %dma_start3A_5] : memref<80x125xi32, #tpu.memory_space<vmem>> -> memref<1x125xi32, #tpu.memory_space<vmem>>
    %dma_start3A_7 = tpu.memref_squeeze %dma_start3A_6 : memref<1x125xi32, #tpu.memory_space<vmem>> -> memref<125xi32, #tpu.memory_space<vmem>>
    %dma_start3A_8 = arith.constant 0 : i32
    %dma_start3A_9 = arith.constant 0 : i32
    %dma_start3A_10 = tpu.memref_slice %arg26[%dma_start3A_8, %dma_start3A_9] : memref<10000x32xf32, #tpu.memory_space<vmem_shared>> -> memref<10000x32xf32, #tpu.memory_space<vmem_shared>>
    tpu.enqueue_indirect_dma source(%dma_start3A_10 : memref<10000x32xf32, #tpu.memory_space<vmem_shared>>) target(%arg10 : memref<125x32xf32, #tpu.memory_space<vmem>>) offsets(%dma_start3A_7 : memref<125xi32, #tpu.memory_space<vmem>>) semaphore(%arg18 : memref<!tpu.dma_semaphore, #tpu.memory_space<semaphore_mem>>)
    %dma_start3A_11 = arith.constant 0 : i32
    %dma_start3A_12 = arith.constant 0 : i32
    %dma_start3A_13 = tpu.memref_slice %arg9[%dma_start3A_11, %dma_start3A_12] : memref<80x125xi32, #tpu.memory_space<vmem>> -> memref<1x125xi32, #tpu.memory_space<vmem>>
    %dma_start3A_14 = tpu.memref_squeeze %dma_start3A_13 : memref<1x125xi32, #tpu.memory_space<vmem>> -> memref<125xi32, #tpu.memory_space<vmem>>
    %dma_start3A_15 = arith.constant 0 : i32
    %dma_start3A_16 = arith.constant 0 : i32
    %dma_start3A_17 = tpu.memref_slice %arg3[%dma_start3A_15, %dma_start3A_16] : memref<10000x32xf32, #tpu.memory_space<hbm>> -> memref<10000x32xf32, #tpu.memory_space<hbm>>
    tpu.enqueue_indirect_dma source(%dma_start3A_17 : memref<10000x32xf32, #tpu.memory_space<hbm>>) target(%arg12 : memref<125x32xf32, #tpu.memory_space<vmem>>) offsets(%dma_start3A_14 : memref<125xi32, #tpu.memory_space<vmem>>) semaphore(%arg20 : memref<!tpu.dma_semaphore, #tpu.memory_space<semaphore_mem>>)
    %add3A_18 = arith.constant 0 : i32
    %add3A_19 = arith.addi %mul3A_2, %add3A_18 : i32
    %dma_start3A_20 = arith.constant 0 : i32
    %dma_start3A_21 = tpu.memref_slice %arg4[%add3A_19, %dma_start3A_20] : memref<320000x32xf32, #tpu.memory_space<hbm>> -> memref<125x32xf32, #tpu.memory_space<hbm>>
    %dma_start3A_22 = arith.constant 0 : i32
    %dma_start3A_23 = tpu.memref_slice %arg4[%add3A_19, %dma_start3A_22] : memref<320000x32xf32, #tpu.memory_space<hbm>> -> memref<125x32xf32, #tpu.memory_space<hbm>>
    tpu.enqueue_dma source(%dma_start3A_23 : memref<125x32xf32, #tpu.memory_space<hbm>>) target(%arg14 : memref<125x32xf32, #tpu.memory_space<vmem>>) target_semaphore(%arg22 : memref<!tpu.dma_semaphore, #tpu.memory_space<semaphore_mem>>)
    %dma_start3A_24 = arith.constant 1 : i32
    %dma_start3A_25 = arith.constant 0 : i32
    %dma_start3A_26 = tpu.memref_slice %arg8[%dma_start3A_24, %dma_start3A_25] : memref<80x125xi32, #tpu.memory_space<vmem>> -> memref<1x125xi32, #tpu.memory_space<vmem>>
    %dma_start3A_27 = tpu.memref_squeeze %dma_start3A_26 : memref<1x125xi32, #tpu.memory_space<vmem>> -> memref<125xi32, #tpu.memory_space<vmem>>
    %dma_start3A_28 = arith.constant 0 : i32
    %dma_start3A_29 = arith.constant 0 : i32
    %dma_start3A_30 = tpu.memref_slice %arg26[%dma_start3A_28, %dma_start3A_29] : memref<10000x32xf32, #tpu.memory_space<vmem_shared>> -> memref<10000x32xf32, #tpu.memory_space<vmem_shared>>
    tpu.enqueue_indirect_dma source(%dma_start3A_30 : memref<10000x32xf32, #tpu.memory_space<vmem_shared>>) target(%arg11 : memref<125x32xf32, #tpu.memory_space<vmem>>) offsets(%dma_start3A_27 : memref<125xi32, #tpu.memory_space<vmem>>) semaphore(%arg19 : memref<!tpu.dma_semaphore, #tpu.memory_space<semaphore_mem>>)
    %dma_start3A_31 = arith.constant 1 : i32
    %dma_start3A_32 = arith.constant 0 : i32
    %dma_start3A_33 = tpu.memref_slice %arg9[%dma_start3A_31, %dma_start3A_32] : memref<80x125xi32, #tpu.memory_space<vmem>> -> memref<1x125xi32, #tpu.memory_space<vmem>>
    %dma_start3A_34 = tpu.memref_squeeze %dma_start3A_33 : memref<1x125xi32, #tpu.memory_space<vmem>> -> memref<125xi32, #tpu.memory_space<vmem>>
    %dma_start3A_35 = arith.constant 0 : i32
    %dma_start3A_36 = arith.constant 0 : i32
    %dma_start3A_37 = tpu.memref_slice %arg3[%dma_start3A_35, %dma_start3A_36] : memref<10000x32xf32, #tpu.memory_space<hbm>> -> memref<10000x32xf32, #tpu.memory_space<hbm>>
    tpu.enqueue_indirect_dma source(%dma_start3A_37 : memref<10000x32xf32, #tpu.memory_space<hbm>>) target(%arg13 : memref<125x32xf32, #tpu.memory_space<vmem>>) offsets(%dma_start3A_34 : memref<125xi32, #tpu.memory_space<vmem>>) semaphore(%arg21 : memref<!tpu.dma_semaphore, #tpu.memory_space<semaphore_mem>>)
    %add3A_38 = arith.constant 125 : i32
    %add3A_39 = arith.addi %mul3A_2, %add3A_38 : i32
    %dma_start3A_40 = arith.constant 0 : i32
    %dma_start3A_41 = tpu.memref_slice %arg4[%add3A_39, %dma_start3A_40] : memref<320000x32xf32, #tpu.memory_space<hbm>> -> memref<125x32xf32, #tpu.memory_space<hbm>>
    %dma_start3A_42 = arith.constant 0 : i32
    %dma_start3A_43 = tpu.memref_slice %arg4[%add3A_39, %dma_start3A_42] : memref<320000x32xf32, #tpu.memory_space<hbm>> -> memref<125x32xf32, #tpu.memory_space<hbm>>
    tpu.enqueue_dma source(%dma_start3A_43 : memref<125x32xf32, #tpu.memory_space<hbm>>) target(%arg15 : memref<125x32xf32, #tpu.memory_space<vmem>>) target_semaphore(%arg23 : memref<!tpu.dma_semaphore, #tpu.memory_space<semaphore_mem>>)
    %dma_wait3A = arith.constant 0 : i32
    %dma_wait3A_44 = arith.constant 0 : i32
    %dma_wait3A_45 = tpu.memref_slice %arg8[%dma_wait3A, %dma_wait3A_44] : memref<80x125xi32, #tpu.memory_space<vmem>> -> memref<1x125xi32, #tpu.memory_space<vmem>>
    %dma_wait3A_46 = tpu.memref_squeeze %dma_wait3A_45 : memref<1x125xi32, #tpu.memory_space<vmem>> -> memref<125xi32, #tpu.memory_space<vmem>>
    %dma_wait3A_47 = arith.constant 0 : i32
    %dma_wait3A_48 = arith.constant 0 : i32
    %dma_wait3A_49 = tpu.memref_slice %arg26[%dma_wait3A_47, %dma_wait3A_48] : memref<10000x32xf32, #tpu.memory_space<vmem_shared>> -> memref<10000x32xf32, #tpu.memory_space<vmem_shared>>
    tpu.wait_indirect_dma semaphore(%arg18 : memref<!tpu.dma_semaphore, #tpu.memory_space<semaphore_mem>>) src(%dma_wait3A_49 : memref<10000x32xf32, #tpu.memory_space<vmem_shared>>) dst(%arg10 : memref<125x32xf32, #tpu.memory_space<vmem>>)
    %dma_wait3A_50 = arith.constant 0 : i32
    %dma_wait3A_51 = arith.constant 0 : i32
    %dma_wait3A_52 = tpu.memref_slice %arg9[%dma_wait3A_50, %dma_wait3A_51] : memref<80x125xi32, #tpu.memory_space<vmem>> -> memref<1x125xi32, #tpu.memory_space<vmem>>
    %dma_wait3A_53 = tpu.memref_squeeze %dma_wait3A_52 : memref<1x125xi32, #tpu.memory_space<vmem>> -> memref<125xi32, #tpu.memory_space<vmem>>
    %dma_wait3A_54 = arith.constant 0 : i32
    %dma_wait3A_55 = arith.constant 0 : i32
    %dma_wait3A_56 = tpu.memref_slice %arg3[%dma_wait3A_54, %dma_wait3A_55] : memref<10000x32xf32, #tpu.memory_space<hbm>> -> memref<10000x32xf32, #tpu.memory_space<hbm>>
    tpu.wait_indirect_dma semaphore(%arg20 : memref<!tpu.dma_semaphore, #tpu.memory_space<semaphore_mem>>) src(%dma_wait3A_56 : memref<10000x32xf32, #tpu.memory_space<hbm>>) dst(%arg12 : memref<125x32xf32, #tpu.memory_space<vmem>>)
    %add3A_57 = arith.constant 0 : i32
    %add3A_58 = arith.addi %mul3A_2, %add3A_57 : i32
    %dma_wait3A_59 = arith.constant 0 : i32
    %dma_wait3A_60 = tpu.memref_slice %arg4[%add3A_58, %dma_wait3A_59] : memref<320000x32xf32, #tpu.memory_space<hbm>> -> memref<125x32xf32, #tpu.memory_space<hbm>>
    %dma_wait3A_61 = arith.constant 0 : i32
    %dma_wait3A_62 = tpu.memref_slice %arg4[%add3A_58, %dma_wait3A_61] : memref<320000x32xf32, #tpu.memory_space<hbm>> -> memref<125x32xf32, #tpu.memory_space<hbm>>
    tpu.wait_dma2 semaphore(%arg22 : memref<!tpu.dma_semaphore, #tpu.memory_space<semaphore_mem>>) src(%dma_wait3A_62 : memref<125x32xf32, #tpu.memory_space<hbm>>) dst(%arg14 : memref<125x32xf32, #tpu.memory_space<vmem>>)
    %scan3A = arith.constant 0 : i32
    %scan3A_63 = arith.constant 0 : i32
    %scan3A_64 = arith.constant 125 : i32
    %scan3A_65 = arith.addi %scan3A_63, %scan3A_64 : i32
    %scan3A_66 = arith.constant 1 : i32
    scf.for %scan3A_232 = %scan3A_63 to %scan3A_65 step %scan3A_66  : i32 {
      %get3A = arith.index_cast %scan3A_232 : i32 to index
      %get3A_233 = arith.constant 0 : index
      %get3A_234 = tpu.vector_load %arg14[%get3A, %get3A_233] {strides = array<i32>} : memref<125x32xf32, #tpu.memory_space<vmem>>, vector<1x16xf32>,
      %get3A_235 = vector.shape_cast %get3A_234 : vector<1x16xf32> to vector<16xf32>
      %get3A_236 = arith.index_cast %scan3A_232 : i32 to index
      %get3A_237 = arith.constant 0 : index
      %get3A_238 = tpu.vector_load %arg10[%get3A_236, %get3A_237] {strides = array<i32>} : memref<125x32xf32, #tpu.memory_space<vmem>>, vector<1x16xf32>,
      %get3A_239 = vector.shape_cast %get3A_238 : vector<1x16xf32> to vector<16xf32>
      %add3A_240 = arith.addf %get3A_235, %get3A_239 : vector<16xf32>
      %get3A_241 = arith.index_cast %scan3A_232 : i32 to index
      %get3A_242 = arith.constant 0 : index
      %get3A_243 = tpu.vector_load %arg12[%get3A_241, %get3A_242] {strides = array<i32>} : memref<125x32xf32, #tpu.memory_space<vmem>>, vector<1x16xf32>,
      %get3A_244 = vector.shape_cast %get3A_243 : vector<1x16xf32> to vector<16xf32>
      %add3A_245 = arith.addf %add3A_240, %get3A_244 : vector<16xf32>
      %max3A = arith.constant 0.000000e+00 : f32
      %max3A_246 = vector.broadcast %max3A : f32 to vector<16xf32>
      %max3A_247 = arith.maximumf %add3A_245, %max3A_246 : vector<16xf32>
      %swap3A = arith.index_cast %scan3A_232 : i32 to index
      %swap3A_248 = arith.constant 0 : index
      %swap3A_249 = tpu.vector_load %arg16[%swap3A, %swap3A_248] {strides = array<i32>} : memref<125x32xf32, #tpu.memory_space<vmem>>, vector<1x16xf32>,
      %swap3A_250 = vector.shape_cast %swap3A_249 : vector<1x16xf32> to vector<16xf32>
      %swap3A_251 = vector.shape_cast %max3A_247 : vector<16xf32> to vector<1x16xf32>
      tpu.vector_store %arg16[%swap3A, %swap3A_248], %swap3A_251 {strides = array<i32>} : memref<125x32xf32, #tpu.memory_space<vmem>>, vector<1x16xf32>,
      %get3A_252 = arith.index_cast %scan3A_232 : i32 to index
      %get3A_253 = arith.constant 16 : index
      %get3A_254 = tpu.vector_load %arg14[%get3A_252, %get3A_253] {strides = array<i32>} : memref<125x32xf32, #tpu.memory_space<vmem>>, vector<1x16xf32>,
      %get3A_255 = vector.shape_cast %get3A_254 : vector<1x16xf32> to vector<16xf32>
      %get3A_256 = arith.index_cast %scan3A_232 : i32 to index
      %get3A_257 = arith.constant 16 : index
      %get3A_258 = tpu.vector_load %arg10[%get3A_256, %get3A_257] {strides = array<i32>} : memref<125x32xf32, #tpu.memory_space<vmem>>, vector<1x16xf32>,
      %get3A_259 = vector.shape_cast %get3A_258 : vector<1x16xf32> to vector<16xf32>
      %add3A_260 = arith.addf %get3A_255, %get3A_259 : vector<16xf32>
      %get3A_261 = arith.index_cast %scan3A_232 : i32 to index
      %get3A_262 = arith.constant 16 : index
      %get3A_263 = tpu.vector_load %arg12[%get3A_261, %get3A_262] {strides = array<i32>} : memref<125x32xf32, #tpu.memory_space<vmem>>, vector<1x16xf32>,
      %get3A_264 = vector.shape_cast %get3A_263 : vector<1x16xf32> to vector<16xf32>
      %add3A_265 = arith.addf %add3A_260, %get3A_264 : vector<16xf32>
      %max3A_266 = arith.constant 0.000000e+00 : f32
      %max3A_267 = vector.broadcast %max3A_266 : f32 to vector<16xf32>
      %max3A_268 = arith.maximumf %add3A_265, %max3A_267 : vector<16xf32>
      %swap3A_269 = arith.index_cast %scan3A_232 : i32 to index
      %swap3A_270 = arith.constant 16 : index
      %swap3A_271 = tpu.vector_load %arg16[%swap3A_269, %swap3A_270] {strides = array<i32>} : memref<125x32xf32, #tpu.memory_space<vmem>>, vector<1x16xf32>,
      %swap3A_272 = vector.shape_cast %swap3A_271 : vector<1x16xf32> to vector<16xf32>
      %swap3A_273 = vector.shape_cast %max3A_268 : vector<16xf32> to vector<1x16xf32>
      tpu.vector_store %arg16[%swap3A_269, %swap3A_270], %swap3A_273 {strides = array<i32>} : memref<125x32xf32, #tpu.memory_space<vmem>>, vector<1x16xf32>,
    }
    %scan3A_67 = arith.constant 125 : i32
    %add3A_68 = arith.constant 0 : i32
    %add3A_69 = arith.addi %mul3A_2, %add3A_68 : i32
    %dma_start3A_70 = arith.constant 0 : i32
    %dma_start3A_71 = tpu.memref_slice %arg7[%add3A_69, %dma_start3A_70] : memref<320000x32xf32, #tpu.memory_space<hbm>> -> memref<125x32xf32, #tpu.memory_space<hbm>>
    %dma_start3A_72 = arith.constant 0 : i32
    %dma_start3A_73 = tpu.memref_slice %arg7[%add3A_69, %dma_start3A_72] : memref<320000x32xf32, #tpu.memory_space<hbm>> -> memref<125x32xf32, #tpu.memory_space<hbm>>
    tpu.enqueue_dma source(%arg16 : memref<125x32xf32, #tpu.memory_space<vmem>>) target(%dma_start3A_73 : memref<125x32xf32, #tpu.memory_space<hbm>>) target_semaphore(%arg24 : memref<!tpu.dma_semaphore, #tpu.memory_space<semaphore_mem>>)
    %dma_start3A_74 = arith.constant 2 : i32
    %dma_start3A_75 = arith.constant 0 : i32
    %dma_start3A_76 = tpu.memref_slice %arg8[%dma_start3A_74, %dma_start3A_75] : memref<80x125xi32, #tpu.memory_space<vmem>> -> memref<1x125xi32, #tpu.memory_space<vmem>>
    %dma_start3A_77 = tpu.memref_squeeze %dma_start3A_76 : memref<1x125xi32, #tpu.memory_space<vmem>> -> memref<125xi32, #tpu.memory_space<vmem>>
    %dma_start3A_78 = arith.constant 0 : i32
    %dma_start3A_79 = arith.constant 0 : i32
    %dma_start3A_80 = tpu.memref_slice %arg26[%dma_start3A_78, %dma_start3A_79] : memref<10000x32xf32, #tpu.memory_space<vmem_shared>> -> memref<10000x32xf32, #tpu.memory_space<vmem_shared>>
    tpu.enqueue_indirect_dma source(%dma_start3A_80 : memref<10000x32xf32, #tpu.memory_space<vmem_shared>>) target(%arg10 : memref<125x32xf32, #tpu.memory_space<vmem>>) offsets(%dma_start3A_77 : memref<125xi32, #tpu.memory_space<vmem>>) semaphore(%arg18 : memref<!tpu.dma_semaphore, #tpu.memory_space<semaphore_mem>>)
    %dma_start3A_81 = arith.constant 2 : i32
    %dma_start3A_82 = arith.constant 0 : i32
    %dma_start3A_83 = tpu.memref_slice %arg9[%dma_start3A_81, %dma_start3A_82] : memref<80x125xi32, #tpu.memory_space<vmem>> -> memref<1x125xi32, #tpu.memory_space<vmem>>
    %dma_start3A_84 = tpu.memref_squeeze %dma_start3A_83 : memref<1x125xi32, #tpu.memory_space<vmem>> -> memref<125xi32, #tpu.memory_space<vmem>>
    %dma_start3A_85 = arith.constant 0 : i32
    %dma_start3A_86 = arith.constant 0 : i32
    %dma_start3A_87 = tpu.memref_slice %arg3[%dma_start3A_85, %dma_start3A_86] : memref<10000x32xf32, #tpu.memory_space<hbm>> -> memref<10000x32xf32, #tpu.memory_space<hbm>>
    tpu.enqueue_indirect_dma source(%dma_start3A_87 : memref<10000x32xf32, #tpu.memory_space<hbm>>) target(%arg12 : memref<125x32xf32, #tpu.memory_space<vmem>>) offsets(%dma_start3A_84 : memref<125xi32, #tpu.memory_space<vmem>>) semaphore(%arg20 : memref<!tpu.dma_semaphore, #tpu.memory_space<semaphore_mem>>)
    %add3A_88 = arith.constant 250 : i32
    %add3A_89 = arith.addi %mul3A_2, %add3A_88 : i32
    %dma_start3A_90 = arith.constant 0 : i32
    %dma_start3A_91 = tpu.memref_slice %arg4[%add3A_89, %dma_start3A_90] : memref<320000x32xf32, #tpu.memory_space<hbm>> -> memref<125x32xf32, #tpu.memory_space<hbm>>
    %dma_start3A_92 = arith.constant 0 : i32
    %dma_start3A_93 = tpu.memref_slice %arg4[%add3A_89, %dma_start3A_92] : memref<320000x32xf32, #tpu.memory_space<hbm>> -> memref<125x32xf32, #tpu.memory_space<hbm>>
    tpu.enqueue_dma source(%dma_start3A_93 : memref<125x32xf32, #tpu.memory_space<hbm>>) target(%arg14 : memref<125x32xf32, #tpu.memory_space<vmem>>) target_semaphore(%arg22 : memref<!tpu.dma_semaphore, #tpu.memory_space<semaphore_mem>>)
    %dma_wait3A_94 = arith.constant 1 : i32
    %dma_wait3A_95 = arith.constant 0 : i32
    %dma_wait3A_96 = tpu.memref_slice %arg8[%dma_wait3A_94, %dma_wait3A_95] : memref<80x125xi32, #tpu.memory_space<vmem>> -> memref<1x125xi32, #tpu.memory_space<vmem>>
    %dma_wait3A_97 = tpu.memref_squeeze %dma_wait3A_96 : memref<1x125xi32, #tpu.memory_space<vmem>> -> memref<125xi32, #tpu.memory_space<vmem>>
    %dma_wait3A_98 = arith.constant 0 : i32
    %dma_wait3A_99 = arith.constant 0 : i32
    %dma_wait3A_100 = tpu.memref_slice %arg26[%dma_wait3A_98, %dma_wait3A_99] : memref<10000x32xf32, #tpu.memory_space<vmem_shared>> -> memref<10000x32xf32, #tpu.memory_space<vmem_shared>>
    tpu.wait_indirect_dma semaphore(%arg19 : memref<!tpu.dma_semaphore, #tpu.memory_space<semaphore_mem>>) src(%dma_wait3A_100 : memref<10000x32xf32, #tpu.memory_space<vmem_shared>>) dst(%arg11 : memref<125x32xf32, #tpu.memory_space<vmem>>)
    %dma_wait3A_101 = arith.constant 1 : i32
    %dma_wait3A_102 = arith.constant 0 : i32
    %dma_wait3A_103 = tpu.memref_slice %arg9[%dma_wait3A_101, %dma_wait3A_102] : memref<80x125xi32, #tpu.memory_space<vmem>> -> memref<1x125xi32, #tpu.memory_space<vmem>>
    %dma_wait3A_104 = tpu.memref_squeeze %dma_wait3A_103 : memref<1x125xi32, #tpu.memory_space<vmem>> -> memref<125xi32, #tpu.memory_space<vmem>>
    %dma_wait3A_105 = arith.constant 0 : i32
    %dma_wait3A_106 = arith.constant 0 : i32
    %dma_wait3A_107 = tpu.memref_slice %arg3[%dma_wait3A_105, %dma_wait3A_106] : memref<10000x32xf32, #tpu.memory_space<hbm>> -> memref<10000x32xf32, #tpu.memory_space<hbm>>
    tpu.wait_indirect_dma semaphore(%arg21 : memref<!tpu.dma_semaphore, #tpu.memory_space<semaphore_mem>>) src(%dma_wait3A_107 : memref<10000x32xf32, #tpu.memory_space<hbm>>) dst(%arg13 : memref<125x32xf32, #tpu.memory_space<vmem>>)
    %add3A_108 = arith.constant 125 : i32
    %add3A_109 = arith.addi %mul3A_2, %add3A_108 : i32
    %dma_wait3A_110 = arith.constant 0 : i32
    %dma_wait3A_111 = tpu.memref_slice %arg4[%add3A_109, %dma_wait3A_110] : memref<320000x32xf32, #tpu.memory_space<hbm>> -> memref<125x32xf32, #tpu.memory_space<hbm>>
    %dma_wait3A_112 = arith.constant 0 : i32
    %dma_wait3A_113 = tpu.memref_slice %arg4[%add3A_109, %dma_wait3A_112] : memref<320000x32xf32, #tpu.memory_space<hbm>> -> memref<125x32xf32, #tpu.memory_space<hbm>>
    tpu.wait_dma2 semaphore(%arg23 : memref<!tpu.dma_semaphore, #tpu.memory_space<semaphore_mem>>) src(%dma_wait3A_113 : memref<125x32xf32, #tpu.memory_space<hbm>>) dst(%arg15 : memref<125x32xf32, #tpu.memory_space<vmem>>)
    %scan3A_114 = arith.constant 0 : i32
    %scan3A_115 = arith.constant 0 : i32
    %scan3A_116 = arith.constant 125 : i32
    %scan3A_117 = arith.addi %scan3A_115, %scan3A_116 : i32
    %scan3A_118 = arith.constant 1 : i32
    scf.for %scan3A_232 = %scan3A_115 to %scan3A_117 step %scan3A_118  : i32 {
      %get3A = arith.index_cast %scan3A_232 : i32 to index
      %get3A_233 = arith.constant 0 : index
      %get3A_234 = tpu.vector_load %arg15[%get3A, %get3A_233] {strides = array<i32>} : memref<125x32xf32, #tpu.memory_space<vmem>>, vector<1x16xf32>,
      %get3A_235 = vector.shape_cast %get3A_234 : vector<1x16xf32> to vector<16xf32>
      %get3A_236 = arith.index_cast %scan3A_232 : i32 to index
      %get3A_237 = arith.constant 0 : index
      %get3A_238 = tpu.vector_load %arg11[%get3A_236, %get3A_237] {strides = array<i32>} : memref<125x32xf32, #tpu.memory_space<vmem>>, vector<1x16xf32>,
      %get3A_239 = vector.shape_cast %get3A_238 : vector<1x16xf32> to vector<16xf32>
      %add3A_240 = arith.addf %get3A_235, %get3A_239 : vector<16xf32>
      %get3A_241 = arith.index_cast %scan3A_232 : i32 to index
      %get3A_242 = arith.constant 0 : index
      %get3A_243 = tpu.vector_load %arg13[%get3A_241, %get3A_242] {strides = array<i32>} : memref<125x32xf32, #tpu.memory_space<vmem>>, vector<1x16xf32>,
      %get3A_244 = vector.shape_cast %get3A_243 : vector<1x16xf32> to vector<16xf32>
      %add3A_245 = arith.addf %add3A_240, %get3A_244 : vector<16xf32>
      %max3A = arith.constant 0.000000e+00 : f32
      %max3A_246 = vector.broadcast %max3A : f32 to vector<16xf32>
      %max3A_247 = arith.maximumf %add3A_245, %max3A_246 : vector<16xf32>
      %swap3A = arith.index_cast %scan3A_232 : i32 to index
      %swap3A_248 = arith.constant 0 : index
      %swap3A_249 = tpu.vector_load %arg17[%swap3A, %swap3A_248] {strides = array<i32>} : memref<125x32xf32, #tpu.memory_space<vmem>>, vector<1x16xf32>,
      %swap3A_250 = vector.shape_cast %swap3A_249 : vector<1x16xf32> to vector<16xf32>
      %swap3A_251 = vector.shape_cast %max3A_247 : vector<16xf32> to vector<1x16xf32>
      tpu.vector_store %arg17[%swap3A, %swap3A_248], %swap3A_251 {strides = array<i32>} : memref<125x32xf32, #tpu.memory_space<vmem>>, vector<1x16xf32>,
      %get3A_252 = arith.index_cast %scan3A_232 : i32 to index
      %get3A_253 = arith.constant 16 : index
      %get3A_254 = tpu.vector_load %arg15[%get3A_252, %get3A_253] {strides = array<i32>} : memref<125x32xf32, #tpu.memory_space<vmem>>, vector<1x16xf32>,
      %get3A_255 = vector.shape_cast %get3A_254 : vector<1x16xf32> to vector<16xf32>
      %get3A_256 = arith.index_cast %scan3A_232 : i32 to index
      %get3A_257 = arith.constant 16 : index
      %get3A_258 = tpu.vector_load %arg11[%get3A_256, %get3A_257] {strides = array<i32>} : memref<125x32xf32, #tpu.memory_space<vmem>>, vector<1x16xf32>,
      %get3A_259 = vector.shape_cast %get3A_258 : vector<1x16xf32> to vector<16xf32>
      %add3A_260 = arith.addf %get3A_255, %get3A_259 : vector<16xf32>
      %get3A_261 = arith.index_cast %scan3A_232 : i32 to index
      %get3A_262 = arith.constant 16 : index
      %get3A_263 = tpu.vector_load %arg13[%get3A_261, %get3A_262] {strides = array<i32>} : memref<125x32xf32, #tpu.memory_space<vmem>>, vector<1x16xf32>,
      %get3A_264 = vector.shape_cast %get3A_263 : vector<1x16xf32> to vector<16xf32>
      %add3A_265 = arith.addf %add3A_260, %get3A_264 : vector<16xf32>
      %max3A_266 = arith.constant 0.000000e+00 : f32
      %max3A_267 = vector.broadcast %max3A_266 : f32 to vector<16xf32>
      %max3A_268 = arith.maximumf %add3A_265, %max3A_267 : vector<16xf32>
      %swap3A_269 = arith.index_cast %scan3A_232 : i32 to index
      %swap3A_270 = arith.constant 16 : index
      %swap3A_271 = tpu.vector_load %arg17[%swap3A_269, %swap3A_270] {strides = array<i32>} : memref<125x32xf32, #tpu.memory_space<vmem>>, vector<1x16xf32>,
      %swap3A_272 = vector.shape_cast %swap3A_271 : vector<1x16xf32> to vector<16xf32>
      %swap3A_273 = vector.shape_cast %max3A_268 : vector<16xf32> to vector<1x16xf32>
      tpu.vector_store %arg17[%swap3A_269, %swap3A_270], %swap3A_273 {strides = array<i32>} : memref<125x32xf32, #tpu.memory_space<vmem>>, vector<1x16xf32>,
    }
    %scan3A_119 = arith.constant 125 : i32
    %add3A_120 = arith.constant 125 : i32
    %add3A_121 = arith.addi %mul3A_2, %add3A_120 : i32
    %dma_start3A_122 = arith.constant 0 : i32
    %dma_start3A_123 = tpu.memref_slice %arg7[%add3A_121, %dma_start3A_122] : memref<320000x32xf32, #tpu.memory_space<hbm>> -> memref<125x32xf32, #tpu.memory_space<hbm>>
    %dma_start3A_124 = arith.constant 0 : i32
    %dma_start3A_125 = tpu.memref_slice %arg7[%add3A_121, %dma_start3A_124] : memref<320000x32xf32, #tpu.memory_space<hbm>> -> memref<125x32xf32, #tpu.memory_space<hbm>>
    tpu.enqueue_dma source(%arg17 : memref<125x32xf32, #tpu.memory_space<vmem>>) target(%dma_start3A_125 : memref<125x32xf32, #tpu.memory_space<hbm>>) target_semaphore(%arg25 : memref<!tpu.dma_semaphore, #tpu.memory_space<semaphore_mem>>)
    %dma_start3A_126 = arith.constant 3 : i32
    %dma_start3A_127 = arith.constant 0 : i32
    %dma_start3A_128 = tpu.memref_slice %arg8[%dma_start3A_126, %dma_start3A_127] : memref<80x125xi32, #tpu.memory_space<vmem>> -> memref<1x125xi32, #tpu.memory_space<vmem>>
    %dma_start3A_129 = tpu.memref_squeeze %dma_start3A_128 : memref<1x125xi32, #tpu.memory_space<vmem>> -> memref<125xi32, #tpu.memory_space<vmem>>
    %dma_start3A_130 = arith.constant 0 : i32
    %dma_start3A_131 = arith.constant 0 : i32
    %dma_start3A_132 = tpu.memref_slice %arg26[%dma_start3A_130, %dma_start3A_131] : memref<10000x32xf32, #tpu.memory_space<vmem_shared>> -> memref<10000x32xf32, #tpu.memory_space<vmem_shared>>
    tpu.enqueue_indirect_dma source(%dma_start3A_132 : memref<10000x32xf32, #tpu.memory_space<vmem_shared>>) target(%arg11 : memref<125x32xf32, #tpu.memory_space<vmem>>) offsets(%dma_start3A_129 : memref<125xi32, #tpu.memory_space<vmem>>) semaphore(%arg19 : memref<!tpu.dma_semaphore, #tpu.memory_space<semaphore_mem>>)
    %dma_start3A_133 = arith.constant 3 : i32
    %dma_start3A_134 = arith.constant 0 : i32
    %dma_start3A_135 = tpu.memref_slice %arg9[%dma_start3A_133, %dma_start3A_134] : memref<80x125xi32, #tpu.memory_space<vmem>> -> memref<1x125xi32, #tpu.memory_space<vmem>>
    %dma_start3A_136 = tpu.memref_squeeze %dma_start3A_135 : memref<1x125xi32, #tpu.memory_space<vmem>> -> memref<125xi32, #tpu.memory_space<vmem>>
    %dma_start3A_137 = arith.constant 0 : i32
    %dma_start3A_138 = arith.constant 0 : i32
    %dma_start3A_139 = tpu.memref_slice %arg3[%dma_start3A_137, %dma_start3A_138] : memref<10000x32xf32, #tpu.memory_space<hbm>> -> memref<10000x32xf32, #tpu.memory_space<hbm>>
    tpu.enqueue_indirect_dma source(%dma_start3A_139 : memref<10000x32xf32, #tpu.memory_space<hbm>>) target(%arg13 : memref<125x32xf32, #tpu.memory_space<vmem>>) offsets(%dma_start3A_136 : memref<125xi32, #tpu.memory_space<vmem>>) semaphore(%arg21 : memref<!tpu.dma_semaphore, #tpu.memory_space<semaphore_mem>>)
    %add3A_140 = arith.constant 375 : i32
    %add3A_141 = arith.addi %mul3A_2, %add3A_140 : i32
    %dma_start3A_142 = arith.constant 0 : i32
    %dma_start3A_143 = tpu.memref_slice %arg4[%add3A_141, %dma_start3A_142] : memref<320000x32xf32, #tpu.memory_space<hbm>> -> memref<125x32xf32, #tpu.memory_space<hbm>>
    %dma_start3A_144 = arith.constant 0 : i32
    %dma_start3A_145 = tpu.memref_slice %arg4[%add3A_141, %dma_start3A_144] : memref<320000x32xf32, #tpu.memory_space<hbm>> -> memref<125x32xf32, #tpu.memory_space<hbm>>
    tpu.enqueue_dma source(%dma_start3A_145 : memref<125x32xf32, #tpu.memory_space<hbm>>) target(%arg15 : memref<125x32xf32, #tpu.memory_space<vmem>>) target_semaphore(%arg23 : memref<!tpu.dma_semaphore, #tpu.memory_space<semaphore_mem>>)
    %scan3A_146 = arith.constant 0 : i32
    %scan3A_147 = arith.constant 1 : i32
    %scan3A_148 = arith.constant 38 : i32
    %scan3A_149 = arith.addi %scan3A_147, %scan3A_148 : i32
    %scan3A_150 = arith.constant 1 : i32
    scf.for %scan3A_232 = %scan3A_147 to %scan3A_149 step %scan3A_150  : i32 {
      %mul3A_233 = arith.constant 2 : i32
      %mul3A_234 = arith.muli %mul3A_233, %scan3A_232 : i32
      %dma_wait3A_235 = arith.constant 0 : i32
      %dma_wait3A_236 = tpu.memref_slice %arg8[%mul3A_234, %dma_wait3A_235] : memref<80x125xi32, #tpu.memory_space<vmem>> -> memref<1x125xi32, #tpu.memory_space<vmem>>
      %dma_wait3A_237 = tpu.memref_squeeze %dma_wait3A_236 : memref<1x125xi32, #tpu.memory_space<vmem>> -> memref<125xi32, #tpu.memory_space<vmem>>
      %dma_wait3A_238 = arith.constant 0 : i32
      %dma_wait3A_239 = arith.constant 0 : i32
      %dma_wait3A_240 = tpu.memref_slice %arg26[%dma_wait3A_238, %dma_wait3A_239] : memref<10000x32xf32, #tpu.memory_space<vmem_shared>> -> memref<10000x32xf32, #tpu.memory_space<vmem_shared>>
      tpu.wait_indirect_dma semaphore(%arg18 : memref<!tpu.dma_semaphore, #tpu.memory_space<semaphore_mem>>) src(%dma_wait3A_240 : memref<10000x32xf32, #tpu.memory_space<vmem_shared>>) dst(%arg10 : memref<125x32xf32, #tpu.memory_space<vmem>>)
      %dma_wait3A_241 = arith.constant 0 : i32
      %dma_wait3A_242 = tpu.memref_slice %arg9[%mul3A_234, %dma_wait3A_241] : memref<80x125xi32, #tpu.memory_space<vmem>> -> memref<1x125xi32, #tpu.memory_space<vmem>>
      %dma_wait3A_243 = tpu.memref_squeeze %dma_wait3A_242 : memref<1x125xi32, #tpu.memory_space<vmem>> -> memref<125xi32, #tpu.memory_space<vmem>>
      %dma_wait3A_244 = arith.constant 0 : i32
      %dma_wait3A_245 = arith.constant 0 : i32
      %dma_wait3A_246 = tpu.memref_slice %arg3[%dma_wait3A_244, %dma_wait3A_245] : memref<10000x32xf32, #tpu.memory_space<hbm>> -> memref<10000x32xf32, #tpu.memory_space<hbm>>
      tpu.wait_indirect_dma semaphore(%arg20 : memref<!tpu.dma_semaphore, #tpu.memory_space<semaphore_mem>>) src(%dma_wait3A_246 : memref<10000x32xf32, #tpu.memory_space<hbm>>) dst(%arg12 : memref<125x32xf32, #tpu.memory_space<vmem>>)
      %mul3A_247 = arith.constant 125 : i32
      %mul3A_248 = arith.muli %mul3A_234, %mul3A_247 : i32
      %add3A_249 = arith.addi %mul3A_2, %mul3A_248 : i32
      %dma_wait3A_250 = arith.constant 0 : i32
      %dma_wait3A_251 = tpu.memref_slice %arg4[%add3A_249, %dma_wait3A_250] : memref<320000x32xf32, #tpu.memory_space<hbm>> -> memref<125x32xf32, #tpu.memory_space<hbm>>
      %dma_wait3A_252 = arith.constant 0 : i32
      %dma_wait3A_253 = tpu.memref_slice %arg4[%add3A_249, %dma_wait3A_252] : memref<320000x32xf32, #tpu.memory_space<hbm>> -> memref<125x32xf32, #tpu.memory_space<hbm>>
      tpu.wait_dma2 semaphore(%arg22 : memref<!tpu.dma_semaphore, #tpu.memory_space<semaphore_mem>>) src(%dma_wait3A_253 : memref<125x32xf32, #tpu.memory_space<hbm>>) dst(%arg14 : memref<125x32xf32, #tpu.memory_space<vmem>>)
      %dma_wait3A_254 = arith.constant 0 : i32
      %dma_wait3A_255 = tpu.memref_slice %arg7[%mul3A_2, %dma_wait3A_254] : memref<320000x32xf32, #tpu.memory_space<hbm>> -> memref<125x32xf32, #tpu.memory_space<hbm>>
      %dma_wait3A_256 = arith.constant 0 : i32
      %dma_wait3A_257 = tpu.memref_slice %arg7[%mul3A_2, %dma_wait3A_256] : memref<320000x32xf32, #tpu.memory_space<hbm>> -> memref<125x32xf32, #tpu.memory_space<hbm>>
      tpu.wait_dma2 semaphore(%arg24 : memref<!tpu.dma_semaphore, #tpu.memory_space<semaphore_mem>>) src(%arg16 : memref<125x32xf32, #tpu.memory_space<vmem>>) dst(%dma_wait3A_257 : memref<125x32xf32, #tpu.memory_space<hbm>>)
      %scan3A_258 = arith.constant 0 : i32
      %scan3A_259 = arith.constant 0 : i32
      %scan3A_260 = arith.constant 125 : i32
      %scan3A_261 = arith.addi %scan3A_259, %scan3A_260 : i32
      %scan3A_262 = arith.constant 1 : i32
      scf.for %scan3A_357 = %scan3A_259 to %scan3A_261 step %scan3A_262  : i32 {
        %get3A = arith.index_cast %scan3A_357 : i32 to index
        %get3A_358 = arith.constant 0 : index
        %get3A_359 = tpu.vector_load %arg14[%get3A, %get3A_358] {strides = array<i32>} : memref<125x32xf32, #tpu.memory_space<vmem>>, vector<1x16xf32>,
        %get3A_360 = vector.shape_cast %get3A_359 : vector<1x16xf32> to vector<16xf32>
        %get3A_361 = arith.index_cast %scan3A_357 : i32 to index
        %get3A_362 = arith.constant 0 : index
        %get3A_363 = tpu.vector_load %arg10[%get3A_361, %get3A_362] {strides = array<i32>} : memref<125x32xf32, #tpu.memory_space<vmem>>, vector<1x16xf32>,
        %get3A_364 = vector.shape_cast %get3A_363 : vector<1x16xf32> to vector<16xf32>
        %add3A_365 = arith.addf %get3A_360, %get3A_364 : vector<16xf32>
        %get3A_366 = arith.index_cast %scan3A_357 : i32 to index
        %get3A_367 = arith.constant 0 : index
        %get3A_368 = tpu.vector_load %arg12[%get3A_366, %get3A_367] {strides = array<i32>} : memref<125x32xf32, #tpu.memory_space<vmem>>, vector<1x16xf32>,
        %get3A_369 = vector.shape_cast %get3A_368 : vector<1x16xf32> to vector<16xf32>
        %add3A_370 = arith.addf %add3A_365, %get3A_369 : vector<16xf32>
        %max3A = arith.constant 0.000000e+00 : f32
        %max3A_371 = vector.broadcast %max3A : f32 to vector<16xf32>
        %max3A_372 = arith.maximumf %add3A_370, %max3A_371 : vector<16xf32>
        %swap3A = arith.index_cast %scan3A_357 : i32 to index
        %swap3A_373 = arith.constant 0 : index
        %swap3A_374 = tpu.vector_load %arg16[%swap3A, %swap3A_373] {strides = array<i32>} : memref<125x32xf32, #tpu.memory_space<vmem>>, vector<1x16xf32>,
        %swap3A_375 = vector.shape_cast %swap3A_374 : vector<1x16xf32> to vector<16xf32>
        %swap3A_376 = vector.shape_cast %max3A_372 : vector<16xf32> to vector<1x16xf32>
        tpu.vector_store %arg16[%swap3A, %swap3A_373], %swap3A_376 {strides = array<i32>} : memref<125x32xf32, #tpu.memory_space<vmem>>, vector<1x16xf32>,
        %get3A_377 = arith.index_cast %scan3A_357 : i32 to index
        %get3A_378 = arith.constant 16 : index
        %get3A_379 = tpu.vector_load %arg14[%get3A_377, %get3A_378] {strides = array<i32>} : memref<125x32xf32, #tpu.memory_space<vmem>>, vector<1x16xf32>,
        %get3A_380 = vector.shape_cast %get3A_379 : vector<1x16xf32> to vector<16xf32>
        %get3A_381 = arith.index_cast %scan3A_357 : i32 to index
        %get3A_382 = arith.constant 16 : index
        %get3A_383 = tpu.vector_load %arg10[%get3A_381, %get3A_382] {strides = array<i32>} : memref<125x32xf32, #tpu.memory_space<vmem>>, vector<1x16xf32>,
        %get3A_384 = vector.shape_cast %get3A_383 : vector<1x16xf32> to vector<16xf32>
        %add3A_385 = arith.addf %get3A_380, %get3A_384 : vector<16xf32>
        %get3A_386 = arith.index_cast %scan3A_357 : i32 to index
        %get3A_387 = arith.constant 16 : index
        %get3A_388 = tpu.vector_load %arg12[%get3A_386, %get3A_387] {strides = array<i32>} : memref<125x32xf32, #tpu.memory_space<vmem>>, vector<1x16xf32>,
        %get3A_389 = vector.shape_cast %get3A_388 : vector<1x16xf32> to vector<16xf32>
        %add3A_390 = arith.addf %add3A_385, %get3A_389 : vector<16xf32>
        %max3A_391 = arith.constant 0.000000e+00 : f32
        %max3A_392 = vector.broadcast %max3A_391 : f32 to vector<16xf32>
        %max3A_393 = arith.maximumf %add3A_390, %max3A_392 : vector<16xf32>
        %swap3A_394 = arith.index_cast %scan3A_357 : i32 to index
        %swap3A_395 = arith.constant 16 : index
        %swap3A_396 = tpu.vector_load %arg16[%swap3A_394, %swap3A_395] {strides = array<i32>} : memref<125x32xf32, #tpu.memory_space<vmem>>, vector<1x16xf32>,
        %swap3A_397 = vector.shape_cast %swap3A_396 : vector<1x16xf32> to vector<16xf32>
        %swap3A_398 = vector.shape_cast %max3A_393 : vector<16xf32> to vector<1x16xf32>
        tpu.vector_store %arg16[%swap3A_394, %swap3A_395], %swap3A_398 {strides = array<i32>} : memref<125x32xf32, #tpu.memory_space<vmem>>, vector<1x16xf32>,
      }
      %scan3A_263 = arith.constant 125 : i32
      %mul3A_264 = arith.constant 125 : i32
      %mul3A_265 = arith.muli %mul3A_234, %mul3A_264 : i32
      %add3A_266 = arith.addi %mul3A_2, %mul3A_265 : i32
      %dma_start3A_267 = arith.constant 0 : i32
      %dma_start3A_268 = tpu.memref_slice %arg7[%add3A_266, %dma_start3A_267] : memref<320000x32xf32, #tpu.memory_space<hbm>> -> memref<125x32xf32, #tpu.memory_space<hbm>>
      %dma_start3A_269 = arith.constant 0 : i32
      %dma_start3A_270 = tpu.memref_slice %arg7[%add3A_266, %dma_start3A_269] : memref<320000x32xf32, #tpu.memory_space<hbm>> -> memref<125x32xf32, #tpu.memory_space<hbm>>
      tpu.enqueue_dma source(%arg16 : memref<125x32xf32, #tpu.memory_space<vmem>>) target(%dma_start3A_270 : memref<125x32xf32, #tpu.memory_space<hbm>>) target_semaphore(%arg24 : memref<!tpu.dma_semaphore, #tpu.memory_space<semaphore_mem>>)
      %mul3A_271 = arith.constant 2 : i32
      %mul3A_272 = arith.muli %mul3A_271, %scan3A_232 : i32
      %add3A_273 = arith.constant 2 : i32
      %add3A_274 = arith.addi %mul3A_272, %add3A_273 : i32
      %dma_start3A_275 = arith.constant 0 : i32
      %dma_start3A_276 = tpu.memref_slice %arg8[%add3A_274, %dma_start3A_275] : memref<80x125xi32, #tpu.memory_space<vmem>> -> memref<1x125xi32, #tpu.memory_space<vmem>>
      %dma_start3A_277 = tpu.memref_squeeze %dma_start3A_276 : memref<1x125xi32, #tpu.memory_space<vmem>> -> memref<125xi32, #tpu.memory_space<vmem>>
      %dma_start3A_278 = arith.constant 0 : i32
      %dma_start3A_279 = arith.constant 0 : i32
      %dma_start3A_280 = tpu.memref_slice %arg26[%dma_start3A_278, %dma_start3A_279] : memref<10000x32xf32, #tpu.memory_space<vmem_shared>> -> memref<10000x32xf32, #tpu.memory_space<vmem_shared>>
      tpu.enqueue_indirect_dma source(%dma_start3A_280 : memref<10000x32xf32, #tpu.memory_space<vmem_shared>>) target(%arg10 : memref<125x32xf32, #tpu.memory_space<vmem>>) offsets(%dma_start3A_277 : memref<125xi32, #tpu.memory_space<vmem>>) semaphore(%arg18 : memref<!tpu.dma_semaphore, #tpu.memory_space<semaphore_mem>>)
      %dma_start3A_281 = arith.constant 0 : i32
      %dma_start3A_282 = tpu.memref_slice %arg9[%add3A_274, %dma_start3A_281] : memref<80x125xi32, #tpu.memory_space<vmem>> -> memref<1x125xi32, #tpu.memory_space<vmem>>
      %dma_start3A_283 = tpu.memref_squeeze %dma_start3A_282 : memref<1x125xi32, #tpu.memory_space<vmem>> -> memref<125xi32, #tpu.memory_space<vmem>>
      %dma_start3A_284 = arith.constant 0 : i32
      %dma_start3A_285 = arith.constant 0 : i32
      %dma_start3A_286 = tpu.memref_slice %arg3[%dma_start3A_284, %dma_start3A_285] : memref<10000x32xf32, #tpu.memory_space<hbm>> -> memref<10000x32xf32, #tpu.memory_space<hbm>>
      tpu.enqueue_indirect_dma source(%dma_start3A_286 : memref<10000x32xf32, #tpu.memory_space<hbm>>) target(%arg12 : memref<125x32xf32, #tpu.memory_space<vmem>>) offsets(%dma_start3A_283 : memref<125xi32, #tpu.memory_space<vmem>>) semaphore(%arg20 : memref<!tpu.dma_semaphore, #tpu.memory_space<semaphore_mem>>)
      %mul3A_287 = arith.constant 125 : i32
      %mul3A_288 = arith.muli %add3A_274, %mul3A_287 : i32
      %add3A_289 = arith.addi %mul3A_2, %mul3A_288 : i32
      %dma_start3A_290 = arith.constant 0 : i32
      %dma_start3A_291 = tpu.memref_slice %arg4[%add3A_289, %dma_start3A_290] : memref<320000x32xf32, #tpu.memory_space<hbm>> -> memref<125x32xf32, #tpu.memory_space<hbm>>
      %dma_start3A_292 = arith.constant 0 : i32
      %dma_start3A_293 = tpu.memref_slice %arg4[%add3A_289, %dma_start3A_292] : memref<320000x32xf32, #tpu.memory_space<hbm>> -> memref<125x32xf32, #tpu.memory_space<hbm>>
      tpu.enqueue_dma source(%dma_start3A_293 : memref<125x32xf32, #tpu.memory_space<hbm>>) target(%arg14 : memref<125x32xf32, #tpu.memory_space<vmem>>) target_semaphore(%arg22 : memref<!tpu.dma_semaphore, #tpu.memory_space<semaphore_mem>>)
      %mul3A_294 = arith.constant 2 : i32
      %mul3A_295 = arith.muli %mul3A_294, %scan3A_232 : i32
      %add3A_296 = arith.constant 1 : i32
      %add3A_297 = arith.addi %mul3A_295, %add3A_296 : i32
      %dma_wait3A_298 = arith.constant 0 : i32
      %dma_wait3A_299 = tpu.memref_slice %arg8[%add3A_297, %dma_wait3A_298] : memref<80x125xi32, #tpu.memory_space<vmem>> -> memref<1x125xi32, #tpu.memory_space<vmem>>
      %dma_wait3A_300 = tpu.memref_squeeze %dma_wait3A_299 : memref<1x125xi32, #tpu.memory_space<vmem>> -> memref<125xi32, #tpu.memory_space<vmem>>
      %dma_wait3A_301 = arith.constant 0 : i32
      %dma_wait3A_302 = arith.constant 0 : i32
      %dma_wait3A_303 = tpu.memref_slice %arg26[%dma_wait3A_301, %dma_wait3A_302] : memref<10000x32xf32, #tpu.memory_space<vmem_shared>> -> memref<10000x32xf32, #tpu.memory_space<vmem_shared>>
      tpu.wait_indirect_dma semaphore(%arg19 : memref<!tpu.dma_semaphore, #tpu.memory_space<semaphore_mem>>) src(%dma_wait3A_303 : memref<10000x32xf32, #tpu.memory_space<vmem_shared>>) dst(%arg11 : memref<125x32xf32, #tpu.memory_space<vmem>>)
      %dma_wait3A_304 = arith.constant 0 : i32
      %dma_wait3A_305 = tpu.memref_slice %arg9[%add3A_297, %dma_wait3A_304] : memref<80x125xi32, #tpu.memory_space<vmem>> -> memref<1x125xi32, #tpu.memory_space<vmem>>
      %dma_wait3A_306 = tpu.memref_squeeze %dma_wait3A_305 : memref<1x125xi32, #tpu.memory_space<vmem>> -> memref<125xi32, #tpu.memory_space<vmem>>
      %dma_wait3A_307 = arith.constant 0 : i32
      %dma_wait3A_308 = arith.constant 0 : i32
      %dma_wait3A_309 = tpu.memref_slice %arg3[%dma_wait3A_307, %dma_wait3A_308] : memref<10000x32xf32, #tpu.memory_space<hbm>> -> memref<10000x32xf32, #tpu.memory_space<hbm>>
      tpu.wait_indirect_dma semaphore(%arg21 : memref<!tpu.dma_semaphore, #tpu.memory_space<semaphore_mem>>) src(%dma_wait3A_309 : memref<10000x32xf32, #tpu.memory_space<hbm>>) dst(%arg13 : memref<125x32xf32, #tpu.memory_space<vmem>>)
      %mul3A_310 = arith.constant 125 : i32
      %mul3A_311 = arith.muli %add3A_297, %mul3A_310 : i32
      %add3A_312 = arith.addi %mul3A_2, %mul3A_311 : i32
      %dma_wait3A_313 = arith.constant 0 : i32
      %dma_wait3A_314 = tpu.memref_slice %arg4[%add3A_312, %dma_wait3A_313] : memref<320000x32xf32, #tpu.memory_space<hbm>> -> memref<125x32xf32, #tpu.memory_space<hbm>>
      %dma_wait3A_315 = arith.constant 0 : i32
      %dma_wait3A_316 = tpu.memref_slice %arg4[%add3A_312, %dma_wait3A_315] : memref<320000x32xf32, #tpu.memory_space<hbm>> -> memref<125x32xf32, #tpu.memory_space<hbm>>
      tpu.wait_dma2 semaphore(%arg23 : memref<!tpu.dma_semaphore, #tpu.memory_space<semaphore_mem>>) src(%dma_wait3A_316 : memref<125x32xf32, #tpu.memory_space<hbm>>) dst(%arg15 : memref<125x32xf32, #tpu.memory_space<vmem>>)
      %dma_wait3A_317 = arith.constant 0 : i32
      %dma_wait3A_318 = tpu.memref_slice %arg7[%mul3A_2, %dma_wait3A_317] : memref<320000x32xf32, #tpu.memory_space<hbm>> -> memref<125x32xf32, #tpu.memory_space<hbm>>
      %dma_wait3A_319 = arith.constant 0 : i32
      %dma_wait3A_320 = tpu.memref_slice %arg7[%mul3A_2, %dma_wait3A_319] : memref<320000x32xf32, #tpu.memory_space<hbm>> -> memref<125x32xf32, #tpu.memory_space<hbm>>
      tpu.wait_dma2 semaphore(%arg25 : memref<!tpu.dma_semaphore, #tpu.memory_space<semaphore_mem>>) src(%arg17 : memref<125x32xf32, #tpu.memory_space<vmem>>) dst(%dma_wait3A_320 : memref<125x32xf32, #tpu.memory_space<hbm>>)
      %scan3A_321 = arith.constant 0 : i32
      %scan3A_322 = arith.constant 0 : i32
      %scan3A_323 = arith.constant 125 : i32
      %scan3A_324 = arith.addi %scan3A_322, %scan3A_323 : i32
      %scan3A_325 = arith.constant 1 : i32
      scf.for %scan3A_357 = %scan3A_322 to %scan3A_324 step %scan3A_325  : i32 {
        %get3A = arith.index_cast %scan3A_357 : i32 to index
        %get3A_358 = arith.constant 0 : index
        %get3A_359 = tpu.vector_load %arg15[%get3A, %get3A_358] {strides = array<i32>} : memref<125x32xf32, #tpu.memory_space<vmem>>, vector<1x16xf32>,
        %get3A_360 = vector.shape_cast %get3A_359 : vector<1x16xf32> to vector<16xf32>
        %get3A_361 = arith.index_cast %scan3A_357 : i32 to index
        %get3A_362 = arith.constant 0 : index
        %get3A_363 = tpu.vector_load %arg11[%get3A_361, %get3A_362] {strides = array<i32>} : memref<125x32xf32, #tpu.memory_space<vmem>>, vector<1x16xf32>,
        %get3A_364 = vector.shape_cast %get3A_363 : vector<1x16xf32> to vector<16xf32>
        %add3A_365 = arith.addf %get3A_360, %get3A_364 : vector<16xf32>
        %get3A_366 = arith.index_cast %scan3A_357 : i32 to index
        %get3A_367 = arith.constant 0 : index
        %get3A_368 = tpu.vector_load %arg13[%get3A_366, %get3A_367] {strides = array<i32>} : memref<125x32xf32, #tpu.memory_space<vmem>>, vector<1x16xf32>,
        %get3A_369 = vector.shape_cast %get3A_368 : vector<1x16xf32> to vector<16xf32>
        %add3A_370 = arith.addf %add3A_365, %get3A_369 : vector<16xf32>
        %max3A = arith.constant 0.000000e+00 : f32
        %max3A_371 = vector.broadcast %max3A : f32 to vector<16xf32>
        %max3A_372 = arith.maximumf %add3A_370, %max3A_371 : vector<16xf32>
        %swap3A = arith.index_cast %scan3A_357 : i32 to index
        %swap3A_373 = arith.constant 0 : index
        %swap3A_374 = tpu.vector_load %arg17[%swap3A, %swap3A_373] {strides = array<i32>} : memref<125x32xf32, #tpu.memory_space<vmem>>, vector<1x16xf32>,
        %swap3A_375 = vector.shape_cast %swap3A_374 : vector<1x16xf32> to vector<16xf32>
        %swap3A_376 = vector.shape_cast %max3A_372 : vector<16xf32> to vector<1x16xf32>
        tpu.vector_store %arg17[%swap3A, %swap3A_373], %swap3A_376 {strides = array<i32>} : memref<125x32xf32, #tpu.memory_space<vmem>>, vector<1x16xf32>,
        %get3A_377 = arith.index_cast %scan3A_357 : i32 to index
        %get3A_378 = arith.constant 16 : index
        %get3A_379 = tpu.vector_load %arg15[%get3A_377, %get3A_378] {strides = array<i32>} : memref<125x32xf32, #tpu.memory_space<vmem>>, vector<1x16xf32>,
        %get3A_380 = vector.shape_cast %get3A_379 : vector<1x16xf32> to vector<16xf32>
        %get3A_381 = arith.index_cast %scan3A_357 : i32 to index
        %get3A_382 = arith.constant 16 : index
        %get3A_383 = tpu.vector_load %arg11[%get3A_381, %get3A_382] {strides = array<i32>} : memref<125x32xf32, #tpu.memory_space<vmem>>, vector<1x16xf32>,
        %get3A_384 = vector.shape_cast %get3A_383 : vector<1x16xf32> to vector<16xf32>
        %add3A_385 = arith.addf %get3A_380, %get3A_384 : vector<16xf32>
        %get3A_386 = arith.index_cast %scan3A_357 : i32 to index
        %get3A_387 = arith.constant 16 : index
        %get3A_388 = tpu.vector_load %arg13[%get3A_386, %get3A_387] {strides = array<i32>} : memref<125x32xf32, #tpu.memory_space<vmem>>, vector<1x16xf32>,
        %get3A_389 = vector.shape_cast %get3A_388 : vector<1x16xf32> to vector<16xf32>
        %add3A_390 = arith.addf %add3A_385, %get3A_389 : vector<16xf32>
        %max3A_391 = arith.constant 0.000000e+00 : f32
        %max3A_392 = vector.broadcast %max3A_391 : f32 to vector<16xf32>
        %max3A_393 = arith.maximumf %add3A_390, %max3A_392 : vector<16xf32>
        %swap3A_394 = arith.index_cast %scan3A_357 : i32 to index
        %swap3A_395 = arith.constant 16 : index
        %swap3A_396 = tpu.vector_load %arg17[%swap3A_394, %swap3A_395] {strides = array<i32>} : memref<125x32xf32, #tpu.memory_space<vmem>>, vector<1x16xf32>,
        %swap3A_397 = vector.shape_cast %swap3A_396 : vector<1x16xf32> to vector<16xf32>
        %swap3A_398 = vector.shape_cast %max3A_393 : vector<16xf32> to vector<1x16xf32>
        tpu.vector_store %arg17[%swap3A_394, %swap3A_395], %swap3A_398 {strides = array<i32>} : memref<125x32xf32, #tpu.memory_space<vmem>>, vector<1x16xf32>,
      }
      %scan3A_326 = arith.constant 125 : i32
      %mul3A_327 = arith.constant 125 : i32
      %mul3A_328 = arith.muli %add3A_297, %mul3A_327 : i32
      %add3A_329 = arith.addi %mul3A_2, %mul3A_328 : i32
      %dma_start3A_330 = arith.constant 0 : i32
      %dma_start3A_331 = tpu.memref_slice %arg7[%add3A_329, %dma_start3A_330] : memref<320000x32xf32, #tpu.memory_space<hbm>> -> memref<125x32xf32, #tpu.memory_space<hbm>>
      %dma_start3A_332 = arith.constant 0 : i32
      %dma_start3A_333 = tpu.memref_slice %arg7[%add3A_329, %dma_start3A_332] : memref<320000x32xf32, #tpu.memory_space<hbm>> -> memref<125x32xf32, #tpu.memory_space<hbm>>
      tpu.enqueue_dma source(%arg17 : memref<125x32xf32, #tpu.memory_space<vmem>>) target(%dma_start3A_333 : memref<125x32xf32, #tpu.memory_space<hbm>>) target_semaphore(%arg25 : memref<!tpu.dma_semaphore, #tpu.memory_space<semaphore_mem>>)
      %mul3A_334 = arith.constant 2 : i32
      %mul3A_335 = arith.muli %mul3A_334, %scan3A_232 : i32
      %add3A_336 = arith.constant 3 : i32
      %add3A_337 = arith.addi %mul3A_335, %add3A_336 : i32
      %dma_start3A_338 = arith.constant 0 : i32
      %dma_start3A_339 = tpu.memref_slice %arg8[%add3A_337, %dma_start3A_338] : memref<80x125xi32, #tpu.memory_space<vmem>> -> memref<1x125xi32, #tpu.memory_space<vmem>>
      %dma_start3A_340 = tpu.memref_squeeze %dma_start3A_339 : memref<1x125xi32, #tpu.memory_space<vmem>> -> memref<125xi32, #tpu.memory_space<vmem>>
      %dma_start3A_341 = arith.constant 0 : i32
      %dma_start3A_342 = arith.constant 0 : i32
      %dma_start3A_343 = tpu.memref_slice %arg26[%dma_start3A_341, %dma_start3A_342] : memref<10000x32xf32, #tpu.memory_space<vmem_shared>> -> memref<10000x32xf32, #tpu.memory_space<vmem_shared>>
      tpu.enqueue_indirect_dma source(%dma_start3A_343 : memref<10000x32xf32, #tpu.memory_space<vmem_shared>>) target(%arg11 : memref<125x32xf32, #tpu.memory_space<vmem>>) offsets(%dma_start3A_340 : memref<125xi32, #tpu.memory_space<vmem>>) semaphore(%arg19 : memref<!tpu.dma_semaphore, #tpu.memory_space<semaphore_mem>>)
      %dma_start3A_344 = arith.constant 0 : i32
      %dma_start3A_345 = tpu.memref_slice %arg9[%add3A_337, %dma_start3A_344] : memref<80x125xi32, #tpu.memory_space<vmem>> -> memref<1x125xi32, #tpu.memory_space<vmem>>
      %dma_start3A_346 = tpu.memref_squeeze %dma_start3A_345 : memref<1x125xi32, #tpu.memory_space<vmem>> -> memref<125xi32, #tpu.memory_space<vmem>>
      %dma_start3A_347 = arith.constant 0 : i32
      %dma_start3A_348 = arith.constant 0 : i32
      %dma_start3A_349 = tpu.memref_slice %arg3[%dma_start3A_347, %dma_start3A_348] : memref<10000x32xf32, #tpu.memory_space<hbm>> -> memref<10000x32xf32, #tpu.memory_space<hbm>>
      tpu.enqueue_indirect_dma source(%dma_start3A_349 : memref<10000x32xf32, #tpu.memory_space<hbm>>) target(%arg13 : memref<125x32xf32, #tpu.memory_space<vmem>>) offsets(%dma_start3A_346 : memref<125xi32, #tpu.memory_space<vmem>>) semaphore(%arg21 : memref<!tpu.dma_semaphore, #tpu.memory_space<semaphore_mem>>)
      %mul3A_350 = arith.constant 125 : i32
      %mul3A_351 = arith.muli %add3A_337, %mul3A_350 : i32
      %add3A_352 = arith.addi %mul3A_2, %mul3A_351 : i32
      %dma_start3A_353 = arith.constant 0 : i32
      %dma_start3A_354 = tpu.memref_slice %arg4[%add3A_352, %dma_start3A_353] : memref<320000x32xf32, #tpu.memory_space<hbm>> -> memref<125x32xf32, #tpu.memory_space<hbm>>
      %dma_start3A_355 = arith.constant 0 : i32
      %dma_start3A_356 = tpu.memref_slice %arg4[%add3A_352, %dma_start3A_355] : memref<320000x32xf32, #tpu.memory_space<hbm>> -> memref<125x32xf32, #tpu.memory_space<hbm>>
      tpu.enqueue_dma source(%dma_start3A_356 : memref<125x32xf32, #tpu.memory_space<hbm>>) target(%arg15 : memref<125x32xf32, #tpu.memory_space<vmem>>) target_semaphore(%arg23 : memref<!tpu.dma_semaphore, #tpu.memory_space<semaphore_mem>>)
    }
    %scan3A_151 = arith.constant 38 : i32
    %dma_wait3A_152 = arith.constant 78 : i32
    %dma_wait3A_153 = arith.constant 0 : i32
    %dma_wait3A_154 = tpu.memref_slice %arg8[%dma_wait3A_152, %dma_wait3A_153] : memref<80x125xi32, #tpu.memory_space<vmem>> -> memref<1x125xi32, #tpu.memory_space<vmem>>
    %dma_wait3A_155 = tpu.memref_squeeze %dma_wait3A_154 : memref<1x125xi32, #tpu.memory_space<vmem>> -> memref<125xi32, #tpu.memory_space<vmem>>
    %dma_wait3A_156 = arith.constant 0 : i32
    %dma_wait3A_157 = arith.constant 0 : i32
    %dma_wait3A_158 = tpu.memref_slice %arg26[%dma_wait3A_156, %dma_wait3A_157] : memref<10000x32xf32, #tpu.memory_space<vmem_shared>> -> memref<10000x32xf32, #tpu.memory_space<vmem_shared>>
    tpu.wait_indirect_dma semaphore(%arg18 : memref<!tpu.dma_semaphore, #tpu.memory_space<semaphore_mem>>) src(%dma_wait3A_158 : memref<10000x32xf32, #tpu.memory_space<vmem_shared>>) dst(%arg10 : memref<125x32xf32, #tpu.memory_space<vmem>>)
    %dma_wait3A_159 = arith.constant 78 : i32
    %dma_wait3A_160 = arith.constant 0 : i32
    %dma_wait3A_161 = tpu.memref_slice %arg9[%dma_wait3A_159, %dma_wait3A_160] : memref<80x125xi32, #tpu.memory_space<vmem>> -> memref<1x125xi32, #tpu.memory_space<vmem>>
    %dma_wait3A_162 = tpu.memref_squeeze %dma_wait3A_161 : memref<1x125xi32, #tpu.memory_space<vmem>> -> memref<125xi32, #tpu.memory_space<vmem>>
    %dma_wait3A_163 = arith.constant 0 : i32
    %dma_wait3A_164 = arith.constant 0 : i32
    %dma_wait3A_165 = tpu.memref_slice %arg3[%dma_wait3A_163, %dma_wait3A_164] : memref<10000x32xf32, #tpu.memory_space<hbm>> -> memref<10000x32xf32, #tpu.memory_space<hbm>>
    tpu.wait_indirect_dma semaphore(%arg20 : memref<!tpu.dma_semaphore, #tpu.memory_space<semaphore_mem>>) src(%dma_wait3A_165 : memref<10000x32xf32, #tpu.memory_space<hbm>>) dst(%arg12 : memref<125x32xf32, #tpu.memory_space<vmem>>)
    %add3A_166 = arith.constant 9750 : i32
    %add3A_167 = arith.addi %mul3A_2, %add3A_166 : i32
    %dma_wait3A_168 = arith.constant 0 : i32
    %dma_wait3A_169 = tpu.memref_slice %arg4[%add3A_167, %dma_wait3A_168] : memref<320000x32xf32, #tpu.memory_space<hbm>> -> memref<125x32xf32, #tpu.memory_space<hbm>>
    %dma_wait3A_170 = arith.constant 0 : i32
    %dma_wait3A_171 = tpu.memref_slice %arg4[%add3A_167, %dma_wait3A_170] : memref<320000x32xf32, #tpu.memory_space<hbm>> -> memref<125x32xf32, #tpu.memory_space<hbm>>
    tpu.wait_dma2 semaphore(%arg22 : memref<!tpu.dma_semaphore, #tpu.memory_space<semaphore_mem>>) src(%dma_wait3A_171 : memref<125x32xf32, #tpu.memory_space<hbm>>) dst(%arg14 : memref<125x32xf32, #tpu.memory_space<vmem>>)
    %dma_wait3A_172 = arith.constant 0 : i32
    %dma_wait3A_173 = tpu.memref_slice %arg7[%mul3A_2, %dma_wait3A_172] : memref<320000x32xf32, #tpu.memory_space<hbm>> -> memref<125x32xf32, #tpu.memory_space<hbm>>
    %dma_wait3A_174 = arith.constant 0 : i32
    %dma_wait3A_175 = tpu.memref_slice %arg7[%mul3A_2, %dma_wait3A_174] : memref<320000x32xf32, #tpu.memory_space<hbm>> -> memref<125x32xf32, #tpu.memory_space<hbm>>
    tpu.wait_dma2 semaphore(%arg24 : memref<!tpu.dma_semaphore, #tpu.memory_space<semaphore_mem>>) src(%arg16 : memref<125x32xf32, #tpu.memory_space<vmem>>) dst(%dma_wait3A_175 : memref<125x32xf32, #tpu.memory_space<hbm>>)
    %scan3A_176 = arith.constant 0 : i32
    %scan3A_177 = arith.constant 0 : i32
    %scan3A_178 = arith.constant 125 : i32
    %scan3A_179 = arith.addi %scan3A_177, %scan3A_178 : i32
    %scan3A_180 = arith.constant 1 : i32
    scf.for %scan3A_232 = %scan3A_177 to %scan3A_179 step %scan3A_180  : i32 {
      %get3A = arith.index_cast %scan3A_232 : i32 to index
      %get3A_233 = arith.constant 0 : index
      %get3A_234 = tpu.vector_load %arg14[%get3A, %get3A_233] {strides = array<i32>} : memref<125x32xf32, #tpu.memory_space<vmem>>, vector<1x16xf32>,
      %get3A_235 = vector.shape_cast %get3A_234 : vector<1x16xf32> to vector<16xf32>
      %get3A_236 = arith.index_cast %scan3A_232 : i32 to index
      %get3A_237 = arith.constant 0 : index
      %get3A_238 = tpu.vector_load %arg10[%get3A_236, %get3A_237] {strides = array<i32>} : memref<125x32xf32, #tpu.memory_space<vmem>>, vector<1x16xf32>,
      %get3A_239 = vector.shape_cast %get3A_238 : vector<1x16xf32> to vector<16xf32>
      %add3A_240 = arith.addf %get3A_235, %get3A_239 : vector<16xf32>
      %get3A_241 = arith.index_cast %scan3A_232 : i32 to index
      %get3A_242 = arith.constant 0 : index
      %get3A_243 = tpu.vector_load %arg12[%get3A_241, %get3A_242] {strides = array<i32>} : memref<125x32xf32, #tpu.memory_space<vmem>>, vector<1x16xf32>,
      %get3A_244 = vector.shape_cast %get3A_243 : vector<1x16xf32> to vector<16xf32>
      %add3A_245 = arith.addf %add3A_240, %get3A_244 : vector<16xf32>
      %max3A = arith.constant 0.000000e+00 : f32
      %max3A_246 = vector.broadcast %max3A : f32 to vector<16xf32>
      %max3A_247 = arith.maximumf %add3A_245, %max3A_246 : vector<16xf32>
      %swap3A = arith.index_cast %scan3A_232 : i32 to index
      %swap3A_248 = arith.constant 0 : index
      %swap3A_249 = tpu.vector_load %arg16[%swap3A, %swap3A_248] {strides = array<i32>} : memref<125x32xf32, #tpu.memory_space<vmem>>, vector<1x16xf32>,
      %swap3A_250 = vector.shape_cast %swap3A_249 : vector<1x16xf32> to vector<16xf32>
      %swap3A_251 = vector.shape_cast %max3A_247 : vector<16xf32> to vector<1x16xf32>
      tpu.vector_store %arg16[%swap3A, %swap3A_248], %swap3A_251 {strides = array<i32>} : memref<125x32xf32, #tpu.memory_space<vmem>>, vector<1x16xf32>,
      %get3A_252 = arith.index_cast %scan3A_232 : i32 to index
      %get3A_253 = arith.constant 16 : index
      %get3A_254 = tpu.vector_load %arg14[%get3A_252, %get3A_253] {strides = array<i32>} : memref<125x32xf32, #tpu.memory_space<vmem>>, vector<1x16xf32>,
      %get3A_255 = vector.shape_cast %get3A_254 : vector<1x16xf32> to vector<16xf32>
      %get3A_256 = arith.index_cast %scan3A_232 : i32 to index
      %get3A_257 = arith.constant 16 : index
      %get3A_258 = tpu.vector_load %arg10[%get3A_256, %get3A_257] {strides = array<i32>} : memref<125x32xf32, #tpu.memory_space<vmem>>, vector<1x16xf32>,
      %get3A_259 = vector.shape_cast %get3A_258 : vector<1x16xf32> to vector<16xf32>
      %add3A_260 = arith.addf %get3A_255, %get3A_259 : vector<16xf32>
      %get3A_261 = arith.index_cast %scan3A_232 : i32 to index
      %get3A_262 = arith.constant 16 : index
      %get3A_263 = tpu.vector_load %arg12[%get3A_261, %get3A_262] {strides = array<i32>} : memref<125x32xf32, #tpu.memory_space<vmem>>, vector<1x16xf32>,
      %get3A_264 = vector.shape_cast %get3A_263 : vector<1x16xf32> to vector<16xf32>
      %add3A_265 = arith.addf %add3A_260, %get3A_264 : vector<16xf32>
      %max3A_266 = arith.constant 0.000000e+00 : f32
      %max3A_267 = vector.broadcast %max3A_266 : f32 to vector<16xf32>
      %max3A_268 = arith.maximumf %add3A_265, %max3A_267 : vector<16xf32>
      %swap3A_269 = arith.index_cast %scan3A_232 : i32 to index
      %swap3A_270 = arith.constant 16 : index
      %swap3A_271 = tpu.vector_load %arg16[%swap3A_269, %swap3A_270] {strides = array<i32>} : memref<125x32xf32, #tpu.memory_space<vmem>>, vector<1x16xf32>,
      %swap3A_272 = vector.shape_cast %swap3A_271 : vector<1x16xf32> to vector<16xf32>
      %swap3A_273 = vector.shape_cast %max3A_268 : vector<16xf32> to vector<1x16xf32>
      tpu.vector_store %arg16[%swap3A_269, %swap3A_270], %swap3A_273 {strides = array<i32>} : memref<125x32xf32, #tpu.memory_space<vmem>>, vector<1x16xf32>,
    }
    %scan3A_181 = arith.constant 125 : i32
    %add3A_182 = arith.constant 9750 : i32
    %add3A_183 = arith.addi %mul3A_2, %add3A_182 : i32
    %dma_start3A_184 = arith.constant 0 : i32
    %dma_start3A_185 = tpu.memref_slice %arg7[%add3A_183, %dma_start3A_184] : memref<320000x32xf32, #tpu.memory_space<hbm>> -> memref<125x32xf32, #tpu.memory_space<hbm>>
    %dma_start3A_186 = arith.constant 0 : i32
    %dma_start3A_187 = tpu.memref_slice %arg7[%add3A_183, %dma_start3A_186] : memref<320000x32xf32, #tpu.memory_space<hbm>> -> memref<125x32xf32, #tpu.memory_space<hbm>>
    tpu.enqueue_dma source(%arg16 : memref<125x32xf32, #tpu.memory_space<vmem>>) target(%dma_start3A_187 : memref<125x32xf32, #tpu.memory_space<hbm>>) target_semaphore(%arg24 : memref<!tpu.dma_semaphore, #tpu.memory_space<semaphore_mem>>)
    %dma_wait3A_188 = arith.constant 79 : i32
    %dma_wait3A_189 = arith.constant 0 : i32
    %dma_wait3A_190 = tpu.memref_slice %arg8[%dma_wait3A_188, %dma_wait3A_189] : memref<80x125xi32, #tpu.memory_space<vmem>> -> memref<1x125xi32, #tpu.memory_space<vmem>>
    %dma_wait3A_191 = tpu.memref_squeeze %dma_wait3A_190 : memref<1x125xi32, #tpu.memory_space<vmem>> -> memref<125xi32, #tpu.memory_space<vmem>>
    %dma_wait3A_192 = arith.constant 0 : i32
    %dma_wait3A_193 = arith.constant 0 : i32
    %dma_wait3A_194 = tpu.memref_slice %arg26[%dma_wait3A_192, %dma_wait3A_193] : memref<10000x32xf32, #tpu.memory_space<vmem_shared>> -> memref<10000x32xf32, #tpu.memory_space<vmem_shared>>
    tpu.wait_indirect_dma semaphore(%arg19 : memref<!tpu.dma_semaphore, #tpu.memory_space<semaphore_mem>>) src(%dma_wait3A_194 : memref<10000x32xf32, #tpu.memory_space<vmem_shared>>) dst(%arg11 : memref<125x32xf32, #tpu.memory_space<vmem>>)
    %dma_wait3A_195 = arith.constant 79 : i32
    %dma_wait3A_196 = arith.constant 0 : i32
    %dma_wait3A_197 = tpu.memref_slice %arg9[%dma_wait3A_195, %dma_wait3A_196] : memref<80x125xi32, #tpu.memory_space<vmem>> -> memref<1x125xi32, #tpu.memory_space<vmem>>
    %dma_wait3A_198 = tpu.memref_squeeze %dma_wait3A_197 : memref<1x125xi32, #tpu.memory_space<vmem>> -> memref<125xi32, #tpu.memory_space<vmem>>
    %dma_wait3A_199 = arith.constant 0 : i32
    %dma_wait3A_200 = arith.constant 0 : i32
    %dma_wait3A_201 = tpu.memref_slice %arg3[%dma_wait3A_199, %dma_wait3A_200] : memref<10000x32xf32, #tpu.memory_space<hbm>> -> memref<10000x32xf32, #tpu.memory_space<hbm>>
    tpu.wait_indirect_dma semaphore(%arg21 : memref<!tpu.dma_semaphore, #tpu.memory_space<semaphore_mem>>) src(%dma_wait3A_201 : memref<10000x32xf32, #tpu.memory_space<hbm>>) dst(%arg13 : memref<125x32xf32, #tpu.memory_space<vmem>>)
    %add3A_202 = arith.constant 9875 : i32
    %add3A_203 = arith.addi %mul3A_2, %add3A_202 : i32
    %dma_wait3A_204 = arith.constant 0 : i32
    %dma_wait3A_205 = tpu.memref_slice %arg4[%add3A_203, %dma_wait3A_204] : memref<320000x32xf32, #tpu.memory_space<hbm>> -> memref<125x32xf32, #tpu.memory_space<hbm>>
    %dma_wait3A_206 = arith.constant 0 : i32
    %dma_wait3A_207 = tpu.memref_slice %arg4[%add3A_203, %dma_wait3A_206] : memref<320000x32xf32, #tpu.memory_space<hbm>> -> memref<125x32xf32, #tpu.memory_space<hbm>>
    tpu.wait_dma2 semaphore(%arg23 : memref<!tpu.dma_semaphore, #tpu.memory_space<semaphore_mem>>) src(%dma_wait3A_207 : memref<125x32xf32, #tpu.memory_space<hbm>>) dst(%arg15 : memref<125x32xf32, #tpu.memory_space<vmem>>)
    %dma_wait3A_208 = arith.constant 0 : i32
    %dma_wait3A_209 = tpu.memref_slice %arg7[%mul3A_2, %dma_wait3A_208] : memref<320000x32xf32, #tpu.memory_space<hbm>> -> memref<125x32xf32, #tpu.memory_space<hbm>>
    %dma_wait3A_210 = arith.constant 0 : i32
    %dma_wait3A_211 = tpu.memref_slice %arg7[%mul3A_2, %dma_wait3A_210] : memref<320000x32xf32, #tpu.memory_space<hbm>> -> memref<125x32xf32, #tpu.memory_space<hbm>>
    tpu.wait_dma2 semaphore(%arg25 : memref<!tpu.dma_semaphore, #tpu.memory_space<semaphore_mem>>) src(%arg17 : memref<125x32xf32, #tpu.memory_space<vmem>>) dst(%dma_wait3A_211 : memref<125x32xf32, #tpu.memory_space<hbm>>)
    %scan3A_212 = arith.constant 0 : i32
    %scan3A_213 = arith.constant 0 : i32
    %scan3A_214 = arith.constant 125 : i32
    %scan3A_215 = arith.addi %scan3A_213, %scan3A_214 : i32
    %scan3A_216 = arith.constant 1 : i32
    scf.for %scan3A_232 = %scan3A_213 to %scan3A_215 step %scan3A_216  : i32 {
      %get3A = arith.index_cast %scan3A_232 : i32 to index
      %get3A_233 = arith.constant 0 : index
      %get3A_234 = tpu.vector_load %arg15[%get3A, %get3A_233] {strides = array<i32>} : memref<125x32xf32, #tpu.memory_space<vmem>>, vector<1x16xf32>,
      %get3A_235 = vector.shape_cast %get3A_234 : vector<1x16xf32> to vector<16xf32>
      %get3A_236 = arith.index_cast %scan3A_232 : i32 to index
      %get3A_237 = arith.constant 0 : index
      %get3A_238 = tpu.vector_load %arg11[%get3A_236, %get3A_237] {strides = array<i32>} : memref<125x32xf32, #tpu.memory_space<vmem>>, vector<1x16xf32>,
      %get3A_239 = vector.shape_cast %get3A_238 : vector<1x16xf32> to vector<16xf32>
      %add3A_240 = arith.addf %get3A_235, %get3A_239 : vector<16xf32>
      %get3A_241 = arith.index_cast %scan3A_232 : i32 to index
      %get3A_242 = arith.constant 0 : index
      %get3A_243 = tpu.vector_load %arg13[%get3A_241, %get3A_242] {strides = array<i32>} : memref<125x32xf32, #tpu.memory_space<vmem>>, vector<1x16xf32>,
      %get3A_244 = vector.shape_cast %get3A_243 : vector<1x16xf32> to vector<16xf32>
      %add3A_245 = arith.addf %add3A_240, %get3A_244 : vector<16xf32>
      %max3A = arith.constant 0.000000e+00 : f32
      %max3A_246 = vector.broadcast %max3A : f32 to vector<16xf32>
      %max3A_247 = arith.maximumf %add3A_245, %max3A_246 : vector<16xf32>
      %swap3A = arith.index_cast %scan3A_232 : i32 to index
      %swap3A_248 = arith.constant 0 : index
      %swap3A_249 = tpu.vector_load %arg17[%swap3A, %swap3A_248] {strides = array<i32>} : memref<125x32xf32, #tpu.memory_space<vmem>>, vector<1x16xf32>,
      %swap3A_250 = vector.shape_cast %swap3A_249 : vector<1x16xf32> to vector<16xf32>
      %swap3A_251 = vector.shape_cast %max3A_247 : vector<16xf32> to vector<1x16xf32>
      tpu.vector_store %arg17[%swap3A, %swap3A_248], %swap3A_251 {strides = array<i32>} : memref<125x32xf32, #tpu.memory_space<vmem>>, vector<1x16xf32>,
      %get3A_252 = arith.index_cast %scan3A_232 : i32 to index
      %get3A_253 = arith.constant 16 : index
      %get3A_254 = tpu.vector_load %arg15[%get3A_252, %get3A_253] {strides = array<i32>} : memref<125x32xf32, #tpu.memory_space<vmem>>, vector<1x16xf32>,
      %get3A_255 = vector.shape_cast %get3A_254 : vector<1x16xf32> to vector<16xf32>
      %get3A_256 = arith.index_cast %scan3A_232 : i32 to index
      %get3A_257 = arith.constant 16 : index
      %get3A_258 = tpu.vector_load %arg11[%get3A_256, %get3A_257] {strides = array<i32>} : memref<125x32xf32, #tpu.memory_space<vmem>>, vector<1x16xf32>,
      %get3A_259 = vector.shape_cast %get3A_258 : vector<1x16xf32> to vector<16xf32>
      %add3A_260 = arith.addf %get3A_255, %get3A_259 : vector<16xf32>
      %get3A_261 = arith.index_cast %scan3A_232 : i32 to index
      %get3A_262 = arith.constant 16 : index
      %get3A_263 = tpu.vector_load %arg13[%get3A_261, %get3A_262] {strides = array<i32>} : memref<125x32xf32, #tpu.memory_space<vmem>>, vector<1x16xf32>,
      %get3A_264 = vector.shape_cast %get3A_263 : vector<1x16xf32> to vector<16xf32>
      %add3A_265 = arith.addf %add3A_260, %get3A_264 : vector<16xf32>
      %max3A_266 = arith.constant 0.000000e+00 : f32
      %max3A_267 = vector.broadcast %max3A_266 : f32 to vector<16xf32>
      %max3A_268 = arith.maximumf %add3A_265, %max3A_267 : vector<16xf32>
      %swap3A_269 = arith.index_cast %scan3A_232 : i32 to index
      %swap3A_270 = arith.constant 16 : index
      %swap3A_271 = tpu.vector_load %arg17[%swap3A_269, %swap3A_270] {strides = array<i32>} : memref<125x32xf32, #tpu.memory_space<vmem>>, vector<1x16xf32>,
      %swap3A_272 = vector.shape_cast %swap3A_271 : vector<1x16xf32> to vector<16xf32>
      %swap3A_273 = vector.shape_cast %max3A_268 : vector<16xf32> to vector<1x16xf32>
      tpu.vector_store %arg17[%swap3A_269, %swap3A_270], %swap3A_273 {strides = array<i32>} : memref<125x32xf32, #tpu.memory_space<vmem>>, vector<1x16xf32>,
    }
    %scan3A_217 = arith.constant 125 : i32
    %add3A_218 = arith.constant 9875 : i32
    %add3A_219 = arith.addi %mul3A_2, %add3A_218 : i32
    %dma_start3A_220 = arith.constant 0 : i32
    %dma_start3A_221 = tpu.memref_slice %arg7[%add3A_219, %dma_start3A_220] : memref<320000x32xf32, #tpu.memory_space<hbm>> -> memref<125x32xf32, #tpu.memory_space<hbm>>
    %dma_start3A_222 = arith.constant 0 : i32
    %dma_start3A_223 = tpu.memref_slice %arg7[%add3A_219, %dma_start3A_222] : memref<320000x32xf32, #tpu.memory_space<hbm>> -> memref<125x32xf32, #tpu.memory_space<hbm>>
    tpu.enqueue_dma source(%arg17 : memref<125x32xf32, #tpu.memory_space<vmem>>) target(%dma_start3A_223 : memref<125x32xf32, #tpu.memory_space<hbm>>) target_semaphore(%arg25 : memref<!tpu.dma_semaphore, #tpu.memory_space<semaphore_mem>>)
    %dma_wait3A_224 = arith.constant 0 : i32
    %dma_wait3A_225 = tpu.memref_slice %arg7[%mul3A_2, %dma_wait3A_224] : memref<320000x32xf32, #tpu.memory_space<hbm>> -> memref<125x32xf32, #tpu.memory_space<hbm>>
    %dma_wait3A_226 = arith.constant 0 : i32
    %dma_wait3A_227 = tpu.memref_slice %arg7[%mul3A_2, %dma_wait3A_226] : memref<320000x32xf32, #tpu.memory_space<hbm>> -> memref<125x32xf32, #tpu.memory_space<hbm>>
    tpu.wait_dma2 semaphore(%arg24 : memref<!tpu.dma_semaphore, #tpu.memory_space<semaphore_mem>>) src(%arg16 : memref<125x32xf32, #tpu.memory_space<vmem>>) dst(%dma_wait3A_227 : memref<125x32xf32, #tpu.memory_space<hbm>>)
    %dma_wait3A_228 = arith.constant 0 : i32
    %dma_wait3A_229 = tpu.memref_slice %arg7[%mul3A_2, %dma_wait3A_228] : memref<320000x32xf32, #tpu.memory_space<hbm>> -> memref<125x32xf32, #tpu.memory_space<hbm>>
    %dma_wait3A_230 = arith.constant 0 : i32
    %dma_wait3A_231 = tpu.memref_slice %arg7[%mul3A_2, %dma_wait3A_230] : memref<320000x32xf32, #tpu.memory_space<hbm>> -> memref<125x32xf32, #tpu.memory_space<hbm>>
    tpu.wait_dma2 semaphore(%arg25 : memref<!tpu.dma_semaphore, #tpu.memory_space<semaphore_mem>>) src(%arg17 : memref<125x32xf32, #tpu.memory_space<vmem>>) dst(%dma_wait3A_231 : memref<125x32xf32, #tpu.memory_space<hbm>>)
    return
  }
}

#map = affine_map<(d0, d1) -> (0, 0)>
#map1 = affine_map<(d0, d1) -> (0, 0, 0)>
module attributes {stable_mosaic.version = 14 : i64} {
  func.func @body(%arg0: i32, %arg1: i32, %arg2: memref<10000x32xf32, #tpu.memory_space<hbm>>, %arg3: memref<10000x32xf32, #tpu.memory_space<hbm>>, %arg4: memref<320000x32xf32, #tpu.memory_space<hbm>>, %arg5: memref<32x80x125xi32, #tpu.memory_space<hbm>>, %arg6: memref<32x80x125xi32, #tpu.memory_space<hbm>>, %arg7: memref<320000x32xf32, #tpu.memory_space<hbm>>, %arg8: memref<2x10240x32xf32, #tpu.memory_space<hbm>>, %arg9: memref<80x125xi32, #tpu.memory_space<vmem>>, %arg10: memref<80x125xi32, #tpu.memory_space<vmem>>, %arg11: memref<125x32xf32, #tpu.memory_space<vmem>>, %arg12: memref<125x32xf32, #tpu.memory_space<vmem>>, %arg13: memref<125x32xf32, #tpu.memory_space<vmem>>, %arg14: memref<125x32xf32, #tpu.memory_space<vmem>>, %arg15: memref<125x32xf32, #tpu.memory_space<vmem>>, %arg16: memref<125x32xf32, #tpu.memory_space<vmem>>, %arg17: memref<125x32xf32, #tpu.memory_space<vmem>>, %arg18: memref<125x32xf32, #tpu.memory_space<vmem>>, %arg19: memref<!tpu.dma_semaphore, #tpu.memory_space<semaphore_mem>>, %arg20: memref<!tpu.dma_semaphore, #tpu.memory_space<semaphore_mem>>, %arg21: memref<!tpu.dma_semaphore, #tpu.memory_space<semaphore_mem>>, %arg22: memref<!tpu.dma_semaphore, #tpu.memory_space<semaphore_mem>>, %arg23: memref<!tpu.dma_semaphore, #tpu.memory_space<semaphore_mem>>, %arg24: memref<!tpu.dma_semaphore, #tpu.memory_space<semaphore_mem>>, %arg25: memref<!tpu.dma_semaphore, #tpu.memory_space<semaphore_mem>>, %arg26: memref<!tpu.dma_semaphore, #tpu.memory_space<semaphore_mem>>, %arg27: memref<10000x32xf32, #tpu.memory_space<vmem_shared>>, %arg28: memref<640x32xf32, #tpu.memory_space<vmem>>, %arg29: memref<10240x32xf32, #tpu.memory_space<vmem_shared>>) attributes {dimension_semantics = [#tpu.dimension_semantics<core_parallel>, #tpu.dimension_semantics<subcore_parallel>], iteration_bounds = array<i64: 2, 16>, scalar_prefetch = 0 : i64, scratch_operands = 21 : i64, tpu.core_type = #tpu.core_type<sc_vector_subcore>, window_params = [{transform_indices = #map}, {transform_indices = #map}, {transform_indices = #map}, {transform_indices = #map1}, {transform_indices = #map1}, {transform_indices = #map}, {transform_indices = #map1}]} {
    %mul3A = arith.constant 2 : i32
    %mul3A_0 = arith.muli %arg1, %mul3A : i32
    %add3A = arith.addi %mul3A_0, %arg0 : i32
    %mul3A_1 = arith.constant 10000 : i32
    %mul3A_2 = arith.muli %add3A, %mul3A_1 : i32
    "tpu.region"() ({
      %run_scoped3A_249 = tpu.sem_alloc : memref<!tpu.dma_semaphore, #tpu.memory_space<semaphore_mem>>
      %dma_start3A_250 = arith.constant 0 : i32
      %dma_start3A_251 = arith.constant 0 : i32
      %dma_start3A_252 = tpu.memref_slice %arg5[%add3A, %dma_start3A_250, %dma_start3A_251] : memref<32x80x125xi32, #tpu.memory_space<hbm>> -> memref<1x80x125xi32, #tpu.memory_space<hbm>>
      %dma_start3A_253 = tpu.memref_squeeze %dma_start3A_252 : memref<1x80x125xi32, #tpu.memory_space<hbm>> -> memref<80x125xi32, #tpu.memory_space<hbm>>
      %dma_start3A_254 = arith.constant 0 : i32
      %dma_start3A_255 = arith.constant 0 : i32
      %dma_start3A_256 = tpu.memref_slice %arg5[%add3A, %dma_start3A_254, %dma_start3A_255] : memref<32x80x125xi32, #tpu.memory_space<hbm>> -> memref<1x80x125xi32, #tpu.memory_space<hbm>>
      %dma_start3A_257 = tpu.memref_squeeze %dma_start3A_256 : memref<1x80x125xi32, #tpu.memory_space<hbm>> -> memref<80x125xi32, #tpu.memory_space<hbm>>
      tpu.enqueue_dma source(%dma_start3A_257 : memref<80x125xi32, #tpu.memory_space<hbm>>) target(%arg9 : memref<80x125xi32, #tpu.memory_space<vmem>>) target_semaphore(%run_scoped3A_249 : memref<!tpu.dma_semaphore, #tpu.memory_space<semaphore_mem>>)
      %dma_wait3A_258 = arith.constant 0 : i32
      %dma_wait3A_259 = arith.constant 0 : i32
      %dma_wait3A_260 = tpu.memref_slice %arg5[%add3A, %dma_wait3A_258, %dma_wait3A_259] : memref<32x80x125xi32, #tpu.memory_space<hbm>> -> memref<1x80x125xi32, #tpu.memory_space<hbm>>
      %dma_wait3A_261 = tpu.memref_squeeze %dma_wait3A_260 : memref<1x80x125xi32, #tpu.memory_space<hbm>> -> memref<80x125xi32, #tpu.memory_space<hbm>>
      %dma_wait3A_262 = arith.constant 0 : i32
      %dma_wait3A_263 = arith.constant 0 : i32
      %dma_wait3A_264 = tpu.memref_slice %arg5[%add3A, %dma_wait3A_262, %dma_wait3A_263] : memref<32x80x125xi32, #tpu.memory_space<hbm>> -> memref<1x80x125xi32, #tpu.memory_space<hbm>>
      %dma_wait3A_265 = tpu.memref_squeeze %dma_wait3A_264 : memref<1x80x125xi32, #tpu.memory_space<hbm>> -> memref<80x125xi32, #tpu.memory_space<hbm>>
      tpu.wait_dma2 semaphore(%run_scoped3A_249 : memref<!tpu.dma_semaphore, #tpu.memory_space<semaphore_mem>>) src(%dma_wait3A_265 : memref<80x125xi32, #tpu.memory_space<hbm>>) dst(%arg9 : memref<80x125xi32, #tpu.memory_space<vmem>>)
      tpu.yield
    }) : () -> ()
    "tpu.region"() ({
      %run_scoped3A_249 = tpu.sem_alloc : memref<!tpu.dma_semaphore, #tpu.memory_space<semaphore_mem>>
      %dma_start3A_250 = arith.constant 0 : i32
      %dma_start3A_251 = arith.constant 0 : i32
      %dma_start3A_252 = tpu.memref_slice %arg6[%add3A, %dma_start3A_250, %dma_start3A_251] : memref<32x80x125xi32, #tpu.memory_space<hbm>> -> memref<1x80x125xi32, #tpu.memory_space<hbm>>
      %dma_start3A_253 = tpu.memref_squeeze %dma_start3A_252 : memref<1x80x125xi32, #tpu.memory_space<hbm>> -> memref<80x125xi32, #tpu.memory_space<hbm>>
      %dma_start3A_254 = arith.constant 0 : i32
      %dma_start3A_255 = arith.constant 0 : i32
      %dma_start3A_256 = tpu.memref_slice %arg6[%add3A, %dma_start3A_254, %dma_start3A_255] : memref<32x80x125xi32, #tpu.memory_space<hbm>> -> memref<1x80x125xi32, #tpu.memory_space<hbm>>
      %dma_start3A_257 = tpu.memref_squeeze %dma_start3A_256 : memref<1x80x125xi32, #tpu.memory_space<hbm>> -> memref<80x125xi32, #tpu.memory_space<hbm>>
      tpu.enqueue_dma source(%dma_start3A_257 : memref<80x125xi32, #tpu.memory_space<hbm>>) target(%arg10 : memref<80x125xi32, #tpu.memory_space<vmem>>) target_semaphore(%run_scoped3A_249 : memref<!tpu.dma_semaphore, #tpu.memory_space<semaphore_mem>>)
      %dma_wait3A_258 = arith.constant 0 : i32
      %dma_wait3A_259 = arith.constant 0 : i32
      %dma_wait3A_260 = tpu.memref_slice %arg6[%add3A, %dma_wait3A_258, %dma_wait3A_259] : memref<32x80x125xi32, #tpu.memory_space<hbm>> -> memref<1x80x125xi32, #tpu.memory_space<hbm>>
      %dma_wait3A_261 = tpu.memref_squeeze %dma_wait3A_260 : memref<1x80x125xi32, #tpu.memory_space<hbm>> -> memref<80x125xi32, #tpu.memory_space<hbm>>
      %dma_wait3A_262 = arith.constant 0 : i32
      %dma_wait3A_263 = arith.constant 0 : i32
      %dma_wait3A_264 = tpu.memref_slice %arg6[%add3A, %dma_wait3A_262, %dma_wait3A_263] : memref<32x80x125xi32, #tpu.memory_space<hbm>> -> memref<1x80x125xi32, #tpu.memory_space<hbm>>
      %dma_wait3A_265 = tpu.memref_squeeze %dma_wait3A_264 : memref<1x80x125xi32, #tpu.memory_space<hbm>> -> memref<80x125xi32, #tpu.memory_space<hbm>>
      tpu.wait_dma2 semaphore(%run_scoped3A_249 : memref<!tpu.dma_semaphore, #tpu.memory_space<semaphore_mem>>) src(%dma_wait3A_265 : memref<80x125xi32, #tpu.memory_space<hbm>>) dst(%arg10 : memref<80x125xi32, #tpu.memory_space<vmem>>)
      tpu.yield
    }) : () -> ()
    %mul3A_3 = arith.constant 625 : i32
    %mul3A_4 = arith.muli %arg1, %mul3A_3 : i32
    "tpu.region"() ({
      %run_scoped3A_249 = tpu.sem_alloc : memref<!tpu.dma_semaphore, #tpu.memory_space<semaphore_mem>>
      %dma_start3A_250 = arith.constant 0 : i32
      %dma_start3A_251 = tpu.memref_slice %arg27[%mul3A_4, %dma_start3A_250] : memref<10000x32xf32, #tpu.memory_space<vmem_shared>> -> memref<625x32xf32, #tpu.memory_space<vmem_shared>>
      %dma_start3A_252 = arith.constant 0 : i32
      %dma_start3A_253 = tpu.memref_slice %arg2[%mul3A_4, %dma_start3A_252] : memref<10000x32xf32, #tpu.memory_space<hbm>> -> memref<625x32xf32, #tpu.memory_space<hbm>>
      tpu.enqueue_dma source(%dma_start3A_253 : memref<625x32xf32, #tpu.memory_space<hbm>>) target(%dma_start3A_251 : memref<625x32xf32, #tpu.memory_space<vmem_shared>>) target_semaphore(%run_scoped3A_249 : memref<!tpu.dma_semaphore, #tpu.memory_space<semaphore_mem>>)
      %dma_wait3A_254 = arith.constant 0 : i32
      %dma_wait3A_255 = tpu.memref_slice %arg27[%mul3A_4, %dma_wait3A_254] : memref<10000x32xf32, #tpu.memory_space<vmem_shared>> -> memref<625x32xf32, #tpu.memory_space<vmem_shared>>
      %dma_wait3A_256 = arith.constant 0 : i32
      %dma_wait3A_257 = tpu.memref_slice %arg2[%mul3A_4, %dma_wait3A_256] : memref<10000x32xf32, #tpu.memory_space<hbm>> -> memref<625x32xf32, #tpu.memory_space<hbm>>
      tpu.wait_dma2 semaphore(%run_scoped3A_249 : memref<!tpu.dma_semaphore, #tpu.memory_space<semaphore_mem>>) src(%dma_wait3A_257 : memref<625x32xf32, #tpu.memory_space<hbm>>) dst(%dma_wait3A_255 : memref<625x32xf32, #tpu.memory_space<vmem_shared>>)
      tpu.yield
    }) : () -> ()
    %barrier3A = arith.constant 0 : index
    tpu.barrier barrier_id(%barrier3A)
    %scan3A = arith.constant 0 : i32
    %scan3A_5 = arith.constant 0 : i32
    %scan3A_6 = arith.constant 640 : i32
    %scan3A_7 = arith.addi %scan3A_5, %scan3A_6 : i32
    %scan3A_8 = arith.constant 1 : i32
    scf.for %scan3A_249 = %scan3A_5 to %scan3A_7 step %scan3A_8  : i32 {
      %broadcast_in_dim3A = arith.constant 0.000000e+00 : f32
      %broadcast_in_dim3A_250 = vector.broadcast %broadcast_in_dim3A : f32 to vector<16xf32>
      %swap3A = arith.index_cast %scan3A_249 : i32 to index
      %swap3A_251 = arith.constant 0 : index
      %swap3A_252 = tpu.vector_load %arg28[%swap3A, %swap3A_251] {strides = array<i32>} : memref<640x32xf32, #tpu.memory_space<vmem>>, vector<1x16xf32>,
      %swap3A_253 = vector.shape_cast %swap3A_252 : vector<1x16xf32> to vector<16xf32>
      %swap3A_254 = vector.shape_cast %broadcast_in_dim3A_250 : vector<16xf32> to vector<1x16xf32>
      tpu.vector_store %arg28[%swap3A, %swap3A_251], %swap3A_254 {strides = array<i32>} : memref<640x32xf32, #tpu.memory_space<vmem>>, vector<1x16xf32>,
      %broadcast_in_dim3A_255 = arith.constant 0.000000e+00 : f32
      %broadcast_in_dim3A_256 = vector.broadcast %broadcast_in_dim3A_255 : f32 to vector<16xf32>
      %swap3A_257 = arith.index_cast %scan3A_249 : i32 to index
      %swap3A_258 = arith.constant 16 : index
      %swap3A_259 = tpu.vector_load %arg28[%swap3A_257, %swap3A_258] {strides = array<i32>} : memref<640x32xf32, #tpu.memory_space<vmem>>, vector<1x16xf32>,
      %swap3A_260 = vector.shape_cast %swap3A_259 : vector<1x16xf32> to vector<16xf32>
      %swap3A_261 = vector.shape_cast %broadcast_in_dim3A_256 : vector<16xf32> to vector<1x16xf32>
      tpu.vector_store %arg28[%swap3A_257, %swap3A_258], %swap3A_261 {strides = array<i32>} : memref<640x32xf32, #tpu.memory_space<vmem>>, vector<1x16xf32>,
    }
    %scan3A_9 = arith.constant 640 : i32
    %mul3A_10 = arith.constant 640 : i32
    %mul3A_11 = arith.muli %arg1, %mul3A_10 : i32
    "tpu.region"() ({
      %run_scoped3A_249 = tpu.sem_alloc : memref<!tpu.dma_semaphore, #tpu.memory_space<semaphore_mem>>
      %dma_start3A_250 = arith.constant 0 : i32
      %dma_start3A_251 = tpu.memref_slice %arg29[%mul3A_11, %dma_start3A_250] : memref<10240x32xf32, #tpu.memory_space<vmem_shared>> -> memref<640x32xf32, #tpu.memory_space<vmem_shared>>
      %dma_start3A_252 = arith.constant 0 : i32
      %dma_start3A_253 = tpu.memref_slice %arg29[%mul3A_11, %dma_start3A_252] : memref<10240x32xf32, #tpu.memory_space<vmem_shared>> -> memref<640x32xf32, #tpu.memory_space<vmem_shared>>
      tpu.enqueue_dma source(%arg28 : memref<640x32xf32, #tpu.memory_space<vmem>>) target(%dma_start3A_253 : memref<640x32xf32, #tpu.memory_space<vmem_shared>>) target_semaphore(%run_scoped3A_249 : memref<!tpu.dma_semaphore, #tpu.memory_space<semaphore_mem>>)
      %dma_wait3A_254 = arith.constant 0 : i32
      %dma_wait3A_255 = tpu.memref_slice %arg29[%mul3A_11, %dma_wait3A_254] : memref<10240x32xf32, #tpu.memory_space<vmem_shared>> -> memref<640x32xf32, #tpu.memory_space<vmem_shared>>
      %dma_wait3A_256 = arith.constant 0 : i32
      %dma_wait3A_257 = tpu.memref_slice %arg29[%mul3A_11, %dma_wait3A_256] : memref<10240x32xf32, #tpu.memory_space<vmem_shared>> -> memref<640x32xf32, #tpu.memory_space<vmem_shared>>
      tpu.wait_dma2 semaphore(%run_scoped3A_249 : memref<!tpu.dma_semaphore, #tpu.memory_space<semaphore_mem>>) src(%arg28 : memref<640x32xf32, #tpu.memory_space<vmem>>) dst(%dma_wait3A_257 : memref<640x32xf32, #tpu.memory_space<vmem_shared>>)
      tpu.yield
    }) : () -> ()
    %barrier3A_12 = arith.constant 0 : index
    tpu.barrier barrier_id(%barrier3A_12)
    %dma_start3A = arith.constant 0 : i32
    %dma_start3A_13 = arith.constant 0 : i32
    %dma_start3A_14 = tpu.memref_slice %arg9[%dma_start3A, %dma_start3A_13] : memref<80x125xi32, #tpu.memory_space<vmem>> -> memref<1x125xi32, #tpu.memory_space<vmem>>
    %dma_start3A_15 = tpu.memref_squeeze %dma_start3A_14 : memref<1x125xi32, #tpu.memory_space<vmem>> -> memref<125xi32, #tpu.memory_space<vmem>>
    %dma_start3A_16 = arith.constant 0 : i32
    %dma_start3A_17 = arith.constant 0 : i32
    %dma_start3A_18 = tpu.memref_slice %arg27[%dma_start3A_16, %dma_start3A_17] : memref<10000x32xf32, #tpu.memory_space<vmem_shared>> -> memref<10000x32xf32, #tpu.memory_space<vmem_shared>>
    tpu.enqueue_indirect_dma source(%dma_start3A_18 : memref<10000x32xf32, #tpu.memory_space<vmem_shared>>) target(%arg11 : memref<125x32xf32, #tpu.memory_space<vmem>>) offsets(%dma_start3A_15 : memref<125xi32, #tpu.memory_space<vmem>>) semaphore(%arg19 : memref<!tpu.dma_semaphore, #tpu.memory_space<semaphore_mem>>)
    %dma_start3A_19 = arith.constant 0 : i32
    %dma_start3A_20 = arith.constant 0 : i32
    %dma_start3A_21 = tpu.memref_slice %arg10[%dma_start3A_19, %dma_start3A_20] : memref<80x125xi32, #tpu.memory_space<vmem>> -> memref<1x125xi32, #tpu.memory_space<vmem>>
    %dma_start3A_22 = tpu.memref_squeeze %dma_start3A_21 : memref<1x125xi32, #tpu.memory_space<vmem>> -> memref<125xi32, #tpu.memory_space<vmem>>
    %dma_start3A_23 = arith.constant 0 : i32
    %dma_start3A_24 = arith.constant 0 : i32
    %dma_start3A_25 = tpu.memref_slice %arg3[%dma_start3A_23, %dma_start3A_24] : memref<10000x32xf32, #tpu.memory_space<hbm>> -> memref<10000x32xf32, #tpu.memory_space<hbm>>
    tpu.enqueue_indirect_dma source(%dma_start3A_25 : memref<10000x32xf32, #tpu.memory_space<hbm>>) target(%arg13 : memref<125x32xf32, #tpu.memory_space<vmem>>) offsets(%dma_start3A_22 : memref<125xi32, #tpu.memory_space<vmem>>) semaphore(%arg21 : memref<!tpu.dma_semaphore, #tpu.memory_space<semaphore_mem>>)
    %add3A_26 = arith.constant 0 : i32
    %add3A_27 = arith.addi %mul3A_2, %add3A_26 : i32
    %dma_start3A_28 = arith.constant 0 : i32
    %dma_start3A_29 = tpu.memref_slice %arg4[%add3A_27, %dma_start3A_28] : memref<320000x32xf32, #tpu.memory_space<hbm>> -> memref<125x32xf32, #tpu.memory_space<hbm>>
    %dma_start3A_30 = arith.constant 0 : i32
    %dma_start3A_31 = tpu.memref_slice %arg4[%add3A_27, %dma_start3A_30] : memref<320000x32xf32, #tpu.memory_space<hbm>> -> memref<125x32xf32, #tpu.memory_space<hbm>>
    tpu.enqueue_dma source(%dma_start3A_31 : memref<125x32xf32, #tpu.memory_space<hbm>>) target(%arg15 : memref<125x32xf32, #tpu.memory_space<vmem>>) target_semaphore(%arg23 : memref<!tpu.dma_semaphore, #tpu.memory_space<semaphore_mem>>)
    %dma_start3A_32 = arith.constant 1 : i32
    %dma_start3A_33 = arith.constant 0 : i32
    %dma_start3A_34 = tpu.memref_slice %arg9[%dma_start3A_32, %dma_start3A_33] : memref<80x125xi32, #tpu.memory_space<vmem>> -> memref<1x125xi32, #tpu.memory_space<vmem>>
    %dma_start3A_35 = tpu.memref_squeeze %dma_start3A_34 : memref<1x125xi32, #tpu.memory_space<vmem>> -> memref<125xi32, #tpu.memory_space<vmem>>
    %dma_start3A_36 = arith.constant 0 : i32
    %dma_start3A_37 = arith.constant 0 : i32
    %dma_start3A_38 = tpu.memref_slice %arg27[%dma_start3A_36, %dma_start3A_37] : memref<10000x32xf32, #tpu.memory_space<vmem_shared>> -> memref<10000x32xf32, #tpu.memory_space<vmem_shared>>
    tpu.enqueue_indirect_dma source(%dma_start3A_38 : memref<10000x32xf32, #tpu.memory_space<vmem_shared>>) target(%arg12 : memref<125x32xf32, #tpu.memory_space<vmem>>) offsets(%dma_start3A_35 : memref<125xi32, #tpu.memory_space<vmem>>) semaphore(%arg20 : memref<!tpu.dma_semaphore, #tpu.memory_space<semaphore_mem>>)
    %dma_start3A_39 = arith.constant 1 : i32
    %dma_start3A_40 = arith.constant 0 : i32
    %dma_start3A_41 = tpu.memref_slice %arg10[%dma_start3A_39, %dma_start3A_40] : memref<80x125xi32, #tpu.memory_space<vmem>> -> memref<1x125xi32, #tpu.memory_space<vmem>>
    %dma_start3A_42 = tpu.memref_squeeze %dma_start3A_41 : memref<1x125xi32, #tpu.memory_space<vmem>> -> memref<125xi32, #tpu.memory_space<vmem>>
    %dma_start3A_43 = arith.constant 0 : i32
    %dma_start3A_44 = arith.constant 0 : i32
    %dma_start3A_45 = tpu.memref_slice %arg3[%dma_start3A_43, %dma_start3A_44] : memref<10000x32xf32, #tpu.memory_space<hbm>> -> memref<10000x32xf32, #tpu.memory_space<hbm>>
    tpu.enqueue_indirect_dma source(%dma_start3A_45 : memref<10000x32xf32, #tpu.memory_space<hbm>>) target(%arg14 : memref<125x32xf32, #tpu.memory_space<vmem>>) offsets(%dma_start3A_42 : memref<125xi32, #tpu.memory_space<vmem>>) semaphore(%arg22 : memref<!tpu.dma_semaphore, #tpu.memory_space<semaphore_mem>>)
    %add3A_46 = arith.constant 125 : i32
    %add3A_47 = arith.addi %mul3A_2, %add3A_46 : i32
    %dma_start3A_48 = arith.constant 0 : i32
    %dma_start3A_49 = tpu.memref_slice %arg4[%add3A_47, %dma_start3A_48] : memref<320000x32xf32, #tpu.memory_space<hbm>> -> memref<125x32xf32, #tpu.memory_space<hbm>>
    %dma_start3A_50 = arith.constant 0 : i32
    %dma_start3A_51 = tpu.memref_slice %arg4[%add3A_47, %dma_start3A_50] : memref<320000x32xf32, #tpu.memory_space<hbm>> -> memref<125x32xf32, #tpu.memory_space<hbm>>
    tpu.enqueue_dma source(%dma_start3A_51 : memref<125x32xf32, #tpu.memory_space<hbm>>) target(%arg16 : memref<125x32xf32, #tpu.memory_space<vmem>>) target_semaphore(%arg24 : memref<!tpu.dma_semaphore, #tpu.memory_space<semaphore_mem>>)
    %dma_wait3A = arith.constant 0 : i32
    %dma_wait3A_52 = arith.constant 0 : i32
    %dma_wait3A_53 = tpu.memref_slice %arg9[%dma_wait3A, %dma_wait3A_52] : memref<80x125xi32, #tpu.memory_space<vmem>> -> memref<1x125xi32, #tpu.memory_space<vmem>>
    %dma_wait3A_54 = tpu.memref_squeeze %dma_wait3A_53 : memref<1x125xi32, #tpu.memory_space<vmem>> -> memref<125xi32, #tpu.memory_space<vmem>>
    %dma_wait3A_55 = arith.constant 0 : i32
    %dma_wait3A_56 = arith.constant 0 : i32
    %dma_wait3A_57 = tpu.memref_slice %arg27[%dma_wait3A_55, %dma_wait3A_56] : memref<10000x32xf32, #tpu.memory_space<vmem_shared>> -> memref<10000x32xf32, #tpu.memory_space<vmem_shared>>
    tpu.wait_indirect_dma semaphore(%arg19 : memref<!tpu.dma_semaphore, #tpu.memory_space<semaphore_mem>>) src(%dma_wait3A_57 : memref<10000x32xf32, #tpu.memory_space<vmem_shared>>) dst(%arg11 : memref<125x32xf32, #tpu.memory_space<vmem>>)
    %dma_wait3A_58 = arith.constant 0 : i32
    %dma_wait3A_59 = arith.constant 0 : i32
    %dma_wait3A_60 = tpu.memref_slice %arg10[%dma_wait3A_58, %dma_wait3A_59] : memref<80x125xi32, #tpu.memory_space<vmem>> -> memref<1x125xi32, #tpu.memory_space<vmem>>
    %dma_wait3A_61 = tpu.memref_squeeze %dma_wait3A_60 : memref<1x125xi32, #tpu.memory_space<vmem>> -> memref<125xi32, #tpu.memory_space<vmem>>
    %dma_wait3A_62 = arith.constant 0 : i32
    %dma_wait3A_63 = arith.constant 0 : i32
    %dma_wait3A_64 = tpu.memref_slice %arg3[%dma_wait3A_62, %dma_wait3A_63] : memref<10000x32xf32, #tpu.memory_space<hbm>> -> memref<10000x32xf32, #tpu.memory_space<hbm>>
    tpu.wait_indirect_dma semaphore(%arg21 : memref<!tpu.dma_semaphore, #tpu.memory_space<semaphore_mem>>) src(%dma_wait3A_64 : memref<10000x32xf32, #tpu.memory_space<hbm>>) dst(%arg13 : memref<125x32xf32, #tpu.memory_space<vmem>>)
    %add3A_65 = arith.constant 0 : i32
    %add3A_66 = arith.addi %mul3A_2, %add3A_65 : i32
    %dma_wait3A_67 = arith.constant 0 : i32
    %dma_wait3A_68 = tpu.memref_slice %arg4[%add3A_66, %dma_wait3A_67] : memref<320000x32xf32, #tpu.memory_space<hbm>> -> memref<125x32xf32, #tpu.memory_space<hbm>>
    %dma_wait3A_69 = arith.constant 0 : i32
    %dma_wait3A_70 = tpu.memref_slice %arg4[%add3A_66, %dma_wait3A_69] : memref<320000x32xf32, #tpu.memory_space<hbm>> -> memref<125x32xf32, #tpu.memory_space<hbm>>
    tpu.wait_dma2 semaphore(%arg23 : memref<!tpu.dma_semaphore, #tpu.memory_space<semaphore_mem>>) src(%dma_wait3A_70 : memref<125x32xf32, #tpu.memory_space<hbm>>) dst(%arg15 : memref<125x32xf32, #tpu.memory_space<vmem>>)
    %scan3A_71 = arith.constant 0 : i32
    %scan3A_72 = arith.constant 0 : i32
    %scan3A_73 = arith.constant 125 : i32
    %scan3A_74 = arith.addi %scan3A_72, %scan3A_73 : i32
    %scan3A_75 = arith.constant 1 : i32
    scf.for %scan3A_249 = %scan3A_72 to %scan3A_74 step %scan3A_75  : i32 {
      %get3A = arith.index_cast %scan3A_249 : i32 to index
      %get3A_250 = arith.constant 0 : index
      %get3A_251 = tpu.vector_load %arg15[%get3A, %get3A_250] {strides = array<i32>} : memref<125x32xf32, #tpu.memory_space<vmem>>, vector<1x16xf32>,
      %get3A_252 = vector.shape_cast %get3A_251 : vector<1x16xf32> to vector<16xf32>
      %get3A_253 = arith.index_cast %scan3A_249 : i32 to index
      %get3A_254 = arith.constant 0 : index
      %get3A_255 = tpu.vector_load %arg11[%get3A_253, %get3A_254] {strides = array<i32>} : memref<125x32xf32, #tpu.memory_space<vmem>>, vector<1x16xf32>,
      %get3A_256 = vector.shape_cast %get3A_255 : vector<1x16xf32> to vector<16xf32>
      %add3A_257 = arith.addf %get3A_252, %get3A_256 : vector<16xf32>
      %get3A_258 = arith.index_cast %scan3A_249 : i32 to index
      %get3A_259 = arith.constant 0 : index
      %get3A_260 = tpu.vector_load %arg13[%get3A_258, %get3A_259] {strides = array<i32>} : memref<125x32xf32, #tpu.memory_space<vmem>>, vector<1x16xf32>,
      %get3A_261 = vector.shape_cast %get3A_260 : vector<1x16xf32> to vector<16xf32>
      %add3A_262 = arith.addf %add3A_257, %get3A_261 : vector<16xf32>
      %max3A = arith.constant 0.000000e+00 : f32
      %max3A_263 = vector.broadcast %max3A : f32 to vector<16xf32>
      %max3A_264 = arith.maximumf %add3A_262, %max3A_263 : vector<16xf32>
      %swap3A = arith.index_cast %scan3A_249 : i32 to index
      %swap3A_265 = arith.constant 0 : index
      %swap3A_266 = tpu.vector_load %arg17[%swap3A, %swap3A_265] {strides = array<i32>} : memref<125x32xf32, #tpu.memory_space<vmem>>, vector<1x16xf32>,
      %swap3A_267 = vector.shape_cast %swap3A_266 : vector<1x16xf32> to vector<16xf32>
      %swap3A_268 = vector.shape_cast %max3A_264 : vector<16xf32> to vector<1x16xf32>
      tpu.vector_store %arg17[%swap3A, %swap3A_265], %swap3A_268 {strides = array<i32>} : memref<125x32xf32, #tpu.memory_space<vmem>>, vector<1x16xf32>,
      %get3A_269 = arith.index_cast %scan3A_249 : i32 to index
      %get3A_270 = arith.constant 16 : index
      %get3A_271 = tpu.vector_load %arg15[%get3A_269, %get3A_270] {strides = array<i32>} : memref<125x32xf32, #tpu.memory_space<vmem>>, vector<1x16xf32>,
      %get3A_272 = vector.shape_cast %get3A_271 : vector<1x16xf32> to vector<16xf32>
      %get3A_273 = arith.index_cast %scan3A_249 : i32 to index
      %get3A_274 = arith.constant 16 : index
      %get3A_275 = tpu.vector_load %arg11[%get3A_273, %get3A_274] {strides = array<i32>} : memref<125x32xf32, #tpu.memory_space<vmem>>, vector<1x16xf32>,
      %get3A_276 = vector.shape_cast %get3A_275 : vector<1x16xf32> to vector<16xf32>
      %add3A_277 = arith.addf %get3A_272, %get3A_276 : vector<16xf32>
      %get3A_278 = arith.index_cast %scan3A_249 : i32 to index
      %get3A_279 = arith.constant 16 : index
      %get3A_280 = tpu.vector_load %arg13[%get3A_278, %get3A_279] {strides = array<i32>} : memref<125x32xf32, #tpu.memory_space<vmem>>, vector<1x16xf32>,
      %get3A_281 = vector.shape_cast %get3A_280 : vector<1x16xf32> to vector<16xf32>
      %add3A_282 = arith.addf %add3A_277, %get3A_281 : vector<16xf32>
      %max3A_283 = arith.constant 0.000000e+00 : f32
      %max3A_284 = vector.broadcast %max3A_283 : f32 to vector<16xf32>
      %max3A_285 = arith.maximumf %add3A_282, %max3A_284 : vector<16xf32>
      %swap3A_286 = arith.index_cast %scan3A_249 : i32 to index
      %swap3A_287 = arith.constant 16 : index
      %swap3A_288 = tpu.vector_load %arg17[%swap3A_286, %swap3A_287] {strides = array<i32>} : memref<125x32xf32, #tpu.memory_space<vmem>>, vector<1x16xf32>,
      %swap3A_289 = vector.shape_cast %swap3A_288 : vector<1x16xf32> to vector<16xf32>
      %swap3A_290 = vector.shape_cast %max3A_285 : vector<16xf32> to vector<1x16xf32>
      tpu.vector_store %arg17[%swap3A_286, %swap3A_287], %swap3A_290 {strides = array<i32>} : memref<125x32xf32, #tpu.memory_space<vmem>>, vector<1x16xf32>,
    }
    %scan3A_76 = arith.constant 125 : i32
    %add3A_77 = arith.constant 0 : i32
    %add3A_78 = arith.addi %mul3A_2, %add3A_77 : i32
    %dma_start3A_79 = arith.constant 0 : i32
    %dma_start3A_80 = tpu.memref_slice %arg7[%add3A_78, %dma_start3A_79] : memref<320000x32xf32, #tpu.memory_space<hbm>> -> memref<125x32xf32, #tpu.memory_space<hbm>>
    %dma_start3A_81 = arith.constant 0 : i32
    %dma_start3A_82 = tpu.memref_slice %arg7[%add3A_78, %dma_start3A_81] : memref<320000x32xf32, #tpu.memory_space<hbm>> -> memref<125x32xf32, #tpu.memory_space<hbm>>
    tpu.enqueue_dma source(%arg17 : memref<125x32xf32, #tpu.memory_space<vmem>>) target(%dma_start3A_82 : memref<125x32xf32, #tpu.memory_space<hbm>>) target_semaphore(%arg25 : memref<!tpu.dma_semaphore, #tpu.memory_space<semaphore_mem>>)
    %run_scoped3A = arith.constant 0 : i32
    "tpu.region"() ({
      %run_scoped3A_249 = tpu.sem_alloc : memref<!tpu.dma_semaphore, #tpu.memory_space<semaphore_mem>>
      %dma_start3A_250 = arith.constant 0 : i32
      %dma_start3A_251 = tpu.memref_slice %arg10[%run_scoped3A, %dma_start3A_250] : memref<80x125xi32, #tpu.memory_space<vmem>> -> memref<1x125xi32, #tpu.memory_space<vmem>>
      %dma_start3A_252 = tpu.memref_squeeze %dma_start3A_251 : memref<1x125xi32, #tpu.memory_space<vmem>> -> memref<125xi32, #tpu.memory_space<vmem>>
      %dma_start3A_253 = arith.constant 0 : i32
      %dma_start3A_254 = arith.constant 0 : i32
      %dma_start3A_255 = tpu.memref_slice %arg29[%dma_start3A_253, %dma_start3A_254] : memref<10240x32xf32, #tpu.memory_space<vmem_shared>> -> memref<10240x32xf32, #tpu.memory_space<vmem_shared>>
      tpu.enqueue_indirect_dma source(%arg17 : memref<125x32xf32, #tpu.memory_space<vmem>>) target(%dma_start3A_255 : memref<10240x32xf32, #tpu.memory_space<vmem_shared>>) offsets(%dma_start3A_252 : memref<125xi32, #tpu.memory_space<vmem>>) semaphore(%run_scoped3A_249 : memref<!tpu.dma_semaphore, #tpu.memory_space<semaphore_mem>>) {add = true}
      %dma_wait3A_256 = arith.constant 0 : i32
      %dma_wait3A_257 = tpu.memref_slice %arg10[%run_scoped3A, %dma_wait3A_256] : memref<80x125xi32, #tpu.memory_space<vmem>> -> memref<1x125xi32, #tpu.memory_space<vmem>>
      %dma_wait3A_258 = tpu.memref_squeeze %dma_wait3A_257 : memref<1x125xi32, #tpu.memory_space<vmem>> -> memref<125xi32, #tpu.memory_space<vmem>>
      %dma_wait3A_259 = arith.constant 0 : i32
      %dma_wait3A_260 = arith.constant 0 : i32
      %dma_wait3A_261 = tpu.memref_slice %arg29[%dma_wait3A_259, %dma_wait3A_260] : memref<10240x32xf32, #tpu.memory_space<vmem_shared>> -> memref<10240x32xf32, #tpu.memory_space<vmem_shared>>
      tpu.wait_indirect_dma semaphore(%run_scoped3A_249 : memref<!tpu.dma_semaphore, #tpu.memory_space<semaphore_mem>>) src(%arg17 : memref<125x32xf32, #tpu.memory_space<vmem>>) dst(%dma_wait3A_261 : memref<10240x32xf32, #tpu.memory_space<vmem_shared>>)
      tpu.yield
    }) : () -> ()
    %dma_start3A_83 = arith.constant 2 : i32
    %dma_start3A_84 = arith.constant 0 : i32
    %dma_start3A_85 = tpu.memref_slice %arg9[%dma_start3A_83, %dma_start3A_84] : memref<80x125xi32, #tpu.memory_space<vmem>> -> memref<1x125xi32, #tpu.memory_space<vmem>>
    %dma_start3A_86 = tpu.memref_squeeze %dma_start3A_85 : memref<1x125xi32, #tpu.memory_space<vmem>> -> memref<125xi32, #tpu.memory_space<vmem>>
    %dma_start3A_87 = arith.constant 0 : i32
    %dma_start3A_88 = arith.constant 0 : i32
    %dma_start3A_89 = tpu.memref_slice %arg27[%dma_start3A_87, %dma_start3A_88] : memref<10000x32xf32, #tpu.memory_space<vmem_shared>> -> memref<10000x32xf32, #tpu.memory_space<vmem_shared>>
    tpu.enqueue_indirect_dma source(%dma_start3A_89 : memref<10000x32xf32, #tpu.memory_space<vmem_shared>>) target(%arg11 : memref<125x32xf32, #tpu.memory_space<vmem>>) offsets(%dma_start3A_86 : memref<125xi32, #tpu.memory_space<vmem>>) semaphore(%arg19 : memref<!tpu.dma_semaphore, #tpu.memory_space<semaphore_mem>>)
    %dma_start3A_90 = arith.constant 2 : i32
    %dma_start3A_91 = arith.constant 0 : i32
    %dma_start3A_92 = tpu.memref_slice %arg10[%dma_start3A_90, %dma_start3A_91] : memref<80x125xi32, #tpu.memory_space<vmem>> -> memref<1x125xi32, #tpu.memory_space<vmem>>
    %dma_start3A_93 = tpu.memref_squeeze %dma_start3A_92 : memref<1x125xi32, #tpu.memory_space<vmem>> -> memref<125xi32, #tpu.memory_space<vmem>>
    %dma_start3A_94 = arith.constant 0 : i32
    %dma_start3A_95 = arith.constant 0 : i32
    %dma_start3A_96 = tpu.memref_slice %arg3[%dma_start3A_94, %dma_start3A_95] : memref<10000x32xf32, #tpu.memory_space<hbm>> -> memref<10000x32xf32, #tpu.memory_space<hbm>>
    tpu.enqueue_indirect_dma source(%dma_start3A_96 : memref<10000x32xf32, #tpu.memory_space<hbm>>) target(%arg13 : memref<125x32xf32, #tpu.memory_space<vmem>>) offsets(%dma_start3A_93 : memref<125xi32, #tpu.memory_space<vmem>>) semaphore(%arg21 : memref<!tpu.dma_semaphore, #tpu.memory_space<semaphore_mem>>)
    %add3A_97 = arith.constant 250 : i32
    %add3A_98 = arith.addi %mul3A_2, %add3A_97 : i32
    %dma_start3A_99 = arith.constant 0 : i32
    %dma_start3A_100 = tpu.memref_slice %arg4[%add3A_98, %dma_start3A_99] : memref<320000x32xf32, #tpu.memory_space<hbm>> -> memref<125x32xf32, #tpu.memory_space<hbm>>
    %dma_start3A_101 = arith.constant 0 : i32
    %dma_start3A_102 = tpu.memref_slice %arg4[%add3A_98, %dma_start3A_101] : memref<320000x32xf32, #tpu.memory_space<hbm>> -> memref<125x32xf32, #tpu.memory_space<hbm>>
    tpu.enqueue_dma source(%dma_start3A_102 : memref<125x32xf32, #tpu.memory_space<hbm>>) target(%arg15 : memref<125x32xf32, #tpu.memory_space<vmem>>) target_semaphore(%arg23 : memref<!tpu.dma_semaphore, #tpu.memory_space<semaphore_mem>>)
    %dma_wait3A_103 = arith.constant 1 : i32
    %dma_wait3A_104 = arith.constant 0 : i32
    %dma_wait3A_105 = tpu.memref_slice %arg9[%dma_wait3A_103, %dma_wait3A_104] : memref<80x125xi32, #tpu.memory_space<vmem>> -> memref<1x125xi32, #tpu.memory_space<vmem>>
    %dma_wait3A_106 = tpu.memref_squeeze %dma_wait3A_105 : memref<1x125xi32, #tpu.memory_space<vmem>> -> memref<125xi32, #tpu.memory_space<vmem>>
    %dma_wait3A_107 = arith.constant 0 : i32
    %dma_wait3A_108 = arith.constant 0 : i32
    %dma_wait3A_109 = tpu.memref_slice %arg27[%dma_wait3A_107, %dma_wait3A_108] : memref<10000x32xf32, #tpu.memory_space<vmem_shared>> -> memref<10000x32xf32, #tpu.memory_space<vmem_shared>>
    tpu.wait_indirect_dma semaphore(%arg20 : memref<!tpu.dma_semaphore, #tpu.memory_space<semaphore_mem>>) src(%dma_wait3A_109 : memref<10000x32xf32, #tpu.memory_space<vmem_shared>>) dst(%arg12 : memref<125x32xf32, #tpu.memory_space<vmem>>)
    %dma_wait3A_110 = arith.constant 1 : i32
    %dma_wait3A_111 = arith.constant 0 : i32
    %dma_wait3A_112 = tpu.memref_slice %arg10[%dma_wait3A_110, %dma_wait3A_111] : memref<80x125xi32, #tpu.memory_space<vmem>> -> memref<1x125xi32, #tpu.memory_space<vmem>>
    %dma_wait3A_113 = tpu.memref_squeeze %dma_wait3A_112 : memref<1x125xi32, #tpu.memory_space<vmem>> -> memref<125xi32, #tpu.memory_space<vmem>>
    %dma_wait3A_114 = arith.constant 0 : i32
    %dma_wait3A_115 = arith.constant 0 : i32
    %dma_wait3A_116 = tpu.memref_slice %arg3[%dma_wait3A_114, %dma_wait3A_115] : memref<10000x32xf32, #tpu.memory_space<hbm>> -> memref<10000x32xf32, #tpu.memory_space<hbm>>
    tpu.wait_indirect_dma semaphore(%arg22 : memref<!tpu.dma_semaphore, #tpu.memory_space<semaphore_mem>>) src(%dma_wait3A_116 : memref<10000x32xf32, #tpu.memory_space<hbm>>) dst(%arg14 : memref<125x32xf32, #tpu.memory_space<vmem>>)
    %add3A_117 = arith.constant 125 : i32
    %add3A_118 = arith.addi %mul3A_2, %add3A_117 : i32
    %dma_wait3A_119 = arith.constant 0 : i32
    %dma_wait3A_120 = tpu.memref_slice %arg4[%add3A_118, %dma_wait3A_119] : memref<320000x32xf32, #tpu.memory_space<hbm>> -> memref<125x32xf32, #tpu.memory_space<hbm>>
    %dma_wait3A_121 = arith.constant 0 : i32
    %dma_wait3A_122 = tpu.memref_slice %arg4[%add3A_118, %dma_wait3A_121] : memref<320000x32xf32, #tpu.memory_space<hbm>> -> memref<125x32xf32, #tpu.memory_space<hbm>>
    tpu.wait_dma2 semaphore(%arg24 : memref<!tpu.dma_semaphore, #tpu.memory_space<semaphore_mem>>) src(%dma_wait3A_122 : memref<125x32xf32, #tpu.memory_space<hbm>>) dst(%arg16 : memref<125x32xf32, #tpu.memory_space<vmem>>)
    %scan3A_123 = arith.constant 0 : i32
    %scan3A_124 = arith.constant 0 : i32
    %scan3A_125 = arith.constant 125 : i32
    %scan3A_126 = arith.addi %scan3A_124, %scan3A_125 : i32
    %scan3A_127 = arith.constant 1 : i32
    scf.for %scan3A_249 = %scan3A_124 to %scan3A_126 step %scan3A_127  : i32 {
      %get3A = arith.index_cast %scan3A_249 : i32 to index
      %get3A_250 = arith.constant 0 : index
      %get3A_251 = tpu.vector_load %arg16[%get3A, %get3A_250] {strides = array<i32>} : memref<125x32xf32, #tpu.memory_space<vmem>>, vector<1x16xf32>,
      %get3A_252 = vector.shape_cast %get3A_251 : vector<1x16xf32> to vector<16xf32>
      %get3A_253 = arith.index_cast %scan3A_249 : i32 to index
      %get3A_254 = arith.constant 0 : index
      %get3A_255 = tpu.vector_load %arg12[%get3A_253, %get3A_254] {strides = array<i32>} : memref<125x32xf32, #tpu.memory_space<vmem>>, vector<1x16xf32>,
      %get3A_256 = vector.shape_cast %get3A_255 : vector<1x16xf32> to vector<16xf32>
      %add3A_257 = arith.addf %get3A_252, %get3A_256 : vector<16xf32>
      %get3A_258 = arith.index_cast %scan3A_249 : i32 to index
      %get3A_259 = arith.constant 0 : index
      %get3A_260 = tpu.vector_load %arg14[%get3A_258, %get3A_259] {strides = array<i32>} : memref<125x32xf32, #tpu.memory_space<vmem>>, vector<1x16xf32>,
      %get3A_261 = vector.shape_cast %get3A_260 : vector<1x16xf32> to vector<16xf32>
      %add3A_262 = arith.addf %add3A_257, %get3A_261 : vector<16xf32>
      %max3A = arith.constant 0.000000e+00 : f32
      %max3A_263 = vector.broadcast %max3A : f32 to vector<16xf32>
      %max3A_264 = arith.maximumf %add3A_262, %max3A_263 : vector<16xf32>
      %swap3A = arith.index_cast %scan3A_249 : i32 to index
      %swap3A_265 = arith.constant 0 : index
      %swap3A_266 = tpu.vector_load %arg18[%swap3A, %swap3A_265] {strides = array<i32>} : memref<125x32xf32, #tpu.memory_space<vmem>>, vector<1x16xf32>,
      %swap3A_267 = vector.shape_cast %swap3A_266 : vector<1x16xf32> to vector<16xf32>
      %swap3A_268 = vector.shape_cast %max3A_264 : vector<16xf32> to vector<1x16xf32>
      tpu.vector_store %arg18[%swap3A, %swap3A_265], %swap3A_268 {strides = array<i32>} : memref<125x32xf32, #tpu.memory_space<vmem>>, vector<1x16xf32>,
      %get3A_269 = arith.index_cast %scan3A_249 : i32 to index
      %get3A_270 = arith.constant 16 : index
      %get3A_271 = tpu.vector_load %arg16[%get3A_269, %get3A_270] {strides = array<i32>} : memref<125x32xf32, #tpu.memory_space<vmem>>, vector<1x16xf32>,
      %get3A_272 = vector.shape_cast %get3A_271 : vector<1x16xf32> to vector<16xf32>
      %get3A_273 = arith.index_cast %scan3A_249 : i32 to index
      %get3A_274 = arith.constant 16 : index
      %get3A_275 = tpu.vector_load %arg12[%get3A_273, %get3A_274] {strides = array<i32>} : memref<125x32xf32, #tpu.memory_space<vmem>>, vector<1x16xf32>,
      %get3A_276 = vector.shape_cast %get3A_275 : vector<1x16xf32> to vector<16xf32>
      %add3A_277 = arith.addf %get3A_272, %get3A_276 : vector<16xf32>
      %get3A_278 = arith.index_cast %scan3A_249 : i32 to index
      %get3A_279 = arith.constant 16 : index
      %get3A_280 = tpu.vector_load %arg14[%get3A_278, %get3A_279] {strides = array<i32>} : memref<125x32xf32, #tpu.memory_space<vmem>>, vector<1x16xf32>,
      %get3A_281 = vector.shape_cast %get3A_280 : vector<1x16xf32> to vector<16xf32>
      %add3A_282 = arith.addf %add3A_277, %get3A_281 : vector<16xf32>
      %max3A_283 = arith.constant 0.000000e+00 : f32
      %max3A_284 = vector.broadcast %max3A_283 : f32 to vector<16xf32>
      %max3A_285 = arith.maximumf %add3A_282, %max3A_284 : vector<16xf32>
      %swap3A_286 = arith.index_cast %scan3A_249 : i32 to index
      %swap3A_287 = arith.constant 16 : index
      %swap3A_288 = tpu.vector_load %arg18[%swap3A_286, %swap3A_287] {strides = array<i32>} : memref<125x32xf32, #tpu.memory_space<vmem>>, vector<1x16xf32>,
      %swap3A_289 = vector.shape_cast %swap3A_288 : vector<1x16xf32> to vector<16xf32>
      %swap3A_290 = vector.shape_cast %max3A_285 : vector<16xf32> to vector<1x16xf32>
      tpu.vector_store %arg18[%swap3A_286, %swap3A_287], %swap3A_290 {strides = array<i32>} : memref<125x32xf32, #tpu.memory_space<vmem>>, vector<1x16xf32>,
    }
    %scan3A_128 = arith.constant 125 : i32
    %add3A_129 = arith.constant 125 : i32
    %add3A_130 = arith.addi %mul3A_2, %add3A_129 : i32
    %dma_start3A_131 = arith.constant 0 : i32
    %dma_start3A_132 = tpu.memref_slice %arg7[%add3A_130, %dma_start3A_131] : memref<320000x32xf32, #tpu.memory_space<hbm>> -> memref<125x32xf32, #tpu.memory_space<hbm>>
    %dma_start3A_133 = arith.constant 0 : i32
    %dma_start3A_134 = tpu.memref_slice %arg7[%add3A_130, %dma_start3A_133] : memref<320000x32xf32, #tpu.memory_space<hbm>> -> memref<125x32xf32, #tpu.memory_space<hbm>>
    tpu.enqueue_dma source(%arg18 : memref<125x32xf32, #tpu.memory_space<vmem>>) target(%dma_start3A_134 : memref<125x32xf32, #tpu.memory_space<hbm>>) target_semaphore(%arg26 : memref<!tpu.dma_semaphore, #tpu.memory_space<semaphore_mem>>)
    %run_scoped3A_135 = arith.constant 1 : i32
    "tpu.region"() ({
      %run_scoped3A_249 = tpu.sem_alloc : memref<!tpu.dma_semaphore, #tpu.memory_space<semaphore_mem>>
      %dma_start3A_250 = arith.constant 0 : i32
      %dma_start3A_251 = tpu.memref_slice %arg10[%run_scoped3A_135, %dma_start3A_250] : memref<80x125xi32, #tpu.memory_space<vmem>> -> memref<1x125xi32, #tpu.memory_space<vmem>>
      %dma_start3A_252 = tpu.memref_squeeze %dma_start3A_251 : memref<1x125xi32, #tpu.memory_space<vmem>> -> memref<125xi32, #tpu.memory_space<vmem>>
      %dma_start3A_253 = arith.constant 0 : i32
      %dma_start3A_254 = arith.constant 0 : i32
      %dma_start3A_255 = tpu.memref_slice %arg29[%dma_start3A_253, %dma_start3A_254] : memref<10240x32xf32, #tpu.memory_space<vmem_shared>> -> memref<10240x32xf32, #tpu.memory_space<vmem_shared>>
      tpu.enqueue_indirect_dma source(%arg18 : memref<125x32xf32, #tpu.memory_space<vmem>>) target(%dma_start3A_255 : memref<10240x32xf32, #tpu.memory_space<vmem_shared>>) offsets(%dma_start3A_252 : memref<125xi32, #tpu.memory_space<vmem>>) semaphore(%run_scoped3A_249 : memref<!tpu.dma_semaphore, #tpu.memory_space<semaphore_mem>>) {add = true}
      %dma_wait3A_256 = arith.constant 0 : i32
      %dma_wait3A_257 = tpu.memref_slice %arg10[%run_scoped3A_135, %dma_wait3A_256] : memref<80x125xi32, #tpu.memory_space<vmem>> -> memref<1x125xi32, #tpu.memory_space<vmem>>
      %dma_wait3A_258 = tpu.memref_squeeze %dma_wait3A_257 : memref<1x125xi32, #tpu.memory_space<vmem>> -> memref<125xi32, #tpu.memory_space<vmem>>
      %dma_wait3A_259 = arith.constant 0 : i32
      %dma_wait3A_260 = arith.constant 0 : i32
      %dma_wait3A_261 = tpu.memref_slice %arg29[%dma_wait3A_259, %dma_wait3A_260] : memref<10240x32xf32, #tpu.memory_space<vmem_shared>> -> memref<10240x32xf32, #tpu.memory_space<vmem_shared>>
      tpu.wait_indirect_dma semaphore(%run_scoped3A_249 : memref<!tpu.dma_semaphore, #tpu.memory_space<semaphore_mem>>) src(%arg18 : memref<125x32xf32, #tpu.memory_space<vmem>>) dst(%dma_wait3A_261 : memref<10240x32xf32, #tpu.memory_space<vmem_shared>>)
      tpu.yield
    }) : () -> ()
    %dma_start3A_136 = arith.constant 3 : i32
    %dma_start3A_137 = arith.constant 0 : i32
    %dma_start3A_138 = tpu.memref_slice %arg9[%dma_start3A_136, %dma_start3A_137] : memref<80x125xi32, #tpu.memory_space<vmem>> -> memref<1x125xi32, #tpu.memory_space<vmem>>
    %dma_start3A_139 = tpu.memref_squeeze %dma_start3A_138 : memref<1x125xi32, #tpu.memory_space<vmem>> -> memref<125xi32, #tpu.memory_space<vmem>>
    %dma_start3A_140 = arith.constant 0 : i32
    %dma_start3A_141 = arith.constant 0 : i32
    %dma_start3A_142 = tpu.memref_slice %arg27[%dma_start3A_140, %dma_start3A_141] : memref<10000x32xf32, #tpu.memory_space<vmem_shared>> -> memref<10000x32xf32, #tpu.memory_space<vmem_shared>>
    tpu.enqueue_indirect_dma source(%dma_start3A_142 : memref<10000x32xf32, #tpu.memory_space<vmem_shared>>) target(%arg12 : memref<125x32xf32, #tpu.memory_space<vmem>>) offsets(%dma_start3A_139 : memref<125xi32, #tpu.memory_space<vmem>>) semaphore(%arg20 : memref<!tpu.dma_semaphore, #tpu.memory_space<semaphore_mem>>)
    %dma_start3A_143 = arith.constant 3 : i32
    %dma_start3A_144 = arith.constant 0 : i32
    %dma_start3A_145 = tpu.memref_slice %arg10[%dma_start3A_143, %dma_start3A_144] : memref<80x125xi32, #tpu.memory_space<vmem>> -> memref<1x125xi32, #tpu.memory_space<vmem>>
    %dma_start3A_146 = tpu.memref_squeeze %dma_start3A_145 : memref<1x125xi32, #tpu.memory_space<vmem>> -> memref<125xi32, #tpu.memory_space<vmem>>
    %dma_start3A_147 = arith.constant 0 : i32
    %dma_start3A_148 = arith.constant 0 : i32
    %dma_start3A_149 = tpu.memref_slice %arg3[%dma_start3A_147, %dma_start3A_148] : memref<10000x32xf32, #tpu.memory_space<hbm>> -> memref<10000x32xf32, #tpu.memory_space<hbm>>
    tpu.enqueue_indirect_dma source(%dma_start3A_149 : memref<10000x32xf32, #tpu.memory_space<hbm>>) target(%arg14 : memref<125x32xf32, #tpu.memory_space<vmem>>) offsets(%dma_start3A_146 : memref<125xi32, #tpu.memory_space<vmem>>) semaphore(%arg22 : memref<!tpu.dma_semaphore, #tpu.memory_space<semaphore_mem>>)
    %add3A_150 = arith.constant 375 : i32
    %add3A_151 = arith.addi %mul3A_2, %add3A_150 : i32
    %dma_start3A_152 = arith.constant 0 : i32
    %dma_start3A_153 = tpu.memref_slice %arg4[%add3A_151, %dma_start3A_152] : memref<320000x32xf32, #tpu.memory_space<hbm>> -> memref<125x32xf32, #tpu.memory_space<hbm>>
    %dma_start3A_154 = arith.constant 0 : i32
    %dma_start3A_155 = tpu.memref_slice %arg4[%add3A_151, %dma_start3A_154] : memref<320000x32xf32, #tpu.memory_space<hbm>> -> memref<125x32xf32, #tpu.memory_space<hbm>>
    tpu.enqueue_dma source(%dma_start3A_155 : memref<125x32xf32, #tpu.memory_space<hbm>>) target(%arg16 : memref<125x32xf32, #tpu.memory_space<vmem>>) target_semaphore(%arg24 : memref<!tpu.dma_semaphore, #tpu.memory_space<semaphore_mem>>)
    %scan3A_156 = arith.constant 0 : i32
    %scan3A_157 = arith.constant 1 : i32
    %scan3A_158 = arith.constant 38 : i32
    %scan3A_159 = arith.addi %scan3A_157, %scan3A_158 : i32
    %scan3A_160 = arith.constant 1 : i32
    scf.for %scan3A_249 = %scan3A_157 to %scan3A_159 step %scan3A_160  : i32 {
      %mul3A_250 = arith.constant 2 : i32
      %mul3A_251 = arith.muli %mul3A_250, %scan3A_249 : i32
      %dma_wait3A_252 = arith.constant 0 : i32
      %dma_wait3A_253 = tpu.memref_slice %arg9[%mul3A_251, %dma_wait3A_252] : memref<80x125xi32, #tpu.memory_space<vmem>> -> memref<1x125xi32, #tpu.memory_space<vmem>>
      %dma_wait3A_254 = tpu.memref_squeeze %dma_wait3A_253 : memref<1x125xi32, #tpu.memory_space<vmem>> -> memref<125xi32, #tpu.memory_space<vmem>>
      %dma_wait3A_255 = arith.constant 0 : i32
      %dma_wait3A_256 = arith.constant 0 : i32
      %dma_wait3A_257 = tpu.memref_slice %arg27[%dma_wait3A_255, %dma_wait3A_256] : memref<10000x32xf32, #tpu.memory_space<vmem_shared>> -> memref<10000x32xf32, #tpu.memory_space<vmem_shared>>
      tpu.wait_indirect_dma semaphore(%arg19 : memref<!tpu.dma_semaphore, #tpu.memory_space<semaphore_mem>>) src(%dma_wait3A_257 : memref<10000x32xf32, #tpu.memory_space<vmem_shared>>) dst(%arg11 : memref<125x32xf32, #tpu.memory_space<vmem>>)
      %dma_wait3A_258 = arith.constant 0 : i32
      %dma_wait3A_259 = tpu.memref_slice %arg10[%mul3A_251, %dma_wait3A_258] : memref<80x125xi32, #tpu.memory_space<vmem>> -> memref<1x125xi32, #tpu.memory_space<vmem>>
      %dma_wait3A_260 = tpu.memref_squeeze %dma_wait3A_259 : memref<1x125xi32, #tpu.memory_space<vmem>> -> memref<125xi32, #tpu.memory_space<vmem>>
      %dma_wait3A_261 = arith.constant 0 : i32
      %dma_wait3A_262 = arith.constant 0 : i32
      %dma_wait3A_263 = tpu.memref_slice %arg3[%dma_wait3A_261, %dma_wait3A_262] : memref<10000x32xf32, #tpu.memory_space<hbm>> -> memref<10000x32xf32, #tpu.memory_space<hbm>>
      tpu.wait_indirect_dma semaphore(%arg21 : memref<!tpu.dma_semaphore, #tpu.memory_space<semaphore_mem>>) src(%dma_wait3A_263 : memref<10000x32xf32, #tpu.memory_space<hbm>>) dst(%arg13 : memref<125x32xf32, #tpu.memory_space<vmem>>)
      %mul3A_264 = arith.constant 125 : i32
      %mul3A_265 = arith.muli %mul3A_251, %mul3A_264 : i32
      %add3A_266 = arith.addi %mul3A_2, %mul3A_265 : i32
      %dma_wait3A_267 = arith.constant 0 : i32
      %dma_wait3A_268 = tpu.memref_slice %arg4[%add3A_266, %dma_wait3A_267] : memref<320000x32xf32, #tpu.memory_space<hbm>> -> memref<125x32xf32, #tpu.memory_space<hbm>>
      %dma_wait3A_269 = arith.constant 0 : i32
      %dma_wait3A_270 = tpu.memref_slice %arg4[%add3A_266, %dma_wait3A_269] : memref<320000x32xf32, #tpu.memory_space<hbm>> -> memref<125x32xf32, #tpu.memory_space<hbm>>
      tpu.wait_dma2 semaphore(%arg23 : memref<!tpu.dma_semaphore, #tpu.memory_space<semaphore_mem>>) src(%dma_wait3A_270 : memref<125x32xf32, #tpu.memory_space<hbm>>) dst(%arg15 : memref<125x32xf32, #tpu.memory_space<vmem>>)
      %dma_wait3A_271 = arith.constant 0 : i32
      %dma_wait3A_272 = tpu.memref_slice %arg7[%mul3A_2, %dma_wait3A_271] : memref<320000x32xf32, #tpu.memory_space<hbm>> -> memref<125x32xf32, #tpu.memory_space<hbm>>
      %dma_wait3A_273 = arith.constant 0 : i32
      %dma_wait3A_274 = tpu.memref_slice %arg7[%mul3A_2, %dma_wait3A_273] : memref<320000x32xf32, #tpu.memory_space<hbm>> -> memref<125x32xf32, #tpu.memory_space<hbm>>
      tpu.wait_dma2 semaphore(%arg25 : memref<!tpu.dma_semaphore, #tpu.memory_space<semaphore_mem>>) src(%arg17 : memref<125x32xf32, #tpu.memory_space<vmem>>) dst(%dma_wait3A_274 : memref<125x32xf32, #tpu.memory_space<hbm>>)
      %scan3A_275 = arith.constant 0 : i32
      %scan3A_276 = arith.constant 0 : i32
      %scan3A_277 = arith.constant 125 : i32
      %scan3A_278 = arith.addi %scan3A_276, %scan3A_277 : i32
      %scan3A_279 = arith.constant 1 : i32
      scf.for %scan3A_374 = %scan3A_276 to %scan3A_278 step %scan3A_279  : i32 {
        %get3A = arith.index_cast %scan3A_374 : i32 to index
        %get3A_375 = arith.constant 0 : index
        %get3A_376 = tpu.vector_load %arg15[%get3A, %get3A_375] {strides = array<i32>} : memref<125x32xf32, #tpu.memory_space<vmem>>, vector<1x16xf32>,
        %get3A_377 = vector.shape_cast %get3A_376 : vector<1x16xf32> to vector<16xf32>
        %get3A_378 = arith.index_cast %scan3A_374 : i32 to index
        %get3A_379 = arith.constant 0 : index
        %get3A_380 = tpu.vector_load %arg11[%get3A_378, %get3A_379] {strides = array<i32>} : memref<125x32xf32, #tpu.memory_space<vmem>>, vector<1x16xf32>,
        %get3A_381 = vector.shape_cast %get3A_380 : vector<1x16xf32> to vector<16xf32>
        %add3A_382 = arith.addf %get3A_377, %get3A_381 : vector<16xf32>
        %get3A_383 = arith.index_cast %scan3A_374 : i32 to index
        %get3A_384 = arith.constant 0 : index
        %get3A_385 = tpu.vector_load %arg13[%get3A_383, %get3A_384] {strides = array<i32>} : memref<125x32xf32, #tpu.memory_space<vmem>>, vector<1x16xf32>,
        %get3A_386 = vector.shape_cast %get3A_385 : vector<1x16xf32> to vector<16xf32>
        %add3A_387 = arith.addf %add3A_382, %get3A_386 : vector<16xf32>
        %max3A = arith.constant 0.000000e+00 : f32
        %max3A_388 = vector.broadcast %max3A : f32 to vector<16xf32>
        %max3A_389 = arith.maximumf %add3A_387, %max3A_388 : vector<16xf32>
        %swap3A = arith.index_cast %scan3A_374 : i32 to index
        %swap3A_390 = arith.constant 0 : index
        %swap3A_391 = tpu.vector_load %arg17[%swap3A, %swap3A_390] {strides = array<i32>} : memref<125x32xf32, #tpu.memory_space<vmem>>, vector<1x16xf32>,
        %swap3A_392 = vector.shape_cast %swap3A_391 : vector<1x16xf32> to vector<16xf32>
        %swap3A_393 = vector.shape_cast %max3A_389 : vector<16xf32> to vector<1x16xf32>
        tpu.vector_store %arg17[%swap3A, %swap3A_390], %swap3A_393 {strides = array<i32>} : memref<125x32xf32, #tpu.memory_space<vmem>>, vector<1x16xf32>,
        %get3A_394 = arith.index_cast %scan3A_374 : i32 to index
        %get3A_395 = arith.constant 16 : index
        %get3A_396 = tpu.vector_load %arg15[%get3A_394, %get3A_395] {strides = array<i32>} : memref<125x32xf32, #tpu.memory_space<vmem>>, vector<1x16xf32>,
        %get3A_397 = vector.shape_cast %get3A_396 : vector<1x16xf32> to vector<16xf32>
        %get3A_398 = arith.index_cast %scan3A_374 : i32 to index
        %get3A_399 = arith.constant 16 : index
        %get3A_400 = tpu.vector_load %arg11[%get3A_398, %get3A_399] {strides = array<i32>} : memref<125x32xf32, #tpu.memory_space<vmem>>, vector<1x16xf32>,
        %get3A_401 = vector.shape_cast %get3A_400 : vector<1x16xf32> to vector<16xf32>
        %add3A_402 = arith.addf %get3A_397, %get3A_401 : vector<16xf32>
        %get3A_403 = arith.index_cast %scan3A_374 : i32 to index
        %get3A_404 = arith.constant 16 : index
        %get3A_405 = tpu.vector_load %arg13[%get3A_403, %get3A_404] {strides = array<i32>} : memref<125x32xf32, #tpu.memory_space<vmem>>, vector<1x16xf32>,
        %get3A_406 = vector.shape_cast %get3A_405 : vector<1x16xf32> to vector<16xf32>
        %add3A_407 = arith.addf %add3A_402, %get3A_406 : vector<16xf32>
        %max3A_408 = arith.constant 0.000000e+00 : f32
        %max3A_409 = vector.broadcast %max3A_408 : f32 to vector<16xf32>
        %max3A_410 = arith.maximumf %add3A_407, %max3A_409 : vector<16xf32>
        %swap3A_411 = arith.index_cast %scan3A_374 : i32 to index
        %swap3A_412 = arith.constant 16 : index
        %swap3A_413 = tpu.vector_load %arg17[%swap3A_411, %swap3A_412] {strides = array<i32>} : memref<125x32xf32, #tpu.memory_space<vmem>>, vector<1x16xf32>,
        %swap3A_414 = vector.shape_cast %swap3A_413 : vector<1x16xf32> to vector<16xf32>
        %swap3A_415 = vector.shape_cast %max3A_410 : vector<16xf32> to vector<1x16xf32>
        tpu.vector_store %arg17[%swap3A_411, %swap3A_412], %swap3A_415 {strides = array<i32>} : memref<125x32xf32, #tpu.memory_space<vmem>>, vector<1x16xf32>,
      }
      %scan3A_280 = arith.constant 125 : i32
      %mul3A_281 = arith.constant 125 : i32
      %mul3A_282 = arith.muli %mul3A_251, %mul3A_281 : i32
      %add3A_283 = arith.addi %mul3A_2, %mul3A_282 : i32
      %dma_start3A_284 = arith.constant 0 : i32
      %dma_start3A_285 = tpu.memref_slice %arg7[%add3A_283, %dma_start3A_284] : memref<320000x32xf32, #tpu.memory_space<hbm>> -> memref<125x32xf32, #tpu.memory_space<hbm>>
      %dma_start3A_286 = arith.constant 0 : i32
      %dma_start3A_287 = tpu.memref_slice %arg7[%add3A_283, %dma_start3A_286] : memref<320000x32xf32, #tpu.memory_space<hbm>> -> memref<125x32xf32, #tpu.memory_space<hbm>>
      tpu.enqueue_dma source(%arg17 : memref<125x32xf32, #tpu.memory_space<vmem>>) target(%dma_start3A_287 : memref<125x32xf32, #tpu.memory_space<hbm>>) target_semaphore(%arg25 : memref<!tpu.dma_semaphore, #tpu.memory_space<semaphore_mem>>)
      "tpu.region"() ({
        %run_scoped3A_374 = tpu.sem_alloc : memref<!tpu.dma_semaphore, #tpu.memory_space<semaphore_mem>>
        %dma_start3A_375 = arith.constant 0 : i32
        %dma_start3A_376 = tpu.memref_slice %arg10[%mul3A_251, %dma_start3A_375] : memref<80x125xi32, #tpu.memory_space<vmem>> -> memref<1x125xi32, #tpu.memory_space<vmem>>
        %dma_start3A_377 = tpu.memref_squeeze %dma_start3A_376 : memref<1x125xi32, #tpu.memory_space<vmem>> -> memref<125xi32, #tpu.memory_space<vmem>>
        %dma_start3A_378 = arith.constant 0 : i32
        %dma_start3A_379 = arith.constant 0 : i32
        %dma_start3A_380 = tpu.memref_slice %arg29[%dma_start3A_378, %dma_start3A_379] : memref<10240x32xf32, #tpu.memory_space<vmem_shared>> -> memref<10240x32xf32, #tpu.memory_space<vmem_shared>>
        tpu.enqueue_indirect_dma source(%arg17 : memref<125x32xf32, #tpu.memory_space<vmem>>) target(%dma_start3A_380 : memref<10240x32xf32, #tpu.memory_space<vmem_shared>>) offsets(%dma_start3A_377 : memref<125xi32, #tpu.memory_space<vmem>>) semaphore(%run_scoped3A_374 : memref<!tpu.dma_semaphore, #tpu.memory_space<semaphore_mem>>) {add = true}
        %dma_wait3A_381 = arith.constant 0 : i32
        %dma_wait3A_382 = tpu.memref_slice %arg10[%mul3A_251, %dma_wait3A_381] : memref<80x125xi32, #tpu.memory_space<vmem>> -> memref<1x125xi32, #tpu.memory_space<vmem>>
        %dma_wait3A_383 = tpu.memref_squeeze %dma_wait3A_382 : memref<1x125xi32, #tpu.memory_space<vmem>> -> memref<125xi32, #tpu.memory_space<vmem>>
        %dma_wait3A_384 = arith.constant 0 : i32
        %dma_wait3A_385 = arith.constant 0 : i32
        %dma_wait3A_386 = tpu.memref_slice %arg29[%dma_wait3A_384, %dma_wait3A_385] : memref<10240x32xf32, #tpu.memory_space<vmem_shared>> -> memref<10240x32xf32, #tpu.memory_space<vmem_shared>>
        tpu.wait_indirect_dma semaphore(%run_scoped3A_374 : memref<!tpu.dma_semaphore, #tpu.memory_space<semaphore_mem>>) src(%arg17 : memref<125x32xf32, #tpu.memory_space<vmem>>) dst(%dma_wait3A_386 : memref<10240x32xf32, #tpu.memory_space<vmem_shared>>)
        tpu.yield
      }) : () -> ()
      %mul3A_288 = arith.constant 2 : i32
      %mul3A_289 = arith.muli %mul3A_288, %scan3A_249 : i32
      %add3A_290 = arith.constant 2 : i32
      %add3A_291 = arith.addi %mul3A_289, %add3A_290 : i32
      %dma_start3A_292 = arith.constant 0 : i32
      %dma_start3A_293 = tpu.memref_slice %arg9[%add3A_291, %dma_start3A_292] : memref<80x125xi32, #tpu.memory_space<vmem>> -> memref<1x125xi32, #tpu.memory_space<vmem>>
      %dma_start3A_294 = tpu.memref_squeeze %dma_start3A_293 : memref<1x125xi32, #tpu.memory_space<vmem>> -> memref<125xi32, #tpu.memory_space<vmem>>
      %dma_start3A_295 = arith.constant 0 : i32
      %dma_start3A_296 = arith.constant 0 : i32
      %dma_start3A_297 = tpu.memref_slice %arg27[%dma_start3A_295, %dma_start3A_296] : memref<10000x32xf32, #tpu.memory_space<vmem_shared>> -> memref<10000x32xf32, #tpu.memory_space<vmem_shared>>
      tpu.enqueue_indirect_dma source(%dma_start3A_297 : memref<10000x32xf32, #tpu.memory_space<vmem_shared>>) target(%arg11 : memref<125x32xf32, #tpu.memory_space<vmem>>) offsets(%dma_start3A_294 : memref<125xi32, #tpu.memory_space<vmem>>) semaphore(%arg19 : memref<!tpu.dma_semaphore, #tpu.memory_space<semaphore_mem>>)
      %dma_start3A_298 = arith.constant 0 : i32
      %dma_start3A_299 = tpu.memref_slice %arg10[%add3A_291, %dma_start3A_298] : memref<80x125xi32, #tpu.memory_space<vmem>> -> memref<1x125xi32, #tpu.memory_space<vmem>>
      %dma_start3A_300 = tpu.memref_squeeze %dma_start3A_299 : memref<1x125xi32, #tpu.memory_space<vmem>> -> memref<125xi32, #tpu.memory_space<vmem>>
      %dma_start3A_301 = arith.constant 0 : i32
      %dma_start3A_302 = arith.constant 0 : i32
      %dma_start3A_303 = tpu.memref_slice %arg3[%dma_start3A_301, %dma_start3A_302] : memref<10000x32xf32, #tpu.memory_space<hbm>> -> memref<10000x32xf32, #tpu.memory_space<hbm>>
      tpu.enqueue_indirect_dma source(%dma_start3A_303 : memref<10000x32xf32, #tpu.memory_space<hbm>>) target(%arg13 : memref<125x32xf32, #tpu.memory_space<vmem>>) offsets(%dma_start3A_300 : memref<125xi32, #tpu.memory_space<vmem>>) semaphore(%arg21 : memref<!tpu.dma_semaphore, #tpu.memory_space<semaphore_mem>>)
      %mul3A_304 = arith.constant 125 : i32
      %mul3A_305 = arith.muli %add3A_291, %mul3A_304 : i32
      %add3A_306 = arith.addi %mul3A_2, %mul3A_305 : i32
      %dma_start3A_307 = arith.constant 0 : i32
      %dma_start3A_308 = tpu.memref_slice %arg4[%add3A_306, %dma_start3A_307] : memref<320000x32xf32, #tpu.memory_space<hbm>> -> memref<125x32xf32, #tpu.memory_space<hbm>>
      %dma_start3A_309 = arith.constant 0 : i32
      %dma_start3A_310 = tpu.memref_slice %arg4[%add3A_306, %dma_start3A_309] : memref<320000x32xf32, #tpu.memory_space<hbm>> -> memref<125x32xf32, #tpu.memory_space<hbm>>
      tpu.enqueue_dma source(%dma_start3A_310 : memref<125x32xf32, #tpu.memory_space<hbm>>) target(%arg15 : memref<125x32xf32, #tpu.memory_space<vmem>>) target_semaphore(%arg23 : memref<!tpu.dma_semaphore, #tpu.memory_space<semaphore_mem>>)
      %mul3A_311 = arith.constant 2 : i32
      %mul3A_312 = arith.muli %mul3A_311, %scan3A_249 : i32
      %add3A_313 = arith.constant 1 : i32
      %add3A_314 = arith.addi %mul3A_312, %add3A_313 : i32
      %dma_wait3A_315 = arith.constant 0 : i32
      %dma_wait3A_316 = tpu.memref_slice %arg9[%add3A_314, %dma_wait3A_315] : memref<80x125xi32, #tpu.memory_space<vmem>> -> memref<1x125xi32, #tpu.memory_space<vmem>>
      %dma_wait3A_317 = tpu.memref_squeeze %dma_wait3A_316 : memref<1x125xi32, #tpu.memory_space<vmem>> -> memref<125xi32, #tpu.memory_space<vmem>>
      %dma_wait3A_318 = arith.constant 0 : i32
      %dma_wait3A_319 = arith.constant 0 : i32
      %dma_wait3A_320 = tpu.memref_slice %arg27[%dma_wait3A_318, %dma_wait3A_319] : memref<10000x32xf32, #tpu.memory_space<vmem_shared>> -> memref<10000x32xf32, #tpu.memory_space<vmem_shared>>
      tpu.wait_indirect_dma semaphore(%arg20 : memref<!tpu.dma_semaphore, #tpu.memory_space<semaphore_mem>>) src(%dma_wait3A_320 : memref<10000x32xf32, #tpu.memory_space<vmem_shared>>) dst(%arg12 : memref<125x32xf32, #tpu.memory_space<vmem>>)
      %dma_wait3A_321 = arith.constant 0 : i32
      %dma_wait3A_322 = tpu.memref_slice %arg10[%add3A_314, %dma_wait3A_321] : memref<80x125xi32, #tpu.memory_space<vmem>> -> memref<1x125xi32, #tpu.memory_space<vmem>>
      %dma_wait3A_323 = tpu.memref_squeeze %dma_wait3A_322 : memref<1x125xi32, #tpu.memory_space<vmem>> -> memref<125xi32, #tpu.memory_space<vmem>>
      %dma_wait3A_324 = arith.constant 0 : i32
      %dma_wait3A_325 = arith.constant 0 : i32
      %dma_wait3A_326 = tpu.memref_slice %arg3[%dma_wait3A_324, %dma_wait3A_325] : memref<10000x32xf32, #tpu.memory_space<hbm>> -> memref<10000x32xf32, #tpu.memory_space<hbm>>
      tpu.wait_indirect_dma semaphore(%arg22 : memref<!tpu.dma_semaphore, #tpu.memory_space<semaphore_mem>>) src(%dma_wait3A_326 : memref<10000x32xf32, #tpu.memory_space<hbm>>) dst(%arg14 : memref<125x32xf32, #tpu.memory_space<vmem>>)
      %mul3A_327 = arith.constant 125 : i32
      %mul3A_328 = arith.muli %add3A_314, %mul3A_327 : i32
      %add3A_329 = arith.addi %mul3A_2, %mul3A_328 : i32
      %dma_wait3A_330 = arith.constant 0 : i32
      %dma_wait3A_331 = tpu.memref_slice %arg4[%add3A_329, %dma_wait3A_330] : memref<320000x32xf32, #tpu.memory_space<hbm>> -> memref<125x32xf32, #tpu.memory_space<hbm>>
      %dma_wait3A_332 = arith.constant 0 : i32
      %dma_wait3A_333 = tpu.memref_slice %arg4[%add3A_329, %dma_wait3A_332] : memref<320000x32xf32, #tpu.memory_space<hbm>> -> memref<125x32xf32, #tpu.memory_space<hbm>>
      tpu.wait_dma2 semaphore(%arg24 : memref<!tpu.dma_semaphore, #tpu.memory_space<semaphore_mem>>) src(%dma_wait3A_333 : memref<125x32xf32, #tpu.memory_space<hbm>>) dst(%arg16 : memref<125x32xf32, #tpu.memory_space<vmem>>)
      %dma_wait3A_334 = arith.constant 0 : i32
      %dma_wait3A_335 = tpu.memref_slice %arg7[%mul3A_2, %dma_wait3A_334] : memref<320000x32xf32, #tpu.memory_space<hbm>> -> memref<125x32xf32, #tpu.memory_space<hbm>>
      %dma_wait3A_336 = arith.constant 0 : i32
      %dma_wait3A_337 = tpu.memref_slice %arg7[%mul3A_2, %dma_wait3A_336] : memref<320000x32xf32, #tpu.memory_space<hbm>> -> memref<125x32xf32, #tpu.memory_space<hbm>>
      tpu.wait_dma2 semaphore(%arg26 : memref<!tpu.dma_semaphore, #tpu.memory_space<semaphore_mem>>) src(%arg18 : memref<125x32xf32, #tpu.memory_space<vmem>>) dst(%dma_wait3A_337 : memref<125x32xf32, #tpu.memory_space<hbm>>)
      %scan3A_338 = arith.constant 0 : i32
      %scan3A_339 = arith.constant 0 : i32
      %scan3A_340 = arith.constant 125 : i32
      %scan3A_341 = arith.addi %scan3A_339, %scan3A_340 : i32
      %scan3A_342 = arith.constant 1 : i32
      scf.for %scan3A_374 = %scan3A_339 to %scan3A_341 step %scan3A_342  : i32 {
        %get3A = arith.index_cast %scan3A_374 : i32 to index
        %get3A_375 = arith.constant 0 : index
        %get3A_376 = tpu.vector_load %arg16[%get3A, %get3A_375] {strides = array<i32>} : memref<125x32xf32, #tpu.memory_space<vmem>>, vector<1x16xf32>,
        %get3A_377 = vector.shape_cast %get3A_376 : vector<1x16xf32> to vector<16xf32>
        %get3A_378 = arith.index_cast %scan3A_374 : i32 to index
        %get3A_379 = arith.constant 0 : index
        %get3A_380 = tpu.vector_load %arg12[%get3A_378, %get3A_379] {strides = array<i32>} : memref<125x32xf32, #tpu.memory_space<vmem>>, vector<1x16xf32>,
        %get3A_381 = vector.shape_cast %get3A_380 : vector<1x16xf32> to vector<16xf32>
        %add3A_382 = arith.addf %get3A_377, %get3A_381 : vector<16xf32>
        %get3A_383 = arith.index_cast %scan3A_374 : i32 to index
        %get3A_384 = arith.constant 0 : index
        %get3A_385 = tpu.vector_load %arg14[%get3A_383, %get3A_384] {strides = array<i32>} : memref<125x32xf32, #tpu.memory_space<vmem>>, vector<1x16xf32>,
        %get3A_386 = vector.shape_cast %get3A_385 : vector<1x16xf32> to vector<16xf32>
        %add3A_387 = arith.addf %add3A_382, %get3A_386 : vector<16xf32>
        %max3A = arith.constant 0.000000e+00 : f32
        %max3A_388 = vector.broadcast %max3A : f32 to vector<16xf32>
        %max3A_389 = arith.maximumf %add3A_387, %max3A_388 : vector<16xf32>
        %swap3A = arith.index_cast %scan3A_374 : i32 to index
        %swap3A_390 = arith.constant 0 : index
        %swap3A_391 = tpu.vector_load %arg18[%swap3A, %swap3A_390] {strides = array<i32>} : memref<125x32xf32, #tpu.memory_space<vmem>>, vector<1x16xf32>,
        %swap3A_392 = vector.shape_cast %swap3A_391 : vector<1x16xf32> to vector<16xf32>
        %swap3A_393 = vector.shape_cast %max3A_389 : vector<16xf32> to vector<1x16xf32>
        tpu.vector_store %arg18[%swap3A, %swap3A_390], %swap3A_393 {strides = array<i32>} : memref<125x32xf32, #tpu.memory_space<vmem>>, vector<1x16xf32>,
        %get3A_394 = arith.index_cast %scan3A_374 : i32 to index
        %get3A_395 = arith.constant 16 : index
        %get3A_396 = tpu.vector_load %arg16[%get3A_394, %get3A_395] {strides = array<i32>} : memref<125x32xf32, #tpu.memory_space<vmem>>, vector<1x16xf32>,
        %get3A_397 = vector.shape_cast %get3A_396 : vector<1x16xf32> to vector<16xf32>
        %get3A_398 = arith.index_cast %scan3A_374 : i32 to index
        %get3A_399 = arith.constant 16 : index
        %get3A_400 = tpu.vector_load %arg12[%get3A_398, %get3A_399] {strides = array<i32>} : memref<125x32xf32, #tpu.memory_space<vmem>>, vector<1x16xf32>,
        %get3A_401 = vector.shape_cast %get3A_400 : vector<1x16xf32> to vector<16xf32>
        %add3A_402 = arith.addf %get3A_397, %get3A_401 : vector<16xf32>
        %get3A_403 = arith.index_cast %scan3A_374 : i32 to index
        %get3A_404 = arith.constant 16 : index
        %get3A_405 = tpu.vector_load %arg14[%get3A_403, %get3A_404] {strides = array<i32>} : memref<125x32xf32, #tpu.memory_space<vmem>>, vector<1x16xf32>,
        %get3A_406 = vector.shape_cast %get3A_405 : vector<1x16xf32> to vector<16xf32>
        %add3A_407 = arith.addf %add3A_402, %get3A_406 : vector<16xf32>
        %max3A_408 = arith.constant 0.000000e+00 : f32
        %max3A_409 = vector.broadcast %max3A_408 : f32 to vector<16xf32>
        %max3A_410 = arith.maximumf %add3A_407, %max3A_409 : vector<16xf32>
        %swap3A_411 = arith.index_cast %scan3A_374 : i32 to index
        %swap3A_412 = arith.constant 16 : index
        %swap3A_413 = tpu.vector_load %arg18[%swap3A_411, %swap3A_412] {strides = array<i32>} : memref<125x32xf32, #tpu.memory_space<vmem>>, vector<1x16xf32>,
        %swap3A_414 = vector.shape_cast %swap3A_413 : vector<1x16xf32> to vector<16xf32>
        %swap3A_415 = vector.shape_cast %max3A_410 : vector<16xf32> to vector<1x16xf32>
        tpu.vector_store %arg18[%swap3A_411, %swap3A_412], %swap3A_415 {strides = array<i32>} : memref<125x32xf32, #tpu.memory_space<vmem>>, vector<1x16xf32>,
      }
      %scan3A_343 = arith.constant 125 : i32
      %mul3A_344 = arith.constant 125 : i32
      %mul3A_345 = arith.muli %add3A_314, %mul3A_344 : i32
      %add3A_346 = arith.addi %mul3A_2, %mul3A_345 : i32
      %dma_start3A_347 = arith.constant 0 : i32
      %dma_start3A_348 = tpu.memref_slice %arg7[%add3A_346, %dma_start3A_347] : memref<320000x32xf32, #tpu.memory_space<hbm>> -> memref<125x32xf32, #tpu.memory_space<hbm>>
      %dma_start3A_349 = arith.constant 0 : i32
      %dma_start3A_350 = tpu.memref_slice %arg7[%add3A_346, %dma_start3A_349] : memref<320000x32xf32, #tpu.memory_space<hbm>> -> memref<125x32xf32, #tpu.memory_space<hbm>>
      tpu.enqueue_dma source(%arg18 : memref<125x32xf32, #tpu.memory_space<vmem>>) target(%dma_start3A_350 : memref<125x32xf32, #tpu.memory_space<hbm>>) target_semaphore(%arg26 : memref<!tpu.dma_semaphore, #tpu.memory_space<semaphore_mem>>)
      "tpu.region"() ({
        %run_scoped3A_374 = tpu.sem_alloc : memref<!tpu.dma_semaphore, #tpu.memory_space<semaphore_mem>>
        %dma_start3A_375 = arith.constant 0 : i32
        %dma_start3A_376 = tpu.memref_slice %arg10[%add3A_314, %dma_start3A_375] : memref<80x125xi32, #tpu.memory_space<vmem>> -> memref<1x125xi32, #tpu.memory_space<vmem>>
        %dma_start3A_377 = tpu.memref_squeeze %dma_start3A_376 : memref<1x125xi32, #tpu.memory_space<vmem>> -> memref<125xi32, #tpu.memory_space<vmem>>
        %dma_start3A_378 = arith.constant 0 : i32
        %dma_start3A_379 = arith.constant 0 : i32
        %dma_start3A_380 = tpu.memref_slice %arg29[%dma_start3A_378, %dma_start3A_379] : memref<10240x32xf32, #tpu.memory_space<vmem_shared>> -> memref<10240x32xf32, #tpu.memory_space<vmem_shared>>
        tpu.enqueue_indirect_dma source(%arg18 : memref<125x32xf32, #tpu.memory_space<vmem>>) target(%dma_start3A_380 : memref<10240x32xf32, #tpu.memory_space<vmem_shared>>) offsets(%dma_start3A_377 : memref<125xi32, #tpu.memory_space<vmem>>) semaphore(%run_scoped3A_374 : memref<!tpu.dma_semaphore, #tpu.memory_space<semaphore_mem>>) {add = true}
        %dma_wait3A_381 = arith.constant 0 : i32
        %dma_wait3A_382 = tpu.memref_slice %arg10[%add3A_314, %dma_wait3A_381] : memref<80x125xi32, #tpu.memory_space<vmem>> -> memref<1x125xi32, #tpu.memory_space<vmem>>
        %dma_wait3A_383 = tpu.memref_squeeze %dma_wait3A_382 : memref<1x125xi32, #tpu.memory_space<vmem>> -> memref<125xi32, #tpu.memory_space<vmem>>
        %dma_wait3A_384 = arith.constant 0 : i32
        %dma_wait3A_385 = arith.constant 0 : i32
        %dma_wait3A_386 = tpu.memref_slice %arg29[%dma_wait3A_384, %dma_wait3A_385] : memref<10240x32xf32, #tpu.memory_space<vmem_shared>> -> memref<10240x32xf32, #tpu.memory_space<vmem_shared>>
        tpu.wait_indirect_dma semaphore(%run_scoped3A_374 : memref<!tpu.dma_semaphore, #tpu.memory_space<semaphore_mem>>) src(%arg18 : memref<125x32xf32, #tpu.memory_space<vmem>>) dst(%dma_wait3A_386 : memref<10240x32xf32, #tpu.memory_space<vmem_shared>>)
        tpu.yield
      }) : () -> ()
      %mul3A_351 = arith.constant 2 : i32
      %mul3A_352 = arith.muli %mul3A_351, %scan3A_249 : i32
      %add3A_353 = arith.constant 3 : i32
      %add3A_354 = arith.addi %mul3A_352, %add3A_353 : i32
      %dma_start3A_355 = arith.constant 0 : i32
      %dma_start3A_356 = tpu.memref_slice %arg9[%add3A_354, %dma_start3A_355] : memref<80x125xi32, #tpu.memory_space<vmem>> -> memref<1x125xi32, #tpu.memory_space<vmem>>
      %dma_start3A_357 = tpu.memref_squeeze %dma_start3A_356 : memref<1x125xi32, #tpu.memory_space<vmem>> -> memref<125xi32, #tpu.memory_space<vmem>>
      %dma_start3A_358 = arith.constant 0 : i32
      %dma_start3A_359 = arith.constant 0 : i32
      %dma_start3A_360 = tpu.memref_slice %arg27[%dma_start3A_358, %dma_start3A_359] : memref<10000x32xf32, #tpu.memory_space<vmem_shared>> -> memref<10000x32xf32, #tpu.memory_space<vmem_shared>>
      tpu.enqueue_indirect_dma source(%dma_start3A_360 : memref<10000x32xf32, #tpu.memory_space<vmem_shared>>) target(%arg12 : memref<125x32xf32, #tpu.memory_space<vmem>>) offsets(%dma_start3A_357 : memref<125xi32, #tpu.memory_space<vmem>>) semaphore(%arg20 : memref<!tpu.dma_semaphore, #tpu.memory_space<semaphore_mem>>)
      %dma_start3A_361 = arith.constant 0 : i32
      %dma_start3A_362 = tpu.memref_slice %arg10[%add3A_354, %dma_start3A_361] : memref<80x125xi32, #tpu.memory_space<vmem>> -> memref<1x125xi32, #tpu.memory_space<vmem>>
      %dma_start3A_363 = tpu.memref_squeeze %dma_start3A_362 : memref<1x125xi32, #tpu.memory_space<vmem>> -> memref<125xi32, #tpu.memory_space<vmem>>
      %dma_start3A_364 = arith.constant 0 : i32
      %dma_start3A_365 = arith.constant 0 : i32
      %dma_start3A_366 = tpu.memref_slice %arg3[%dma_start3A_364, %dma_start3A_365] : memref<10000x32xf32, #tpu.memory_space<hbm>> -> memref<10000x32xf32, #tpu.memory_space<hbm>>
      tpu.enqueue_indirect_dma source(%dma_start3A_366 : memref<10000x32xf32, #tpu.memory_space<hbm>>) target(%arg14 : memref<125x32xf32, #tpu.memory_space<vmem>>) offsets(%dma_start3A_363 : memref<125xi32, #tpu.memory_space<vmem>>) semaphore(%arg22 : memref<!tpu.dma_semaphore, #tpu.memory_space<semaphore_mem>>)
      %mul3A_367 = arith.constant 125 : i32
      %mul3A_368 = arith.muli %add3A_354, %mul3A_367 : i32
      %add3A_369 = arith.addi %mul3A_2, %mul3A_368 : i32
      %dma_start3A_370 = arith.constant 0 : i32
      %dma_start3A_371 = tpu.memref_slice %arg4[%add3A_369, %dma_start3A_370] : memref<320000x32xf32, #tpu.memory_space<hbm>> -> memref<125x32xf32, #tpu.memory_space<hbm>>
      %dma_start3A_372 = arith.constant 0 : i32
      %dma_start3A_373 = tpu.memref_slice %arg4[%add3A_369, %dma_start3A_372] : memref<320000x32xf32, #tpu.memory_space<hbm>> -> memref<125x32xf32, #tpu.memory_space<hbm>>
      tpu.enqueue_dma source(%dma_start3A_373 : memref<125x32xf32, #tpu.memory_space<hbm>>) target(%arg16 : memref<125x32xf32, #tpu.memory_space<vmem>>) target_semaphore(%arg24 : memref<!tpu.dma_semaphore, #tpu.memory_space<semaphore_mem>>)
    }
    %scan3A_161 = arith.constant 38 : i32
    %dma_wait3A_162 = arith.constant 78 : i32
    %dma_wait3A_163 = arith.constant 0 : i32
    %dma_wait3A_164 = tpu.memref_slice %arg9[%dma_wait3A_162, %dma_wait3A_163] : memref<80x125xi32, #tpu.memory_space<vmem>> -> memref<1x125xi32, #tpu.memory_space<vmem>>
    %dma_wait3A_165 = tpu.memref_squeeze %dma_wait3A_164 : memref<1x125xi32, #tpu.memory_space<vmem>> -> memref<125xi32, #tpu.memory_space<vmem>>
    %dma_wait3A_166 = arith.constant 0 : i32
    %dma_wait3A_167 = arith.constant 0 : i32
    %dma_wait3A_168 = tpu.memref_slice %arg27[%dma_wait3A_166, %dma_wait3A_167] : memref<10000x32xf32, #tpu.memory_space<vmem_shared>> -> memref<10000x32xf32, #tpu.memory_space<vmem_shared>>
    tpu.wait_indirect_dma semaphore(%arg19 : memref<!tpu.dma_semaphore, #tpu.memory_space<semaphore_mem>>) src(%dma_wait3A_168 : memref<10000x32xf32, #tpu.memory_space<vmem_shared>>) dst(%arg11 : memref<125x32xf32, #tpu.memory_space<vmem>>)
    %dma_wait3A_169 = arith.constant 78 : i32
    %dma_wait3A_170 = arith.constant 0 : i32
    %dma_wait3A_171 = tpu.memref_slice %arg10[%dma_wait3A_169, %dma_wait3A_170] : memref<80x125xi32, #tpu.memory_space<vmem>> -> memref<1x125xi32, #tpu.memory_space<vmem>>
    %dma_wait3A_172 = tpu.memref_squeeze %dma_wait3A_171 : memref<1x125xi32, #tpu.memory_space<vmem>> -> memref<125xi32, #tpu.memory_space<vmem>>
    %dma_wait3A_173 = arith.constant 0 : i32
    %dma_wait3A_174 = arith.constant 0 : i32
    %dma_wait3A_175 = tpu.memref_slice %arg3[%dma_wait3A_173, %dma_wait3A_174] : memref<10000x32xf32, #tpu.memory_space<hbm>> -> memref<10000x32xf32, #tpu.memory_space<hbm>>
    tpu.wait_indirect_dma semaphore(%arg21 : memref<!tpu.dma_semaphore, #tpu.memory_space<semaphore_mem>>) src(%dma_wait3A_175 : memref<10000x32xf32, #tpu.memory_space<hbm>>) dst(%arg13 : memref<125x32xf32, #tpu.memory_space<vmem>>)
    %add3A_176 = arith.constant 9750 : i32
    %add3A_177 = arith.addi %mul3A_2, %add3A_176 : i32
    %dma_wait3A_178 = arith.constant 0 : i32
    %dma_wait3A_179 = tpu.memref_slice %arg4[%add3A_177, %dma_wait3A_178] : memref<320000x32xf32, #tpu.memory_space<hbm>> -> memref<125x32xf32, #tpu.memory_space<hbm>>
    %dma_wait3A_180 = arith.constant 0 : i32
    %dma_wait3A_181 = tpu.memref_slice %arg4[%add3A_177, %dma_wait3A_180] : memref<320000x32xf32, #tpu.memory_space<hbm>> -> memref<125x32xf32, #tpu.memory_space<hbm>>
    tpu.wait_dma2 semaphore(%arg23 : memref<!tpu.dma_semaphore, #tpu.memory_space<semaphore_mem>>) src(%dma_wait3A_181 : memref<125x32xf32, #tpu.memory_space<hbm>>) dst(%arg15 : memref<125x32xf32, #tpu.memory_space<vmem>>)
    %dma_wait3A_182 = arith.constant 0 : i32
    %dma_wait3A_183 = tpu.memref_slice %arg7[%mul3A_2, %dma_wait3A_182] : memref<320000x32xf32, #tpu.memory_space<hbm>> -> memref<125x32xf32, #tpu.memory_space<hbm>>
    %dma_wait3A_184 = arith.constant 0 : i32
    %dma_wait3A_185 = tpu.memref_slice %arg7[%mul3A_2, %dma_wait3A_184] : memref<320000x32xf32, #tpu.memory_space<hbm>> -> memref<125x32xf32, #tpu.memory_space<hbm>>
    tpu.wait_dma2 semaphore(%arg25 : memref<!tpu.dma_semaphore, #tpu.memory_space<semaphore_mem>>) src(%arg17 : memref<125x32xf32, #tpu.memory_space<vmem>>) dst(%dma_wait3A_185 : memref<125x32xf32, #tpu.memory_space<hbm>>)
    %scan3A_186 = arith.constant 0 : i32
    %scan3A_187 = arith.constant 0 : i32
    %scan3A_188 = arith.constant 125 : i32
    %scan3A_189 = arith.addi %scan3A_187, %scan3A_188 : i32
    %scan3A_190 = arith.constant 1 : i32
    scf.for %scan3A_249 = %scan3A_187 to %scan3A_189 step %scan3A_190  : i32 {
      %get3A = arith.index_cast %scan3A_249 : i32 to index
      %get3A_250 = arith.constant 0 : index
      %get3A_251 = tpu.vector_load %arg15[%get3A, %get3A_250] {strides = array<i32>} : memref<125x32xf32, #tpu.memory_space<vmem>>, vector<1x16xf32>,
      %get3A_252 = vector.shape_cast %get3A_251 : vector<1x16xf32> to vector<16xf32>
      %get3A_253 = arith.index_cast %scan3A_249 : i32 to index
      %get3A_254 = arith.constant 0 : index
      %get3A_255 = tpu.vector_load %arg11[%get3A_253, %get3A_254] {strides = array<i32>} : memref<125x32xf32, #tpu.memory_space<vmem>>, vector<1x16xf32>,
      %get3A_256 = vector.shape_cast %get3A_255 : vector<1x16xf32> to vector<16xf32>
      %add3A_257 = arith.addf %get3A_252, %get3A_256 : vector<16xf32>
      %get3A_258 = arith.index_cast %scan3A_249 : i32 to index
      %get3A_259 = arith.constant 0 : index
      %get3A_260 = tpu.vector_load %arg13[%get3A_258, %get3A_259] {strides = array<i32>} : memref<125x32xf32, #tpu.memory_space<vmem>>, vector<1x16xf32>,
      %get3A_261 = vector.shape_cast %get3A_260 : vector<1x16xf32> to vector<16xf32>
      %add3A_262 = arith.addf %add3A_257, %get3A_261 : vector<16xf32>
      %max3A = arith.constant 0.000000e+00 : f32
      %max3A_263 = vector.broadcast %max3A : f32 to vector<16xf32>
      %max3A_264 = arith.maximumf %add3A_262, %max3A_263 : vector<16xf32>
      %swap3A = arith.index_cast %scan3A_249 : i32 to index
      %swap3A_265 = arith.constant 0 : index
      %swap3A_266 = tpu.vector_load %arg17[%swap3A, %swap3A_265] {strides = array<i32>} : memref<125x32xf32, #tpu.memory_space<vmem>>, vector<1x16xf32>,
      %swap3A_267 = vector.shape_cast %swap3A_266 : vector<1x16xf32> to vector<16xf32>
      %swap3A_268 = vector.shape_cast %max3A_264 : vector<16xf32> to vector<1x16xf32>
      tpu.vector_store %arg17[%swap3A, %swap3A_265], %swap3A_268 {strides = array<i32>} : memref<125x32xf32, #tpu.memory_space<vmem>>, vector<1x16xf32>,
      %get3A_269 = arith.index_cast %scan3A_249 : i32 to index
      %get3A_270 = arith.constant 16 : index
      %get3A_271 = tpu.vector_load %arg15[%get3A_269, %get3A_270] {strides = array<i32>} : memref<125x32xf32, #tpu.memory_space<vmem>>, vector<1x16xf32>,
      %get3A_272 = vector.shape_cast %get3A_271 : vector<1x16xf32> to vector<16xf32>
      %get3A_273 = arith.index_cast %scan3A_249 : i32 to index
      %get3A_274 = arith.constant 16 : index
      %get3A_275 = tpu.vector_load %arg11[%get3A_273, %get3A_274] {strides = array<i32>} : memref<125x32xf32, #tpu.memory_space<vmem>>, vector<1x16xf32>,
      %get3A_276 = vector.shape_cast %get3A_275 : vector<1x16xf32> to vector<16xf32>
      %add3A_277 = arith.addf %get3A_272, %get3A_276 : vector<16xf32>
      %get3A_278 = arith.index_cast %scan3A_249 : i32 to index
      %get3A_279 = arith.constant 16 : index
      %get3A_280 = tpu.vector_load %arg13[%get3A_278, %get3A_279] {strides = array<i32>} : memref<125x32xf32, #tpu.memory_space<vmem>>, vector<1x16xf32>,
      %get3A_281 = vector.shape_cast %get3A_280 : vector<1x16xf32> to vector<16xf32>
      %add3A_282 = arith.addf %add3A_277, %get3A_281 : vector<16xf32>
      %max3A_283 = arith.constant 0.000000e+00 : f32
      %max3A_284 = vector.broadcast %max3A_283 : f32 to vector<16xf32>
      %max3A_285 = arith.maximumf %add3A_282, %max3A_284 : vector<16xf32>
      %swap3A_286 = arith.index_cast %scan3A_249 : i32 to index
      %swap3A_287 = arith.constant 16 : index
      %swap3A_288 = tpu.vector_load %arg17[%swap3A_286, %swap3A_287] {strides = array<i32>} : memref<125x32xf32, #tpu.memory_space<vmem>>, vector<1x16xf32>,
      %swap3A_289 = vector.shape_cast %swap3A_288 : vector<1x16xf32> to vector<16xf32>
      %swap3A_290 = vector.shape_cast %max3A_285 : vector<16xf32> to vector<1x16xf32>
      tpu.vector_store %arg17[%swap3A_286, %swap3A_287], %swap3A_290 {strides = array<i32>} : memref<125x32xf32, #tpu.memory_space<vmem>>, vector<1x16xf32>,
    }
    %scan3A_191 = arith.constant 125 : i32
    %add3A_192 = arith.constant 9750 : i32
    %add3A_193 = arith.addi %mul3A_2, %add3A_192 : i32
    %dma_start3A_194 = arith.constant 0 : i32
    %dma_start3A_195 = tpu.memref_slice %arg7[%add3A_193, %dma_start3A_194] : memref<320000x32xf32, #tpu.memory_space<hbm>> -> memref<125x32xf32, #tpu.memory_space<hbm>>
    %dma_start3A_196 = arith.constant 0 : i32
    %dma_start3A_197 = tpu.memref_slice %arg7[%add3A_193, %dma_start3A_196] : memref<320000x32xf32, #tpu.memory_space<hbm>> -> memref<125x32xf32, #tpu.memory_space<hbm>>
    tpu.enqueue_dma source(%arg17 : memref<125x32xf32, #tpu.memory_space<vmem>>) target(%dma_start3A_197 : memref<125x32xf32, #tpu.memory_space<hbm>>) target_semaphore(%arg25 : memref<!tpu.dma_semaphore, #tpu.memory_space<semaphore_mem>>)
    %run_scoped3A_198 = arith.constant 78 : i32
    "tpu.region"() ({
      %run_scoped3A_249 = tpu.sem_alloc : memref<!tpu.dma_semaphore, #tpu.memory_space<semaphore_mem>>
      %dma_start3A_250 = arith.constant 0 : i32
      %dma_start3A_251 = tpu.memref_slice %arg10[%run_scoped3A_198, %dma_start3A_250] : memref<80x125xi32, #tpu.memory_space<vmem>> -> memref<1x125xi32, #tpu.memory_space<vmem>>
      %dma_start3A_252 = tpu.memref_squeeze %dma_start3A_251 : memref<1x125xi32, #tpu.memory_space<vmem>> -> memref<125xi32, #tpu.memory_space<vmem>>
      %dma_start3A_253 = arith.constant 0 : i32
      %dma_start3A_254 = arith.constant 0 : i32
      %dma_start3A_255 = tpu.memref_slice %arg29[%dma_start3A_253, %dma_start3A_254] : memref<10240x32xf32, #tpu.memory_space<vmem_shared>> -> memref<10240x32xf32, #tpu.memory_space<vmem_shared>>
      tpu.enqueue_indirect_dma source(%arg17 : memref<125x32xf32, #tpu.memory_space<vmem>>) target(%dma_start3A_255 : memref<10240x32xf32, #tpu.memory_space<vmem_shared>>) offsets(%dma_start3A_252 : memref<125xi32, #tpu.memory_space<vmem>>) semaphore(%run_scoped3A_249 : memref<!tpu.dma_semaphore, #tpu.memory_space<semaphore_mem>>) {add = true}
      %dma_wait3A_256 = arith.constant 0 : i32
      %dma_wait3A_257 = tpu.memref_slice %arg10[%run_scoped3A_198, %dma_wait3A_256] : memref<80x125xi32, #tpu.memory_space<vmem>> -> memref<1x125xi32, #tpu.memory_space<vmem>>
      %dma_wait3A_258 = tpu.memref_squeeze %dma_wait3A_257 : memref<1x125xi32, #tpu.memory_space<vmem>> -> memref<125xi32, #tpu.memory_space<vmem>>
      %dma_wait3A_259 = arith.constant 0 : i32
      %dma_wait3A_260 = arith.constant 0 : i32
      %dma_wait3A_261 = tpu.memref_slice %arg29[%dma_wait3A_259, %dma_wait3A_260] : memref<10240x32xf32, #tpu.memory_space<vmem_shared>> -> memref<10240x32xf32, #tpu.memory_space<vmem_shared>>
      tpu.wait_indirect_dma semaphore(%run_scoped3A_249 : memref<!tpu.dma_semaphore, #tpu.memory_space<semaphore_mem>>) src(%arg17 : memref<125x32xf32, #tpu.memory_space<vmem>>) dst(%dma_wait3A_261 : memref<10240x32xf32, #tpu.memory_space<vmem_shared>>)
      tpu.yield
    }) : () -> ()
    %dma_wait3A_199 = arith.constant 79 : i32
    %dma_wait3A_200 = arith.constant 0 : i32
    %dma_wait3A_201 = tpu.memref_slice %arg9[%dma_wait3A_199, %dma_wait3A_200] : memref<80x125xi32, #tpu.memory_space<vmem>> -> memref<1x125xi32, #tpu.memory_space<vmem>>
    %dma_wait3A_202 = tpu.memref_squeeze %dma_wait3A_201 : memref<1x125xi32, #tpu.memory_space<vmem>> -> memref<125xi32, #tpu.memory_space<vmem>>
    %dma_wait3A_203 = arith.constant 0 : i32
    %dma_wait3A_204 = arith.constant 0 : i32
    %dma_wait3A_205 = tpu.memref_slice %arg27[%dma_wait3A_203, %dma_wait3A_204] : memref<10000x32xf32, #tpu.memory_space<vmem_shared>> -> memref<10000x32xf32, #tpu.memory_space<vmem_shared>>
    tpu.wait_indirect_dma semaphore(%arg20 : memref<!tpu.dma_semaphore, #tpu.memory_space<semaphore_mem>>) src(%dma_wait3A_205 : memref<10000x32xf32, #tpu.memory_space<vmem_shared>>) dst(%arg12 : memref<125x32xf32, #tpu.memory_space<vmem>>)
    %dma_wait3A_206 = arith.constant 79 : i32
    %dma_wait3A_207 = arith.constant 0 : i32
    %dma_wait3A_208 = tpu.memref_slice %arg10[%dma_wait3A_206, %dma_wait3A_207] : memref<80x125xi32, #tpu.memory_space<vmem>> -> memref<1x125xi32, #tpu.memory_space<vmem>>
    %dma_wait3A_209 = tpu.memref_squeeze %dma_wait3A_208 : memref<1x125xi32, #tpu.memory_space<vmem>> -> memref<125xi32, #tpu.memory_space<vmem>>
    %dma_wait3A_210 = arith.constant 0 : i32
    %dma_wait3A_211 = arith.constant 0 : i32
    %dma_wait3A_212 = tpu.memref_slice %arg3[%dma_wait3A_210, %dma_wait3A_211] : memref<10000x32xf32, #tpu.memory_space<hbm>> -> memref<10000x32xf32, #tpu.memory_space<hbm>>
    tpu.wait_indirect_dma semaphore(%arg22 : memref<!tpu.dma_semaphore, #tpu.memory_space<semaphore_mem>>) src(%dma_wait3A_212 : memref<10000x32xf32, #tpu.memory_space<hbm>>) dst(%arg14 : memref<125x32xf32, #tpu.memory_space<vmem>>)
    %add3A_213 = arith.constant 9875 : i32
    %add3A_214 = arith.addi %mul3A_2, %add3A_213 : i32
    %dma_wait3A_215 = arith.constant 0 : i32
    %dma_wait3A_216 = tpu.memref_slice %arg4[%add3A_214, %dma_wait3A_215] : memref<320000x32xf32, #tpu.memory_space<hbm>> -> memref<125x32xf32, #tpu.memory_space<hbm>>
    %dma_wait3A_217 = arith.constant 0 : i32
    %dma_wait3A_218 = tpu.memref_slice %arg4[%add3A_214, %dma_wait3A_217] : memref<320000x32xf32, #tpu.memory_space<hbm>> -> memref<125x32xf32, #tpu.memory_space<hbm>>
    tpu.wait_dma2 semaphore(%arg24 : memref<!tpu.dma_semaphore, #tpu.memory_space<semaphore_mem>>) src(%dma_wait3A_218 : memref<125x32xf32, #tpu.memory_space<hbm>>) dst(%arg16 : memref<125x32xf32, #tpu.memory_space<vmem>>)
    %dma_wait3A_219 = arith.constant 0 : i32
    %dma_wait3A_220 = tpu.memref_slice %arg7[%mul3A_2, %dma_wait3A_219] : memref<320000x32xf32, #tpu.memory_space<hbm>> -> memref<125x32xf32, #tpu.memory_space<hbm>>
    %dma_wait3A_221 = arith.constant 0 : i32
    %dma_wait3A_222 = tpu.memref_slice %arg7[%mul3A_2, %dma_wait3A_221] : memref<320000x32xf32, #tpu.memory_space<hbm>> -> memref<125x32xf32, #tpu.memory_space<hbm>>
    tpu.wait_dma2 semaphore(%arg26 : memref<!tpu.dma_semaphore, #tpu.memory_space<semaphore_mem>>) src(%arg18 : memref<125x32xf32, #tpu.memory_space<vmem>>) dst(%dma_wait3A_222 : memref<125x32xf32, #tpu.memory_space<hbm>>)
    %scan3A_223 = arith.constant 0 : i32
    %scan3A_224 = arith.constant 0 : i32
    %scan3A_225 = arith.constant 125 : i32
    %scan3A_226 = arith.addi %scan3A_224, %scan3A_225 : i32
    %scan3A_227 = arith.constant 1 : i32
    scf.for %scan3A_249 = %scan3A_224 to %scan3A_226 step %scan3A_227  : i32 {
      %get3A = arith.index_cast %scan3A_249 : i32 to index
      %get3A_250 = arith.constant 0 : index
      %get3A_251 = tpu.vector_load %arg16[%get3A, %get3A_250] {strides = array<i32>} : memref<125x32xf32, #tpu.memory_space<vmem>>, vector<1x16xf32>,
      %get3A_252 = vector.shape_cast %get3A_251 : vector<1x16xf32> to vector<16xf32>
      %get3A_253 = arith.index_cast %scan3A_249 : i32 to index
      %get3A_254 = arith.constant 0 : index
      %get3A_255 = tpu.vector_load %arg12[%get3A_253, %get3A_254] {strides = array<i32>} : memref<125x32xf32, #tpu.memory_space<vmem>>, vector<1x16xf32>,
      %get3A_256 = vector.shape_cast %get3A_255 : vector<1x16xf32> to vector<16xf32>
      %add3A_257 = arith.addf %get3A_252, %get3A_256 : vector<16xf32>
      %get3A_258 = arith.index_cast %scan3A_249 : i32 to index
      %get3A_259 = arith.constant 0 : index
      %get3A_260 = tpu.vector_load %arg14[%get3A_258, %get3A_259] {strides = array<i32>} : memref<125x32xf32, #tpu.memory_space<vmem>>, vector<1x16xf32>,
      %get3A_261 = vector.shape_cast %get3A_260 : vector<1x16xf32> to vector<16xf32>
      %add3A_262 = arith.addf %add3A_257, %get3A_261 : vector<16xf32>
      %max3A = arith.constant 0.000000e+00 : f32
      %max3A_263 = vector.broadcast %max3A : f32 to vector<16xf32>
      %max3A_264 = arith.maximumf %add3A_262, %max3A_263 : vector<16xf32>
      %swap3A = arith.index_cast %scan3A_249 : i32 to index
      %swap3A_265 = arith.constant 0 : index
      %swap3A_266 = tpu.vector_load %arg18[%swap3A, %swap3A_265] {strides = array<i32>} : memref<125x32xf32, #tpu.memory_space<vmem>>, vector<1x16xf32>,
      %swap3A_267 = vector.shape_cast %swap3A_266 : vector<1x16xf32> to vector<16xf32>
      %swap3A_268 = vector.shape_cast %max3A_264 : vector<16xf32> to vector<1x16xf32>
      tpu.vector_store %arg18[%swap3A, %swap3A_265], %swap3A_268 {strides = array<i32>} : memref<125x32xf32, #tpu.memory_space<vmem>>, vector<1x16xf32>,
      %get3A_269 = arith.index_cast %scan3A_249 : i32 to index
      %get3A_270 = arith.constant 16 : index
      %get3A_271 = tpu.vector_load %arg16[%get3A_269, %get3A_270] {strides = array<i32>} : memref<125x32xf32, #tpu.memory_space<vmem>>, vector<1x16xf32>,
      %get3A_272 = vector.shape_cast %get3A_271 : vector<1x16xf32> to vector<16xf32>
      %get3A_273 = arith.index_cast %scan3A_249 : i32 to index
      %get3A_274 = arith.constant 16 : index
      %get3A_275 = tpu.vector_load %arg12[%get3A_273, %get3A_274] {strides = array<i32>} : memref<125x32xf32, #tpu.memory_space<vmem>>, vector<1x16xf32>,
      %get3A_276 = vector.shape_cast %get3A_275 : vector<1x16xf32> to vector<16xf32>
      %add3A_277 = arith.addf %get3A_272, %get3A_276 : vector<16xf32>
      %get3A_278 = arith.index_cast %scan3A_249 : i32 to index
      %get3A_279 = arith.constant 16 : index
      %get3A_280 = tpu.vector_load %arg14[%get3A_278, %get3A_279] {strides = array<i32>} : memref<125x32xf32, #tpu.memory_space<vmem>>, vector<1x16xf32>,
      %get3A_281 = vector.shape_cast %get3A_280 : vector<1x16xf32> to vector<16xf32>
      %add3A_282 = arith.addf %add3A_277, %get3A_281 : vector<16xf32>
      %max3A_283 = arith.constant 0.000000e+00 : f32
      %max3A_284 = vector.broadcast %max3A_283 : f32 to vector<16xf32>
      %max3A_285 = arith.maximumf %add3A_282, %max3A_284 : vector<16xf32>
      %swap3A_286 = arith.index_cast %scan3A_249 : i32 to index
      %swap3A_287 = arith.constant 16 : index
      %swap3A_288 = tpu.vector_load %arg18[%swap3A_286, %swap3A_287] {strides = array<i32>} : memref<125x32xf32, #tpu.memory_space<vmem>>, vector<1x16xf32>,
      %swap3A_289 = vector.shape_cast %swap3A_288 : vector<1x16xf32> to vector<16xf32>
      %swap3A_290 = vector.shape_cast %max3A_285 : vector<16xf32> to vector<1x16xf32>
      tpu.vector_store %arg18[%swap3A_286, %swap3A_287], %swap3A_290 {strides = array<i32>} : memref<125x32xf32, #tpu.memory_space<vmem>>, vector<1x16xf32>,
    }
    %scan3A_228 = arith.constant 125 : i32
    %add3A_229 = arith.constant 9875 : i32
    %add3A_230 = arith.addi %mul3A_2, %add3A_229 : i32
    %dma_start3A_231 = arith.constant 0 : i32
    %dma_start3A_232 = tpu.memref_slice %arg7[%add3A_230, %dma_start3A_231] : memref<320000x32xf32, #tpu.memory_space<hbm>> -> memref<125x32xf32, #tpu.memory_space<hbm>>
    %dma_start3A_233 = arith.constant 0 : i32
    %dma_start3A_234 = tpu.memref_slice %arg7[%add3A_230, %dma_start3A_233] : memref<320000x32xf32, #tpu.memory_space<hbm>> -> memref<125x32xf32, #tpu.memory_space<hbm>>
    tpu.enqueue_dma source(%arg18 : memref<125x32xf32, #tpu.memory_space<vmem>>) target(%dma_start3A_234 : memref<125x32xf32, #tpu.memory_space<hbm>>) target_semaphore(%arg26 : memref<!tpu.dma_semaphore, #tpu.memory_space<semaphore_mem>>)
    %run_scoped3A_235 = arith.constant 79 : i32
    "tpu.region"() ({
      %run_scoped3A_249 = tpu.sem_alloc : memref<!tpu.dma_semaphore, #tpu.memory_space<semaphore_mem>>
      %dma_start3A_250 = arith.constant 0 : i32
      %dma_start3A_251 = tpu.memref_slice %arg10[%run_scoped3A_235, %dma_start3A_250] : memref<80x125xi32, #tpu.memory_space<vmem>> -> memref<1x125xi32, #tpu.memory_space<vmem>>
      %dma_start3A_252 = tpu.memref_squeeze %dma_start3A_251 : memref<1x125xi32, #tpu.memory_space<vmem>> -> memref<125xi32, #tpu.memory_space<vmem>>
      %dma_start3A_253 = arith.constant 0 : i32
      %dma_start3A_254 = arith.constant 0 : i32
      %dma_start3A_255 = tpu.memref_slice %arg29[%dma_start3A_253, %dma_start3A_254] : memref<10240x32xf32, #tpu.memory_space<vmem_shared>> -> memref<10240x32xf32, #tpu.memory_space<vmem_shared>>
      tpu.enqueue_indirect_dma source(%arg18 : memref<125x32xf32, #tpu.memory_space<vmem>>) target(%dma_start3A_255 : memref<10240x32xf32, #tpu.memory_space<vmem_shared>>) offsets(%dma_start3A_252 : memref<125xi32, #tpu.memory_space<vmem>>) semaphore(%run_scoped3A_249 : memref<!tpu.dma_semaphore, #tpu.memory_space<semaphore_mem>>) {add = true}
      %dma_wait3A_256 = arith.constant 0 : i32
      %dma_wait3A_257 = tpu.memref_slice %arg10[%run_scoped3A_235, %dma_wait3A_256] : memref<80x125xi32, #tpu.memory_space<vmem>> -> memref<1x125xi32, #tpu.memory_space<vmem>>
      %dma_wait3A_258 = tpu.memref_squeeze %dma_wait3A_257 : memref<1x125xi32, #tpu.memory_space<vmem>> -> memref<125xi32, #tpu.memory_space<vmem>>
      %dma_wait3A_259 = arith.constant 0 : i32
      %dma_wait3A_260 = arith.constant 0 : i32
      %dma_wait3A_261 = tpu.memref_slice %arg29[%dma_wait3A_259, %dma_wait3A_260] : memref<10240x32xf32, #tpu.memory_space<vmem_shared>> -> memref<10240x32xf32, #tpu.memory_space<vmem_shared>>
      tpu.wait_indirect_dma semaphore(%run_scoped3A_249 : memref<!tpu.dma_semaphore, #tpu.memory_space<semaphore_mem>>) src(%arg18 : memref<125x32xf32, #tpu.memory_space<vmem>>) dst(%dma_wait3A_261 : memref<10240x32xf32, #tpu.memory_space<vmem_shared>>)
      tpu.yield
    }) : () -> ()
    %dma_wait3A_236 = arith.constant 0 : i32
    %dma_wait3A_237 = tpu.memref_slice %arg7[%mul3A_2, %dma_wait3A_236] : memref<320000x32xf32, #tpu.memory_space<hbm>> -> memref<125x32xf32, #tpu.memory_space<hbm>>
    %dma_wait3A_238 = arith.constant 0 : i32
    %dma_wait3A_239 = tpu.memref_slice %arg7[%mul3A_2, %dma_wait3A_238] : memref<320000x32xf32, #tpu.memory_space<hbm>> -> memref<125x32xf32, #tpu.memory_space<hbm>>
    tpu.wait_dma2 semaphore(%arg25 : memref<!tpu.dma_semaphore, #tpu.memory_space<semaphore_mem>>) src(%arg17 : memref<125x32xf32, #tpu.memory_space<vmem>>) dst(%dma_wait3A_239 : memref<125x32xf32, #tpu.memory_space<hbm>>)
    %dma_wait3A_240 = arith.constant 0 : i32
    %dma_wait3A_241 = tpu.memref_slice %arg7[%mul3A_2, %dma_wait3A_240] : memref<320000x32xf32, #tpu.memory_space<hbm>> -> memref<125x32xf32, #tpu.memory_space<hbm>>
    %dma_wait3A_242 = arith.constant 0 : i32
    %dma_wait3A_243 = tpu.memref_slice %arg7[%mul3A_2, %dma_wait3A_242] : memref<320000x32xf32, #tpu.memory_space<hbm>> -> memref<125x32xf32, #tpu.memory_space<hbm>>
    tpu.wait_dma2 semaphore(%arg26 : memref<!tpu.dma_semaphore, #tpu.memory_space<semaphore_mem>>) src(%arg18 : memref<125x32xf32, #tpu.memory_space<vmem>>) dst(%dma_wait3A_243 : memref<125x32xf32, #tpu.memory_space<hbm>>)
    %barrier3A_244 = arith.constant 0 : index
    tpu.barrier barrier_id(%barrier3A_244)
    %mul3A_245 = arith.constant 640 : i32
    %mul3A_246 = arith.muli %arg1, %mul3A_245 : i32
    %mul3A_247 = arith.constant 640 : i32
    %mul3A_248 = arith.muli %arg1, %mul3A_247 : i32
    "tpu.region"() ({
      %run_scoped3A_249 = tpu.sem_alloc : memref<!tpu.dma_semaphore, #tpu.memory_space<semaphore_mem>>
      %dma_start3A_250 = arith.constant 0 : i32
      %dma_start3A_251 = tpu.memref_slice %arg8[%arg0, %mul3A_248, %dma_start3A_250] : memref<2x10240x32xf32, #tpu.memory_space<hbm>> -> memref<1x640x32xf32, #tpu.memory_space<hbm>>
      %dma_start3A_252 = tpu.memref_squeeze %dma_start3A_251 : memref<1x640x32xf32, #tpu.memory_space<hbm>> -> memref<640x32xf32, #tpu.memory_space<hbm>>
      %dma_start3A_253 = arith.constant 0 : i32
      %dma_start3A_254 = tpu.memref_slice %arg29[%mul3A_246, %dma_start3A_253] : memref<10240x32xf32, #tpu.memory_space<vmem_shared>> -> memref<640x32xf32, #tpu.memory_space<vmem_shared>>
      tpu.enqueue_dma source(%dma_start3A_254 : memref<640x32xf32, #tpu.memory_space<vmem_shared>>) target(%dma_start3A_252 : memref<640x32xf32, #tpu.memory_space<hbm>>) target_semaphore(%run_scoped3A_249 : memref<!tpu.dma_semaphore, #tpu.memory_space<semaphore_mem>>)
      %dma_wait3A_255 = arith.constant 0 : i32
      %dma_wait3A_256 = tpu.memref_slice %arg8[%arg0, %mul3A_248, %dma_wait3A_255] : memref<2x10240x32xf32, #tpu.memory_space<hbm>> -> memref<1x640x32xf32, #tpu.memory_space<hbm>>
      %dma_wait3A_257 = tpu.memref_squeeze %dma_wait3A_256 : memref<1x640x32xf32, #tpu.memory_space<hbm>> -> memref<640x32xf32, #tpu.memory_space<hbm>>
      %dma_wait3A_258 = arith.constant 0 : i32
      %dma_wait3A_259 = tpu.memref_slice %arg29[%mul3A_246, %dma_wait3A_258] : memref<10240x32xf32, #tpu.memory_space<vmem_shared>> -> memref<640x32xf32, #tpu.memory_space<vmem_shared>>
      tpu.wait_dma2 semaphore(%run_scoped3A_249 : memref<!tpu.dma_semaphore, #tpu.memory_space<semaphore_mem>>) src(%dma_wait3A_259 : memref<640x32xf32, #tpu.memory_space<vmem_shared>>) dst(%dma_wait3A_257 : memref<640x32xf32, #tpu.memory_space<hbm>>)
      tpu.yield
    }) : () -> ()
    return
  }
}

#map = affine_map<(d0, d1) -> (0, 0)>
#map1 = affine_map<(d0, d1) -> (0, 0, 0)>
module attributes {stable_mosaic.version = 14 : i64} {
  func.func @body(%arg0: i32, %arg1: i32, %arg2: memref<10000x32xf32, #tpu.memory_space<hbm>>, %arg3: memref<10000x32xf32, #tpu.memory_space<hbm>>, %arg4: memref<320000x32xf32, #tpu.memory_space<hbm>>, %arg5: memref<32x80x125xi32, #tpu.memory_space<hbm>>, %arg6: memref<32x80x125xi32, #tpu.memory_space<hbm>>, %arg7: memref<320000x32xf32, #tpu.memory_space<hbm>>, %arg8: memref<2x10240x32xf32, #tpu.memory_space<hbm>>, %arg9: memref<80x125xi32, #tpu.memory_space<vmem>>, %arg10: memref<80x125xi32, #tpu.memory_space<vmem>>, %arg11: memref<125x32xf32, #tpu.memory_space<vmem>>, %arg12: memref<125x32xf32, #tpu.memory_space<vmem>>, %arg13: memref<125x32xf32, #tpu.memory_space<vmem>>, %arg14: memref<125x32xf32, #tpu.memory_space<vmem>>, %arg15: memref<125x32xf32, #tpu.memory_space<vmem>>, %arg16: memref<125x32xf32, #tpu.memory_space<vmem>>, %arg17: memref<125x32xf32, #tpu.memory_space<vmem>>, %arg18: memref<125x32xf32, #tpu.memory_space<vmem>>, %arg19: memref<!tpu.dma_semaphore, #tpu.memory_space<semaphore_mem>>, %arg20: memref<!tpu.dma_semaphore, #tpu.memory_space<semaphore_mem>>, %arg21: memref<!tpu.dma_semaphore, #tpu.memory_space<semaphore_mem>>, %arg22: memref<!tpu.dma_semaphore, #tpu.memory_space<semaphore_mem>>, %arg23: memref<!tpu.dma_semaphore, #tpu.memory_space<semaphore_mem>>, %arg24: memref<!tpu.dma_semaphore, #tpu.memory_space<semaphore_mem>>, %arg25: memref<!tpu.dma_semaphore, #tpu.memory_space<semaphore_mem>>, %arg26: memref<!tpu.dma_semaphore, #tpu.memory_space<semaphore_mem>>, %arg27: memref<10000x32xf32, #tpu.memory_space<vmem_shared>>, %arg28: memref<640x32xf32, #tpu.memory_space<vmem>>, %arg29: memref<10240x32xf32, #tpu.memory_space<vmem_shared>>) attributes {dimension_semantics = [#tpu.dimension_semantics<core_parallel>, #tpu.dimension_semantics<subcore_parallel>], iteration_bounds = array<i64: 2, 16>, scalar_prefetch = 0 : i64, scratch_operands = 21 : i64, tpu.core_type = #tpu.core_type<sc_vector_subcore>, window_params = [{transform_indices = #map}, {transform_indices = #map}, {transform_indices = #map}, {transform_indices = #map1}, {transform_indices = #map1}, {transform_indices = #map}, {transform_indices = #map1}]} {
    %mul3A = arith.constant 2 : i32
    %mul3A_0 = arith.muli %arg1, %mul3A : i32
    %add3A = arith.addi %mul3A_0, %arg0 : i32
    %mul3A_1 = arith.constant 10000 : i32
    %mul3A_2 = arith.muli %add3A, %mul3A_1 : i32
    "tpu.region"() ({
      %run_scoped3A_249 = tpu.sem_alloc : memref<!tpu.dma_semaphore, #tpu.memory_space<semaphore_mem>>
      %dma_start3A_250 = arith.constant 0 : i32
      %dma_start3A_251 = arith.constant 0 : i32
      %dma_start3A_252 = tpu.memref_slice %arg5[%add3A, %dma_start3A_250, %dma_start3A_251] : memref<32x80x125xi32, #tpu.memory_space<hbm>> -> memref<1x80x125xi32, #tpu.memory_space<hbm>>
      %dma_start3A_253 = tpu.memref_squeeze %dma_start3A_252 : memref<1x80x125xi32, #tpu.memory_space<hbm>> -> memref<80x125xi32, #tpu.memory_space<hbm>>
      %dma_start3A_254 = arith.constant 0 : i32
      %dma_start3A_255 = arith.constant 0 : i32
      %dma_start3A_256 = tpu.memref_slice %arg5[%add3A, %dma_start3A_254, %dma_start3A_255] : memref<32x80x125xi32, #tpu.memory_space<hbm>> -> memref<1x80x125xi32, #tpu.memory_space<hbm>>
      %dma_start3A_257 = tpu.memref_squeeze %dma_start3A_256 : memref<1x80x125xi32, #tpu.memory_space<hbm>> -> memref<80x125xi32, #tpu.memory_space<hbm>>
      tpu.enqueue_dma source(%dma_start3A_257 : memref<80x125xi32, #tpu.memory_space<hbm>>) target(%arg9 : memref<80x125xi32, #tpu.memory_space<vmem>>) target_semaphore(%run_scoped3A_249 : memref<!tpu.dma_semaphore, #tpu.memory_space<semaphore_mem>>)
      %dma_wait3A_258 = arith.constant 0 : i32
      %dma_wait3A_259 = arith.constant 0 : i32
      %dma_wait3A_260 = tpu.memref_slice %arg5[%add3A, %dma_wait3A_258, %dma_wait3A_259] : memref<32x80x125xi32, #tpu.memory_space<hbm>> -> memref<1x80x125xi32, #tpu.memory_space<hbm>>
      %dma_wait3A_261 = tpu.memref_squeeze %dma_wait3A_260 : memref<1x80x125xi32, #tpu.memory_space<hbm>> -> memref<80x125xi32, #tpu.memory_space<hbm>>
      %dma_wait3A_262 = arith.constant 0 : i32
      %dma_wait3A_263 = arith.constant 0 : i32
      %dma_wait3A_264 = tpu.memref_slice %arg5[%add3A, %dma_wait3A_262, %dma_wait3A_263] : memref<32x80x125xi32, #tpu.memory_space<hbm>> -> memref<1x80x125xi32, #tpu.memory_space<hbm>>
      %dma_wait3A_265 = tpu.memref_squeeze %dma_wait3A_264 : memref<1x80x125xi32, #tpu.memory_space<hbm>> -> memref<80x125xi32, #tpu.memory_space<hbm>>
      tpu.wait_dma2 semaphore(%run_scoped3A_249 : memref<!tpu.dma_semaphore, #tpu.memory_space<semaphore_mem>>) src(%dma_wait3A_265 : memref<80x125xi32, #tpu.memory_space<hbm>>) dst(%arg9 : memref<80x125xi32, #tpu.memory_space<vmem>>)
      tpu.yield
    }) : () -> ()
    "tpu.region"() ({
      %run_scoped3A_249 = tpu.sem_alloc : memref<!tpu.dma_semaphore, #tpu.memory_space<semaphore_mem>>
      %dma_start3A_250 = arith.constant 0 : i32
      %dma_start3A_251 = arith.constant 0 : i32
      %dma_start3A_252 = tpu.memref_slice %arg6[%add3A, %dma_start3A_250, %dma_start3A_251] : memref<32x80x125xi32, #tpu.memory_space<hbm>> -> memref<1x80x125xi32, #tpu.memory_space<hbm>>
      %dma_start3A_253 = tpu.memref_squeeze %dma_start3A_252 : memref<1x80x125xi32, #tpu.memory_space<hbm>> -> memref<80x125xi32, #tpu.memory_space<hbm>>
      %dma_start3A_254 = arith.constant 0 : i32
      %dma_start3A_255 = arith.constant 0 : i32
      %dma_start3A_256 = tpu.memref_slice %arg6[%add3A, %dma_start3A_254, %dma_start3A_255] : memref<32x80x125xi32, #tpu.memory_space<hbm>> -> memref<1x80x125xi32, #tpu.memory_space<hbm>>
      %dma_start3A_257 = tpu.memref_squeeze %dma_start3A_256 : memref<1x80x125xi32, #tpu.memory_space<hbm>> -> memref<80x125xi32, #tpu.memory_space<hbm>>
      tpu.enqueue_dma source(%dma_start3A_257 : memref<80x125xi32, #tpu.memory_space<hbm>>) target(%arg10 : memref<80x125xi32, #tpu.memory_space<vmem>>) target_semaphore(%run_scoped3A_249 : memref<!tpu.dma_semaphore, #tpu.memory_space<semaphore_mem>>)
      %dma_wait3A_258 = arith.constant 0 : i32
      %dma_wait3A_259 = arith.constant 0 : i32
      %dma_wait3A_260 = tpu.memref_slice %arg6[%add3A, %dma_wait3A_258, %dma_wait3A_259] : memref<32x80x125xi32, #tpu.memory_space<hbm>> -> memref<1x80x125xi32, #tpu.memory_space<hbm>>
      %dma_wait3A_261 = tpu.memref_squeeze %dma_wait3A_260 : memref<1x80x125xi32, #tpu.memory_space<hbm>> -> memref<80x125xi32, #tpu.memory_space<hbm>>
      %dma_wait3A_262 = arith.constant 0 : i32
      %dma_wait3A_263 = arith.constant 0 : i32
      %dma_wait3A_264 = tpu.memref_slice %arg6[%add3A, %dma_wait3A_262, %dma_wait3A_263] : memref<32x80x125xi32, #tpu.memory_space<hbm>> -> memref<1x80x125xi32, #tpu.memory_space<hbm>>
      %dma_wait3A_265 = tpu.memref_squeeze %dma_wait3A_264 : memref<1x80x125xi32, #tpu.memory_space<hbm>> -> memref<80x125xi32, #tpu.memory_space<hbm>>
      tpu.wait_dma2 semaphore(%run_scoped3A_249 : memref<!tpu.dma_semaphore, #tpu.memory_space<semaphore_mem>>) src(%dma_wait3A_265 : memref<80x125xi32, #tpu.memory_space<hbm>>) dst(%arg10 : memref<80x125xi32, #tpu.memory_space<vmem>>)
      tpu.yield
    }) : () -> ()
    %mul3A_3 = arith.constant 625 : i32
    %mul3A_4 = arith.muli %arg1, %mul3A_3 : i32
    "tpu.region"() ({
      %run_scoped3A_249 = tpu.sem_alloc : memref<!tpu.dma_semaphore, #tpu.memory_space<semaphore_mem>>
      %dma_start3A_250 = arith.constant 0 : i32
      %dma_start3A_251 = tpu.memref_slice %arg27[%mul3A_4, %dma_start3A_250] : memref<10000x32xf32, #tpu.memory_space<vmem_shared>> -> memref<625x32xf32, #tpu.memory_space<vmem_shared>>
      %dma_start3A_252 = arith.constant 0 : i32
      %dma_start3A_253 = tpu.memref_slice %arg2[%mul3A_4, %dma_start3A_252] : memref<10000x32xf32, #tpu.memory_space<hbm>> -> memref<625x32xf32, #tpu.memory_space<hbm>>
      tpu.enqueue_dma source(%dma_start3A_253 : memref<625x32xf32, #tpu.memory_space<hbm>>) target(%dma_start3A_251 : memref<625x32xf32, #tpu.memory_space<vmem_shared>>) target_semaphore(%run_scoped3A_249 : memref<!tpu.dma_semaphore, #tpu.memory_space<semaphore_mem>>)
      %dma_wait3A_254 = arith.constant 0 : i32
      %dma_wait3A_255 = tpu.memref_slice %arg27[%mul3A_4, %dma_wait3A_254] : memref<10000x32xf32, #tpu.memory_space<vmem_shared>> -> memref<625x32xf32, #tpu.memory_space<vmem_shared>>
      %dma_wait3A_256 = arith.constant 0 : i32
      %dma_wait3A_257 = tpu.memref_slice %arg2[%mul3A_4, %dma_wait3A_256] : memref<10000x32xf32, #tpu.memory_space<hbm>> -> memref<625x32xf32, #tpu.memory_space<hbm>>
      tpu.wait_dma2 semaphore(%run_scoped3A_249 : memref<!tpu.dma_semaphore, #tpu.memory_space<semaphore_mem>>) src(%dma_wait3A_257 : memref<625x32xf32, #tpu.memory_space<hbm>>) dst(%dma_wait3A_255 : memref<625x32xf32, #tpu.memory_space<vmem_shared>>)
      tpu.yield
    }) : () -> ()
    %barrier3A = arith.constant 0 : index
    tpu.barrier barrier_id(%barrier3A)
    %scan3A = arith.constant 0 : i32
    %scan3A_5 = arith.constant 0 : i32
    %scan3A_6 = arith.constant 640 : i32
    %scan3A_7 = arith.addi %scan3A_5, %scan3A_6 : i32
    %scan3A_8 = arith.constant 1 : i32
    scf.for %scan3A_249 = %scan3A_5 to %scan3A_7 step %scan3A_8  : i32 {
      %broadcast_in_dim3A = arith.constant 0.000000e+00 : f32
      %broadcast_in_dim3A_250 = vector.broadcast %broadcast_in_dim3A : f32 to vector<16xf32>
      %swap3A = arith.index_cast %scan3A_249 : i32 to index
      %swap3A_251 = arith.constant 0 : index
      %swap3A_252 = tpu.vector_load %arg28[%swap3A, %swap3A_251] {strides = array<i32>} : memref<640x32xf32, #tpu.memory_space<vmem>>, vector<1x16xf32>,
      %swap3A_253 = vector.shape_cast %swap3A_252 : vector<1x16xf32> to vector<16xf32>
      %swap3A_254 = vector.shape_cast %broadcast_in_dim3A_250 : vector<16xf32> to vector<1x16xf32>
      tpu.vector_store %arg28[%swap3A, %swap3A_251], %swap3A_254 {strides = array<i32>} : memref<640x32xf32, #tpu.memory_space<vmem>>, vector<1x16xf32>,
      %broadcast_in_dim3A_255 = arith.constant 0.000000e+00 : f32
      %broadcast_in_dim3A_256 = vector.broadcast %broadcast_in_dim3A_255 : f32 to vector<16xf32>
      %swap3A_257 = arith.index_cast %scan3A_249 : i32 to index
      %swap3A_258 = arith.constant 16 : index
      %swap3A_259 = tpu.vector_load %arg28[%swap3A_257, %swap3A_258] {strides = array<i32>} : memref<640x32xf32, #tpu.memory_space<vmem>>, vector<1x16xf32>,
      %swap3A_260 = vector.shape_cast %swap3A_259 : vector<1x16xf32> to vector<16xf32>
      %swap3A_261 = vector.shape_cast %broadcast_in_dim3A_256 : vector<16xf32> to vector<1x16xf32>
      tpu.vector_store %arg28[%swap3A_257, %swap3A_258], %swap3A_261 {strides = array<i32>} : memref<640x32xf32, #tpu.memory_space<vmem>>, vector<1x16xf32>,
    }
    %scan3A_9 = arith.constant 640 : i32
    %mul3A_10 = arith.constant 640 : i32
    %mul3A_11 = arith.muli %arg1, %mul3A_10 : i32
    "tpu.region"() ({
      %run_scoped3A_249 = tpu.sem_alloc : memref<!tpu.dma_semaphore, #tpu.memory_space<semaphore_mem>>
      %dma_start3A_250 = arith.constant 0 : i32
      %dma_start3A_251 = tpu.memref_slice %arg29[%mul3A_11, %dma_start3A_250] : memref<10240x32xf32, #tpu.memory_space<vmem_shared>> -> memref<640x32xf32, #tpu.memory_space<vmem_shared>>
      %dma_start3A_252 = arith.constant 0 : i32
      %dma_start3A_253 = tpu.memref_slice %arg29[%mul3A_11, %dma_start3A_252] : memref<10240x32xf32, #tpu.memory_space<vmem_shared>> -> memref<640x32xf32, #tpu.memory_space<vmem_shared>>
      tpu.enqueue_dma source(%arg28 : memref<640x32xf32, #tpu.memory_space<vmem>>) target(%dma_start3A_253 : memref<640x32xf32, #tpu.memory_space<vmem_shared>>) target_semaphore(%run_scoped3A_249 : memref<!tpu.dma_semaphore, #tpu.memory_space<semaphore_mem>>)
      %dma_wait3A_254 = arith.constant 0 : i32
      %dma_wait3A_255 = tpu.memref_slice %arg29[%mul3A_11, %dma_wait3A_254] : memref<10240x32xf32, #tpu.memory_space<vmem_shared>> -> memref<640x32xf32, #tpu.memory_space<vmem_shared>>
      %dma_wait3A_256 = arith.constant 0 : i32
      %dma_wait3A_257 = tpu.memref_slice %arg29[%mul3A_11, %dma_wait3A_256] : memref<10240x32xf32, #tpu.memory_space<vmem_shared>> -> memref<640x32xf32, #tpu.memory_space<vmem_shared>>
      tpu.wait_dma2 semaphore(%run_scoped3A_249 : memref<!tpu.dma_semaphore, #tpu.memory_space<semaphore_mem>>) src(%arg28 : memref<640x32xf32, #tpu.memory_space<vmem>>) dst(%dma_wait3A_257 : memref<640x32xf32, #tpu.memory_space<vmem_shared>>)
      tpu.yield
    }) : () -> ()
    %barrier3A_12 = arith.constant 0 : index
    tpu.barrier barrier_id(%barrier3A_12)
    %dma_start3A = arith.constant 0 : i32
    %dma_start3A_13 = arith.constant 0 : i32
    %dma_start3A_14 = tpu.memref_slice %arg9[%dma_start3A, %dma_start3A_13] : memref<80x125xi32, #tpu.memory_space<vmem>> -> memref<1x125xi32, #tpu.memory_space<vmem>>
    %dma_start3A_15 = tpu.memref_squeeze %dma_start3A_14 : memref<1x125xi32, #tpu.memory_space<vmem>> -> memref<125xi32, #tpu.memory_space<vmem>>
    %dma_start3A_16 = arith.constant 0 : i32
    %dma_start3A_17 = arith.constant 0 : i32
    %dma_start3A_18 = tpu.memref_slice %arg27[%dma_start3A_16, %dma_start3A_17] : memref<10000x32xf32, #tpu.memory_space<vmem_shared>> -> memref<10000x32xf32, #tpu.memory_space<vmem_shared>>
    tpu.enqueue_indirect_dma source(%dma_start3A_18 : memref<10000x32xf32, #tpu.memory_space<vmem_shared>>) target(%arg11 : memref<125x32xf32, #tpu.memory_space<vmem>>) offsets(%dma_start3A_15 : memref<125xi32, #tpu.memory_space<vmem>>) semaphore(%arg19 : memref<!tpu.dma_semaphore, #tpu.memory_space<semaphore_mem>>)
    %dma_start3A_19 = arith.constant 0 : i32
    %dma_start3A_20 = arith.constant 0 : i32
    %dma_start3A_21 = tpu.memref_slice %arg10[%dma_start3A_19, %dma_start3A_20] : memref<80x125xi32, #tpu.memory_space<vmem>> -> memref<1x125xi32, #tpu.memory_space<vmem>>
    %dma_start3A_22 = tpu.memref_squeeze %dma_start3A_21 : memref<1x125xi32, #tpu.memory_space<vmem>> -> memref<125xi32, #tpu.memory_space<vmem>>
    %dma_start3A_23 = arith.constant 0 : i32
    %dma_start3A_24 = arith.constant 0 : i32
    %dma_start3A_25 = tpu.memref_slice %arg3[%dma_start3A_23, %dma_start3A_24] : memref<10000x32xf32, #tpu.memory_space<hbm>> -> memref<10000x32xf32, #tpu.memory_space<hbm>>
    tpu.enqueue_indirect_dma source(%dma_start3A_25 : memref<10000x32xf32, #tpu.memory_space<hbm>>) target(%arg13 : memref<125x32xf32, #tpu.memory_space<vmem>>) offsets(%dma_start3A_22 : memref<125xi32, #tpu.memory_space<vmem>>) semaphore(%arg21 : memref<!tpu.dma_semaphore, #tpu.memory_space<semaphore_mem>>)
    %add3A_26 = arith.constant 0 : i32
    %add3A_27 = arith.addi %mul3A_2, %add3A_26 : i32
    %dma_start3A_28 = arith.constant 0 : i32
    %dma_start3A_29 = tpu.memref_slice %arg4[%add3A_27, %dma_start3A_28] : memref<320000x32xf32, #tpu.memory_space<hbm>> -> memref<125x32xf32, #tpu.memory_space<hbm>>
    %dma_start3A_30 = arith.constant 0 : i32
    %dma_start3A_31 = tpu.memref_slice %arg4[%add3A_27, %dma_start3A_30] : memref<320000x32xf32, #tpu.memory_space<hbm>> -> memref<125x32xf32, #tpu.memory_space<hbm>>
    tpu.enqueue_dma source(%dma_start3A_31 : memref<125x32xf32, #tpu.memory_space<hbm>>) target(%arg15 : memref<125x32xf32, #tpu.memory_space<vmem>>) target_semaphore(%arg23 : memref<!tpu.dma_semaphore, #tpu.memory_space<semaphore_mem>>)
    %dma_start3A_32 = arith.constant 1 : i32
    %dma_start3A_33 = arith.constant 0 : i32
    %dma_start3A_34 = tpu.memref_slice %arg9[%dma_start3A_32, %dma_start3A_33] : memref<80x125xi32, #tpu.memory_space<vmem>> -> memref<1x125xi32, #tpu.memory_space<vmem>>
    %dma_start3A_35 = tpu.memref_squeeze %dma_start3A_34 : memref<1x125xi32, #tpu.memory_space<vmem>> -> memref<125xi32, #tpu.memory_space<vmem>>
    %dma_start3A_36 = arith.constant 0 : i32
    %dma_start3A_37 = arith.constant 0 : i32
    %dma_start3A_38 = tpu.memref_slice %arg27[%dma_start3A_36, %dma_start3A_37] : memref<10000x32xf32, #tpu.memory_space<vmem_shared>> -> memref<10000x32xf32, #tpu.memory_space<vmem_shared>>
    tpu.enqueue_indirect_dma source(%dma_start3A_38 : memref<10000x32xf32, #tpu.memory_space<vmem_shared>>) target(%arg12 : memref<125x32xf32, #tpu.memory_space<vmem>>) offsets(%dma_start3A_35 : memref<125xi32, #tpu.memory_space<vmem>>) semaphore(%arg20 : memref<!tpu.dma_semaphore, #tpu.memory_space<semaphore_mem>>)
    %dma_start3A_39 = arith.constant 1 : i32
    %dma_start3A_40 = arith.constant 0 : i32
    %dma_start3A_41 = tpu.memref_slice %arg10[%dma_start3A_39, %dma_start3A_40] : memref<80x125xi32, #tpu.memory_space<vmem>> -> memref<1x125xi32, #tpu.memory_space<vmem>>
    %dma_start3A_42 = tpu.memref_squeeze %dma_start3A_41 : memref<1x125xi32, #tpu.memory_space<vmem>> -> memref<125xi32, #tpu.memory_space<vmem>>
    %dma_start3A_43 = arith.constant 0 : i32
    %dma_start3A_44 = arith.constant 0 : i32
    %dma_start3A_45 = tpu.memref_slice %arg3[%dma_start3A_43, %dma_start3A_44] : memref<10000x32xf32, #tpu.memory_space<hbm>> -> memref<10000x32xf32, #tpu.memory_space<hbm>>
    tpu.enqueue_indirect_dma source(%dma_start3A_45 : memref<10000x32xf32, #tpu.memory_space<hbm>>) target(%arg14 : memref<125x32xf32, #tpu.memory_space<vmem>>) offsets(%dma_start3A_42 : memref<125xi32, #tpu.memory_space<vmem>>) semaphore(%arg22 : memref<!tpu.dma_semaphore, #tpu.memory_space<semaphore_mem>>)
    %add3A_46 = arith.constant 125 : i32
    %add3A_47 = arith.addi %mul3A_2, %add3A_46 : i32
    %dma_start3A_48 = arith.constant 0 : i32
    %dma_start3A_49 = tpu.memref_slice %arg4[%add3A_47, %dma_start3A_48] : memref<320000x32xf32, #tpu.memory_space<hbm>> -> memref<125x32xf32, #tpu.memory_space<hbm>>
    %dma_start3A_50 = arith.constant 0 : i32
    %dma_start3A_51 = tpu.memref_slice %arg4[%add3A_47, %dma_start3A_50] : memref<320000x32xf32, #tpu.memory_space<hbm>> -> memref<125x32xf32, #tpu.memory_space<hbm>>
    tpu.enqueue_dma source(%dma_start3A_51 : memref<125x32xf32, #tpu.memory_space<hbm>>) target(%arg16 : memref<125x32xf32, #tpu.memory_space<vmem>>) target_semaphore(%arg24 : memref<!tpu.dma_semaphore, #tpu.memory_space<semaphore_mem>>)
    %dma_wait3A = arith.constant 0 : i32
    %dma_wait3A_52 = arith.constant 0 : i32
    %dma_wait3A_53 = tpu.memref_slice %arg9[%dma_wait3A, %dma_wait3A_52] : memref<80x125xi32, #tpu.memory_space<vmem>> -> memref<1x125xi32, #tpu.memory_space<vmem>>
    %dma_wait3A_54 = tpu.memref_squeeze %dma_wait3A_53 : memref<1x125xi32, #tpu.memory_space<vmem>> -> memref<125xi32, #tpu.memory_space<vmem>>
    %dma_wait3A_55 = arith.constant 0 : i32
    %dma_wait3A_56 = arith.constant 0 : i32
    %dma_wait3A_57 = tpu.memref_slice %arg27[%dma_wait3A_55, %dma_wait3A_56] : memref<10000x32xf32, #tpu.memory_space<vmem_shared>> -> memref<10000x32xf32, #tpu.memory_space<vmem_shared>>
    tpu.wait_indirect_dma semaphore(%arg19 : memref<!tpu.dma_semaphore, #tpu.memory_space<semaphore_mem>>) src(%dma_wait3A_57 : memref<10000x32xf32, #tpu.memory_space<vmem_shared>>) dst(%arg11 : memref<125x32xf32, #tpu.memory_space<vmem>>)
    %dma_wait3A_58 = arith.constant 0 : i32
    %dma_wait3A_59 = arith.constant 0 : i32
    %dma_wait3A_60 = tpu.memref_slice %arg10[%dma_wait3A_58, %dma_wait3A_59] : memref<80x125xi32, #tpu.memory_space<vmem>> -> memref<1x125xi32, #tpu.memory_space<vmem>>
    %dma_wait3A_61 = tpu.memref_squeeze %dma_wait3A_60 : memref<1x125xi32, #tpu.memory_space<vmem>> -> memref<125xi32, #tpu.memory_space<vmem>>
    %dma_wait3A_62 = arith.constant 0 : i32
    %dma_wait3A_63 = arith.constant 0 : i32
    %dma_wait3A_64 = tpu.memref_slice %arg3[%dma_wait3A_62, %dma_wait3A_63] : memref<10000x32xf32, #tpu.memory_space<hbm>> -> memref<10000x32xf32, #tpu.memory_space<hbm>>
    tpu.wait_indirect_dma semaphore(%arg21 : memref<!tpu.dma_semaphore, #tpu.memory_space<semaphore_mem>>) src(%dma_wait3A_64 : memref<10000x32xf32, #tpu.memory_space<hbm>>) dst(%arg13 : memref<125x32xf32, #tpu.memory_space<vmem>>)
    %add3A_65 = arith.constant 0 : i32
    %add3A_66 = arith.addi %mul3A_2, %add3A_65 : i32
    %dma_wait3A_67 = arith.constant 0 : i32
    %dma_wait3A_68 = tpu.memref_slice %arg4[%add3A_66, %dma_wait3A_67] : memref<320000x32xf32, #tpu.memory_space<hbm>> -> memref<125x32xf32, #tpu.memory_space<hbm>>
    %dma_wait3A_69 = arith.constant 0 : i32
    %dma_wait3A_70 = tpu.memref_slice %arg4[%add3A_66, %dma_wait3A_69] : memref<320000x32xf32, #tpu.memory_space<hbm>> -> memref<125x32xf32, #tpu.memory_space<hbm>>
    tpu.wait_dma2 semaphore(%arg23 : memref<!tpu.dma_semaphore, #tpu.memory_space<semaphore_mem>>) src(%dma_wait3A_70 : memref<125x32xf32, #tpu.memory_space<hbm>>) dst(%arg15 : memref<125x32xf32, #tpu.memory_space<vmem>>)
    %scan3A_71 = arith.constant 0 : i32
    %scan3A_72 = arith.constant 0 : i32
    %scan3A_73 = arith.constant 125 : i32
    %scan3A_74 = arith.addi %scan3A_72, %scan3A_73 : i32
    %scan3A_75 = arith.constant 1 : i32
    scf.for %scan3A_249 = %scan3A_72 to %scan3A_74 step %scan3A_75  : i32 {
      %get3A = arith.index_cast %scan3A_249 : i32 to index
      %get3A_250 = arith.constant 0 : index
      %get3A_251 = tpu.vector_load %arg15[%get3A, %get3A_250] {strides = array<i32>} : memref<125x32xf32, #tpu.memory_space<vmem>>, vector<1x16xf32>,
      %get3A_252 = vector.shape_cast %get3A_251 : vector<1x16xf32> to vector<16xf32>
      %get3A_253 = arith.index_cast %scan3A_249 : i32 to index
      %get3A_254 = arith.constant 0 : index
      %get3A_255 = tpu.vector_load %arg11[%get3A_253, %get3A_254] {strides = array<i32>} : memref<125x32xf32, #tpu.memory_space<vmem>>, vector<1x16xf32>,
      %get3A_256 = vector.shape_cast %get3A_255 : vector<1x16xf32> to vector<16xf32>
      %add3A_257 = arith.addf %get3A_252, %get3A_256 : vector<16xf32>
      %get3A_258 = arith.index_cast %scan3A_249 : i32 to index
      %get3A_259 = arith.constant 0 : index
      %get3A_260 = tpu.vector_load %arg13[%get3A_258, %get3A_259] {strides = array<i32>} : memref<125x32xf32, #tpu.memory_space<vmem>>, vector<1x16xf32>,
      %get3A_261 = vector.shape_cast %get3A_260 : vector<1x16xf32> to vector<16xf32>
      %add3A_262 = arith.addf %add3A_257, %get3A_261 : vector<16xf32>
      %max3A = arith.constant 0.000000e+00 : f32
      %max3A_263 = vector.broadcast %max3A : f32 to vector<16xf32>
      %max3A_264 = arith.maximumf %add3A_262, %max3A_263 : vector<16xf32>
      %swap3A = arith.index_cast %scan3A_249 : i32 to index
      %swap3A_265 = arith.constant 0 : index
      %swap3A_266 = tpu.vector_load %arg17[%swap3A, %swap3A_265] {strides = array<i32>} : memref<125x32xf32, #tpu.memory_space<vmem>>, vector<1x16xf32>,
      %swap3A_267 = vector.shape_cast %swap3A_266 : vector<1x16xf32> to vector<16xf32>
      %swap3A_268 = vector.shape_cast %max3A_264 : vector<16xf32> to vector<1x16xf32>
      tpu.vector_store %arg17[%swap3A, %swap3A_265], %swap3A_268 {strides = array<i32>} : memref<125x32xf32, #tpu.memory_space<vmem>>, vector<1x16xf32>,
      %get3A_269 = arith.index_cast %scan3A_249 : i32 to index
      %get3A_270 = arith.constant 16 : index
      %get3A_271 = tpu.vector_load %arg15[%get3A_269, %get3A_270] {strides = array<i32>} : memref<125x32xf32, #tpu.memory_space<vmem>>, vector<1x16xf32>,
      %get3A_272 = vector.shape_cast %get3A_271 : vector<1x16xf32> to vector<16xf32>
      %get3A_273 = arith.index_cast %scan3A_249 : i32 to index
      %get3A_274 = arith.constant 16 : index
      %get3A_275 = tpu.vector_load %arg11[%get3A_273, %get3A_274] {strides = array<i32>} : memref<125x32xf32, #tpu.memory_space<vmem>>, vector<1x16xf32>,
      %get3A_276 = vector.shape_cast %get3A_275 : vector<1x16xf32> to vector<16xf32>
      %add3A_277 = arith.addf %get3A_272, %get3A_276 : vector<16xf32>
      %get3A_278 = arith.index_cast %scan3A_249 : i32 to index
      %get3A_279 = arith.constant 16 : index
      %get3A_280 = tpu.vector_load %arg13[%get3A_278, %get3A_279] {strides = array<i32>} : memref<125x32xf32, #tpu.memory_space<vmem>>, vector<1x16xf32>,
      %get3A_281 = vector.shape_cast %get3A_280 : vector<1x16xf32> to vector<16xf32>
      %add3A_282 = arith.addf %add3A_277, %get3A_281 : vector<16xf32>
      %max3A_283 = arith.constant 0.000000e+00 : f32
      %max3A_284 = vector.broadcast %max3A_283 : f32 to vector<16xf32>
      %max3A_285 = arith.maximumf %add3A_282, %max3A_284 : vector<16xf32>
      %swap3A_286 = arith.index_cast %scan3A_249 : i32 to index
      %swap3A_287 = arith.constant 16 : index
      %swap3A_288 = tpu.vector_load %arg17[%swap3A_286, %swap3A_287] {strides = array<i32>} : memref<125x32xf32, #tpu.memory_space<vmem>>, vector<1x16xf32>,
      %swap3A_289 = vector.shape_cast %swap3A_288 : vector<1x16xf32> to vector<16xf32>
      %swap3A_290 = vector.shape_cast %max3A_285 : vector<16xf32> to vector<1x16xf32>
      tpu.vector_store %arg17[%swap3A_286, %swap3A_287], %swap3A_290 {strides = array<i32>} : memref<125x32xf32, #tpu.memory_space<vmem>>, vector<1x16xf32>,
    }
    %scan3A_76 = arith.constant 125 : i32
    %add3A_77 = arith.constant 0 : i32
    %add3A_78 = arith.addi %mul3A_2, %add3A_77 : i32
    %dma_start3A_79 = arith.constant 0 : i32
    %dma_start3A_80 = tpu.memref_slice %arg7[%add3A_78, %dma_start3A_79] : memref<320000x32xf32, #tpu.memory_space<hbm>> -> memref<125x32xf32, #tpu.memory_space<hbm>>
    %dma_start3A_81 = arith.constant 0 : i32
    %dma_start3A_82 = tpu.memref_slice %arg7[%add3A_78, %dma_start3A_81] : memref<320000x32xf32, #tpu.memory_space<hbm>> -> memref<125x32xf32, #tpu.memory_space<hbm>>
    tpu.enqueue_dma source(%arg17 : memref<125x32xf32, #tpu.memory_space<vmem>>) target(%dma_start3A_82 : memref<125x32xf32, #tpu.memory_space<hbm>>) target_semaphore(%arg25 : memref<!tpu.dma_semaphore, #tpu.memory_space<semaphore_mem>>)
    %run_scoped3A = arith.constant 0 : i32
    "tpu.region"() ({
      %run_scoped3A_249 = tpu.sem_alloc : memref<!tpu.dma_semaphore, #tpu.memory_space<semaphore_mem>>
      %dma_start3A_250 = arith.constant 0 : i32
      %dma_start3A_251 = tpu.memref_slice %arg10[%run_scoped3A, %dma_start3A_250] : memref<80x125xi32, #tpu.memory_space<vmem>> -> memref<1x125xi32, #tpu.memory_space<vmem>>
      %dma_start3A_252 = tpu.memref_squeeze %dma_start3A_251 : memref<1x125xi32, #tpu.memory_space<vmem>> -> memref<125xi32, #tpu.memory_space<vmem>>
      %dma_start3A_253 = arith.constant 0 : i32
      %dma_start3A_254 = arith.constant 0 : i32
      %dma_start3A_255 = tpu.memref_slice %arg29[%dma_start3A_253, %dma_start3A_254] : memref<10240x32xf32, #tpu.memory_space<vmem_shared>> -> memref<10240x32xf32, #tpu.memory_space<vmem_shared>>
      tpu.enqueue_indirect_dma source(%arg17 : memref<125x32xf32, #tpu.memory_space<vmem>>) target(%dma_start3A_255 : memref<10240x32xf32, #tpu.memory_space<vmem_shared>>) offsets(%dma_start3A_252 : memref<125xi32, #tpu.memory_space<vmem>>) semaphore(%run_scoped3A_249 : memref<!tpu.dma_semaphore, #tpu.memory_space<semaphore_mem>>) {add = true}
      %dma_wait3A_256 = arith.constant 0 : i32
      %dma_wait3A_257 = tpu.memref_slice %arg10[%run_scoped3A, %dma_wait3A_256] : memref<80x125xi32, #tpu.memory_space<vmem>> -> memref<1x125xi32, #tpu.memory_space<vmem>>
      %dma_wait3A_258 = tpu.memref_squeeze %dma_wait3A_257 : memref<1x125xi32, #tpu.memory_space<vmem>> -> memref<125xi32, #tpu.memory_space<vmem>>
      %dma_wait3A_259 = arith.constant 0 : i32
      %dma_wait3A_260 = arith.constant 0 : i32
      %dma_wait3A_261 = tpu.memref_slice %arg29[%dma_wait3A_259, %dma_wait3A_260] : memref<10240x32xf32, #tpu.memory_space<vmem_shared>> -> memref<10240x32xf32, #tpu.memory_space<vmem_shared>>
      tpu.wait_indirect_dma semaphore(%run_scoped3A_249 : memref<!tpu.dma_semaphore, #tpu.memory_space<semaphore_mem>>) src(%arg17 : memref<125x32xf32, #tpu.memory_space<vmem>>) dst(%dma_wait3A_261 : memref<10240x32xf32, #tpu.memory_space<vmem_shared>>)
      tpu.yield
    }) : () -> ()
    %dma_start3A_83 = arith.constant 2 : i32
    %dma_start3A_84 = arith.constant 0 : i32
    %dma_start3A_85 = tpu.memref_slice %arg9[%dma_start3A_83, %dma_start3A_84] : memref<80x125xi32, #tpu.memory_space<vmem>> -> memref<1x125xi32, #tpu.memory_space<vmem>>
    %dma_start3A_86 = tpu.memref_squeeze %dma_start3A_85 : memref<1x125xi32, #tpu.memory_space<vmem>> -> memref<125xi32, #tpu.memory_space<vmem>>
    %dma_start3A_87 = arith.constant 0 : i32
    %dma_start3A_88 = arith.constant 0 : i32
    %dma_start3A_89 = tpu.memref_slice %arg27[%dma_start3A_87, %dma_start3A_88] : memref<10000x32xf32, #tpu.memory_space<vmem_shared>> -> memref<10000x32xf32, #tpu.memory_space<vmem_shared>>
    tpu.enqueue_indirect_dma source(%dma_start3A_89 : memref<10000x32xf32, #tpu.memory_space<vmem_shared>>) target(%arg11 : memref<125x32xf32, #tpu.memory_space<vmem>>) offsets(%dma_start3A_86 : memref<125xi32, #tpu.memory_space<vmem>>) semaphore(%arg19 : memref<!tpu.dma_semaphore, #tpu.memory_space<semaphore_mem>>)
    %dma_start3A_90 = arith.constant 2 : i32
    %dma_start3A_91 = arith.constant 0 : i32
    %dma_start3A_92 = tpu.memref_slice %arg10[%dma_start3A_90, %dma_start3A_91] : memref<80x125xi32, #tpu.memory_space<vmem>> -> memref<1x125xi32, #tpu.memory_space<vmem>>
    %dma_start3A_93 = tpu.memref_squeeze %dma_start3A_92 : memref<1x125xi32, #tpu.memory_space<vmem>> -> memref<125xi32, #tpu.memory_space<vmem>>
    %dma_start3A_94 = arith.constant 0 : i32
    %dma_start3A_95 = arith.constant 0 : i32
    %dma_start3A_96 = tpu.memref_slice %arg3[%dma_start3A_94, %dma_start3A_95] : memref<10000x32xf32, #tpu.memory_space<hbm>> -> memref<10000x32xf32, #tpu.memory_space<hbm>>
    tpu.enqueue_indirect_dma source(%dma_start3A_96 : memref<10000x32xf32, #tpu.memory_space<hbm>>) target(%arg13 : memref<125x32xf32, #tpu.memory_space<vmem>>) offsets(%dma_start3A_93 : memref<125xi32, #tpu.memory_space<vmem>>) semaphore(%arg21 : memref<!tpu.dma_semaphore, #tpu.memory_space<semaphore_mem>>)
    %add3A_97 = arith.constant 250 : i32
    %add3A_98 = arith.addi %mul3A_2, %add3A_97 : i32
    %dma_start3A_99 = arith.constant 0 : i32
    %dma_start3A_100 = tpu.memref_slice %arg4[%add3A_98, %dma_start3A_99] : memref<320000x32xf32, #tpu.memory_space<hbm>> -> memref<125x32xf32, #tpu.memory_space<hbm>>
    %dma_start3A_101 = arith.constant 0 : i32
    %dma_start3A_102 = tpu.memref_slice %arg4[%add3A_98, %dma_start3A_101] : memref<320000x32xf32, #tpu.memory_space<hbm>> -> memref<125x32xf32, #tpu.memory_space<hbm>>
    tpu.enqueue_dma source(%dma_start3A_102 : memref<125x32xf32, #tpu.memory_space<hbm>>) target(%arg15 : memref<125x32xf32, #tpu.memory_space<vmem>>) target_semaphore(%arg23 : memref<!tpu.dma_semaphore, #tpu.memory_space<semaphore_mem>>)
    %dma_wait3A_103 = arith.constant 1 : i32
    %dma_wait3A_104 = arith.constant 0 : i32
    %dma_wait3A_105 = tpu.memref_slice %arg9[%dma_wait3A_103, %dma_wait3A_104] : memref<80x125xi32, #tpu.memory_space<vmem>> -> memref<1x125xi32, #tpu.memory_space<vmem>>
    %dma_wait3A_106 = tpu.memref_squeeze %dma_wait3A_105 : memref<1x125xi32, #tpu.memory_space<vmem>> -> memref<125xi32, #tpu.memory_space<vmem>>
    %dma_wait3A_107 = arith.constant 0 : i32
    %dma_wait3A_108 = arith.constant 0 : i32
    %dma_wait3A_109 = tpu.memref_slice %arg27[%dma_wait3A_107, %dma_wait3A_108] : memref<10000x32xf32, #tpu.memory_space<vmem_shared>> -> memref<10000x32xf32, #tpu.memory_space<vmem_shared>>
    tpu.wait_indirect_dma semaphore(%arg20 : memref<!tpu.dma_semaphore, #tpu.memory_space<semaphore_mem>>) src(%dma_wait3A_109 : memref<10000x32xf32, #tpu.memory_space<vmem_shared>>) dst(%arg12 : memref<125x32xf32, #tpu.memory_space<vmem>>)
    %dma_wait3A_110 = arith.constant 1 : i32
    %dma_wait3A_111 = arith.constant 0 : i32
    %dma_wait3A_112 = tpu.memref_slice %arg10[%dma_wait3A_110, %dma_wait3A_111] : memref<80x125xi32, #tpu.memory_space<vmem>> -> memref<1x125xi32, #tpu.memory_space<vmem>>
    %dma_wait3A_113 = tpu.memref_squeeze %dma_wait3A_112 : memref<1x125xi32, #tpu.memory_space<vmem>> -> memref<125xi32, #tpu.memory_space<vmem>>
    %dma_wait3A_114 = arith.constant 0 : i32
    %dma_wait3A_115 = arith.constant 0 : i32
    %dma_wait3A_116 = tpu.memref_slice %arg3[%dma_wait3A_114, %dma_wait3A_115] : memref<10000x32xf32, #tpu.memory_space<hbm>> -> memref<10000x32xf32, #tpu.memory_space<hbm>>
    tpu.wait_indirect_dma semaphore(%arg22 : memref<!tpu.dma_semaphore, #tpu.memory_space<semaphore_mem>>) src(%dma_wait3A_116 : memref<10000x32xf32, #tpu.memory_space<hbm>>) dst(%arg14 : memref<125x32xf32, #tpu.memory_space<vmem>>)
    %add3A_117 = arith.constant 125 : i32
    %add3A_118 = arith.addi %mul3A_2, %add3A_117 : i32
    %dma_wait3A_119 = arith.constant 0 : i32
    %dma_wait3A_120 = tpu.memref_slice %arg4[%add3A_118, %dma_wait3A_119] : memref<320000x32xf32, #tpu.memory_space<hbm>> -> memref<125x32xf32, #tpu.memory_space<hbm>>
    %dma_wait3A_121 = arith.constant 0 : i32
    %dma_wait3A_122 = tpu.memref_slice %arg4[%add3A_118, %dma_wait3A_121] : memref<320000x32xf32, #tpu.memory_space<hbm>> -> memref<125x32xf32, #tpu.memory_space<hbm>>
    tpu.wait_dma2 semaphore(%arg24 : memref<!tpu.dma_semaphore, #tpu.memory_space<semaphore_mem>>) src(%dma_wait3A_122 : memref<125x32xf32, #tpu.memory_space<hbm>>) dst(%arg16 : memref<125x32xf32, #tpu.memory_space<vmem>>)
    %scan3A_123 = arith.constant 0 : i32
    %scan3A_124 = arith.constant 0 : i32
    %scan3A_125 = arith.constant 125 : i32
    %scan3A_126 = arith.addi %scan3A_124, %scan3A_125 : i32
    %scan3A_127 = arith.constant 1 : i32
    scf.for %scan3A_249 = %scan3A_124 to %scan3A_126 step %scan3A_127  : i32 {
      %get3A = arith.index_cast %scan3A_249 : i32 to index
      %get3A_250 = arith.constant 0 : index
      %get3A_251 = tpu.vector_load %arg16[%get3A, %get3A_250] {strides = array<i32>} : memref<125x32xf32, #tpu.memory_space<vmem>>, vector<1x16xf32>,
      %get3A_252 = vector.shape_cast %get3A_251 : vector<1x16xf32> to vector<16xf32>
      %get3A_253 = arith.index_cast %scan3A_249 : i32 to index
      %get3A_254 = arith.constant 0 : index
      %get3A_255 = tpu.vector_load %arg12[%get3A_253, %get3A_254] {strides = array<i32>} : memref<125x32xf32, #tpu.memory_space<vmem>>, vector<1x16xf32>,
      %get3A_256 = vector.shape_cast %get3A_255 : vector<1x16xf32> to vector<16xf32>
      %add3A_257 = arith.addf %get3A_252, %get3A_256 : vector<16xf32>
      %get3A_258 = arith.index_cast %scan3A_249 : i32 to index
      %get3A_259 = arith.constant 0 : index
      %get3A_260 = tpu.vector_load %arg14[%get3A_258, %get3A_259] {strides = array<i32>} : memref<125x32xf32, #tpu.memory_space<vmem>>, vector<1x16xf32>,
      %get3A_261 = vector.shape_cast %get3A_260 : vector<1x16xf32> to vector<16xf32>
      %add3A_262 = arith.addf %add3A_257, %get3A_261 : vector<16xf32>
      %max3A = arith.constant 0.000000e+00 : f32
      %max3A_263 = vector.broadcast %max3A : f32 to vector<16xf32>
      %max3A_264 = arith.maximumf %add3A_262, %max3A_263 : vector<16xf32>
      %swap3A = arith.index_cast %scan3A_249 : i32 to index
      %swap3A_265 = arith.constant 0 : index
      %swap3A_266 = tpu.vector_load %arg18[%swap3A, %swap3A_265] {strides = array<i32>} : memref<125x32xf32, #tpu.memory_space<vmem>>, vector<1x16xf32>,
      %swap3A_267 = vector.shape_cast %swap3A_266 : vector<1x16xf32> to vector<16xf32>
      %swap3A_268 = vector.shape_cast %max3A_264 : vector<16xf32> to vector<1x16xf32>
      tpu.vector_store %arg18[%swap3A, %swap3A_265], %swap3A_268 {strides = array<i32>} : memref<125x32xf32, #tpu.memory_space<vmem>>, vector<1x16xf32>,
      %get3A_269 = arith.index_cast %scan3A_249 : i32 to index
      %get3A_270 = arith.constant 16 : index
      %get3A_271 = tpu.vector_load %arg16[%get3A_269, %get3A_270] {strides = array<i32>} : memref<125x32xf32, #tpu.memory_space<vmem>>, vector<1x16xf32>,
      %get3A_272 = vector.shape_cast %get3A_271 : vector<1x16xf32> to vector<16xf32>
      %get3A_273 = arith.index_cast %scan3A_249 : i32 to index
      %get3A_274 = arith.constant 16 : index
      %get3A_275 = tpu.vector_load %arg12[%get3A_273, %get3A_274] {strides = array<i32>} : memref<125x32xf32, #tpu.memory_space<vmem>>, vector<1x16xf32>,
      %get3A_276 = vector.shape_cast %get3A_275 : vector<1x16xf32> to vector<16xf32>
      %add3A_277 = arith.addf %get3A_272, %get3A_276 : vector<16xf32>
      %get3A_278 = arith.index_cast %scan3A_249 : i32 to index
      %get3A_279 = arith.constant 16 : index
      %get3A_280 = tpu.vector_load %arg14[%get3A_278, %get3A_279] {strides = array<i32>} : memref<125x32xf32, #tpu.memory_space<vmem>>, vector<1x16xf32>,
      %get3A_281 = vector.shape_cast %get3A_280 : vector<1x16xf32> to vector<16xf32>
      %add3A_282 = arith.addf %add3A_277, %get3A_281 : vector<16xf32>
      %max3A_283 = arith.constant 0.000000e+00 : f32
      %max3A_284 = vector.broadcast %max3A_283 : f32 to vector<16xf32>
      %max3A_285 = arith.maximumf %add3A_282, %max3A_284 : vector<16xf32>
      %swap3A_286 = arith.index_cast %scan3A_249 : i32 to index
      %swap3A_287 = arith.constant 16 : index
      %swap3A_288 = tpu.vector_load %arg18[%swap3A_286, %swap3A_287] {strides = array<i32>} : memref<125x32xf32, #tpu.memory_space<vmem>>, vector<1x16xf32>,
      %swap3A_289 = vector.shape_cast %swap3A_288 : vector<1x16xf32> to vector<16xf32>
      %swap3A_290 = vector.shape_cast %max3A_285 : vector<16xf32> to vector<1x16xf32>
      tpu.vector_store %arg18[%swap3A_286, %swap3A_287], %swap3A_290 {strides = array<i32>} : memref<125x32xf32, #tpu.memory_space<vmem>>, vector<1x16xf32>,
    }
    %scan3A_128 = arith.constant 125 : i32
    %add3A_129 = arith.constant 125 : i32
    %add3A_130 = arith.addi %mul3A_2, %add3A_129 : i32
    %dma_start3A_131 = arith.constant 0 : i32
    %dma_start3A_132 = tpu.memref_slice %arg7[%add3A_130, %dma_start3A_131] : memref<320000x32xf32, #tpu.memory_space<hbm>> -> memref<125x32xf32, #tpu.memory_space<hbm>>
    %dma_start3A_133 = arith.constant 0 : i32
    %dma_start3A_134 = tpu.memref_slice %arg7[%add3A_130, %dma_start3A_133] : memref<320000x32xf32, #tpu.memory_space<hbm>> -> memref<125x32xf32, #tpu.memory_space<hbm>>
    tpu.enqueue_dma source(%arg18 : memref<125x32xf32, #tpu.memory_space<vmem>>) target(%dma_start3A_134 : memref<125x32xf32, #tpu.memory_space<hbm>>) target_semaphore(%arg26 : memref<!tpu.dma_semaphore, #tpu.memory_space<semaphore_mem>>)
    %run_scoped3A_135 = arith.constant 1 : i32
    "tpu.region"() ({
      %run_scoped3A_249 = tpu.sem_alloc : memref<!tpu.dma_semaphore, #tpu.memory_space<semaphore_mem>>
      %dma_start3A_250 = arith.constant 0 : i32
      %dma_start3A_251 = tpu.memref_slice %arg10[%run_scoped3A_135, %dma_start3A_250] : memref<80x125xi32, #tpu.memory_space<vmem>> -> memref<1x125xi32, #tpu.memory_space<vmem>>
      %dma_start3A_252 = tpu.memref_squeeze %dma_start3A_251 : memref<1x125xi32, #tpu.memory_space<vmem>> -> memref<125xi32, #tpu.memory_space<vmem>>
      %dma_start3A_253 = arith.constant 0 : i32
      %dma_start3A_254 = arith.constant 0 : i32
      %dma_start3A_255 = tpu.memref_slice %arg29[%dma_start3A_253, %dma_start3A_254] : memref<10240x32xf32, #tpu.memory_space<vmem_shared>> -> memref<10240x32xf32, #tpu.memory_space<vmem_shared>>
      tpu.enqueue_indirect_dma source(%arg18 : memref<125x32xf32, #tpu.memory_space<vmem>>) target(%dma_start3A_255 : memref<10240x32xf32, #tpu.memory_space<vmem_shared>>) offsets(%dma_start3A_252 : memref<125xi32, #tpu.memory_space<vmem>>) semaphore(%run_scoped3A_249 : memref<!tpu.dma_semaphore, #tpu.memory_space<semaphore_mem>>) {add = true}
      %dma_wait3A_256 = arith.constant 0 : i32
      %dma_wait3A_257 = tpu.memref_slice %arg10[%run_scoped3A_135, %dma_wait3A_256] : memref<80x125xi32, #tpu.memory_space<vmem>> -> memref<1x125xi32, #tpu.memory_space<vmem>>
      %dma_wait3A_258 = tpu.memref_squeeze %dma_wait3A_257 : memref<1x125xi32, #tpu.memory_space<vmem>> -> memref<125xi32, #tpu.memory_space<vmem>>
      %dma_wait3A_259 = arith.constant 0 : i32
      %dma_wait3A_260 = arith.constant 0 : i32
      %dma_wait3A_261 = tpu.memref_slice %arg29[%dma_wait3A_259, %dma_wait3A_260] : memref<10240x32xf32, #tpu.memory_space<vmem_shared>> -> memref<10240x32xf32, #tpu.memory_space<vmem_shared>>
      tpu.wait_indirect_dma semaphore(%run_scoped3A_249 : memref<!tpu.dma_semaphore, #tpu.memory_space<semaphore_mem>>) src(%arg18 : memref<125x32xf32, #tpu.memory_space<vmem>>) dst(%dma_wait3A_261 : memref<10240x32xf32, #tpu.memory_space<vmem_shared>>)
      tpu.yield
    }) : () -> ()
    %dma_start3A_136 = arith.constant 3 : i32
    %dma_start3A_137 = arith.constant 0 : i32
    %dma_start3A_138 = tpu.memref_slice %arg9[%dma_start3A_136, %dma_start3A_137] : memref<80x125xi32, #tpu.memory_space<vmem>> -> memref<1x125xi32, #tpu.memory_space<vmem>>
    %dma_start3A_139 = tpu.memref_squeeze %dma_start3A_138 : memref<1x125xi32, #tpu.memory_space<vmem>> -> memref<125xi32, #tpu.memory_space<vmem>>
    %dma_start3A_140 = arith.constant 0 : i32
    %dma_start3A_141 = arith.constant 0 : i32
    %dma_start3A_142 = tpu.memref_slice %arg27[%dma_start3A_140, %dma_start3A_141] : memref<10000x32xf32, #tpu.memory_space<vmem_shared>> -> memref<10000x32xf32, #tpu.memory_space<vmem_shared>>
    tpu.enqueue_indirect_dma source(%dma_start3A_142 : memref<10000x32xf32, #tpu.memory_space<vmem_shared>>) target(%arg12 : memref<125x32xf32, #tpu.memory_space<vmem>>) offsets(%dma_start3A_139 : memref<125xi32, #tpu.memory_space<vmem>>) semaphore(%arg20 : memref<!tpu.dma_semaphore, #tpu.memory_space<semaphore_mem>>)
    %dma_start3A_143 = arith.constant 3 : i32
    %dma_start3A_144 = arith.constant 0 : i32
    %dma_start3A_145 = tpu.memref_slice %arg10[%dma_start3A_143, %dma_start3A_144] : memref<80x125xi32, #tpu.memory_space<vmem>> -> memref<1x125xi32, #tpu.memory_space<vmem>>
    %dma_start3A_146 = tpu.memref_squeeze %dma_start3A_145 : memref<1x125xi32, #tpu.memory_space<vmem>> -> memref<125xi32, #tpu.memory_space<vmem>>
    %dma_start3A_147 = arith.constant 0 : i32
    %dma_start3A_148 = arith.constant 0 : i32
    %dma_start3A_149 = tpu.memref_slice %arg3[%dma_start3A_147, %dma_start3A_148] : memref<10000x32xf32, #tpu.memory_space<hbm>> -> memref<10000x32xf32, #tpu.memory_space<hbm>>
    tpu.enqueue_indirect_dma source(%dma_start3A_149 : memref<10000x32xf32, #tpu.memory_space<hbm>>) target(%arg14 : memref<125x32xf32, #tpu.memory_space<vmem>>) offsets(%dma_start3A_146 : memref<125xi32, #tpu.memory_space<vmem>>) semaphore(%arg22 : memref<!tpu.dma_semaphore, #tpu.memory_space<semaphore_mem>>)
    %add3A_150 = arith.constant 375 : i32
    %add3A_151 = arith.addi %mul3A_2, %add3A_150 : i32
    %dma_start3A_152 = arith.constant 0 : i32
    %dma_start3A_153 = tpu.memref_slice %arg4[%add3A_151, %dma_start3A_152] : memref<320000x32xf32, #tpu.memory_space<hbm>> -> memref<125x32xf32, #tpu.memory_space<hbm>>
    %dma_start3A_154 = arith.constant 0 : i32
    %dma_start3A_155 = tpu.memref_slice %arg4[%add3A_151, %dma_start3A_154] : memref<320000x32xf32, #tpu.memory_space<hbm>> -> memref<125x32xf32, #tpu.memory_space<hbm>>
    tpu.enqueue_dma source(%dma_start3A_155 : memref<125x32xf32, #tpu.memory_space<hbm>>) target(%arg16 : memref<125x32xf32, #tpu.memory_space<vmem>>) target_semaphore(%arg24 : memref<!tpu.dma_semaphore, #tpu.memory_space<semaphore_mem>>)
    %scan3A_156 = arith.constant 0 : i32
    %scan3A_157 = arith.constant 1 : i32
    %scan3A_158 = arith.constant 38 : i32
    %scan3A_159 = arith.addi %scan3A_157, %scan3A_158 : i32
    %scan3A_160 = arith.constant 1 : i32
    scf.for %scan3A_249 = %scan3A_157 to %scan3A_159 step %scan3A_160  : i32 {
      %mul3A_250 = arith.constant 2 : i32
      %mul3A_251 = arith.muli %mul3A_250, %scan3A_249 : i32
      %dma_wait3A_252 = arith.constant 0 : i32
      %dma_wait3A_253 = tpu.memref_slice %arg9[%mul3A_251, %dma_wait3A_252] : memref<80x125xi32, #tpu.memory_space<vmem>> -> memref<1x125xi32, #tpu.memory_space<vmem>>
      %dma_wait3A_254 = tpu.memref_squeeze %dma_wait3A_253 : memref<1x125xi32, #tpu.memory_space<vmem>> -> memref<125xi32, #tpu.memory_space<vmem>>
      %dma_wait3A_255 = arith.constant 0 : i32
      %dma_wait3A_256 = arith.constant 0 : i32
      %dma_wait3A_257 = tpu.memref_slice %arg27[%dma_wait3A_255, %dma_wait3A_256] : memref<10000x32xf32, #tpu.memory_space<vmem_shared>> -> memref<10000x32xf32, #tpu.memory_space<vmem_shared>>
      tpu.wait_indirect_dma semaphore(%arg19 : memref<!tpu.dma_semaphore, #tpu.memory_space<semaphore_mem>>) src(%dma_wait3A_257 : memref<10000x32xf32, #tpu.memory_space<vmem_shared>>) dst(%arg11 : memref<125x32xf32, #tpu.memory_space<vmem>>)
      %dma_wait3A_258 = arith.constant 0 : i32
      %dma_wait3A_259 = tpu.memref_slice %arg10[%mul3A_251, %dma_wait3A_258] : memref<80x125xi32, #tpu.memory_space<vmem>> -> memref<1x125xi32, #tpu.memory_space<vmem>>
      %dma_wait3A_260 = tpu.memref_squeeze %dma_wait3A_259 : memref<1x125xi32, #tpu.memory_space<vmem>> -> memref<125xi32, #tpu.memory_space<vmem>>
      %dma_wait3A_261 = arith.constant 0 : i32
      %dma_wait3A_262 = arith.constant 0 : i32
      %dma_wait3A_263 = tpu.memref_slice %arg3[%dma_wait3A_261, %dma_wait3A_262] : memref<10000x32xf32, #tpu.memory_space<hbm>> -> memref<10000x32xf32, #tpu.memory_space<hbm>>
      tpu.wait_indirect_dma semaphore(%arg21 : memref<!tpu.dma_semaphore, #tpu.memory_space<semaphore_mem>>) src(%dma_wait3A_263 : memref<10000x32xf32, #tpu.memory_space<hbm>>) dst(%arg13 : memref<125x32xf32, #tpu.memory_space<vmem>>)
      %mul3A_264 = arith.constant 125 : i32
      %mul3A_265 = arith.muli %mul3A_251, %mul3A_264 : i32
      %add3A_266 = arith.addi %mul3A_2, %mul3A_265 : i32
      %dma_wait3A_267 = arith.constant 0 : i32
      %dma_wait3A_268 = tpu.memref_slice %arg4[%add3A_266, %dma_wait3A_267] : memref<320000x32xf32, #tpu.memory_space<hbm>> -> memref<125x32xf32, #tpu.memory_space<hbm>>
      %dma_wait3A_269 = arith.constant 0 : i32
      %dma_wait3A_270 = tpu.memref_slice %arg4[%add3A_266, %dma_wait3A_269] : memref<320000x32xf32, #tpu.memory_space<hbm>> -> memref<125x32xf32, #tpu.memory_space<hbm>>
      tpu.wait_dma2 semaphore(%arg23 : memref<!tpu.dma_semaphore, #tpu.memory_space<semaphore_mem>>) src(%dma_wait3A_270 : memref<125x32xf32, #tpu.memory_space<hbm>>) dst(%arg15 : memref<125x32xf32, #tpu.memory_space<vmem>>)
      %dma_wait3A_271 = arith.constant 0 : i32
      %dma_wait3A_272 = tpu.memref_slice %arg7[%mul3A_2, %dma_wait3A_271] : memref<320000x32xf32, #tpu.memory_space<hbm>> -> memref<125x32xf32, #tpu.memory_space<hbm>>
      %dma_wait3A_273 = arith.constant 0 : i32
      %dma_wait3A_274 = tpu.memref_slice %arg7[%mul3A_2, %dma_wait3A_273] : memref<320000x32xf32, #tpu.memory_space<hbm>> -> memref<125x32xf32, #tpu.memory_space<hbm>>
      tpu.wait_dma2 semaphore(%arg25 : memref<!tpu.dma_semaphore, #tpu.memory_space<semaphore_mem>>) src(%arg17 : memref<125x32xf32, #tpu.memory_space<vmem>>) dst(%dma_wait3A_274 : memref<125x32xf32, #tpu.memory_space<hbm>>)
      %scan3A_275 = arith.constant 0 : i32
      %scan3A_276 = arith.constant 0 : i32
      %scan3A_277 = arith.constant 125 : i32
      %scan3A_278 = arith.addi %scan3A_276, %scan3A_277 : i32
      %scan3A_279 = arith.constant 1 : i32
      scf.for %scan3A_374 = %scan3A_276 to %scan3A_278 step %scan3A_279  : i32 {
        %get3A = arith.index_cast %scan3A_374 : i32 to index
        %get3A_375 = arith.constant 0 : index
        %get3A_376 = tpu.vector_load %arg15[%get3A, %get3A_375] {strides = array<i32>} : memref<125x32xf32, #tpu.memory_space<vmem>>, vector<1x16xf32>,
        %get3A_377 = vector.shape_cast %get3A_376 : vector<1x16xf32> to vector<16xf32>
        %get3A_378 = arith.index_cast %scan3A_374 : i32 to index
        %get3A_379 = arith.constant 0 : index
        %get3A_380 = tpu.vector_load %arg11[%get3A_378, %get3A_379] {strides = array<i32>} : memref<125x32xf32, #tpu.memory_space<vmem>>, vector<1x16xf32>,
        %get3A_381 = vector.shape_cast %get3A_380 : vector<1x16xf32> to vector<16xf32>
        %add3A_382 = arith.addf %get3A_377, %get3A_381 : vector<16xf32>
        %get3A_383 = arith.index_cast %scan3A_374 : i32 to index
        %get3A_384 = arith.constant 0 : index
        %get3A_385 = tpu.vector_load %arg13[%get3A_383, %get3A_384] {strides = array<i32>} : memref<125x32xf32, #tpu.memory_space<vmem>>, vector<1x16xf32>,
        %get3A_386 = vector.shape_cast %get3A_385 : vector<1x16xf32> to vector<16xf32>
        %add3A_387 = arith.addf %add3A_382, %get3A_386 : vector<16xf32>
        %max3A = arith.constant 0.000000e+00 : f32
        %max3A_388 = vector.broadcast %max3A : f32 to vector<16xf32>
        %max3A_389 = arith.maximumf %add3A_387, %max3A_388 : vector<16xf32>
        %swap3A = arith.index_cast %scan3A_374 : i32 to index
        %swap3A_390 = arith.constant 0 : index
        %swap3A_391 = tpu.vector_load %arg17[%swap3A, %swap3A_390] {strides = array<i32>} : memref<125x32xf32, #tpu.memory_space<vmem>>, vector<1x16xf32>,
        %swap3A_392 = vector.shape_cast %swap3A_391 : vector<1x16xf32> to vector<16xf32>
        %swap3A_393 = vector.shape_cast %max3A_389 : vector<16xf32> to vector<1x16xf32>
        tpu.vector_store %arg17[%swap3A, %swap3A_390], %swap3A_393 {strides = array<i32>} : memref<125x32xf32, #tpu.memory_space<vmem>>, vector<1x16xf32>,
        %get3A_394 = arith.index_cast %scan3A_374 : i32 to index
        %get3A_395 = arith.constant 16 : index
        %get3A_396 = tpu.vector_load %arg15[%get3A_394, %get3A_395] {strides = array<i32>} : memref<125x32xf32, #tpu.memory_space<vmem>>, vector<1x16xf32>,
        %get3A_397 = vector.shape_cast %get3A_396 : vector<1x16xf32> to vector<16xf32>
        %get3A_398 = arith.index_cast %scan3A_374 : i32 to index
        %get3A_399 = arith.constant 16 : index
        %get3A_400 = tpu.vector_load %arg11[%get3A_398, %get3A_399] {strides = array<i32>} : memref<125x32xf32, #tpu.memory_space<vmem>>, vector<1x16xf32>,
        %get3A_401 = vector.shape_cast %get3A_400 : vector<1x16xf32> to vector<16xf32>
        %add3A_402 = arith.addf %get3A_397, %get3A_401 : vector<16xf32>
        %get3A_403 = arith.index_cast %scan3A_374 : i32 to index
        %get3A_404 = arith.constant 16 : index
        %get3A_405 = tpu.vector_load %arg13[%get3A_403, %get3A_404] {strides = array<i32>} : memref<125x32xf32, #tpu.memory_space<vmem>>, vector<1x16xf32>,
        %get3A_406 = vector.shape_cast %get3A_405 : vector<1x16xf32> to vector<16xf32>
        %add3A_407 = arith.addf %add3A_402, %get3A_406 : vector<16xf32>
        %max3A_408 = arith.constant 0.000000e+00 : f32
        %max3A_409 = vector.broadcast %max3A_408 : f32 to vector<16xf32>
        %max3A_410 = arith.maximumf %add3A_407, %max3A_409 : vector<16xf32>
        %swap3A_411 = arith.index_cast %scan3A_374 : i32 to index
        %swap3A_412 = arith.constant 16 : index
        %swap3A_413 = tpu.vector_load %arg17[%swap3A_411, %swap3A_412] {strides = array<i32>} : memref<125x32xf32, #tpu.memory_space<vmem>>, vector<1x16xf32>,
        %swap3A_414 = vector.shape_cast %swap3A_413 : vector<1x16xf32> to vector<16xf32>
        %swap3A_415 = vector.shape_cast %max3A_410 : vector<16xf32> to vector<1x16xf32>
        tpu.vector_store %arg17[%swap3A_411, %swap3A_412], %swap3A_415 {strides = array<i32>} : memref<125x32xf32, #tpu.memory_space<vmem>>, vector<1x16xf32>,
      }
      %scan3A_280 = arith.constant 125 : i32
      %mul3A_281 = arith.constant 125 : i32
      %mul3A_282 = arith.muli %mul3A_251, %mul3A_281 : i32
      %add3A_283 = arith.addi %mul3A_2, %mul3A_282 : i32
      %dma_start3A_284 = arith.constant 0 : i32
      %dma_start3A_285 = tpu.memref_slice %arg7[%add3A_283, %dma_start3A_284] : memref<320000x32xf32, #tpu.memory_space<hbm>> -> memref<125x32xf32, #tpu.memory_space<hbm>>
      %dma_start3A_286 = arith.constant 0 : i32
      %dma_start3A_287 = tpu.memref_slice %arg7[%add3A_283, %dma_start3A_286] : memref<320000x32xf32, #tpu.memory_space<hbm>> -> memref<125x32xf32, #tpu.memory_space<hbm>>
      tpu.enqueue_dma source(%arg17 : memref<125x32xf32, #tpu.memory_space<vmem>>) target(%dma_start3A_287 : memref<125x32xf32, #tpu.memory_space<hbm>>) target_semaphore(%arg25 : memref<!tpu.dma_semaphore, #tpu.memory_space<semaphore_mem>>)
      "tpu.region"() ({
        %run_scoped3A_374 = tpu.sem_alloc : memref<!tpu.dma_semaphore, #tpu.memory_space<semaphore_mem>>
        %dma_start3A_375 = arith.constant 0 : i32
        %dma_start3A_376 = tpu.memref_slice %arg10[%mul3A_251, %dma_start3A_375] : memref<80x125xi32, #tpu.memory_space<vmem>> -> memref<1x125xi32, #tpu.memory_space<vmem>>
        %dma_start3A_377 = tpu.memref_squeeze %dma_start3A_376 : memref<1x125xi32, #tpu.memory_space<vmem>> -> memref<125xi32, #tpu.memory_space<vmem>>
        %dma_start3A_378 = arith.constant 0 : i32
        %dma_start3A_379 = arith.constant 0 : i32
        %dma_start3A_380 = tpu.memref_slice %arg29[%dma_start3A_378, %dma_start3A_379] : memref<10240x32xf32, #tpu.memory_space<vmem_shared>> -> memref<10240x32xf32, #tpu.memory_space<vmem_shared>>
        tpu.enqueue_indirect_dma source(%arg17 : memref<125x32xf32, #tpu.memory_space<vmem>>) target(%dma_start3A_380 : memref<10240x32xf32, #tpu.memory_space<vmem_shared>>) offsets(%dma_start3A_377 : memref<125xi32, #tpu.memory_space<vmem>>) semaphore(%run_scoped3A_374 : memref<!tpu.dma_semaphore, #tpu.memory_space<semaphore_mem>>) {add = true}
        %dma_wait3A_381 = arith.constant 0 : i32
        %dma_wait3A_382 = tpu.memref_slice %arg10[%mul3A_251, %dma_wait3A_381] : memref<80x125xi32, #tpu.memory_space<vmem>> -> memref<1x125xi32, #tpu.memory_space<vmem>>
        %dma_wait3A_383 = tpu.memref_squeeze %dma_wait3A_382 : memref<1x125xi32, #tpu.memory_space<vmem>> -> memref<125xi32, #tpu.memory_space<vmem>>
        %dma_wait3A_384 = arith.constant 0 : i32
        %dma_wait3A_385 = arith.constant 0 : i32
        %dma_wait3A_386 = tpu.memref_slice %arg29[%dma_wait3A_384, %dma_wait3A_385] : memref<10240x32xf32, #tpu.memory_space<vmem_shared>> -> memref<10240x32xf32, #tpu.memory_space<vmem_shared>>
        tpu.wait_indirect_dma semaphore(%run_scoped3A_374 : memref<!tpu.dma_semaphore, #tpu.memory_space<semaphore_mem>>) src(%arg17 : memref<125x32xf32, #tpu.memory_space<vmem>>) dst(%dma_wait3A_386 : memref<10240x32xf32, #tpu.memory_space<vmem_shared>>)
        tpu.yield
      }) : () -> ()
      %mul3A_288 = arith.constant 2 : i32
      %mul3A_289 = arith.muli %mul3A_288, %scan3A_249 : i32
      %add3A_290 = arith.constant 2 : i32
      %add3A_291 = arith.addi %mul3A_289, %add3A_290 : i32
      %dma_start3A_292 = arith.constant 0 : i32
      %dma_start3A_293 = tpu.memref_slice %arg9[%add3A_291, %dma_start3A_292] : memref<80x125xi32, #tpu.memory_space<vmem>> -> memref<1x125xi32, #tpu.memory_space<vmem>>
      %dma_start3A_294 = tpu.memref_squeeze %dma_start3A_293 : memref<1x125xi32, #tpu.memory_space<vmem>> -> memref<125xi32, #tpu.memory_space<vmem>>
      %dma_start3A_295 = arith.constant 0 : i32
      %dma_start3A_296 = arith.constant 0 : i32
      %dma_start3A_297 = tpu.memref_slice %arg27[%dma_start3A_295, %dma_start3A_296] : memref<10000x32xf32, #tpu.memory_space<vmem_shared>> -> memref<10000x32xf32, #tpu.memory_space<vmem_shared>>
      tpu.enqueue_indirect_dma source(%dma_start3A_297 : memref<10000x32xf32, #tpu.memory_space<vmem_shared>>) target(%arg11 : memref<125x32xf32, #tpu.memory_space<vmem>>) offsets(%dma_start3A_294 : memref<125xi32, #tpu.memory_space<vmem>>) semaphore(%arg19 : memref<!tpu.dma_semaphore, #tpu.memory_space<semaphore_mem>>)
      %dma_start3A_298 = arith.constant 0 : i32
      %dma_start3A_299 = tpu.memref_slice %arg10[%add3A_291, %dma_start3A_298] : memref<80x125xi32, #tpu.memory_space<vmem>> -> memref<1x125xi32, #tpu.memory_space<vmem>>
      %dma_start3A_300 = tpu.memref_squeeze %dma_start3A_299 : memref<1x125xi32, #tpu.memory_space<vmem>> -> memref<125xi32, #tpu.memory_space<vmem>>
      %dma_start3A_301 = arith.constant 0 : i32
      %dma_start3A_302 = arith.constant 0 : i32
      %dma_start3A_303 = tpu.memref_slice %arg3[%dma_start3A_301, %dma_start3A_302] : memref<10000x32xf32, #tpu.memory_space<hbm>> -> memref<10000x32xf32, #tpu.memory_space<hbm>>
      tpu.enqueue_indirect_dma source(%dma_start3A_303 : memref<10000x32xf32, #tpu.memory_space<hbm>>) target(%arg13 : memref<125x32xf32, #tpu.memory_space<vmem>>) offsets(%dma_start3A_300 : memref<125xi32, #tpu.memory_space<vmem>>) semaphore(%arg21 : memref<!tpu.dma_semaphore, #tpu.memory_space<semaphore_mem>>)
      %mul3A_304 = arith.constant 125 : i32
      %mul3A_305 = arith.muli %add3A_291, %mul3A_304 : i32
      %add3A_306 = arith.addi %mul3A_2, %mul3A_305 : i32
      %dma_start3A_307 = arith.constant 0 : i32
      %dma_start3A_308 = tpu.memref_slice %arg4[%add3A_306, %dma_start3A_307] : memref<320000x32xf32, #tpu.memory_space<hbm>> -> memref<125x32xf32, #tpu.memory_space<hbm>>
      %dma_start3A_309 = arith.constant 0 : i32
      %dma_start3A_310 = tpu.memref_slice %arg4[%add3A_306, %dma_start3A_309] : memref<320000x32xf32, #tpu.memory_space<hbm>> -> memref<125x32xf32, #tpu.memory_space<hbm>>
      tpu.enqueue_dma source(%dma_start3A_310 : memref<125x32xf32, #tpu.memory_space<hbm>>) target(%arg15 : memref<125x32xf32, #tpu.memory_space<vmem>>) target_semaphore(%arg23 : memref<!tpu.dma_semaphore, #tpu.memory_space<semaphore_mem>>)
      %mul3A_311 = arith.constant 2 : i32
      %mul3A_312 = arith.muli %mul3A_311, %scan3A_249 : i32
      %add3A_313 = arith.constant 1 : i32
      %add3A_314 = arith.addi %mul3A_312, %add3A_313 : i32
      %dma_wait3A_315 = arith.constant 0 : i32
      %dma_wait3A_316 = tpu.memref_slice %arg9[%add3A_314, %dma_wait3A_315] : memref<80x125xi32, #tpu.memory_space<vmem>> -> memref<1x125xi32, #tpu.memory_space<vmem>>
      %dma_wait3A_317 = tpu.memref_squeeze %dma_wait3A_316 : memref<1x125xi32, #tpu.memory_space<vmem>> -> memref<125xi32, #tpu.memory_space<vmem>>
      %dma_wait3A_318 = arith.constant 0 : i32
      %dma_wait3A_319 = arith.constant 0 : i32
      %dma_wait3A_320 = tpu.memref_slice %arg27[%dma_wait3A_318, %dma_wait3A_319] : memref<10000x32xf32, #tpu.memory_space<vmem_shared>> -> memref<10000x32xf32, #tpu.memory_space<vmem_shared>>
      tpu.wait_indirect_dma semaphore(%arg20 : memref<!tpu.dma_semaphore, #tpu.memory_space<semaphore_mem>>) src(%dma_wait3A_320 : memref<10000x32xf32, #tpu.memory_space<vmem_shared>>) dst(%arg12 : memref<125x32xf32, #tpu.memory_space<vmem>>)
      %dma_wait3A_321 = arith.constant 0 : i32
      %dma_wait3A_322 = tpu.memref_slice %arg10[%add3A_314, %dma_wait3A_321] : memref<80x125xi32, #tpu.memory_space<vmem>> -> memref<1x125xi32, #tpu.memory_space<vmem>>
      %dma_wait3A_323 = tpu.memref_squeeze %dma_wait3A_322 : memref<1x125xi32, #tpu.memory_space<vmem>> -> memref<125xi32, #tpu.memory_space<vmem>>
      %dma_wait3A_324 = arith.constant 0 : i32
      %dma_wait3A_325 = arith.constant 0 : i32
      %dma_wait3A_326 = tpu.memref_slice %arg3[%dma_wait3A_324, %dma_wait3A_325] : memref<10000x32xf32, #tpu.memory_space<hbm>> -> memref<10000x32xf32, #tpu.memory_space<hbm>>
      tpu.wait_indirect_dma semaphore(%arg22 : memref<!tpu.dma_semaphore, #tpu.memory_space<semaphore_mem>>) src(%dma_wait3A_326 : memref<10000x32xf32, #tpu.memory_space<hbm>>) dst(%arg14 : memref<125x32xf32, #tpu.memory_space<vmem>>)
      %mul3A_327 = arith.constant 125 : i32
      %mul3A_328 = arith.muli %add3A_314, %mul3A_327 : i32
      %add3A_329 = arith.addi %mul3A_2, %mul3A_328 : i32
      %dma_wait3A_330 = arith.constant 0 : i32
      %dma_wait3A_331 = tpu.memref_slice %arg4[%add3A_329, %dma_wait3A_330] : memref<320000x32xf32, #tpu.memory_space<hbm>> -> memref<125x32xf32, #tpu.memory_space<hbm>>
      %dma_wait3A_332 = arith.constant 0 : i32
      %dma_wait3A_333 = tpu.memref_slice %arg4[%add3A_329, %dma_wait3A_332] : memref<320000x32xf32, #tpu.memory_space<hbm>> -> memref<125x32xf32, #tpu.memory_space<hbm>>
      tpu.wait_dma2 semaphore(%arg24 : memref<!tpu.dma_semaphore, #tpu.memory_space<semaphore_mem>>) src(%dma_wait3A_333 : memref<125x32xf32, #tpu.memory_space<hbm>>) dst(%arg16 : memref<125x32xf32, #tpu.memory_space<vmem>>)
      %dma_wait3A_334 = arith.constant 0 : i32
      %dma_wait3A_335 = tpu.memref_slice %arg7[%mul3A_2, %dma_wait3A_334] : memref<320000x32xf32, #tpu.memory_space<hbm>> -> memref<125x32xf32, #tpu.memory_space<hbm>>
      %dma_wait3A_336 = arith.constant 0 : i32
      %dma_wait3A_337 = tpu.memref_slice %arg7[%mul3A_2, %dma_wait3A_336] : memref<320000x32xf32, #tpu.memory_space<hbm>> -> memref<125x32xf32, #tpu.memory_space<hbm>>
      tpu.wait_dma2 semaphore(%arg26 : memref<!tpu.dma_semaphore, #tpu.memory_space<semaphore_mem>>) src(%arg18 : memref<125x32xf32, #tpu.memory_space<vmem>>) dst(%dma_wait3A_337 : memref<125x32xf32, #tpu.memory_space<hbm>>)
      %scan3A_338 = arith.constant 0 : i32
      %scan3A_339 = arith.constant 0 : i32
      %scan3A_340 = arith.constant 125 : i32
      %scan3A_341 = arith.addi %scan3A_339, %scan3A_340 : i32
      %scan3A_342 = arith.constant 1 : i32
      scf.for %scan3A_374 = %scan3A_339 to %scan3A_341 step %scan3A_342  : i32 {
        %get3A = arith.index_cast %scan3A_374 : i32 to index
        %get3A_375 = arith.constant 0 : index
        %get3A_376 = tpu.vector_load %arg16[%get3A, %get3A_375] {strides = array<i32>} : memref<125x32xf32, #tpu.memory_space<vmem>>, vector<1x16xf32>,
        %get3A_377 = vector.shape_cast %get3A_376 : vector<1x16xf32> to vector<16xf32>
        %get3A_378 = arith.index_cast %scan3A_374 : i32 to index
        %get3A_379 = arith.constant 0 : index
        %get3A_380 = tpu.vector_load %arg12[%get3A_378, %get3A_379] {strides = array<i32>} : memref<125x32xf32, #tpu.memory_space<vmem>>, vector<1x16xf32>,
        %get3A_381 = vector.shape_cast %get3A_380 : vector<1x16xf32> to vector<16xf32>
        %add3A_382 = arith.addf %get3A_377, %get3A_381 : vector<16xf32>
        %get3A_383 = arith.index_cast %scan3A_374 : i32 to index
        %get3A_384 = arith.constant 0 : index
        %get3A_385 = tpu.vector_load %arg14[%get3A_383, %get3A_384] {strides = array<i32>} : memref<125x32xf32, #tpu.memory_space<vmem>>, vector<1x16xf32>,
        %get3A_386 = vector.shape_cast %get3A_385 : vector<1x16xf32> to vector<16xf32>
        %add3A_387 = arith.addf %add3A_382, %get3A_386 : vector<16xf32>
        %max3A = arith.constant 0.000000e+00 : f32
        %max3A_388 = vector.broadcast %max3A : f32 to vector<16xf32>
        %max3A_389 = arith.maximumf %add3A_387, %max3A_388 : vector<16xf32>
        %swap3A = arith.index_cast %scan3A_374 : i32 to index
        %swap3A_390 = arith.constant 0 : index
        %swap3A_391 = tpu.vector_load %arg18[%swap3A, %swap3A_390] {strides = array<i32>} : memref<125x32xf32, #tpu.memory_space<vmem>>, vector<1x16xf32>,
        %swap3A_392 = vector.shape_cast %swap3A_391 : vector<1x16xf32> to vector<16xf32>
        %swap3A_393 = vector.shape_cast %max3A_389 : vector<16xf32> to vector<1x16xf32>
        tpu.vector_store %arg18[%swap3A, %swap3A_390], %swap3A_393 {strides = array<i32>} : memref<125x32xf32, #tpu.memory_space<vmem>>, vector<1x16xf32>,
        %get3A_394 = arith.index_cast %scan3A_374 : i32 to index
        %get3A_395 = arith.constant 16 : index
        %get3A_396 = tpu.vector_load %arg16[%get3A_394, %get3A_395] {strides = array<i32>} : memref<125x32xf32, #tpu.memory_space<vmem>>, vector<1x16xf32>,
        %get3A_397 = vector.shape_cast %get3A_396 : vector<1x16xf32> to vector<16xf32>
        %get3A_398 = arith.index_cast %scan3A_374 : i32 to index
        %get3A_399 = arith.constant 16 : index
        %get3A_400 = tpu.vector_load %arg12[%get3A_398, %get3A_399] {strides = array<i32>} : memref<125x32xf32, #tpu.memory_space<vmem>>, vector<1x16xf32>,
        %get3A_401 = vector.shape_cast %get3A_400 : vector<1x16xf32> to vector<16xf32>
        %add3A_402 = arith.addf %get3A_397, %get3A_401 : vector<16xf32>
        %get3A_403 = arith.index_cast %scan3A_374 : i32 to index
        %get3A_404 = arith.constant 16 : index
        %get3A_405 = tpu.vector_load %arg14[%get3A_403, %get3A_404] {strides = array<i32>} : memref<125x32xf32, #tpu.memory_space<vmem>>, vector<1x16xf32>,
        %get3A_406 = vector.shape_cast %get3A_405 : vector<1x16xf32> to vector<16xf32>
        %add3A_407 = arith.addf %add3A_402, %get3A_406 : vector<16xf32>
        %max3A_408 = arith.constant 0.000000e+00 : f32
        %max3A_409 = vector.broadcast %max3A_408 : f32 to vector<16xf32>
        %max3A_410 = arith.maximumf %add3A_407, %max3A_409 : vector<16xf32>
        %swap3A_411 = arith.index_cast %scan3A_374 : i32 to index
        %swap3A_412 = arith.constant 16 : index
        %swap3A_413 = tpu.vector_load %arg18[%swap3A_411, %swap3A_412] {strides = array<i32>} : memref<125x32xf32, #tpu.memory_space<vmem>>, vector<1x16xf32>,
        %swap3A_414 = vector.shape_cast %swap3A_413 : vector<1x16xf32> to vector<16xf32>
        %swap3A_415 = vector.shape_cast %max3A_410 : vector<16xf32> to vector<1x16xf32>
        tpu.vector_store %arg18[%swap3A_411, %swap3A_412], %swap3A_415 {strides = array<i32>} : memref<125x32xf32, #tpu.memory_space<vmem>>, vector<1x16xf32>,
      }
      %scan3A_343 = arith.constant 125 : i32
      %mul3A_344 = arith.constant 125 : i32
      %mul3A_345 = arith.muli %add3A_314, %mul3A_344 : i32
      %add3A_346 = arith.addi %mul3A_2, %mul3A_345 : i32
      %dma_start3A_347 = arith.constant 0 : i32
      %dma_start3A_348 = tpu.memref_slice %arg7[%add3A_346, %dma_start3A_347] : memref<320000x32xf32, #tpu.memory_space<hbm>> -> memref<125x32xf32, #tpu.memory_space<hbm>>
      %dma_start3A_349 = arith.constant 0 : i32
      %dma_start3A_350 = tpu.memref_slice %arg7[%add3A_346, %dma_start3A_349] : memref<320000x32xf32, #tpu.memory_space<hbm>> -> memref<125x32xf32, #tpu.memory_space<hbm>>
      tpu.enqueue_dma source(%arg18 : memref<125x32xf32, #tpu.memory_space<vmem>>) target(%dma_start3A_350 : memref<125x32xf32, #tpu.memory_space<hbm>>) target_semaphore(%arg26 : memref<!tpu.dma_semaphore, #tpu.memory_space<semaphore_mem>>)
      "tpu.region"() ({
        %run_scoped3A_374 = tpu.sem_alloc : memref<!tpu.dma_semaphore, #tpu.memory_space<semaphore_mem>>
        %dma_start3A_375 = arith.constant 0 : i32
        %dma_start3A_376 = tpu.memref_slice %arg10[%add3A_314, %dma_start3A_375] : memref<80x125xi32, #tpu.memory_space<vmem>> -> memref<1x125xi32, #tpu.memory_space<vmem>>
        %dma_start3A_377 = tpu.memref_squeeze %dma_start3A_376 : memref<1x125xi32, #tpu.memory_space<vmem>> -> memref<125xi32, #tpu.memory_space<vmem>>
        %dma_start3A_378 = arith.constant 0 : i32
        %dma_start3A_379 = arith.constant 0 : i32
        %dma_start3A_380 = tpu.memref_slice %arg29[%dma_start3A_378, %dma_start3A_379] : memref<10240x32xf32, #tpu.memory_space<vmem_shared>> -> memref<10240x32xf32, #tpu.memory_space<vmem_shared>>
        tpu.enqueue_indirect_dma source(%arg18 : memref<125x32xf32, #tpu.memory_space<vmem>>) target(%dma_start3A_380 : memref<10240x32xf32, #tpu.memory_space<vmem_shared>>) offsets(%dma_start3A_377 : memref<125xi32, #tpu.memory_space<vmem>>) semaphore(%run_scoped3A_374 : memref<!tpu.dma_semaphore, #tpu.memory_space<semaphore_mem>>) {add = true}
        %dma_wait3A_381 = arith.constant 0 : i32
        %dma_wait3A_382 = tpu.memref_slice %arg10[%add3A_314, %dma_wait3A_381] : memref<80x125xi32, #tpu.memory_space<vmem>> -> memref<1x125xi32, #tpu.memory_space<vmem>>
        %dma_wait3A_383 = tpu.memref_squeeze %dma_wait3A_382 : memref<1x125xi32, #tpu.memory_space<vmem>> -> memref<125xi32, #tpu.memory_space<vmem>>
        %dma_wait3A_384 = arith.constant 0 : i32
        %dma_wait3A_385 = arith.constant 0 : i32
        %dma_wait3A_386 = tpu.memref_slice %arg29[%dma_wait3A_384, %dma_wait3A_385] : memref<10240x32xf32, #tpu.memory_space<vmem_shared>> -> memref<10240x32xf32, #tpu.memory_space<vmem_shared>>
        tpu.wait_indirect_dma semaphore(%run_scoped3A_374 : memref<!tpu.dma_semaphore, #tpu.memory_space<semaphore_mem>>) src(%arg18 : memref<125x32xf32, #tpu.memory_space<vmem>>) dst(%dma_wait3A_386 : memref<10240x32xf32, #tpu.memory_space<vmem_shared>>)
        tpu.yield
      }) : () -> ()
      %mul3A_351 = arith.constant 2 : i32
      %mul3A_352 = arith.muli %mul3A_351, %scan3A_249 : i32
      %add3A_353 = arith.constant 3 : i32
      %add3A_354 = arith.addi %mul3A_352, %add3A_353 : i32
      %dma_start3A_355 = arith.constant 0 : i32
      %dma_start3A_356 = tpu.memref_slice %arg9[%add3A_354, %dma_start3A_355] : memref<80x125xi32, #tpu.memory_space<vmem>> -> memref<1x125xi32, #tpu.memory_space<vmem>>
      %dma_start3A_357 = tpu.memref_squeeze %dma_start3A_356 : memref<1x125xi32, #tpu.memory_space<vmem>> -> memref<125xi32, #tpu.memory_space<vmem>>
      %dma_start3A_358 = arith.constant 0 : i32
      %dma_start3A_359 = arith.constant 0 : i32
      %dma_start3A_360 = tpu.memref_slice %arg27[%dma_start3A_358, %dma_start3A_359] : memref<10000x32xf32, #tpu.memory_space<vmem_shared>> -> memref<10000x32xf32, #tpu.memory_space<vmem_shared>>
      tpu.enqueue_indirect_dma source(%dma_start3A_360 : memref<10000x32xf32, #tpu.memory_space<vmem_shared>>) target(%arg12 : memref<125x32xf32, #tpu.memory_space<vmem>>) offsets(%dma_start3A_357 : memref<125xi32, #tpu.memory_space<vmem>>) semaphore(%arg20 : memref<!tpu.dma_semaphore, #tpu.memory_space<semaphore_mem>>)
      %dma_start3A_361 = arith.constant 0 : i32
      %dma_start3A_362 = tpu.memref_slice %arg10[%add3A_354, %dma_start3A_361] : memref<80x125xi32, #tpu.memory_space<vmem>> -> memref<1x125xi32, #tpu.memory_space<vmem>>
      %dma_start3A_363 = tpu.memref_squeeze %dma_start3A_362 : memref<1x125xi32, #tpu.memory_space<vmem>> -> memref<125xi32, #tpu.memory_space<vmem>>
      %dma_start3A_364 = arith.constant 0 : i32
      %dma_start3A_365 = arith.constant 0 : i32
      %dma_start3A_366 = tpu.memref_slice %arg3[%dma_start3A_364, %dma_start3A_365] : memref<10000x32xf32, #tpu.memory_space<hbm>> -> memref<10000x32xf32, #tpu.memory_space<hbm>>
      tpu.enqueue_indirect_dma source(%dma_start3A_366 : memref<10000x32xf32, #tpu.memory_space<hbm>>) target(%arg14 : memref<125x32xf32, #tpu.memory_space<vmem>>) offsets(%dma_start3A_363 : memref<125xi32, #tpu.memory_space<vmem>>) semaphore(%arg22 : memref<!tpu.dma_semaphore, #tpu.memory_space<semaphore_mem>>)
      %mul3A_367 = arith.constant 125 : i32
      %mul3A_368 = arith.muli %add3A_354, %mul3A_367 : i32
      %add3A_369 = arith.addi %mul3A_2, %mul3A_368 : i32
      %dma_start3A_370 = arith.constant 0 : i32
      %dma_start3A_371 = tpu.memref_slice %arg4[%add3A_369, %dma_start3A_370] : memref<320000x32xf32, #tpu.memory_space<hbm>> -> memref<125x32xf32, #tpu.memory_space<hbm>>
      %dma_start3A_372 = arith.constant 0 : i32
      %dma_start3A_373 = tpu.memref_slice %arg4[%add3A_369, %dma_start3A_372] : memref<320000x32xf32, #tpu.memory_space<hbm>> -> memref<125x32xf32, #tpu.memory_space<hbm>>
      tpu.enqueue_dma source(%dma_start3A_373 : memref<125x32xf32, #tpu.memory_space<hbm>>) target(%arg16 : memref<125x32xf32, #tpu.memory_space<vmem>>) target_semaphore(%arg24 : memref<!tpu.dma_semaphore, #tpu.memory_space<semaphore_mem>>)
    }
    %scan3A_161 = arith.constant 38 : i32
    %dma_wait3A_162 = arith.constant 78 : i32
    %dma_wait3A_163 = arith.constant 0 : i32
    %dma_wait3A_164 = tpu.memref_slice %arg9[%dma_wait3A_162, %dma_wait3A_163] : memref<80x125xi32, #tpu.memory_space<vmem>> -> memref<1x125xi32, #tpu.memory_space<vmem>>
    %dma_wait3A_165 = tpu.memref_squeeze %dma_wait3A_164 : memref<1x125xi32, #tpu.memory_space<vmem>> -> memref<125xi32, #tpu.memory_space<vmem>>
    %dma_wait3A_166 = arith.constant 0 : i32
    %dma_wait3A_167 = arith.constant 0 : i32
    %dma_wait3A_168 = tpu.memref_slice %arg27[%dma_wait3A_166, %dma_wait3A_167] : memref<10000x32xf32, #tpu.memory_space<vmem_shared>> -> memref<10000x32xf32, #tpu.memory_space<vmem_shared>>
    tpu.wait_indirect_dma semaphore(%arg19 : memref<!tpu.dma_semaphore, #tpu.memory_space<semaphore_mem>>) src(%dma_wait3A_168 : memref<10000x32xf32, #tpu.memory_space<vmem_shared>>) dst(%arg11 : memref<125x32xf32, #tpu.memory_space<vmem>>)
    %dma_wait3A_169 = arith.constant 78 : i32
    %dma_wait3A_170 = arith.constant 0 : i32
    %dma_wait3A_171 = tpu.memref_slice %arg10[%dma_wait3A_169, %dma_wait3A_170] : memref<80x125xi32, #tpu.memory_space<vmem>> -> memref<1x125xi32, #tpu.memory_space<vmem>>
    %dma_wait3A_172 = tpu.memref_squeeze %dma_wait3A_171 : memref<1x125xi32, #tpu.memory_space<vmem>> -> memref<125xi32, #tpu.memory_space<vmem>>
    %dma_wait3A_173 = arith.constant 0 : i32
    %dma_wait3A_174 = arith.constant 0 : i32
    %dma_wait3A_175 = tpu.memref_slice %arg3[%dma_wait3A_173, %dma_wait3A_174] : memref<10000x32xf32, #tpu.memory_space<hbm>> -> memref<10000x32xf32, #tpu.memory_space<hbm>>
    tpu.wait_indirect_dma semaphore(%arg21 : memref<!tpu.dma_semaphore, #tpu.memory_space<semaphore_mem>>) src(%dma_wait3A_175 : memref<10000x32xf32, #tpu.memory_space<hbm>>) dst(%arg13 : memref<125x32xf32, #tpu.memory_space<vmem>>)
    %add3A_176 = arith.constant 9750 : i32
    %add3A_177 = arith.addi %mul3A_2, %add3A_176 : i32
    %dma_wait3A_178 = arith.constant 0 : i32
    %dma_wait3A_179 = tpu.memref_slice %arg4[%add3A_177, %dma_wait3A_178] : memref<320000x32xf32, #tpu.memory_space<hbm>> -> memref<125x32xf32, #tpu.memory_space<hbm>>
    %dma_wait3A_180 = arith.constant 0 : i32
    %dma_wait3A_181 = tpu.memref_slice %arg4[%add3A_177, %dma_wait3A_180] : memref<320000x32xf32, #tpu.memory_space<hbm>> -> memref<125x32xf32, #tpu.memory_space<hbm>>
    tpu.wait_dma2 semaphore(%arg23 : memref<!tpu.dma_semaphore, #tpu.memory_space<semaphore_mem>>) src(%dma_wait3A_181 : memref<125x32xf32, #tpu.memory_space<hbm>>) dst(%arg15 : memref<125x32xf32, #tpu.memory_space<vmem>>)
    %dma_wait3A_182 = arith.constant 0 : i32
    %dma_wait3A_183 = tpu.memref_slice %arg7[%mul3A_2, %dma_wait3A_182] : memref<320000x32xf32, #tpu.memory_space<hbm>> -> memref<125x32xf32, #tpu.memory_space<hbm>>
    %dma_wait3A_184 = arith.constant 0 : i32
    %dma_wait3A_185 = tpu.memref_slice %arg7[%mul3A_2, %dma_wait3A_184] : memref<320000x32xf32, #tpu.memory_space<hbm>> -> memref<125x32xf32, #tpu.memory_space<hbm>>
    tpu.wait_dma2 semaphore(%arg25 : memref<!tpu.dma_semaphore, #tpu.memory_space<semaphore_mem>>) src(%arg17 : memref<125x32xf32, #tpu.memory_space<vmem>>) dst(%dma_wait3A_185 : memref<125x32xf32, #tpu.memory_space<hbm>>)
    %scan3A_186 = arith.constant 0 : i32
    %scan3A_187 = arith.constant 0 : i32
    %scan3A_188 = arith.constant 125 : i32
    %scan3A_189 = arith.addi %scan3A_187, %scan3A_188 : i32
    %scan3A_190 = arith.constant 1 : i32
    scf.for %scan3A_249 = %scan3A_187 to %scan3A_189 step %scan3A_190  : i32 {
      %get3A = arith.index_cast %scan3A_249 : i32 to index
      %get3A_250 = arith.constant 0 : index
      %get3A_251 = tpu.vector_load %arg15[%get3A, %get3A_250] {strides = array<i32>} : memref<125x32xf32, #tpu.memory_space<vmem>>, vector<1x16xf32>,
      %get3A_252 = vector.shape_cast %get3A_251 : vector<1x16xf32> to vector<16xf32>
      %get3A_253 = arith.index_cast %scan3A_249 : i32 to index
      %get3A_254 = arith.constant 0 : index
      %get3A_255 = tpu.vector_load %arg11[%get3A_253, %get3A_254] {strides = array<i32>} : memref<125x32xf32, #tpu.memory_space<vmem>>, vector<1x16xf32>,
      %get3A_256 = vector.shape_cast %get3A_255 : vector<1x16xf32> to vector<16xf32>
      %add3A_257 = arith.addf %get3A_252, %get3A_256 : vector<16xf32>
      %get3A_258 = arith.index_cast %scan3A_249 : i32 to index
      %get3A_259 = arith.constant 0 : index
      %get3A_260 = tpu.vector_load %arg13[%get3A_258, %get3A_259] {strides = array<i32>} : memref<125x32xf32, #tpu.memory_space<vmem>>, vector<1x16xf32>,
      %get3A_261 = vector.shape_cast %get3A_260 : vector<1x16xf32> to vector<16xf32>
      %add3A_262 = arith.addf %add3A_257, %get3A_261 : vector<16xf32>
      %max3A = arith.constant 0.000000e+00 : f32
      %max3A_263 = vector.broadcast %max3A : f32 to vector<16xf32>
      %max3A_264 = arith.maximumf %add3A_262, %max3A_263 : vector<16xf32>
      %swap3A = arith.index_cast %scan3A_249 : i32 to index
      %swap3A_265 = arith.constant 0 : index
      %swap3A_266 = tpu.vector_load %arg17[%swap3A, %swap3A_265] {strides = array<i32>} : memref<125x32xf32, #tpu.memory_space<vmem>>, vector<1x16xf32>,
      %swap3A_267 = vector.shape_cast %swap3A_266 : vector<1x16xf32> to vector<16xf32>
      %swap3A_268 = vector.shape_cast %max3A_264 : vector<16xf32> to vector<1x16xf32>
      tpu.vector_store %arg17[%swap3A, %swap3A_265], %swap3A_268 {strides = array<i32>} : memref<125x32xf32, #tpu.memory_space<vmem>>, vector<1x16xf32>,
      %get3A_269 = arith.index_cast %scan3A_249 : i32 to index
      %get3A_270 = arith.constant 16 : index
      %get3A_271 = tpu.vector_load %arg15[%get3A_269, %get3A_270] {strides = array<i32>} : memref<125x32xf32, #tpu.memory_space<vmem>>, vector<1x16xf32>,
      %get3A_272 = vector.shape_cast %get3A_271 : vector<1x16xf32> to vector<16xf32>
      %get3A_273 = arith.index_cast %scan3A_249 : i32 to index
      %get3A_274 = arith.constant 16 : index
      %get3A_275 = tpu.vector_load %arg11[%get3A_273, %get3A_274] {strides = array<i32>} : memref<125x32xf32, #tpu.memory_space<vmem>>, vector<1x16xf32>,
      %get3A_276 = vector.shape_cast %get3A_275 : vector<1x16xf32> to vector<16xf32>
      %add3A_277 = arith.addf %get3A_272, %get3A_276 : vector<16xf32>
      %get3A_278 = arith.index_cast %scan3A_249 : i32 to index
      %get3A_279 = arith.constant 16 : index
      %get3A_280 = tpu.vector_load %arg13[%get3A_278, %get3A_279] {strides = array<i32>} : memref<125x32xf32, #tpu.memory_space<vmem>>, vector<1x16xf32>,
      %get3A_281 = vector.shape_cast %get3A_280 : vector<1x16xf32> to vector<16xf32>
      %add3A_282 = arith.addf %add3A_277, %get3A_281 : vector<16xf32>
      %max3A_283 = arith.constant 0.000000e+00 : f32
      %max3A_284 = vector.broadcast %max3A_283 : f32 to vector<16xf32>
      %max3A_285 = arith.maximumf %add3A_282, %max3A_284 : vector<16xf32>
      %swap3A_286 = arith.index_cast %scan3A_249 : i32 to index
      %swap3A_287 = arith.constant 16 : index
      %swap3A_288 = tpu.vector_load %arg17[%swap3A_286, %swap3A_287] {strides = array<i32>} : memref<125x32xf32, #tpu.memory_space<vmem>>, vector<1x16xf32>,
      %swap3A_289 = vector.shape_cast %swap3A_288 : vector<1x16xf32> to vector<16xf32>
      %swap3A_290 = vector.shape_cast %max3A_285 : vector<16xf32> to vector<1x16xf32>
      tpu.vector_store %arg17[%swap3A_286, %swap3A_287], %swap3A_290 {strides = array<i32>} : memref<125x32xf32, #tpu.memory_space<vmem>>, vector<1x16xf32>,
    }
    %scan3A_191 = arith.constant 125 : i32
    %add3A_192 = arith.constant 9750 : i32
    %add3A_193 = arith.addi %mul3A_2, %add3A_192 : i32
    %dma_start3A_194 = arith.constant 0 : i32
    %dma_start3A_195 = tpu.memref_slice %arg7[%add3A_193, %dma_start3A_194] : memref<320000x32xf32, #tpu.memory_space<hbm>> -> memref<125x32xf32, #tpu.memory_space<hbm>>
    %dma_start3A_196 = arith.constant 0 : i32
    %dma_start3A_197 = tpu.memref_slice %arg7[%add3A_193, %dma_start3A_196] : memref<320000x32xf32, #tpu.memory_space<hbm>> -> memref<125x32xf32, #tpu.memory_space<hbm>>
    tpu.enqueue_dma source(%arg17 : memref<125x32xf32, #tpu.memory_space<vmem>>) target(%dma_start3A_197 : memref<125x32xf32, #tpu.memory_space<hbm>>) target_semaphore(%arg25 : memref<!tpu.dma_semaphore, #tpu.memory_space<semaphore_mem>>)
    %run_scoped3A_198 = arith.constant 78 : i32
    "tpu.region"() ({
      %run_scoped3A_249 = tpu.sem_alloc : memref<!tpu.dma_semaphore, #tpu.memory_space<semaphore_mem>>
      %dma_start3A_250 = arith.constant 0 : i32
      %dma_start3A_251 = tpu.memref_slice %arg10[%run_scoped3A_198, %dma_start3A_250] : memref<80x125xi32, #tpu.memory_space<vmem>> -> memref<1x125xi32, #tpu.memory_space<vmem>>
      %dma_start3A_252 = tpu.memref_squeeze %dma_start3A_251 : memref<1x125xi32, #tpu.memory_space<vmem>> -> memref<125xi32, #tpu.memory_space<vmem>>
      %dma_start3A_253 = arith.constant 0 : i32
      %dma_start3A_254 = arith.constant 0 : i32
      %dma_start3A_255 = tpu.memref_slice %arg29[%dma_start3A_253, %dma_start3A_254] : memref<10240x32xf32, #tpu.memory_space<vmem_shared>> -> memref<10240x32xf32, #tpu.memory_space<vmem_shared>>
      tpu.enqueue_indirect_dma source(%arg17 : memref<125x32xf32, #tpu.memory_space<vmem>>) target(%dma_start3A_255 : memref<10240x32xf32, #tpu.memory_space<vmem_shared>>) offsets(%dma_start3A_252 : memref<125xi32, #tpu.memory_space<vmem>>) semaphore(%run_scoped3A_249 : memref<!tpu.dma_semaphore, #tpu.memory_space<semaphore_mem>>) {add = true}
      %dma_wait3A_256 = arith.constant 0 : i32
      %dma_wait3A_257 = tpu.memref_slice %arg10[%run_scoped3A_198, %dma_wait3A_256] : memref<80x125xi32, #tpu.memory_space<vmem>> -> memref<1x125xi32, #tpu.memory_space<vmem>>
      %dma_wait3A_258 = tpu.memref_squeeze %dma_wait3A_257 : memref<1x125xi32, #tpu.memory_space<vmem>> -> memref<125xi32, #tpu.memory_space<vmem>>
      %dma_wait3A_259 = arith.constant 0 : i32
      %dma_wait3A_260 = arith.constant 0 : i32
      %dma_wait3A_261 = tpu.memref_slice %arg29[%dma_wait3A_259, %dma_wait3A_260] : memref<10240x32xf32, #tpu.memory_space<vmem_shared>> -> memref<10240x32xf32, #tpu.memory_space<vmem_shared>>
      tpu.wait_indirect_dma semaphore(%run_scoped3A_249 : memref<!tpu.dma_semaphore, #tpu.memory_space<semaphore_mem>>) src(%arg17 : memref<125x32xf32, #tpu.memory_space<vmem>>) dst(%dma_wait3A_261 : memref<10240x32xf32, #tpu.memory_space<vmem_shared>>)
      tpu.yield
    }) : () -> ()
    %dma_wait3A_199 = arith.constant 79 : i32
    %dma_wait3A_200 = arith.constant 0 : i32
    %dma_wait3A_201 = tpu.memref_slice %arg9[%dma_wait3A_199, %dma_wait3A_200] : memref<80x125xi32, #tpu.memory_space<vmem>> -> memref<1x125xi32, #tpu.memory_space<vmem>>
    %dma_wait3A_202 = tpu.memref_squeeze %dma_wait3A_201 : memref<1x125xi32, #tpu.memory_space<vmem>> -> memref<125xi32, #tpu.memory_space<vmem>>
    %dma_wait3A_203 = arith.constant 0 : i32
    %dma_wait3A_204 = arith.constant 0 : i32
    %dma_wait3A_205 = tpu.memref_slice %arg27[%dma_wait3A_203, %dma_wait3A_204] : memref<10000x32xf32, #tpu.memory_space<vmem_shared>> -> memref<10000x32xf32, #tpu.memory_space<vmem_shared>>
    tpu.wait_indirect_dma semaphore(%arg20 : memref<!tpu.dma_semaphore, #tpu.memory_space<semaphore_mem>>) src(%dma_wait3A_205 : memref<10000x32xf32, #tpu.memory_space<vmem_shared>>) dst(%arg12 : memref<125x32xf32, #tpu.memory_space<vmem>>)
    %dma_wait3A_206 = arith.constant 79 : i32
    %dma_wait3A_207 = arith.constant 0 : i32
    %dma_wait3A_208 = tpu.memref_slice %arg10[%dma_wait3A_206, %dma_wait3A_207] : memref<80x125xi32, #tpu.memory_space<vmem>> -> memref<1x125xi32, #tpu.memory_space<vmem>>
    %dma_wait3A_209 = tpu.memref_squeeze %dma_wait3A_208 : memref<1x125xi32, #tpu.memory_space<vmem>> -> memref<125xi32, #tpu.memory_space<vmem>>
    %dma_wait3A_210 = arith.constant 0 : i32
    %dma_wait3A_211 = arith.constant 0 : i32
    %dma_wait3A_212 = tpu.memref_slice %arg3[%dma_wait3A_210, %dma_wait3A_211] : memref<10000x32xf32, #tpu.memory_space<hbm>> -> memref<10000x32xf32, #tpu.memory_space<hbm>>
    tpu.wait_indirect_dma semaphore(%arg22 : memref<!tpu.dma_semaphore, #tpu.memory_space<semaphore_mem>>) src(%dma_wait3A_212 : memref<10000x32xf32, #tpu.memory_space<hbm>>) dst(%arg14 : memref<125x32xf32, #tpu.memory_space<vmem>>)
    %add3A_213 = arith.constant 9875 : i32
    %add3A_214 = arith.addi %mul3A_2, %add3A_213 : i32
    %dma_wait3A_215 = arith.constant 0 : i32
    %dma_wait3A_216 = tpu.memref_slice %arg4[%add3A_214, %dma_wait3A_215] : memref<320000x32xf32, #tpu.memory_space<hbm>> -> memref<125x32xf32, #tpu.memory_space<hbm>>
    %dma_wait3A_217 = arith.constant 0 : i32
    %dma_wait3A_218 = tpu.memref_slice %arg4[%add3A_214, %dma_wait3A_217] : memref<320000x32xf32, #tpu.memory_space<hbm>> -> memref<125x32xf32, #tpu.memory_space<hbm>>
    tpu.wait_dma2 semaphore(%arg24 : memref<!tpu.dma_semaphore, #tpu.memory_space<semaphore_mem>>) src(%dma_wait3A_218 : memref<125x32xf32, #tpu.memory_space<hbm>>) dst(%arg16 : memref<125x32xf32, #tpu.memory_space<vmem>>)
    %dma_wait3A_219 = arith.constant 0 : i32
    %dma_wait3A_220 = tpu.memref_slice %arg7[%mul3A_2, %dma_wait3A_219] : memref<320000x32xf32, #tpu.memory_space<hbm>> -> memref<125x32xf32, #tpu.memory_space<hbm>>
    %dma_wait3A_221 = arith.constant 0 : i32
    %dma_wait3A_222 = tpu.memref_slice %arg7[%mul3A_2, %dma_wait3A_221] : memref<320000x32xf32, #tpu.memory_space<hbm>> -> memref<125x32xf32, #tpu.memory_space<hbm>>
    tpu.wait_dma2 semaphore(%arg26 : memref<!tpu.dma_semaphore, #tpu.memory_space<semaphore_mem>>) src(%arg18 : memref<125x32xf32, #tpu.memory_space<vmem>>) dst(%dma_wait3A_222 : memref<125x32xf32, #tpu.memory_space<hbm>>)
    %scan3A_223 = arith.constant 0 : i32
    %scan3A_224 = arith.constant 0 : i32
    %scan3A_225 = arith.constant 125 : i32
    %scan3A_226 = arith.addi %scan3A_224, %scan3A_225 : i32
    %scan3A_227 = arith.constant 1 : i32
    scf.for %scan3A_249 = %scan3A_224 to %scan3A_226 step %scan3A_227  : i32 {
      %get3A = arith.index_cast %scan3A_249 : i32 to index
      %get3A_250 = arith.constant 0 : index
      %get3A_251 = tpu.vector_load %arg16[%get3A, %get3A_250] {strides = array<i32>} : memref<125x32xf32, #tpu.memory_space<vmem>>, vector<1x16xf32>,
      %get3A_252 = vector.shape_cast %get3A_251 : vector<1x16xf32> to vector<16xf32>
      %get3A_253 = arith.index_cast %scan3A_249 : i32 to index
      %get3A_254 = arith.constant 0 : index
      %get3A_255 = tpu.vector_load %arg12[%get3A_253, %get3A_254] {strides = array<i32>} : memref<125x32xf32, #tpu.memory_space<vmem>>, vector<1x16xf32>,
      %get3A_256 = vector.shape_cast %get3A_255 : vector<1x16xf32> to vector<16xf32>
      %add3A_257 = arith.addf %get3A_252, %get3A_256 : vector<16xf32>
      %get3A_258 = arith.index_cast %scan3A_249 : i32 to index
      %get3A_259 = arith.constant 0 : index
      %get3A_260 = tpu.vector_load %arg14[%get3A_258, %get3A_259] {strides = array<i32>} : memref<125x32xf32, #tpu.memory_space<vmem>>, vector<1x16xf32>,
      %get3A_261 = vector.shape_cast %get3A_260 : vector<1x16xf32> to vector<16xf32>
      %add3A_262 = arith.addf %add3A_257, %get3A_261 : vector<16xf32>
      %max3A = arith.constant 0.000000e+00 : f32
      %max3A_263 = vector.broadcast %max3A : f32 to vector<16xf32>
      %max3A_264 = arith.maximumf %add3A_262, %max3A_263 : vector<16xf32>
      %swap3A = arith.index_cast %scan3A_249 : i32 to index
      %swap3A_265 = arith.constant 0 : index
      %swap3A_266 = tpu.vector_load %arg18[%swap3A, %swap3A_265] {strides = array<i32>} : memref<125x32xf32, #tpu.memory_space<vmem>>, vector<1x16xf32>,
      %swap3A_267 = vector.shape_cast %swap3A_266 : vector<1x16xf32> to vector<16xf32>
      %swap3A_268 = vector.shape_cast %max3A_264 : vector<16xf32> to vector<1x16xf32>
      tpu.vector_store %arg18[%swap3A, %swap3A_265], %swap3A_268 {strides = array<i32>} : memref<125x32xf32, #tpu.memory_space<vmem>>, vector<1x16xf32>,
      %get3A_269 = arith.index_cast %scan3A_249 : i32 to index
      %get3A_270 = arith.constant 16 : index
      %get3A_271 = tpu.vector_load %arg16[%get3A_269, %get3A_270] {strides = array<i32>} : memref<125x32xf32, #tpu.memory_space<vmem>>, vector<1x16xf32>,
      %get3A_272 = vector.shape_cast %get3A_271 : vector<1x16xf32> to vector<16xf32>
      %get3A_273 = arith.index_cast %scan3A_249 : i32 to index
      %get3A_274 = arith.constant 16 : index
      %get3A_275 = tpu.vector_load %arg12[%get3A_273, %get3A_274] {strides = array<i32>} : memref<125x32xf32, #tpu.memory_space<vmem>>, vector<1x16xf32>,
      %get3A_276 = vector.shape_cast %get3A_275 : vector<1x16xf32> to vector<16xf32>
      %add3A_277 = arith.addf %get3A_272, %get3A_276 : vector<16xf32>
      %get3A_278 = arith.index_cast %scan3A_249 : i32 to index
      %get3A_279 = arith.constant 16 : index
      %get3A_280 = tpu.vector_load %arg14[%get3A_278, %get3A_279] {strides = array<i32>} : memref<125x32xf32, #tpu.memory_space<vmem>>, vector<1x16xf32>,
      %get3A_281 = vector.shape_cast %get3A_280 : vector<1x16xf32> to vector<16xf32>
      %add3A_282 = arith.addf %add3A_277, %get3A_281 : vector<16xf32>
      %max3A_283 = arith.constant 0.000000e+00 : f32
      %max3A_284 = vector.broadcast %max3A_283 : f32 to vector<16xf32>
      %max3A_285 = arith.maximumf %add3A_282, %max3A_284 : vector<16xf32>
      %swap3A_286 = arith.index_cast %scan3A_249 : i32 to index
      %swap3A_287 = arith.constant 16 : index
      %swap3A_288 = tpu.vector_load %arg18[%swap3A_286, %swap3A_287] {strides = array<i32>} : memref<125x32xf32, #tpu.memory_space<vmem>>, vector<1x16xf32>,
      %swap3A_289 = vector.shape_cast %swap3A_288 : vector<1x16xf32> to vector<16xf32>
      %swap3A_290 = vector.shape_cast %max3A_285 : vector<16xf32> to vector<1x16xf32>
      tpu.vector_store %arg18[%swap3A_286, %swap3A_287], %swap3A_290 {strides = array<i32>} : memref<125x32xf32, #tpu.memory_space<vmem>>, vector<1x16xf32>,
    }
    %scan3A_228 = arith.constant 125 : i32
    %add3A_229 = arith.constant 9875 : i32
    %add3A_230 = arith.addi %mul3A_2, %add3A_229 : i32
    %dma_start3A_231 = arith.constant 0 : i32
    %dma_start3A_232 = tpu.memref_slice %arg7[%add3A_230, %dma_start3A_231] : memref<320000x32xf32, #tpu.memory_space<hbm>> -> memref<125x32xf32, #tpu.memory_space<hbm>>
    %dma_start3A_233 = arith.constant 0 : i32
    %dma_start3A_234 = tpu.memref_slice %arg7[%add3A_230, %dma_start3A_233] : memref<320000x32xf32, #tpu.memory_space<hbm>> -> memref<125x32xf32, #tpu.memory_space<hbm>>
    tpu.enqueue_dma source(%arg18 : memref<125x32xf32, #tpu.memory_space<vmem>>) target(%dma_start3A_234 : memref<125x32xf32, #tpu.memory_space<hbm>>) target_semaphore(%arg26 : memref<!tpu.dma_semaphore, #tpu.memory_space<semaphore_mem>>)
    %run_scoped3A_235 = arith.constant 79 : i32
    "tpu.region"() ({
      %run_scoped3A_249 = tpu.sem_alloc : memref<!tpu.dma_semaphore, #tpu.memory_space<semaphore_mem>>
      %dma_start3A_250 = arith.constant 0 : i32
      %dma_start3A_251 = tpu.memref_slice %arg10[%run_scoped3A_235, %dma_start3A_250] : memref<80x125xi32, #tpu.memory_space<vmem>> -> memref<1x125xi32, #tpu.memory_space<vmem>>
      %dma_start3A_252 = tpu.memref_squeeze %dma_start3A_251 : memref<1x125xi32, #tpu.memory_space<vmem>> -> memref<125xi32, #tpu.memory_space<vmem>>
      %dma_start3A_253 = arith.constant 0 : i32
      %dma_start3A_254 = arith.constant 0 : i32
      %dma_start3A_255 = tpu.memref_slice %arg29[%dma_start3A_253, %dma_start3A_254] : memref<10240x32xf32, #tpu.memory_space<vmem_shared>> -> memref<10240x32xf32, #tpu.memory_space<vmem_shared>>
      tpu.enqueue_indirect_dma source(%arg18 : memref<125x32xf32, #tpu.memory_space<vmem>>) target(%dma_start3A_255 : memref<10240x32xf32, #tpu.memory_space<vmem_shared>>) offsets(%dma_start3A_252 : memref<125xi32, #tpu.memory_space<vmem>>) semaphore(%run_scoped3A_249 : memref<!tpu.dma_semaphore, #tpu.memory_space<semaphore_mem>>) {add = true}
      %dma_wait3A_256 = arith.constant 0 : i32
      %dma_wait3A_257 = tpu.memref_slice %arg10[%run_scoped3A_235, %dma_wait3A_256] : memref<80x125xi32, #tpu.memory_space<vmem>> -> memref<1x125xi32, #tpu.memory_space<vmem>>
      %dma_wait3A_258 = tpu.memref_squeeze %dma_wait3A_257 : memref<1x125xi32, #tpu.memory_space<vmem>> -> memref<125xi32, #tpu.memory_space<vmem>>
      %dma_wait3A_259 = arith.constant 0 : i32
      %dma_wait3A_260 = arith.constant 0 : i32
      %dma_wait3A_261 = tpu.memref_slice %arg29[%dma_wait3A_259, %dma_wait3A_260] : memref<10240x32xf32, #tpu.memory_space<vmem_shared>> -> memref<10240x32xf32, #tpu.memory_space<vmem_shared>>
      tpu.wait_indirect_dma semaphore(%run_scoped3A_249 : memref<!tpu.dma_semaphore, #tpu.memory_space<semaphore_mem>>) src(%arg18 : memref<125x32xf32, #tpu.memory_space<vmem>>) dst(%dma_wait3A_261 : memref<10240x32xf32, #tpu.memory_space<vmem_shared>>)
      tpu.yield
    }) : () -> ()
    %dma_wait3A_236 = arith.constant 0 : i32
    %dma_wait3A_237 = tpu.memref_slice %arg7[%mul3A_2, %dma_wait3A_236] : memref<320000x32xf32, #tpu.memory_space<hbm>> -> memref<125x32xf32, #tpu.memory_space<hbm>>
    %dma_wait3A_238 = arith.constant 0 : i32
    %dma_wait3A_239 = tpu.memref_slice %arg7[%mul3A_2, %dma_wait3A_238] : memref<320000x32xf32, #tpu.memory_space<hbm>> -> memref<125x32xf32, #tpu.memory_space<hbm>>
    tpu.wait_dma2 semaphore(%arg25 : memref<!tpu.dma_semaphore, #tpu.memory_space<semaphore_mem>>) src(%arg17 : memref<125x32xf32, #tpu.memory_space<vmem>>) dst(%dma_wait3A_239 : memref<125x32xf32, #tpu.memory_space<hbm>>)
    %dma_wait3A_240 = arith.constant 0 : i32
    %dma_wait3A_241 = tpu.memref_slice %arg7[%mul3A_2, %dma_wait3A_240] : memref<320000x32xf32, #tpu.memory_space<hbm>> -> memref<125x32xf32, #tpu.memory_space<hbm>>
    %dma_wait3A_242 = arith.constant 0 : i32
    %dma_wait3A_243 = tpu.memref_slice %arg7[%mul3A_2, %dma_wait3A_242] : memref<320000x32xf32, #tpu.memory_space<hbm>> -> memref<125x32xf32, #tpu.memory_space<hbm>>
    tpu.wait_dma2 semaphore(%arg26 : memref<!tpu.dma_semaphore, #tpu.memory_space<semaphore_mem>>) src(%arg18 : memref<125x32xf32, #tpu.memory_space<vmem>>) dst(%dma_wait3A_243 : memref<125x32xf32, #tpu.memory_space<hbm>>)
    %barrier3A_244 = arith.constant 0 : index
    tpu.barrier barrier_id(%barrier3A_244)
    %mul3A_245 = arith.constant 640 : i32
    %mul3A_246 = arith.muli %arg1, %mul3A_245 : i32
    %mul3A_247 = arith.constant 640 : i32
    %mul3A_248 = arith.muli %arg1, %mul3A_247 : i32
    "tpu.region"() ({
      %run_scoped3A_249 = tpu.sem_alloc : memref<!tpu.dma_semaphore, #tpu.memory_space<semaphore_mem>>
      %dma_start3A_250 = arith.constant 0 : i32
      %dma_start3A_251 = tpu.memref_slice %arg8[%arg0, %mul3A_248, %dma_start3A_250] : memref<2x10240x32xf32, #tpu.memory_space<hbm>> -> memref<1x640x32xf32, #tpu.memory_space<hbm>>
      %dma_start3A_252 = tpu.memref_squeeze %dma_start3A_251 : memref<1x640x32xf32, #tpu.memory_space<hbm>> -> memref<640x32xf32, #tpu.memory_space<hbm>>
      %dma_start3A_253 = arith.constant 0 : i32
      %dma_start3A_254 = tpu.memref_slice %arg29[%mul3A_246, %dma_start3A_253] : memref<10240x32xf32, #tpu.memory_space<vmem_shared>> -> memref<640x32xf32, #tpu.memory_space<vmem_shared>>
      tpu.enqueue_dma source(%dma_start3A_254 : memref<640x32xf32, #tpu.memory_space<vmem_shared>>) target(%dma_start3A_252 : memref<640x32xf32, #tpu.memory_space<hbm>>) target_semaphore(%run_scoped3A_249 : memref<!tpu.dma_semaphore, #tpu.memory_space<semaphore_mem>>)
      %dma_wait3A_255 = arith.constant 0 : i32
      %dma_wait3A_256 = tpu.memref_slice %arg8[%arg0, %mul3A_248, %dma_wait3A_255] : memref<2x10240x32xf32, #tpu.memory_space<hbm>> -> memref<1x640x32xf32, #tpu.memory_space<hbm>>
      %dma_wait3A_257 = tpu.memref_squeeze %dma_wait3A_256 : memref<1x640x32xf32, #tpu.memory_space<hbm>> -> memref<640x32xf32, #tpu.memory_space<hbm>>
      %dma_wait3A_258 = arith.constant 0 : i32
      %dma_wait3A_259 = tpu.memref_slice %arg29[%mul3A_246, %dma_wait3A_258] : memref<10240x32xf32, #tpu.memory_space<vmem_shared>> -> memref<640x32xf32, #tpu.memory_space<vmem_shared>>
      tpu.wait_dma2 semaphore(%run_scoped3A_249 : memref<!tpu.dma_semaphore, #tpu.memory_space<semaphore_mem>>) src(%dma_wait3A_259 : memref<640x32xf32, #tpu.memory_space<vmem_shared>>) dst(%dma_wait3A_257 : memref<640x32xf32, #tpu.memory_space<hbm>>)
      tpu.yield
    }) : () -> ()
    return
  }
}

module attributes {stable_mosaic.version = 14 : i64} {
  func.func @_norm_body(%arg0: memref<2500x128xf32, #tpu.memory_space<vmem>>, %arg1: memref<1x1xf32, #tpu.memory_space<vmem>>) attributes {dimension_semantics = [], scalar_prefetch = 0 : i64, scratch_operands = 0 : i64, tpu.core_type = #tpu.core_type<tc>} {
    %get3A = arith.constant 0 : index
    %get3A_0 = arith.constant 0 : index
    %get3A_1 = vector.load %arg0[%get3A, %get3A_0] : memref<2500x128xf32, #tpu.memory_space<vmem>>, vector<2500x128xf32>
    %abs3A = math.absf %get3A_1 : vector<2500x128xf32>
    %reduce_max3A = vector.shape_cast %abs3A : vector<2500x128xf32> to vector<1x2500x128xf32>
    %reduce_max3A_2 = arith.constant dense<0xFF800000> : vector<1xf32>
    %reduce_max3A_3 = vector.multi_reduction <maximumf>, %reduce_max3A, %reduce_max3A_2 [1, 2] : vector<1x2500x128xf32> to vector<1xf32>
    %reduce_max3A_4 = vector.shape_cast %reduce_max3A_3 : vector<1xf32> to vector<1x1x1xf32>
    %reduce_max3A_5 = vector.extract %reduce_max3A_4[0, 0, 0] : f32 from vector<1x1x1xf32>
    %broadcast_in_dim3A = vector.broadcast %reduce_max3A_5 : f32 to vector<1x1xf32>
    %swap3A = arith.constant 0 : index
    %swap3A_6 = arith.constant 0 : index
    %swap3A_7 = vector.load %arg1[%swap3A, %swap3A_6] : memref<1x1xf32, #tpu.memory_space<vmem>>, vector<1x1xf32>
    tpu.vector_store %arg1[%swap3A, %swap3A_6], %broadcast_in_dim3A {strides = array<i32>} : memref<1x1xf32, #tpu.memory_space<vmem>>, vector<1x1xf32>,
    return
  }
}

module attributes {stable_mosaic.version = 14 : i64} {
  func.func @_node0_body(%arg0: memref<10000x128xf32, #tpu.memory_space<vmem>>, %arg1: memref<128x32xf32, #tpu.memory_space<vmem>>, %arg2: memref<1x32xf32, #tpu.memory_space<vmem>>, %arg3: memref<32x32xf32, #tpu.memory_space<vmem>>, %arg4: memref<32x32xf32, #tpu.memory_space<vmem>>, %arg5: memref<10000x32xf32, #tpu.memory_space<vmem>>, %arg6: memref<10000x32xf32, #tpu.memory_space<vmem>>, %arg7: memref<10000x32xf32, #tpu.memory_space<vmem>>) attributes {dimension_semantics = [], scalar_prefetch = 0 : i64, scratch_operands = 0 : i64, tpu.core_type = #tpu.core_type<tc>} {
    %get3A = arith.constant 0 : index
    %get3A_0 = arith.constant 0 : index
    %get3A_1 = vector.load %arg0[%get3A, %get3A_0] : memref<10000x128xf32, #tpu.memory_space<vmem>>, vector<10000x128xf32>
    %get3A_2 = arith.constant 0 : index
    %get3A_3 = arith.constant 0 : index
    %get3A_4 = vector.load %arg1[%get3A_2, %get3A_3] : memref<128x32xf32, #tpu.memory_space<vmem>>, vector<128x32xf32>
    %dot_general3A = arith.constant dense<0.000000e+00> : vector<10000x32xf32>
    %dot_general3A_5 = tpu.matmul %get3A_1, %get3A_4, %dot_general3A {dimension_numbers = #tpu.dot_dimension_numbers<[1], [0], [0], [1], [0, 0, 1, 1], [], []>, transpose_lhs_hint = false} : vector<10000x128xf32>, vector<128x32xf32>, vector<10000x32xf32> -> vector<10000x32xf32>
    %get3A_6 = arith.constant 0 : index
    %get3A_7 = arith.constant 0 : index
    %get3A_8 = vector.load %arg2[%get3A_6, %get3A_7] : memref<1x32xf32, #tpu.memory_space<vmem>>, vector<1x32xf32>
    %add3A = vector.broadcast %get3A_8 : vector<1x32xf32> to vector<10000x32xf32>
    %add3A_9 = arith.addf %dot_general3A_5, %add3A : vector<10000x32xf32>
    %max3A = arith.constant 0.000000e+00 : f32
    %max3A_10 = vector.broadcast %max3A : f32 to vector<10000x32xf32>
    %max3A_11 = arith.maximumf %add3A_9, %max3A_10 : vector<10000x32xf32>
    %swap3A = arith.constant 0 : index
    %swap3A_12 = arith.constant 0 : index
    %swap3A_13 = vector.load %arg5[%swap3A, %swap3A_12] : memref<10000x32xf32, #tpu.memory_space<vmem>>, vector<10000x32xf32>
    tpu.vector_store %arg5[%swap3A, %swap3A_12], %max3A_11 {strides = array<i32>} : memref<10000x32xf32, #tpu.memory_space<vmem>>, vector<10000x32xf32>,
    %get3A_14 = arith.constant 0 : index
    %get3A_15 = arith.constant 0 : index
    %get3A_16 = vector.load %arg3[%get3A_14, %get3A_15] : memref<32x32xf32, #tpu.memory_space<vmem>>, vector<32x32xf32>
    %dot_general3A_17 = arith.constant dense<0.000000e+00> : vector<10000x32xf32>
    %dot_general3A_18 = tpu.matmul %max3A_11, %get3A_16, %dot_general3A_17 {dimension_numbers = #tpu.dot_dimension_numbers<[1], [0], [0], [1], [0, 0, 1, 1], [], []>, transpose_lhs_hint = false} : vector<10000x32xf32>, vector<32x32xf32>, vector<10000x32xf32> -> vector<10000x32xf32>
    %swap3A_19 = arith.constant 0 : index
    %swap3A_20 = arith.constant 0 : index
    %swap3A_21 = vector.load %arg6[%swap3A_19, %swap3A_20] : memref<10000x32xf32, #tpu.memory_space<vmem>>, vector<10000x32xf32>
    tpu.vector_store %arg6[%swap3A_19, %swap3A_20], %dot_general3A_18 {strides = array<i32>} : memref<10000x32xf32, #tpu.memory_space<vmem>>, vector<10000x32xf32>,
    %get3A_22 = arith.constant 0 : index
    %get3A_23 = arith.constant 0 : index
    %get3A_24 = vector.load %arg4[%get3A_22, %get3A_23] : memref<32x32xf32, #tpu.memory_space<vmem>>, vector<32x32xf32>
    %dot_general3A_25 = arith.constant dense<0.000000e+00> : vector<10000x32xf32>
    %dot_general3A_26 = tpu.matmul %max3A_11, %get3A_24, %dot_general3A_25 {dimension_numbers = #tpu.dot_dimension_numbers<[1], [0], [0], [1], [0, 0, 1, 1], [], []>, transpose_lhs_hint = false} : vector<10000x32xf32>, vector<32x32xf32>, vector<10000x32xf32> -> vector<10000x32xf32>
    %swap3A_27 = arith.constant 0 : index
    %swap3A_28 = arith.constant 0 : index
    %swap3A_29 = vector.load %arg7[%swap3A_27, %swap3A_28] : memref<10000x32xf32, #tpu.memory_space<vmem>>, vector<10000x32xf32>
    tpu.vector_store %arg7[%swap3A_27, %swap3A_28], %dot_general3A_26 {strides = array<i32>} : memref<10000x32xf32, #tpu.memory_space<vmem>>, vector<10000x32xf32>,
    return
  }
}

module attributes {stable_mosaic.version = 14 : i64} {
  func.func @_q0_body(%arg0: i32, %arg1: memref<8x16000xf32, #tpu.memory_space<vmem>>, %arg2: memref<1x1xf32, #tpu.memory_space<vmem>>, %arg3: memref<8x128xf32, #tpu.memory_space<vmem>>, %arg4: memref<1x128xf32, #tpu.memory_space<vmem>>, %arg5: memref<128x128xf32, #tpu.memory_space<vmem>>, %arg6: memref<1x128xf32, #tpu.memory_space<vmem>>, %arg7: memref<16000x128xf32, #tpu.memory_space<vmem>>) attributes {dimension_semantics = [#tpu.dimension_semantics<arbitrary>], iteration_bounds = array<i64: 5>, scalar_prefetch = 0 : i64, scratch_operands = 0 : i64, tpu.core_type = #tpu.core_type<tc>, window_params = [{transform_indices = @transform_0, window_bounds = array<i64: 8, 16000>}, {pipeline_mode = #tpu.pipeline_mode<synchronous>, transform_indices = @transform_1, window_bounds = array<i64: 1, 1>}, {pipeline_mode = #tpu.pipeline_mode<synchronous>, transform_indices = @transform_2, window_bounds = array<i64: 8, 128>}, {pipeline_mode = #tpu.pipeline_mode<synchronous>, transform_indices = @transform_3, window_bounds = array<i64: 1, 128>}, {pipeline_mode = #tpu.pipeline_mode<synchronous>, transform_indices = @transform_4, window_bounds = array<i64: 128, 128>}, {pipeline_mode = #tpu.pipeline_mode<synchronous>, transform_indices = @transform_5, window_bounds = array<i64: 1, 128>}, {transform_indices = @transform_6, window_bounds = array<i64: 16000, 128>}]} {
    %get3A = arith.constant 0 : index
    %get3A_0 = arith.constant 0 : index
    %get3A_1 = vector.load %arg2[%get3A, %get3A_0] : memref<1x1xf32, #tpu.memory_space<vmem>>, vector<1x1xf32>
    %get3A_2 = vector.extract %get3A_1[0, 0] : f32 from vector<1x1xf32>
    %div3A = arith.constant 1.000000e+00 : f32
    %div3A_3 = arith.divf %div3A, %get3A_2 : f32
    %get3A_4 = arith.constant 0 : index
    %get3A_5 = arith.constant 0 : index
    %get3A_6 = vector.load %arg1[%get3A_4, %get3A_5] : memref<8x16000xf32, #tpu.memory_space<vmem>>, vector<8x16000xf32>
    %get3A_7 = arith.constant 0 : index
    %get3A_8 = arith.constant 0 : index
    %get3A_9 = vector.load %arg3[%get3A_7, %get3A_8] : memref<8x128xf32, #tpu.memory_space<vmem>>, vector<8x128xf32>
    %dot_general3A = arith.constant dense<0.000000e+00> : vector<16000x128xf32>
    %dot_general3A_10 = tpu.matmul %get3A_6, %get3A_9, %dot_general3A {dimension_numbers = #tpu.dot_dimension_numbers<[0], [0], [1], [1], [0, 1, 1, 1], [], []>, transpose_lhs_hint = false} : vector<8x16000xf32>, vector<8x128xf32>, vector<16000x128xf32> -> vector<16000x128xf32>
    %mul3A = vector.broadcast %div3A_3 : f32 to vector<16000x128xf32>
    %mul3A_11 = arith.mulf %dot_general3A_10, %mul3A : vector<16000x128xf32>
    %get3A_12 = arith.constant 0 : index
    %get3A_13 = arith.constant 0 : index
    %get3A_14 = vector.load %arg4[%get3A_12, %get3A_13] : memref<1x128xf32, #tpu.memory_space<vmem>>, vector<1x128xf32>
    %add3A = vector.broadcast %get3A_14 : vector<1x128xf32> to vector<16000x128xf32>
    %add3A_15 = arith.addf %mul3A_11, %add3A : vector<16000x128xf32>
    %max3A = arith.constant 0.000000e+00 : f32
    %max3A_16 = vector.broadcast %max3A : f32 to vector<16000x128xf32>
    %max3A_17 = arith.maximumf %add3A_15, %max3A_16 : vector<16000x128xf32>
    %get3A_18 = arith.constant 0 : index
    %get3A_19 = arith.constant 0 : index
    %get3A_20 = vector.load %arg5[%get3A_18, %get3A_19] : memref<128x128xf32, #tpu.memory_space<vmem>>, vector<128x128xf32>
    %dot_general3A_21 = arith.constant dense<0.000000e+00> : vector<16000x128xf32>
    %dot_general3A_22 = tpu.matmul %max3A_17, %get3A_20, %dot_general3A_21 {dimension_numbers = #tpu.dot_dimension_numbers<[1], [0], [0], [1], [0, 0, 1, 1], [], []>, transpose_lhs_hint = false} : vector<16000x128xf32>, vector<128x128xf32>, vector<16000x128xf32> -> vector<16000x128xf32>
    %get3A_23 = arith.constant 0 : index
    %get3A_24 = arith.constant 0 : index
    %get3A_25 = vector.load %arg6[%get3A_23, %get3A_24] : memref<1x128xf32, #tpu.memory_space<vmem>>, vector<1x128xf32>
    %add3A_26 = vector.broadcast %get3A_25 : vector<1x128xf32> to vector<16000x128xf32>
    %add3A_27 = arith.addf %dot_general3A_22, %add3A_26 : vector<16000x128xf32>
    %swap3A = arith.constant 0 : index
    %swap3A_28 = arith.constant 0 : index
    %swap3A_29 = vector.load %arg7[%swap3A, %swap3A_28] : memref<16000x128xf32, #tpu.memory_space<vmem>>, vector<16000x128xf32>
    tpu.vector_store %arg7[%swap3A, %swap3A_28], %add3A_27 {strides = array<i32>} : memref<16000x128xf32, #tpu.memory_space<vmem>>, vector<16000x128xf32>,
    return
  }
  func.func @transform_0(%arg0: i32) -> (i32, i32) {
    %c0_i32 = arith.constant 0 : i32
    %c0_i32_0 = arith.constant 0 : i32
    return %c0_i32, %arg0 : i32, i32
  }
  func.func @transform_1(%arg0: i32) -> (i32, i32) {
    %c0_i32 = arith.constant 0 : i32
    %c0_i32_0 = arith.constant 0 : i32
    %c0_i32_1 = arith.constant 0 : i32
    return %c0_i32, %c0_i32_0 : i32, i32
  }
  func.func @transform_2(%arg0: i32) -> (i32, i32) {
    %c0_i32 = arith.constant 0 : i32
    %c0_i32_0 = arith.constant 0 : i32
    %c0_i32_1 = arith.constant 0 : i32
    return %c0_i32, %c0_i32_0 : i32, i32
  }
  func.func @transform_3(%arg0: i32) -> (i32, i32) {
    %c0_i32 = arith.constant 0 : i32
    %c0_i32_0 = arith.constant 0 : i32
    %c0_i32_1 = arith.constant 0 : i32
    return %c0_i32, %c0_i32_0 : i32, i32
  }
  func.func @transform_4(%arg0: i32) -> (i32, i32) {
    %c0_i32 = arith.constant 0 : i32
    %c0_i32_0 = arith.constant 0 : i32
    %c0_i32_1 = arith.constant 0 : i32
    return %c0_i32, %c0_i32_0 : i32, i32
  }
  func.func @transform_5(%arg0: i32) -> (i32, i32) {
    %c0_i32 = arith.constant 0 : i32
    %c0_i32_0 = arith.constant 0 : i32
    %c0_i32_1 = arith.constant 0 : i32
    return %c0_i32, %c0_i32_0 : i32, i32
  }
  func.func @transform_6(%arg0: i32) -> (i32, i32) {
    %c0_i32 = arith.constant 0 : i32
    %c0_i32_0 = arith.constant 0 : i32
    return %arg0, %c0_i32 : i32, i32
  }
}

module attributes {stable_mosaic.version = 14 : i64} {
  func.func @_nodeupd_body(%arg0: memref<10000x32xf32, #tpu.memory_space<vmem>>, %arg1: memref<2x10240x32xf32, #tpu.memory_space<vmem>>, %arg2: memref<32x32xf32, #tpu.memory_space<vmem>>, %arg3: memref<32x32xf32, #tpu.memory_space<vmem>>, %arg4: memref<1x32xf32, #tpu.memory_space<vmem>>, %arg5: memref<32x32xf32, #tpu.memory_space<vmem>>, %arg6: memref<32x32xf32, #tpu.memory_space<vmem>>, %arg7: memref<10000x32xf32, #tpu.memory_space<vmem>>, %arg8: memref<10000x32xf32, #tpu.memory_space<vmem>>, %arg9: memref<10000x32xf32, #tpu.memory_space<vmem>>) attributes {dimension_semantics = [], scalar_prefetch = 0 : i64, scratch_operands = 0 : i64, tpu.core_type = #tpu.core_type<tc>} {
    %get3A = arith.constant 0 : index
    %get3A_0 = arith.constant 0 : index
    %get3A_1 = arith.constant 0 : index
    %get3A_2 = vector.load %arg1[%get3A, %get3A_0, %get3A_1] : memref<2x10240x32xf32, #tpu.memory_space<vmem>>, vector<1x10000x32xf32>
    %get3A_3 = vector.shape_cast %get3A_2 : vector<1x10000x32xf32> to vector<10000x32xf32>
    %get3A_4 = arith.constant 1 : index
    %get3A_5 = arith.constant 0 : index
    %get3A_6 = arith.constant 0 : index
    %get3A_7 = vector.load %arg1[%get3A_4, %get3A_5, %get3A_6] : memref<2x10240x32xf32, #tpu.memory_space<vmem>>, vector<1x10000x32xf32>
    %get3A_8 = vector.shape_cast %get3A_7 : vector<1x10000x32xf32> to vector<10000x32xf32>
    %add3A = arith.addf %get3A_3, %get3A_8 : vector<10000x32xf32>
    %get3A_9 = arith.constant 0 : index
    %get3A_10 = arith.constant 0 : index
    %get3A_11 = vector.load %arg0[%get3A_9, %get3A_10] : memref<10000x32xf32, #tpu.memory_space<vmem>>, vector<10000x32xf32>
    %get3A_12 = arith.constant 0 : index
    %get3A_13 = arith.constant 0 : index
    %get3A_14 = vector.load %arg2[%get3A_12, %get3A_13] : memref<32x32xf32, #tpu.memory_space<vmem>>, vector<32x32xf32>
    %dot_general3A = arith.constant dense<0.000000e+00> : vector<10000x32xf32>
    %dot_general3A_15 = tpu.matmul %get3A_11, %get3A_14, %dot_general3A {dimension_numbers = #tpu.dot_dimension_numbers<[1], [0], [0], [1], [0, 0, 1, 1], [], []>, transpose_lhs_hint = false} : vector<10000x32xf32>, vector<32x32xf32>, vector<10000x32xf32> -> vector<10000x32xf32>
    %get3A_16 = arith.constant 0 : index
    %get3A_17 = arith.constant 0 : index
    %get3A_18 = vector.load %arg3[%get3A_16, %get3A_17] : memref<32x32xf32, #tpu.memory_space<vmem>>, vector<32x32xf32>
    %dot_general3A_19 = arith.constant dense<0.000000e+00> : vector<10000x32xf32>
    %dot_general3A_20 = tpu.matmul %add3A, %get3A_18, %dot_general3A_19 {dimension_numbers = #tpu.dot_dimension_numbers<[1], [0], [0], [1], [0, 0, 1, 1], [], []>, transpose_lhs_hint = false} : vector<10000x32xf32>, vector<32x32xf32>, vector<10000x32xf32> -> vector<10000x32xf32>
    %add3A_21 = arith.addf %dot_general3A_15, %dot_general3A_20 : vector<10000x32xf32>
    %get3A_22 = arith.constant 0 : index
    %get3A_23 = arith.constant 0 : index
    %get3A_24 = vector.load %arg4[%get3A_22, %get3A_23] : memref<1x32xf32, #tpu.memory_space<vmem>>, vector<1x32xf32>
    %add3A_25 = vector.broadcast %get3A_24 : vector<1x32xf32> to vector<10000x32xf32>
    %add3A_26 = arith.addf %add3A_21, %add3A_25 : vector<10000x32xf32>
    %max3A = arith.constant 0.000000e+00 : f32
    %max3A_27 = vector.broadcast %max3A : f32 to vector<10000x32xf32>
    %max3A_28 = arith.maximumf %add3A_26, %max3A_27 : vector<10000x32xf32>
    %swap3A = arith.constant 0 : index
    %swap3A_29 = arith.constant 0 : index
    %swap3A_30 = vector.load %arg7[%swap3A, %swap3A_29] : memref<10000x32xf32, #tpu.memory_space<vmem>>, vector<10000x32xf32>
    tpu.vector_store %arg7[%swap3A, %swap3A_29], %max3A_28 {strides = array<i32>} : memref<10000x32xf32, #tpu.memory_space<vmem>>, vector<10000x32xf32>,
    %get3A_31 = arith.constant 0 : index
    %get3A_32 = arith.constant 0 : index
    %get3A_33 = vector.load %arg5[%get3A_31, %get3A_32] : memref<32x32xf32, #tpu.memory_space<vmem>>, vector<32x32xf32>
    %dot_general3A_34 = arith.constant dense<0.000000e+00> : vector<10000x32xf32>
    %dot_general3A_35 = tpu.matmul %max3A_28, %get3A_33, %dot_general3A_34 {dimension_numbers = #tpu.dot_dimension_numbers<[1], [0], [0], [1], [0, 0, 1, 1], [], []>, transpose_lhs_hint = false} : vector<10000x32xf32>, vector<32x32xf32>, vector<10000x32xf32> -> vector<10000x32xf32>
    %swap3A_36 = arith.constant 0 : index
    %swap3A_37 = arith.constant 0 : index
    %swap3A_38 = vector.load %arg8[%swap3A_36, %swap3A_37] : memref<10000x32xf32, #tpu.memory_space<vmem>>, vector<10000x32xf32>
    tpu.vector_store %arg8[%swap3A_36, %swap3A_37], %dot_general3A_35 {strides = array<i32>} : memref<10000x32xf32, #tpu.memory_space<vmem>>, vector<10000x32xf32>,
    %get3A_39 = arith.constant 0 : index
    %get3A_40 = arith.constant 0 : index
    %get3A_41 = vector.load %arg6[%get3A_39, %get3A_40] : memref<32x32xf32, #tpu.memory_space<vmem>>, vector<32x32xf32>
    %dot_general3A_42 = arith.constant dense<0.000000e+00> : vector<10000x32xf32>
    %dot_general3A_43 = tpu.matmul %max3A_28, %get3A_41, %dot_general3A_42 {dimension_numbers = #tpu.dot_dimension_numbers<[1], [0], [0], [1], [0, 0, 1, 1], [], []>, transpose_lhs_hint = false} : vector<10000x32xf32>, vector<32x32xf32>, vector<10000x32xf32> -> vector<10000x32xf32>
    %swap3A_44 = arith.constant 0 : index
    %swap3A_45 = arith.constant 0 : index
    %swap3A_46 = vector.load %arg9[%swap3A_44, %swap3A_45] : memref<10000x32xf32, #tpu.memory_space<vmem>>, vector<10000x32xf32>
    tpu.vector_store %arg9[%swap3A_44, %swap3A_45], %dot_general3A_43 {strides = array<i32>} : memref<10000x32xf32, #tpu.memory_space<vmem>>, vector<10000x32xf32>,
    return
  }
}

module attributes {stable_mosaic.version = 14 : i64} {
  func.func @_q_body(%arg0: i32, %arg1: memref<8000x128xf32, #tpu.memory_space<vmem>>, %arg2: memref<128x128xf32, #tpu.memory_space<vmem>>, %arg3: memref<1x128xf32, #tpu.memory_space<vmem>>, %arg4: memref<8000x128xf32, #tpu.memory_space<vmem>>) attributes {dimension_semantics = [#tpu.dimension_semantics<arbitrary>], iteration_bounds = array<i64: 10>, scalar_prefetch = 0 : i64, scratch_operands = 0 : i64, tpu.core_type = #tpu.core_type<tc>, window_params = [{transform_indices = @transform_0, window_bounds = array<i64: 8000, 128>}, {pipeline_mode = #tpu.pipeline_mode<synchronous>, transform_indices = @transform_1, window_bounds = array<i64: 128, 128>}, {pipeline_mode = #tpu.pipeline_mode<synchronous>, transform_indices = @transform_2, window_bounds = array<i64: 1, 128>}, {transform_indices = @transform_3, window_bounds = array<i64: 8000, 128>}]} {
    %get3A = arith.constant 0 : index
    %get3A_0 = arith.constant 0 : index
    %get3A_1 = vector.load %arg1[%get3A, %get3A_0] : memref<8000x128xf32, #tpu.memory_space<vmem>>, vector<8000x128xf32>
    %get3A_2 = arith.constant 0 : index
    %get3A_3 = arith.constant 0 : index
    %get3A_4 = vector.load %arg2[%get3A_2, %get3A_3] : memref<128x128xf32, #tpu.memory_space<vmem>>, vector<128x128xf32>
    %dot_general3A = arith.constant dense<0.000000e+00> : vector<8000x128xf32>
    %dot_general3A_5 = tpu.matmul %get3A_1, %get3A_4, %dot_general3A {dimension_numbers = #tpu.dot_dimension_numbers<[1], [0], [0], [1], [0, 0, 1, 1], [], []>, transpose_lhs_hint = false} : vector<8000x128xf32>, vector<128x128xf32>, vector<8000x128xf32> -> vector<8000x128xf32>
    %get3A_6 = arith.constant 0 : index
    %get3A_7 = arith.constant 0 : index
    %get3A_8 = vector.load %arg3[%get3A_6, %get3A_7] : memref<1x128xf32, #tpu.memory_space<vmem>>, vector<1x128xf32>
    %add3A = vector.broadcast %get3A_8 : vector<1x128xf32> to vector<8000x128xf32>
    %add3A_9 = arith.addf %dot_general3A_5, %add3A : vector<8000x128xf32>
    %swap3A = arith.constant 0 : index
    %swap3A_10 = arith.constant 0 : index
    %swap3A_11 = vector.load %arg4[%swap3A, %swap3A_10] : memref<8000x128xf32, #tpu.memory_space<vmem>>, vector<8000x128xf32>
    tpu.vector_store %arg4[%swap3A, %swap3A_10], %add3A_9 {strides = array<i32>} : memref<8000x128xf32, #tpu.memory_space<vmem>>, vector<8000x128xf32>,
    return
  }
  func.func @transform_0(%arg0: i32) -> (i32, i32) {
    %c0_i32 = arith.constant 0 : i32
    %c0_i32_0 = arith.constant 0 : i32
    return %arg0, %c0_i32 : i32, i32
  }
  func.func @transform_1(%arg0: i32) -> (i32, i32) {
    %c0_i32 = arith.constant 0 : i32
    %c0_i32_0 = arith.constant 0 : i32
    %c0_i32_1 = arith.constant 0 : i32
    return %c0_i32, %c0_i32_0 : i32, i32
  }
  func.func @transform_2(%arg0: i32) -> (i32, i32) {
    %c0_i32 = arith.constant 0 : i32
    %c0_i32_0 = arith.constant 0 : i32
    %c0_i32_1 = arith.constant 0 : i32
    return %c0_i32, %c0_i32_0 : i32, i32
  }
  func.func @transform_3(%arg0: i32) -> (i32, i32) {
    %c0_i32 = arith.constant 0 : i32
    %c0_i32_0 = arith.constant 0 : i32
    return %arg0, %c0_i32 : i32, i32
  }
}

module attributes {stable_mosaic.version = 14 : i64} {
  func.func @_nodeupd_body(%arg0: memref<10000x32xf32, #tpu.memory_space<vmem>>, %arg1: memref<2x10240x32xf32, #tpu.memory_space<vmem>>, %arg2: memref<32x32xf32, #tpu.memory_space<vmem>>, %arg3: memref<32x32xf32, #tpu.memory_space<vmem>>, %arg4: memref<1x32xf32, #tpu.memory_space<vmem>>, %arg5: memref<32x32xf32, #tpu.memory_space<vmem>>, %arg6: memref<32x32xf32, #tpu.memory_space<vmem>>, %arg7: memref<10000x32xf32, #tpu.memory_space<vmem>>, %arg8: memref<10000x32xf32, #tpu.memory_space<vmem>>, %arg9: memref<10000x32xf32, #tpu.memory_space<vmem>>) attributes {dimension_semantics = [], scalar_prefetch = 0 : i64, scratch_operands = 0 : i64, tpu.core_type = #tpu.core_type<tc>} {
    %get3A = arith.constant 0 : index
    %get3A_0 = arith.constant 0 : index
    %get3A_1 = arith.constant 0 : index
    %get3A_2 = vector.load %arg1[%get3A, %get3A_0, %get3A_1] : memref<2x10240x32xf32, #tpu.memory_space<vmem>>, vector<1x10000x32xf32>
    %get3A_3 = vector.shape_cast %get3A_2 : vector<1x10000x32xf32> to vector<10000x32xf32>
    %get3A_4 = arith.constant 1 : index
    %get3A_5 = arith.constant 0 : index
    %get3A_6 = arith.constant 0 : index
    %get3A_7 = vector.load %arg1[%get3A_4, %get3A_5, %get3A_6] : memref<2x10240x32xf32, #tpu.memory_space<vmem>>, vector<1x10000x32xf32>
    %get3A_8 = vector.shape_cast %get3A_7 : vector<1x10000x32xf32> to vector<10000x32xf32>
    %add3A = arith.addf %get3A_3, %get3A_8 : vector<10000x32xf32>
    %get3A_9 = arith.constant 0 : index
    %get3A_10 = arith.constant 0 : index
    %get3A_11 = vector.load %arg0[%get3A_9, %get3A_10] : memref<10000x32xf32, #tpu.memory_space<vmem>>, vector<10000x32xf32>
    %get3A_12 = arith.constant 0 : index
    %get3A_13 = arith.constant 0 : index
    %get3A_14 = vector.load %arg2[%get3A_12, %get3A_13] : memref<32x32xf32, #tpu.memory_space<vmem>>, vector<32x32xf32>
    %dot_general3A = arith.constant dense<0.000000e+00> : vector<10000x32xf32>
    %dot_general3A_15 = tpu.matmul %get3A_11, %get3A_14, %dot_general3A {dimension_numbers = #tpu.dot_dimension_numbers<[1], [0], [0], [1], [0, 0, 1, 1], [], []>, transpose_lhs_hint = false} : vector<10000x32xf32>, vector<32x32xf32>, vector<10000x32xf32> -> vector<10000x32xf32>
    %get3A_16 = arith.constant 0 : index
    %get3A_17 = arith.constant 0 : index
    %get3A_18 = vector.load %arg3[%get3A_16, %get3A_17] : memref<32x32xf32, #tpu.memory_space<vmem>>, vector<32x32xf32>
    %dot_general3A_19 = arith.constant dense<0.000000e+00> : vector<10000x32xf32>
    %dot_general3A_20 = tpu.matmul %add3A, %get3A_18, %dot_general3A_19 {dimension_numbers = #tpu.dot_dimension_numbers<[1], [0], [0], [1], [0, 0, 1, 1], [], []>, transpose_lhs_hint = false} : vector<10000x32xf32>, vector<32x32xf32>, vector<10000x32xf32> -> vector<10000x32xf32>
    %add3A_21 = arith.addf %dot_general3A_15, %dot_general3A_20 : vector<10000x32xf32>
    %get3A_22 = arith.constant 0 : index
    %get3A_23 = arith.constant 0 : index
    %get3A_24 = vector.load %arg4[%get3A_22, %get3A_23] : memref<1x32xf32, #tpu.memory_space<vmem>>, vector<1x32xf32>
    %add3A_25 = vector.broadcast %get3A_24 : vector<1x32xf32> to vector<10000x32xf32>
    %add3A_26 = arith.addf %add3A_21, %add3A_25 : vector<10000x32xf32>
    %max3A = arith.constant 0.000000e+00 : f32
    %max3A_27 = vector.broadcast %max3A : f32 to vector<10000x32xf32>
    %max3A_28 = arith.maximumf %add3A_26, %max3A_27 : vector<10000x32xf32>
    %swap3A = arith.constant 0 : index
    %swap3A_29 = arith.constant 0 : index
    %swap3A_30 = vector.load %arg7[%swap3A, %swap3A_29] : memref<10000x32xf32, #tpu.memory_space<vmem>>, vector<10000x32xf32>
    tpu.vector_store %arg7[%swap3A, %swap3A_29], %max3A_28 {strides = array<i32>} : memref<10000x32xf32, #tpu.memory_space<vmem>>, vector<10000x32xf32>,
    %get3A_31 = arith.constant 0 : index
    %get3A_32 = arith.constant 0 : index
    %get3A_33 = vector.load %arg5[%get3A_31, %get3A_32] : memref<32x32xf32, #tpu.memory_space<vmem>>, vector<32x32xf32>
    %dot_general3A_34 = arith.constant dense<0.000000e+00> : vector<10000x32xf32>
    %dot_general3A_35 = tpu.matmul %max3A_28, %get3A_33, %dot_general3A_34 {dimension_numbers = #tpu.dot_dimension_numbers<[1], [0], [0], [1], [0, 0, 1, 1], [], []>, transpose_lhs_hint = false} : vector<10000x32xf32>, vector<32x32xf32>, vector<10000x32xf32> -> vector<10000x32xf32>
    %swap3A_36 = arith.constant 0 : index
    %swap3A_37 = arith.constant 0 : index
    %swap3A_38 = vector.load %arg8[%swap3A_36, %swap3A_37] : memref<10000x32xf32, #tpu.memory_space<vmem>>, vector<10000x32xf32>
    tpu.vector_store %arg8[%swap3A_36, %swap3A_37], %dot_general3A_35 {strides = array<i32>} : memref<10000x32xf32, #tpu.memory_space<vmem>>, vector<10000x32xf32>,
    %get3A_39 = arith.constant 0 : index
    %get3A_40 = arith.constant 0 : index
    %get3A_41 = vector.load %arg6[%get3A_39, %get3A_40] : memref<32x32xf32, #tpu.memory_space<vmem>>, vector<32x32xf32>
    %dot_general3A_42 = arith.constant dense<0.000000e+00> : vector<10000x32xf32>
    %dot_general3A_43 = tpu.matmul %max3A_28, %get3A_41, %dot_general3A_42 {dimension_numbers = #tpu.dot_dimension_numbers<[1], [0], [0], [1], [0, 0, 1, 1], [], []>, transpose_lhs_hint = false} : vector<10000x32xf32>, vector<32x32xf32>, vector<10000x32xf32> -> vector<10000x32xf32>
    %swap3A_44 = arith.constant 0 : index
    %swap3A_45 = arith.constant 0 : index
    %swap3A_46 = vector.load %arg9[%swap3A_44, %swap3A_45] : memref<10000x32xf32, #tpu.memory_space<vmem>>, vector<10000x32xf32>
    tpu.vector_store %arg9[%swap3A_44, %swap3A_45], %dot_general3A_43 {strides = array<i32>} : memref<10000x32xf32, #tpu.memory_space<vmem>>, vector<10000x32xf32>,
    return
  }
}

module attributes {stable_mosaic.version = 14 : i64} {
  func.func @_dec_body(%arg0: i32, %arg1: memref<16000x128xf32, #tpu.memory_space<vmem>>, %arg2: memref<8x128xf32, #tpu.memory_space<vmem>>, %arg3: memref<8x16000xf32, #tpu.memory_space<vmem>>) attributes {dimension_semantics = [#tpu.dimension_semantics<arbitrary>], iteration_bounds = array<i64: 5>, scalar_prefetch = 0 : i64, scratch_operands = 0 : i64, tpu.core_type = #tpu.core_type<tc>, window_params = [{transform_indices = @transform_0, window_bounds = array<i64: 16000, 128>}, {pipeline_mode = #tpu.pipeline_mode<synchronous>, transform_indices = @transform_1, window_bounds = array<i64: 8, 128>}, {transform_indices = @transform_2, window_bounds = array<i64: 8, 16000>}]} {
    %get3A = arith.constant 0 : index
    %get3A_0 = arith.constant 0 : index
    %get3A_1 = vector.load %arg2[%get3A, %get3A_0] : memref<8x128xf32, #tpu.memory_space<vmem>>, vector<8x128xf32>
    %get3A_2 = arith.constant 0 : index
    %get3A_3 = arith.constant 0 : index
    %get3A_4 = vector.load %arg1[%get3A_2, %get3A_3] : memref<16000x128xf32, #tpu.memory_space<vmem>>, vector<16000x128xf32>
    %dot_general3A = arith.constant dense<0.000000e+00> : vector<8x16000xf32>
    %dot_general3A_5 = tpu.matmul %get3A_1, %get3A_4, %dot_general3A {dimension_numbers = #tpu.dot_dimension_numbers<[1], [1], [0], [0], [0, 0, 1, 0], [], []>, transpose_lhs_hint = false} : vector<8x128xf32>, vector<16000x128xf32>, vector<8x16000xf32> -> vector<8x16000xf32>
    %swap3A = arith.constant 0 : index
    %swap3A_6 = arith.constant 0 : index
    %swap3A_7 = vector.load %arg3[%swap3A, %swap3A_6] : memref<8x16000xf32, #tpu.memory_space<vmem>>, vector<8x16000xf32>
    tpu.vector_store %arg3[%swap3A, %swap3A_6], %dot_general3A_5 {strides = array<i32>} : memref<8x16000xf32, #tpu.memory_space<vmem>>, vector<8x16000xf32>,
    return
  }
  func.func @transform_0(%arg0: i32) -> (i32, i32) {
    %c0_i32 = arith.constant 0 : i32
    %c0_i32_0 = arith.constant 0 : i32
    return %arg0, %c0_i32 : i32, i32
  }
  func.func @transform_1(%arg0: i32) -> (i32, i32) {
    %c0_i32 = arith.constant 0 : i32
    %c0_i32_0 = arith.constant 0 : i32
    %c0_i32_1 = arith.constant 0 : i32
    return %c0_i32, %c0_i32_0 : i32, i32
  }
  func.func @transform_2(%arg0: i32) -> (i32, i32) {
    %c0_i32 = arith.constant 0 : i32
    %c0_i32_0 = arith.constant 0 : i32
    return %c0_i32, %arg0 : i32, i32
  }
}

module attributes {stable_mosaic.version = 14 : i64} {
  func.func @_out_body(%arg0: memref<2500x128xf32, #tpu.memory_space<vmem>>, %arg1: memref<2500x128xf32, #tpu.memory_space<vmem>>, %arg2: memref<2500x128xi32, #tpu.memory_space<vmem>>, %arg3: memref<2500x128xi32, #tpu.memory_space<vmem>>, %arg4: memref<1x1xf32, #tpu.memory_space<vmem>>, %arg5: memref<1x1xf32, #tpu.memory_space<vmem>>, %arg6: memref<1x1xf32, #tpu.memory_space<vmem>>, %arg7: memref<2500x128xf32, #tpu.memory_space<vmem>>) attributes {dimension_semantics = [], scalar_prefetch = 0 : i64, scratch_operands = 0 : i64, tpu.core_type = #tpu.core_type<tc>} {
    %get3A = arith.constant 0 : index
    %get3A_0 = arith.constant 0 : index
    %get3A_1 = vector.load %arg1[%get3A, %get3A_0] : memref<2500x128xf32, #tpu.memory_space<vmem>>, vector<2500x128xf32>
    %get3A_2 = arith.constant 0 : index
    %get3A_3 = arith.constant 0 : index
    %get3A_4 = vector.load %arg6[%get3A_2, %get3A_3] : memref<1x1xf32, #tpu.memory_space<vmem>>, vector<1x1xf32>
    %get3A_5 = vector.extract %get3A_4[0, 0] : f32 from vector<1x1xf32>
    %get3A_6 = arith.constant 0 : index
    %get3A_7 = arith.constant 0 : index
    %get3A_8 = vector.load %arg5[%get3A_6, %get3A_7] : memref<1x1xf32, #tpu.memory_space<vmem>>, vector<1x1xf32>
    %get3A_9 = vector.extract %get3A_8[0, 0] : f32 from vector<1x1xf32>
    %mul3A = arith.mulf %get3A_5, %get3A_9 : f32
    %get3A_10 = arith.constant 0 : index
    %get3A_11 = arith.constant 0 : index
    %get3A_12 = vector.load %arg0[%get3A_10, %get3A_11] : memref<2500x128xf32, #tpu.memory_space<vmem>>, vector<2500x128xf32>
    %get3A_13 = arith.constant 0 : index
    %get3A_14 = arith.constant 0 : index
    %get3A_15 = vector.load %arg4[%get3A_13, %get3A_14] : memref<1x1xf32, #tpu.memory_space<vmem>>, vector<1x1xf32>
    %get3A_16 = vector.extract %get3A_15[0, 0] : f32 from vector<1x1xf32>
    %add3A = vector.broadcast %get3A_16 : f32 to vector<2500x128xf32>
    %add3A_17 = arith.addf %get3A_12, %add3A : vector<2500x128xf32>
    %mul3A_18 = vector.broadcast %mul3A : f32 to vector<2500x128xf32>
    %mul3A_19 = arith.mulf %mul3A_18, %add3A_17 : vector<2500x128xf32>
    %add3A_20 = arith.addf %get3A_1, %mul3A_19 : vector<2500x128xf32>
    %get3A_21 = arith.constant 0 : index
    %get3A_22 = arith.constant 0 : index
    %get3A_23 = vector.load %arg2[%get3A_21, %get3A_22] : memref<2500x128xi32, #tpu.memory_space<vmem>>, vector<2500x128xi32>
    %get3A_24 = arith.constant 0 : index
    %get3A_25 = arith.constant 0 : index
    %get3A_26 = vector.load %arg3[%get3A_24, %get3A_25] : memref<2500x128xi32, #tpu.memory_space<vmem>>, vector<2500x128xi32>
    %ge3A = arith.cmpi sge, %get3A_23, %get3A_26 : vector<2500x128xi32>
    %jit3A = arith.constant 0.000000e+00 : f32
    %broadcast_in_dim3A = vector.broadcast %jit3A : f32 to vector<2500x128xf32>
    %select_n3A = arith.select %ge3A, %add3A_20, %broadcast_in_dim3A : vector<2500x128xi1>, vector<2500x128xf32>
    %swap3A = arith.constant 0 : index
    %swap3A_27 = arith.constant 0 : index
    %swap3A_28 = vector.load %arg7[%swap3A, %swap3A_27] : memref<2500x128xf32, #tpu.memory_space<vmem>>, vector<2500x128xf32>
    tpu.vector_store %arg7[%swap3A, %swap3A_27], %select_n3A {strides = array<i32>} : memref<2500x128xf32, #tpu.memory_space<vmem>>, vector<2500x128xf32>,
    return
  }
}

</mosaic_0001>

<sc_bundles>
// kernel: kernel.14.cloned.1.call-start
scs
__scs_entry_jumppad:
0x0: {  	(pc) =	sbr.rel $0x88, $3  }
0x1: {  	(tag) =	ssettag $0x0;
	lr =	simm.s32 $0x1  }
0x2: {  	[smem:$0x3F92] =	sst lr;
	_ =	strace $0xD0000000  }
0x3: {  	_ = 	snop  }
0x4: {  	_ = 	snop  }
0x5: {  	_ = 	snop  }
0x6: {  	_ = 	snop  }
0x7: {  	_ = 	snop  }
__scs_overlays_trampoline_lowered:
0x8: {  	[smem:$0x3FA1] =	sst s0  }
0x9: {  	[smem:$0x3FA2] =	sst s1  }
0xa: {  	[smem:$0x3FA3] =	sst s2  }
0xb: {  	[smem:$0x3FA4] =	sst s3  }
0xc: {  	[smem:$0x3FA5] =	sst s4  }
0xd: {  	[smem:$0x3FA6] =	sst s5  }
0xe: {  	[smem:$0x3FA7] =	sst s6  }
0xf: {  	[smem:$0x3FA8] =	sst s7  }
0x10: {  	[smem:$0x3FA9] =	sst s8  }
0x11: {  	[smem:$0x3FAA] =	sst s9;
	s0 =	simm.s32 @!p0 $0x0  }
0x12: {  	s1 =	sld [smem:$0x3F90];
	s0 =	simm.s32 @p0 $0x1  }
0x13: {  	[smem:$0x3FAB] =	sst s0;
	s0 =	simm.s32 @!p1 $0x0  }
0x14: {  	s2 =	sld [smem:$0x3F8F];
	s0 =	simm.s32 @p1 $0x1  }
0x15: {  	[smem:$0x3FAC] =	sst s0;
	s0 =	simm.s32 @!p2 $0x0  }
0x16: {  	s3 =	sld [smem:$0x3FDB];
	s0 =	simm.s32 @p2 $0x1  }
0x17: {  	s4 =	simm.s32 $0x1BF5;
	[smem:$0x3FAE] =	sst s0  }
0x18: {  	s0 =	sld [smem:$0x3F91];
	_ =	swait.ge [sflag:s4], $0x0  }
0x19: {  	s7 =	sld [smem:$0x3F92]  }
0x1a: {  	s8 =	sadd.s32 $0xFFFFE003, lr  }
0x1b: {  	s9 =	sadd.s32 $0xFFFFFEF7, lr;
	s5 =	simm.s32 $0xFFFFFFFF;
	p2 =	slt.u32 s8, $0xFFFFF086  }
0x1c: {  	p1 =	slt.u32 s9, $0xF7A;
	s5 =	simm.s32 @!p2 $0x0  }
0x1d: {  	s5 =	simm.s32 @p1 $0x1;
	p0 =	seq.s32 s7, s2  }
0x1e: {  	s7 =	smul.u32 @!p0 $0xF7A, s2;
	p2 =	seq.s32 @!p0 s5, $0x0  }
0x1f: {  	s9 =	smul.u32 $0xF7A, s1;
	s8 =	simm.s32 @!p0 $0x1BF5;
	p2 =	por !p2, p0  }
0x20: {  	[sflag:s8] =	ssyncset.s32 @!p0 $0xFFFFF086;
	s6 =	sadd.s32 @!p0 s3, s7;
	s7 =	simm.s32 @!p0 $0x108  }
0x21: {  	s3 =	sadd.s32 s3, s9;
	s6 =	sadd.s32 @!p0 $0x88, s6;
	s7 =	simm.s32 @p2 $0x1082  }
0x22: {  	[simem:s7], [sflag:s8] =	dma.local @!p0 [hbm:s6], $0xF7A  }
0x23: {  	s9 =	sor.u32 $0xD0000000, s2;
	s6 =	simm.s32 $0x108;
	_ =	swait.ge @!p0 [sflag:s8], $0x0  }
0x24: {  	s3 =	sadd.s32 $0x88, s3;
	s6 =	simm.s32 @!p1 $0x1082;
	[sflag:s4] =	ssyncset.s32 $0xFFFFF086  }
0x25: {  	[simem:s6], [sflag:s4] =	dma.local [hbm:s3], $0xF7A  }
0x26: {  	[smem:$0x3F92] =	sst s1;
	(tag) =	ssettag s2;
	_ =	strace s9  }
0x27: {  	s1 =	sld [smem:$0x3FA2]  }
0x28: {  	s2 =	sld [smem:$0x3FA3]  }
0x29: {  	s4 =	sld [smem:$0x3FA5]  }
0x2a: {  	p0 =	seq.s32 s5, $0x0;
	s5 =	sld [smem:$0x3FA6]  }
0x2b: {  	s6 =	sld [smem:$0x3FA7]  }
0x2c: {  	s7 =	sld [smem:$0x3FA8]  }
0x2d: {  	s3 =	simm.s32 $0x108;
	s8 =	sld [smem:$0x3FA9]  }
0x2e: {  	s3 =	simm.s32 @!p0 $0x1082;
	s9 =	sld [smem:$0x3FAA]  }
0x2f: {  	lr =	sadd.s32 s0, s3;
	s0 =	sld [smem:$0x3FA1]  }
0x30: {  	s3 =	sld [smem:$0x3FA4]  }
0x31: {  	[smem:$0x3FAD] =	sst s10  }
0x32: {  	s10 =	sld [smem:$0x3FAB];
	_ =	sdelay $0x3  }
0x33: {  	p0 =	seq.s32 s10, $0x1;
	s10 =	sld [smem:$0x3FAD];
	_ =	sdelay $0x3  }
0x34: {  	[smem:$0x3FAD] =	sst s10  }
0x35: {  	s10 =	sld [smem:$0x3FAC];
	_ =	sdelay $0x3  }
0x36: {  	p1 =	seq.s32 s10, $0x1;
	s10 =	sld [smem:$0x3FAD];
	_ =	sdelay $0x3  }
0x37: {  	[smem:$0x3FAD] =	sst s10  }
0x38: {  	s10 =	sld [smem:$0x3FAE]  }
0x39: {  	_ = 	snop;
	(pc) =	sbr.ind lr, $3  }
0x3a: {  	_ = 	snop  }
0x3b: {  	_ = 	snop  }
0x3c: {  	p2 =	seq.s32 s10, $0x1;
	s10 =	sld [smem:$0x3FAD]  }
0x3d: {  	_ =	shalt  }
0x3e: {  	_ =	shalt  }
0x3f: {  	_ =	shalt  }
0x40: {  	_ =	shalt  }
0x41: {  	_ =	shalt  }
0x42: {  	_ =	shalt  }
0x43: {  	_ =	shalt  }
0x44: {  	_ =	shalt  }
0x45: {  	_ =	shalt  }
0x46: {  	_ =	shalt  }
0x47: {  	_ =	shalt  }
0x48: {  	_ =	shalt  }
0x49: {  	_ =	shalt  }
0x4a: {  	_ =	shalt  }
0x4b: {  	_ =	shalt  }
0x4c: {  	_ =	shalt  }
0x4d: {  	_ =	shalt  }
0x4e: {  	_ =	shalt  }
0x4f: {  	_ =	shalt  }
0x50: {  	_ =	shalt  }
0x51: {  	_ =	shalt  }
0x52: {  	_ =	shalt  }
0x53: {  	_ =	shalt  }
0x54: {  	_ =	shalt  }
0x55: {  	_ =	shalt  }
0x56: {  	_ =	shalt  }
0x57: {  	_ =	shalt  }
0x58: {  	_ =	shalt  }
0x59: {  	_ =	shalt  }
0x5a: {  	_ =	shalt  }
0x5b: {  	_ =	shalt  }
0x5c: {  	_ =	shalt  }
0x5d: {  	_ =	shalt  }
0x5e: {  	_ =	shalt  }
0x5f: {  	_ =	shalt  }
0x60: {  	_ =	shalt  }
0x61: {  	_ =	shalt  }
0x62: {  	_ =	shalt  }
0x63: {  	_ =	shalt  }
0x64: {  	_ =	shalt  }
0x65: {  	_ =	shalt  }
0x66: {  	_ =	shalt  }
0x67: {  	_ =	shalt  }
0x68: {  	_ =	shalt  }
0x69: {  	_ =	shalt  }
0x6a: {  	_ =	shalt  }
0x6b: {  	_ =	shalt  }
0x6c: {  	_ =	shalt  }
0x6d: {  	_ =	shalt  }
0x6e: {  	_ =	shalt  }
0x6f: {  	_ =	shalt  }
0x70: {  	_ =	shalt  }
0x71: {  	_ =	shalt  }
0x72: {  	_ =	shalt  }
0x73: {  	_ =	shalt  }
0x74: {  	_ =	shalt  }
0x75: {  	_ =	shalt  }
0x76: {  	_ =	shalt  }
0x77: {  	_ =	shalt  }
0x78: {  	_ =	shalt  }
0x79: {  	_ =	shalt  }
0x7a: {  	_ =	shalt  }
0x7b: {  	_ =	shalt  }
0x7c: {  	_ =	shalt  }
0x7d: {  	_ =	shalt  }
0x7e: {  	_ =	shalt  }
0x7f: {  	_ =	shalt  }
0x80: {  	_ =	shalt  }
0x81: {  	_ =	shalt  }
0x82: {  	_ =	shalt  }
0x83: {  	_ =	shalt  }
0x84: {  	_ =	shalt  }
0x85: {  	_ =	shalt  }
0x86: {  	_ =	shalt  }
0x87: {  	_ =	shalt  }
.Lfunc_end0:
.L_simem_size_0:
called_computation_lowered:
.L_overlay_start_0:
0x88: {  	s2 =	sld [smem:$0x3FD9]  }
0x89: {  	s3 =	sld [smem:$0x3FFE];
	_ =	sdelay $0x1  }
0x8a: {  	s1 =	srdreg.scid  }
0x8b: {  	s0 =	sand.u32 $0x1, s1  }
0x8c: {  	s17 =	sshll.u32 s0, $0xA;
	s2 =	sadd.s32 s3, s2  }
0x8d: {  	s2 =	sadd.s32 s2, s17  }
0x8e: {  	[smem:$0x3FB9] =	sst s2  }
0x8f: {  	_ = 	snop  }
0x90: {  	s2 =	sld [smem:$0x3FD0];
	(tm) =	ssettm $0x1  }
0x91: {  	s18 =	sld [smem:$0x3FFB];
	_ =	sdelay $0x3  }
0x92: {  	_ =	strace s18  }
0x93: {  	s3 =	sld [smem:$0x3FFC];
	_ =	sdelay $0x3  }
0x94: {  	_ =	strace s3  }
0x95: {  	s3 =	sld [smem:$0x3FFD];
	_ =	sdelay $0x3  }
0x96: {  	_ =	strace s3  }
0x97: {  	_ =	strace $0x8FFFFFFF  }
0x98: {  	s19 =	sld [smem:$0x3FDB];
	_ =	sdelay $0x1  }
0x99: {  	s4 =	simm.s32 $_scs_section_size  }
0x9a: {  	s5 =	simm.s32 $_size__tile_overlayer_lowered;
	s6 =	simm.s32 $_tile_overlayer_lowered  }
0x9b: {  	s22 =	simm.s32 $0x1BFF;
	s21 =	sshll.u32 s6, $0x1;
	s3 =	sadd.s32 s4, s19  }
0x9c: {  	s7 =	simm.s32 $0x0;
	s20 =	sshll.u32 s5, $0x1;
	s5 =	sadd.s32 s21, s3  }
0x9d: {  	[timem:s7], [sflag:s22] =	dma.local [hbm:s5], s20  }
0x9e: {  	_ =	swait.ge [sflag:s22], s20  }
0x9f: {  	s4 =	ssub.s32 $0x0, s20;
	[sflag:s22] =	ssyncset.done $0x0  }
0xa0: {  	[sflag:s22] =	ssyncadd.s32 s4;
	_ =	sdelay $0x1  }
0xa1: {  	s23 =	simm.s32 $0x1B8B  }
0xa2: {  	_ =	swait.ge [sflag:s23], $0x1  }
0xa3: {  	[sflag:s23] =	ssyncset.done $0x0  }
0xa4: {  	s25 =	simm.s32 $0x1B8E;
	s24 =	sld [smem:$0x3FFE];
	[sflag:s23] =	ssyncadd.s32 $0xFFFFFFFF  }
0xa5: {  	s26 =	simm.s32 $execute0_lowered;
	[smem:$0x3FD2] =	sst s25  }
0xa6: {  	s5 =	sshll.u32 s26, $0x1;
	_ =	strace $0x80000046;
	[dreg:$0x1] =	wrdreg $0xFFFFFFFF  }
0xa7: {  	s28 =	simm.s32 $_size_execute0_lowered;
	s3 =	sadd.s32 s3, s5;
	[dreg:$0x0] =	wrdreg $0x0  }
0xa8: {  	s5 =	sshll.u32 s28, $0x1;
	[dreg:$0x2] =	wrdreg s3  }
0xa9: {  	[dreg:$0x3] =	wrdreg s5  }
0xaa: {  	[dreg:$0x4] =	wrdreg $0xC0  }
0xab: {  	_ =	task [dreg:s7], $0x5FFFF  }
0xac: {  	[dreg:$0x1] =	wrdreg $0xFFFFFFFF  }
0xad: {  	[dreg:$0x0] =	wrdreg $0x60  }
0xae: {  	[dreg:$0x2] =	wrdreg s2  }
0xaf: {  	[dreg:$0x3] =	wrdreg s24  }
0xb0: {  	[dreg:$0x4] =	wrdreg $0xCD000  }
0xb1: {  	[dreg:$0x5] =	wrdreg $0x16B200  }
0xb2: {  	[dreg:$0x6] =	wrdreg $0x9  }
0xb3: {  	_ =	task.clear_ibuf [dreg:s7], $0x7FFFF;
	_ =	strace $0x90000046  }
0xb4: {  	s29 =	simm.s32 $0x9;
	_ =	strace $0x80000048  }
0xb5: {  	_ =	swait.ge [sflag:s29], $0x1  }
0xb6: {  	[sflag:s29] =	ssyncadd.s32 $0xFFFFFFFF  }
0xb7: {  	_ =	strace $0x90000048  }
0xb8: {  	_ =	sfence  }
0xb9: {  	s30 =	sld [smem:$0x0];
	_ =	sdelay $0x2  }
0xba: {  	s31 =	sshll.u32 s1, $0xD;
	s1 =	sshrl.u32 s1, $0x2  }
0xbb: {  	s3 =	sand.u32 $0x4000, s31;
	s1 =	sadd.s32 s1, s30  }
0xbc: {  	s0 =	sor.u32 s3, s0;
	s1 =	sshll.u32 s1, $0x11  }
0xbd: {  	s0 =	sor.u32 s1, s0  }
0xbe: {  	s0 =	sadd.s32 $0x8F2B, s0  }
0xbf: {  	[sflag:s0] =	ssyncadd.remote.s32 $0x1  }
0xc0: {  	_ =	sfence.sel $0xFFFF  }
0xc1: {  	[dreg:$0x0] =	wrdreg $0xFFFFFFFF;
	(pc) =	sbr.abs _section_cstart, $3  }
0xc2: {  	[dreg:$0x1] =	wrdreg $0xFFFFFFFF  }
0xc3: {  	_ =	task.clear_ibuf [dreg:s7], $0x2FFFF;
	_ =	strace $0x9FFFFFFF  }
0xc4: {  	(tm) =	ssettm $0x7FFFFFFF  }
0xc5: {  	_ =	shalt  }
tec
execute0_lowered:
.L_overlay_start_1:
0x0: {  	(tag) =	ssettag $0x1  }
0x1: {  	s0 =	rddreg [dreg:$0x0]  }
0x2: {  	s1 =	rddreg [dreg:$0x1]  }
0x3: {  	s2 =	rddreg [dreg:$0x2];
	s4 =	srdreg.scid  }
0x4: {  	s15 =	stileid.u32;
	s3 =	rddreg [dreg:$0x3];
	s28 =	simm.s32 $0x7D  }
0x5: {  	s29 =	simm.s32 $0x5000;
	s30 =	simm.s32 $0x6F40;
	s10 =	smul.u32 $0x5000, s15  }
0x6: {  	s8 =	sand.u32 $0x1, s4;
	s5 =	sshll.u32 s15, $0x1;
	s15 =	smul.u32 $0x4E20, s15  }
0x7: {  	s4 =	simm.s32 $0x0;
	s9 =	sor.u32 s8, s5;
	s11 =	smul.u32 $0x50000, s8  }
0x8: {  	s31 =	simm.s32 $0x8E80;
	[smem:$0x7FF] =	sst s4;
	s7 =	smul.u32 $0x500, s9  }
0x9: {  	s5 =	sadd.s32 $0x15DA00, s1;
	s13 =	ssub.s32 $0x2, s8;
	s8 =	smul.u32 $0x2710, s9  }
0xa: {  	s6 =	sadd.s32 $0x11000, s1;
	_ =	strace $0x80000047;
	s24 =	smul.u32 $0x4E200, s9  }
0xb: {  	s14 =	sshrl.u32 s13, $0x1;
	s26 =	sshrl.u32 s15, $0x3;
	s9 =	smul.u32 $0x9C40, s9  }
0xc: {  	s21 =	sadd.s32 s10, s3;
	s11 =	sadd.s32 s10, s11;
	s0 =	sadd.s32 s0, s26  }
0xd: {  	s10 =	simm.s32 $0x1;
	[dreg:$0x8] =	wrdreg s21;
	s12 =	sadd.s32 s7, s1  }
0xe: {  	s7 =	sadd.s32 $0x17B800, s1;
	s11 =	sshrl.u32 s11, $0x3;
	[dreg:$0x7] =	wrdreg s0  }
0xf: {  	s1 =	sadd.s32 s11, s1;
	s11 =	ssub.s32 s13, s14;
	s25 =	sadd.s32 $0x153A00, s12  }
0x10: {  	s12 =	sadd.s32 $0x149A00, s12;
	s13 =	sshrl.u32 s24, $0x3;
	[dreg:$0x5] =	wrdreg s25  }
0x11: {  	[dreg:$0x6] =	wrdreg s12;
	s12 =	sadd.s32 s15, s2;
	s14 =	sadd.s32 $0x1F4, s13  }
0x12: {  	s15 =	sadd.s32 s6, s9;
	s17 =	sadd.s32 s6, s13;
	s9 =	sadd.s32 s7, s9  }
0x13: {  	s19 =	sadd.s32 s7, s13;
	s24 =	sadd.s32 $0x167800, s1;
	[dreg:$0x9] =	wrdreg s15  }
0x14: {  	s25 =	smax.u32 s11, $0x1;
	s11 =	simm.s32 $0x3;
	[dreg:$0xb] =	wrdreg s9  }
0x15: {  	s13 =	simm.s32 $0x5;
	s16 =	sadd.s32 s6, s14;
	[dreg:$0x11] =	wrdreg s24  }
0x16: {  	s18 =	sadd.s32 $0x3E8, s17;
	s0 =	sadd.s32 s7, s14;
	[dreg:$0x12] =	wrdreg s25  }
0x17: {  	s20 =	sadd.s32 $0x5DC, s17;
	s22 =	sadd.s32 $0x9858, s19;
	[dreg:$0xa] =	wrdreg s16  }
0x18: {  	s23 =	sadd.s32 $0x9A4C, s19;
	s25 =	simm.s32 $0x2800;
	[dreg:$0xc] =	wrdreg s18  }
0x19: {  	s26 =	sshrl.u32 s12, $0x3;
	s9 =	simm.s32 $0x9E20;
	[dreg:$0xd] =	wrdreg s0  }
0x1a: {  	s14 =	simm.s32 $0xADC0;
	s15 =	simm.s32 $0x2;
	[dreg:$0xe] =	wrdreg s20  }
0x1b: {  	s17 =	simm.s32 $0x6;
	s19 =	simm.s32 $0x7;
	[dreg:$0xf] =	wrdreg s22  }
0x1c: {  	s12 =	simm.s32 $0x0;
	[dreg:$0x10] =	wrdreg s23;
	s23 =	simm.s32 $0x9  }
0x1d: {  	[dreg:$0x13] =	wrdreg s26;
	s26 =	simm.s32 $0x5FA0;
	s0 =	simm.s32 $0x7EE0  }
0x1e: {  	v0 =	vimm.f32 $0.0e+00;
	s16 =	simm.s32 $0x4;
	s18 =	simm.s32 $0xBD60;
	s20 =	simm.s32 $0x8  }
.LBB2_1:
0x1f: {  	[dreg:$0x14] =	wrdreg s12  }
0x20: {  	s1 =	rddreg [dreg:$0x5]  }
0x21: {  	[tilespmem:s4], [sflag:$0x9] =	stream.linear.gather [hbm4b:s1+s4], $0x2800, $0x38;
	[tilespmem:$0x1BB20] =	vst v63  }
0x22: {  	_ =	swait.ge [sflag:s23], $0x2800  }
0x23: {  	s24 =	stileid.u32;
	[sflag:s23] =	ssyncset.done $0x0  }
0x24: {  	s1 =	sshll.u32 s24, $0x6;
	s22 =	rddreg [dreg:$0x6];
	[sflag:s23] =	ssyncadd.s32 $0xFFFFD800  }
0x25: {  	[tilespmem:s25], [sflag:$0x9] =	stream.linear.gather [hbm4b:s22+s4], $0x2800, $0x38;
	[tilespmem:$0x1BB20] =	vst v63  }
0x26: {  	s22 =	sor.u32 $0x1C09, s1  }
0x27: {  	_ =	swait.ge [sflag:s23], $0x2800;
	[dreg:$0x15] =	wrdreg s22  }
0x28: {  	[sflag:s23] =	ssyncset.done $0x0;
	s12 =	rddreg [dreg:$0x7]  }
0x29: {  	s24 =	rddreg [dreg:$0x13];
	[sflag:s23] =	ssyncadd.s32 $0xFFFFD800  }
0x2a: {  	[spmem:s24], [sflag:s22] =	dma.local [hbm:s12], $0x9C4  }
0x2b: {  	_ =	swait.ge [sflag:s23], $0x9C4  }
0x2c: {  	[sflag:s23] =	ssyncset.done $0x0  }
0x2d: {  	[sflag:s23] =	ssyncadd.s32 $0xFFFFF63C  }
0x2e: {  	s1 =	simm.s32 $0x80;
	s12 =	simm.s32 $0x0;
	[bflag:$0x0] =	sbarrier.arrive $0xFFFF  }
.LBB2_2:
0x2f: {  	p0 =	sne.s32 s1, $0x13F80;
	[tilespmem:s12+$0x11B20] =	vst v0;
	s22 =	smov.u32 s1;
	s1 =	sadd.s32 $0x80, s1  }
.Ltmp0:
0x30: {  	[tilespmem:s12+$0x11B30] =	vst v0;
	(pc) =	sbr.rel @p0 .LBB2_2-.Ltmp0, $2  }
0x31: {  	_ =	sdelay $0x2  }
0x32: {  	s12 =	sshra.s32 s22, $0x2  }
0x33: {  	[tilespmem:s12+$0x11B20] =	vst v0  }
0x34: {  	[tilespmem:s12+$0x11B30] =	vst v0;
	s1 =	simm.s32 $0x11B20  }
0x35: {  	[spmem:s21] =	stream.linear.scatter [tilespmem:s1], [sflag:$0x9], $0x5000, $0x38;
	[tilespmem:$0x1BB20] =	vst v63  }
0x36: {  	_ =	swait.ge [sflag:s23], $0x5000  }
0x37: {  	[sflag:s23] =	ssyncset.done $0x0  }
0x38: {  	[sflag:s23] =	ssyncadd.s32 $0xFFFFB000  }
0x39: {  	s1 =	simm.s32 $0x0;
	[bflag:$0x0] =	sbarrier.arrive $0xFFFF  }
0x3a: {  	[tilespmem:s29], [sflag:$0x1] =	stream.indirect.gather [spmem:s2], $0x20, s1, s28, $0xb8;
	[tilespmem:$0x1BB20] =	vst v63  }
0x3b: {  	_ = 	snop  }
0x3c: {  	[tilespmem:s30], [sflag:$0x3] =	stream.indirect.gather [hbm4b:s5+s28], $0x20, s25, s28, $0xb8;
	[tilespmem:$0x1BB20] =	vst v63  }
0x3d: {  	s24 =	rddreg [dreg:$0x9]  }
0x3e: {  	[tilespmem:s31], [sflag:$0x5] =	stream.linear.gather [hbm4b:s24+s1], $0xFA0, $0x38;
	[tilespmem:$0x1BB20] =	vst v63  }
0x3f: {  	s21 =	simm.s32 $0x80  }
0x40: {  	[tilespmem:s26], [sflag:$0x2] =	stream.indirect.gather [spmem:s2], $0x20, s21, s28, $0xb8;
	[tilespmem:$0x1BB20] =	vst v63  }
0x41: {  	s22 =	simm.s32 $0x2880  }
0x42: {  	[tilespmem:s0], [sflag:$0x4] =	stream.indirect.gather [hbm4b:s5+s28], $0x20, s22, s28, $0xb8;
	[tilespmem:$0x1BB20] =	vst v63  }
0x43: {  	s24 =	rddreg [dreg:$0xa]  }
0x44: {  	[tilespmem:s9], [sflag:$0x6] =	stream.linear.gather [hbm4b:s24+s1], $0xFA0, $0x38;
	[tilespmem:$0x1BB20] =	vst v63  }
0x45: {  	_ =	swait.ge [sflag:s10], $0xFA0  }
0x46: {  	[sflag:s10] =	ssyncset.done $0x0  }
0x47: {  	[sflag:s10] =	ssyncadd.s32 $0xFFFFF060  }
0x48: {  	_ =	swait.ge [sflag:s11], $0xFA0  }
0x49: {  	[sflag:s11] =	ssyncset.done $0x0  }
0x4a: {  	[sflag:s11] =	ssyncadd.s32 $0xFFFFF060  }
0x4b: {  	_ =	swait.ge [sflag:s13], $0xFA0  }
0x4c: {  	[sflag:s13] =	ssyncset.done $0x0  }
0x4d: {  	s1 =	simm.s32 $0x0;
	[sflag:s13] =	ssyncadd.s32 $0xFFFFF060  }
0x4e: {  	v3 =	vld [tilespmem:s1+$0x8E90]  }
0x4f: {  	v4 =	vld [tilespmem:s1+$0x5010]  }
0x50: {  	v6 =	vld [tilespmem:s1+$0x8E80]  }
0x51: {  	v5 =	vld [tilespmem:s1+$0x6F50]  }
0x52: {  	v7 =	vld [tilespmem:s1+$0x5000]  }
0x53: {  	s12 =	simm.s32 $0x20;
	v1 =	vld [tilespmem:s1+$0x6F40]  }
0x54: {  	v2 =	vld [tilespmem:s12+$0x8E90];
	v8 =	vadd.f32 v4, v3  }
0x55: {  	v4 =	vld [tilespmem:s12+$0x5010]  }
0x56: {  	v3 =	vld [tilespmem:s12+$0x8E80];
	v8 =	vadd.f32 v5, v8  }
0x57: {  	v7 =	vadd.f32 v7, v6;
	v5 =	vld [tilespmem:s12+$0x6F50]  }
0x58: {  	s24 =	simm.s32 $0x100;
	v6 =	vld [tilespmem:s12+$0x5000];
	v8 =	vmax.f32 v8, $0.0e+00  }
.LBB2_4:
0x59: {  	s22 =	sshra.s32 s24, $0x2;
	v7 =	vadd.f32 v1, v7;
	v1 =	vld [tilespmem:s12+$0x6F40];
	[tilespmem:s1+$0xADD0] =	vst v8;
	p0 =	sne.s32 s24, $0x3E00  }
.Ltmp1:
0x5a: {  	s24 =	sadd.s32 $0x80, s24;
	v8 =	vadd.f32 v4, v2;
	v2 =	vld [tilespmem:s22+$0x8E90];
	(pc) =	sbr.rel @p0 .LBB2_4-.Ltmp1, $4  }
0x5b: {  	v4 =	vld [tilespmem:s22+$0x5010];
	v7 =	vmax.f32 v7, $0.0e+00;
	v9 =	vmov v3  }
0x5c: {  	v3 =	vld [tilespmem:s22+$0x8E80];
	v8 =	vadd.f32 v5, v8;
	[tilespmem:s1+$0xADC0] =	vst v7;
	s1 =	smov.u32 s12;
	s12 =	smov.u32 s22  }
0x5d: {  	v5 =	vld [tilespmem:s12+$0x6F50];
	v7 =	vadd.f32 v6, v9  }
0x5e: {  	v6 =	vld [tilespmem:s12+$0x5000];
	v8 =	vmax.f32 v8, $0.0e+00  }
0x5f: {  	_ = 	snop  }
0x60: {  	v9 =	vld [tilespmem:s12+$0x6F40];
	_ =	sdelay $0x1  }
0x61: {  	v2 =	vadd.f32 v4, v2  }
0x62: {  	v1 =	vadd.f32 v1, v7;
	v3 =	vadd.f32 v6, v3  }
0x63: {  	v2 =	vadd.f32 v5, v2  }
0x64: {  	[tilespmem:s1+$0xADD0] =	vst v8;
	v1 =	vmax.f32 v1, $0.0e+00;
	v3 =	vadd.f32 v9, v3  }
0x65: {  	[tilespmem:s1+$0xADC0] =	vst v1;
	v1 =	vmax.f32 v2, $0.0e+00  }
0x66: {  	[tilespmem:s12+$0xADD0] =	vst v1;
	v1 =	vmax.f32 v3, $0.0e+00  }
0x67: {  	s21 =	rddreg [dreg:$0xb];
	s1 =	simm.s32 $0x0;
	[tilespmem:s12+$0xADC0] =	vst v1  }
0x68: {  	[hbm4b:s21+s1] =	stream.linear.scatter [tilespmem:s14], [sflag:$0x7], $0xFA0, $0x38;
	[tilespmem:$0x1BB20] =	vst v63  }
0x69: {  	_ = 	snop  }
0x6a: {  	[spmem:s3] =	stream.indirect.scatter.add.f32 [tilespmem:s14], [sflag:$0x9], $0x20, s25, s28, $0xb8;
	[tilespmem:$0x1BB20] =	vst v63  }
0x6b: {  	_ =	swait.ge [sflag:s23], $0xFA0  }
0x6c: {  	[sflag:s23] =	ssyncset.done $0x0  }
0x6d: {  	s22 =	simm.s32 $0x100;
	[sflag:s23] =	ssyncadd.s32 $0xFFFFF060  }
0x6e: {  	[tilespmem:s29], [sflag:$0x1] =	stream.indirect.gather [spmem:s2], $0x20, s22, s28, $0xb8;
	[tilespmem:$0x1BB20] =	vst v63  }
0x6f: {  	s24 =	simm.s32 $0x2900  }
0x70: {  	[tilespmem:s30], [sflag:$0x3] =	stream.indirect.gather [hbm4b:s5+s28], $0x20, s24, s28, $0xb8;
	[tilespmem:$0x1BB20] =	vst v63  }
0x71: {  	s25 =	rddreg [dreg:$0xc]  }
0x72: {  	[tilespmem:s31], [sflag:$0x5] =	stream.linear.gather [hbm4b:s25+s1], $0xFA0, $0x38;
	[tilespmem:$0x1BB20] =	vst v63  }
0x73: {  	_ =	swait.ge [sflag:s15], $0xFA0  }
0x74: {  	[sflag:s15] =	ssyncset.done $0x0  }
0x75: {  	[sflag:s15] =	ssyncadd.s32 $0xFFFFF060  }
0x76: {  	_ =	swait.ge [sflag:s16], $0xFA0  }
0x77: {  	[sflag:s16] =	ssyncset.done $0x0  }
0x78: {  	[sflag:s16] =	ssyncadd.s32 $0xFFFFF060  }
0x79: {  	_ =	swait.ge [sflag:s17], $0xFA0  }
0x7a: {  	[sflag:s17] =	ssyncset.done $0x0  }
0x7b: {  	s1 =	simm.s32 $0x0;
	[sflag:s17] =	ssyncadd.s32 $0xFFFFF060  }
0x7c: {  	v3 =	vld [tilespmem:s1+$0x9E30]  }
0x7d: {  	v4 =	vld [tilespmem:s1+$0x5FB0]  }
0x7e: {  	v6 =	vld [tilespmem:s1+$0x9E20]  }
0x7f: {  	v5 =	vld [tilespmem:s1+$0x7EF0]  }
0x80: {  	v7 =	vld [tilespmem:s1+$0x5FA0]  }
0x81: {  	s12 =	simm.s32 $0x20;
	v1 =	vld [tilespmem:s1+$0x7EE0]  }
0x82: {  	v2 =	vld [tilespmem:s12+$0x9E30];
	v8 =	vadd.f32 v4, v3  }
0x83: {  	v4 =	vld [tilespmem:s12+$0x5FB0]  }
0x84: {  	v3 =	vld [tilespmem:s12+$0x9E20];
	v8 =	vadd.f32 v5, v8  }
0x85: {  	v7 =	vadd.f32 v7, v6;
	v5 =	vld [tilespmem:s12+$0x7EF0]  }
0x86: {  	s24 =	simm.s32 $0x100;
	v6 =	vld [tilespmem:s12+$0x5FA0];
	v8 =	vmax.f32 v8, $0.0e+00  }
.LBB2_6:
0x87: {  	s22 =	sshra.s32 s24, $0x2;
	v7 =	vadd.f32 v1, v7;
	v1 =	vld [tilespmem:s12+$0x7EE0];
	[tilespmem:s1+$0xBD70] =	vst v8;
	p0 =	sne.s32 s24, $0x3E00  }
.Ltmp2:
0x88: {  	s24 =	sadd.s32 $0x80, s24;
	v8 =	vadd.f32 v4, v2;
	v2 =	vld [tilespmem:s22+$0x9E30];
	(pc) =	sbr.rel @p0 .LBB2_6-.Ltmp2, $4  }
0x89: {  	v4 =	vld [tilespmem:s22+$0x5FB0];
	v7 =	vmax.f32 v7, $0.0e+00;
	v9 =	vmov v3  }
0x8a: {  	v3 =	vld [tilespmem:s22+$0x9E20];
	v8 =	vadd.f32 v5, v8;
	[tilespmem:s1+$0xBD60] =	vst v7;
	s1 =	smov.u32 s12;
	s12 =	smov.u32 s22  }
0x8b: {  	v5 =	vld [tilespmem:s12+$0x7EF0];
	v7 =	vadd.f32 v6, v9  }
0x8c: {  	v6 =	vld [tilespmem:s12+$0x5FA0];
	v8 =	vmax.f32 v8, $0.0e+00  }
0x8d: {  	_ = 	snop  }
0x8e: {  	v9 =	vld [tilespmem:s12+$0x7EE0];
	_ =	sdelay $0x1  }
0x8f: {  	v2 =	vadd.f32 v4, v2  }
0x90: {  	v1 =	vadd.f32 v1, v7;
	v3 =	vadd.f32 v6, v3  }
0x91: {  	v2 =	vadd.f32 v5, v2  }
0x92: {  	[tilespmem:s1+$0xBD70] =	vst v8;
	v1 =	vmax.f32 v1, $0.0e+00;
	v3 =	vadd.f32 v9, v3  }
0x93: {  	[tilespmem:s1+$0xBD60] =	vst v1;
	v1 =	vmax.f32 v2, $0.0e+00  }
0x94: {  	[tilespmem:s12+$0xBD70] =	vst v1;
	v1 =	vmax.f32 v3, $0.0e+00  }
0x95: {  	[tilespmem:s12+$0xBD60] =	vst v1;
	s12 =	rddreg [dreg:$0xd]  }
0x96: {  	[hbm4b:s12+s4] =	stream.linear.scatter [tilespmem:s18], [sflag:$0x8], $0xFA0, $0x38;
	[tilespmem:$0x1BB20] =	vst v63  }
0x97: {  	s21 =	simm.s32 $0x2880  }
0x98: {  	[spmem:s3] =	stream.indirect.scatter.add.f32 [tilespmem:s18], [sflag:$0x9], $0x20, s21, s28, $0xb8;
	[tilespmem:$0x1BB20] =	vst v63  }
0x99: {  	_ =	swait.ge [sflag:s23], $0xFA0  }
0x9a: {  	[sflag:s23] =	ssyncset.done $0x0  }
0x9b: {  	s22 =	simm.s32 $0x180;
	[sflag:s23] =	ssyncadd.s32 $0xFFFFF060  }
0x9c: {  	[tilespmem:s26], [sflag:$0x2] =	stream.indirect.gather [spmem:s2], $0x20, s22, s28, $0xb8;
	[tilespmem:$0x1BB20] =	vst v63  }
0x9d: {  	s24 =	simm.s32 $0x2980  }
0x9e: {  	[tilespmem:s0], [sflag:$0x4] =	stream.indirect.gather [hbm4b:s5+s28], $0x20, s24, s28, $0xb8;
	[tilespmem:$0x1BB20] =	vst v63  }
0x9f: {  	s1 =	simm.s32 $0x1;
	s25 =	rddreg [dreg:$0xe]  }
0xa0: {  	[tilespmem:s9], [sflag:$0x6] =	stream.linear.gather [hbm4b:s25+s4], $0xFA0, $0x38;
	[tilespmem:$0x1BB20] =	vst v63  }
.LBB2_8:
0xa1: {  	_ =	swait.ge [sflag:s10], $0xFA0  }
0xa2: {  	[sflag:s10] =	ssyncset.done $0x0  }
0xa3: {  	[sflag:s10] =	ssyncadd.s32 $0xFFFFF060  }
0xa4: {  	_ =	swait.ge [sflag:s11], $0xFA0  }
0xa5: {  	[sflag:s11] =	ssyncset.done $0x0  }
0xa6: {  	[sflag:s11] =	ssyncadd.s32 $0xFFFFF060  }
0xa7: {  	_ =	swait.ge [sflag:s13], $0xFA0  }
0xa8: {  	[sflag:s13] =	ssyncset.done $0x0  }
0xa9: {  	[sflag:s13] =	ssyncadd.s32 $0xFFFFF060  }
0xaa: {  	_ =	swait.ge [sflag:s19], $0xFA0  }
0xab: {  	[sflag:s19] =	ssyncset.done $0x0  }
0xac: {  	s24 =	simm.s32 $0x0;
	[sflag:s19] =	ssyncadd.s32 $0xFFFFF060  }
0xad: {  	v3 =	vld [tilespmem:s24+$0x8E90]  }
0xae: {  	v4 =	vld [tilespmem:s24+$0x5010]  }
0xaf: {  	v6 =	vld [tilespmem:s24+$0x8E80]  }
0xb0: {  	v5 =	vld [tilespmem:s24+$0x6F50]  }
0xb1: {  	v7 =	vld [tilespmem:s24+$0x5000]  }
0xb2: {  	s12 =	simm.s32 $0x20;
	v1 =	vld [tilespmem:s24+$0x6F40]  }
0xb3: {  	v2 =	vld [tilespmem:s12+$0x8E90];
	v8 =	vadd.f32 v4, v3  }
0xb4: {  	v4 =	vld [tilespmem:s12+$0x5010]  }
0xb5: {  	v3 =	vld [tilespmem:s12+$0x8E80];
	v9 =	vadd.f32 v5, v8  }
0xb6: {  	v5 =	vld [tilespmem:s12+$0x6F50];
	v8 =	vadd.f32 v7, v6  }
0xb7: {  	s25 =	simm.s32 $0x100;
	v6 =	vld [tilespmem:s12+$0x5000];
	v7 =	vmax.f32 v9, $0.0e+00  }
.LBB2_9:
0xb8: {  	s22 =	sshra.s32 s25, $0x2;
	v8 =	vadd.f32 v1, v8;
	v1 =	vld [tilespmem:s12+$0x6F40];
	[tilespmem:s24+$0xADD0] =	vst v7;
	p0 =	sne.s32 s25, $0x3E00  }
.Ltmp3:
0xb9: {  	s25 =	sadd.s32 $0x80, s25;
	v7 =	vadd.f32 v4, v2;
	v2 =	vld [tilespmem:s22+$0x8E90];
	(pc) =	sbr.rel @p0 .LBB2_9-.Ltmp3, $4  }
0xba: {  	v4 =	vld [tilespmem:s22+$0x5010];
	v8 =	vmax.f32 v8, $0.0e+00;
	v9 =	vmov v3  }
0xbb: {  	v3 =	vld [tilespmem:s22+$0x8E80];
	v7 =	vadd.f32 v5, v7;
	[tilespmem:s24+$0xADC0] =	vst v8;
	s24 =	smov.u32 s12;
	s12 =	smov.u32 s22  }
0xbc: {  	v5 =	vld [tilespmem:s12+$0x6F50];
	v8 =	vadd.f32 v6, v9  }
0xbd: {  	v6 =	vld [tilespmem:s12+$0x5000];
	v7 =	vmax.f32 v7, $0.0e+00  }
0xbe: {  	_ = 	snop  }
0xbf: {  	v9 =	vld [tilespmem:s12+$0x6F40];
	_ =	sdelay $0x1  }
0xc0: {  	v2 =	vadd.f32 v4, v2  }
0xc1: {  	v1 =	vadd.f32 v1, v8;
	s22 =	smul.u32 $0xFA, s1;
	v3 =	vadd.f32 v6, v3  }
0xc2: {  	v2 =	vadd.f32 v5, v2  }
0xc3: {  	[tilespmem:s24+$0xADD0] =	vst v7;
	v1 =	vmax.f32 v1, $0.0e+00;
	s22 =	sadd.s32 s8, s22;
	v3 =	vadd.f32 v9, v3  }
0xc4: {  	[tilespmem:s24+$0xADC0] =	vst v1;
	s22 =	sshll.u32 s22, $0x2;
	v1 =	vmax.f32 v2, $0.0e+00  }
0xc5: {  	s25 =	sshll.u32 s1, $0x8;
	s22 =	sand.u32 $0x1FFFFFF8, s22;
	[tilespmem:s12+$0xADD0] =	vst v1;
	v1 =	vmax.f32 v3, $0.0e+00  }
0xc6: {  	s24 =	sadd.s32 s7, s22;
	s22 =	simm.s32 $0x0;
	[tilespmem:s12+$0xADC0] =	vst v1;
	s12 =	sand.u32 $0x3FFFFF00, s25  }
0xc7: {  	[hbm4b:s24+s22] =	stream.linear.scatter [tilespmem:s14], [sflag:$0x7], $0xFA0, $0x38;
	[tilespmem:$0x1BB20] =	vst v63  }
0xc8: {  	s25 =	sshll.u32 s1, $0x1;
	s12 =	sadd.s32 $0x2800, s12  }
0xc9: {  	[spmem:s3] =	stream.indirect.scatter.add.f32 [tilespmem:s14], [sflag:$0x9], $0x20, s12, s28, $0xb8;
	[tilespmem:$0x1BB20] =	vst v63  }
0xca: {  	s12 =	sadd.s32 $0x2, s25  }
0xcb: {  	_ =	swait.ge [sflag:s23], $0xFA0;
	s21 =	sshll.u32 s12, $0x7;
	s12 =	smul.u32 $0x7D, s12  }
0xcc: {  	[sflag:s23] =	ssyncset.done $0x0  }
0xcd: {  	[sflag:s23] =	ssyncadd.s32 $0xFFFFF060;
	s12 =	sadd.s32 s8, s12  }
0xce: {  	[tilespmem:s29], [sflag:$0x1] =	stream.indirect.gather [spmem:s2], $0x20, s21, s28, $0xb8;
	[tilespmem:$0x1BB20] =	vst v63  }
0xcf: {  	s12 =	sshll.u32 s12, $0x2  }
0xd0: {  	s24 =	sadd.s32 $0x2800, s21;
	s12 =	sand.u32 $0x1FFFFFF8, s12  }
0xd1: {  	[tilespmem:s30], [sflag:$0x3] =	stream.indirect.gather [hbm4b:s5+s28], $0x20, s24, s28, $0xb8;
	[tilespmem:$0x1BB20] =	vst v63  }
0xd2: {  	s12 =	sadd.s32 s6, s12  }
0xd3: {  	[tilespmem:s31], [sflag:$0x5] =	stream.linear.gather [hbm4b:s12+s22], $0xFA0, $0x38;
	[tilespmem:$0x1BB20] =	vst v63  }
0xd4: {  	_ =	swait.ge [sflag:s15], $0xFA0  }
0xd5: {  	[sflag:s15] =	ssyncset.done $0x0  }
0xd6: {  	[sflag:s15] =	ssyncadd.s32 $0xFFFFF060  }
0xd7: {  	_ =	swait.ge [sflag:s16], $0xFA0  }
0xd8: {  	[sflag:s16] =	ssyncset.done $0x0  }
0xd9: {  	[sflag:s16] =	ssyncadd.s32 $0xFFFFF060  }
0xda: {  	_ =	swait.ge [sflag:s17], $0xFA0  }
0xdb: {  	[sflag:s17] =	ssyncset.done $0x0  }
0xdc: {  	[sflag:s17] =	ssyncadd.s32 $0xFFFFF060  }
0xdd: {  	_ =	swait.ge [sflag:s20], $0xFA0  }
0xde: {  	[sflag:s20] =	ssyncset.done $0x0  }
0xdf: {  	s12 =	simm.s32 $0x0;
	[sflag:s20] =	ssyncadd.s32 $0xFFFFF060  }
0xe0: {  	v3 =	vld [tilespmem:s12+$0x9E30]  }
0xe1: {  	v4 =	vld [tilespmem:s12+$0x5FB0]  }
0xe2: {  	v6 =	vld [tilespmem:s12+$0x9E20]  }
0xe3: {  	v5 =	vld [tilespmem:s12+$0x7EF0]  }
0xe4: {  	v7 =	vld [tilespmem:s12+$0x5FA0]  }
0xe5: {  	s24 =	simm.s32 $0x20;
	v1 =	vld [tilespmem:s12+$0x7EE0]  }
0xe6: {  	v2 =	vld [tilespmem:s24+$0x9E30];
	v8 =	vadd.f32 v4, v3  }
0xe7: {  	v4 =	vld [tilespmem:s24+$0x5FB0]  }
0xe8: {  	v3 =	vld [tilespmem:s24+$0x9E20];
	v9 =	vadd.f32 v5, v8  }
0xe9: {  	v5 =	vld [tilespmem:s24+$0x7EF0];
	v8 =	vadd.f32 v7, v6  }
0xea: {  	s22 =	simm.s32 $0x100;
	v6 =	vld [tilespmem:s24+$0x5FA0];
	v7 =	vmax.f32 v9, $0.0e+00  }
.LBB2_11:
0xeb: {  	s21 =	sshra.s32 s22, $0x2;
	v8 =	vadd.f32 v1, v8;
	v1 =	vld [tilespmem:s24+$0x7EE0];
	[tilespmem:s12+$0xBD70] =	vst v7;
	p0 =	sne.s32 s22, $0x3E00  }
.Ltmp4:
0xec: {  	s22 =	sadd.s32 $0x80, s22;
	v7 =	vadd.f32 v4, v2;
	v2 =	vld [tilespmem:s21+$0x9E30];
	(pc) =	sbr.rel @p0 .LBB2_11-.Ltmp4, $4  }
0xed: {  	v4 =	vld [tilespmem:s21+$0x5FB0];
	v8 =	vmax.f32 v8, $0.0e+00;
	v9 =	vmov v3  }
0xee: {  	v3 =	vld [tilespmem:s21+$0x9E20];
	v7 =	vadd.f32 v5, v7;
	[tilespmem:s12+$0xBD60] =	vst v8;
	s12 =	smov.u32 s24;
	s24 =	smov.u32 s21  }
0xef: {  	v5 =	vld [tilespmem:s24+$0x7EF0];
	v8 =	vadd.f32 v6, v9  }
0xf0: {  	v6 =	vld [tilespmem:s24+$0x5FA0];
	v7 =	vmax.f32 v7, $0.0e+00  }
0xf1: {  	_ = 	snop  }
0xf2: {  	v9 =	vld [tilespmem:s24+$0x7EE0];
	_ =	sdelay $0x1  }
0xf3: {  	s21 =	sor.u32 $0x1, s25;
	v2 =	vadd.f32 v4, v2  }
0xf4: {  	v1 =	vadd.f32 v1, v8;
	s22 =	smul.u32 $0x7D, s21;
	v3 =	vadd.f32 v6, v3  }
0xf5: {  	v2 =	vadd.f32 v5, v2  }
0xf6: {  	[tilespmem:s12+$0xBD70] =	vst v7;
	v1 =	vmax.f32 v1, $0.0e+00;
	s22 =	sadd.s32 s8, s22;
	v3 =	vadd.f32 v9, v3  }
0xf7: {  	[tilespmem:s12+$0xBD60] =	vst v1;
	s22 =	sshll.u32 s22, $0x2;
	v1 =	vmax.f32 v2, $0.0e+00  }
0xf8: {  	s12 =	sand.u32 $0x1FFFFFFC, s22;
	[tilespmem:s24+$0xBD70] =	vst v1;
	v1 =	vmax.f32 v3, $0.0e+00  }
0xf9: {  	s22 =	sshll.u32 s21, $0x7;
	s12 =	sadd.s32 s7, s12;
	[tilespmem:s24+$0xBD60] =	vst v1  }
0xfa: {  	[hbm4b:s12+s4] =	stream.linear.scatter [tilespmem:s18], [sflag:$0x8], $0xFA0, $0x38;
	[tilespmem:$0x1BB20] =	vst v63  }
0xfb: {  	s12 =	sand.u32 $0x3FFFFF80, s22  }
0xfc: {  	s24 =	sadd.s32 $0x3, s25;
	s12 =	sadd.s32 $0x2800, s12  }
0xfd: {  	[spmem:s3] =	stream.indirect.scatter.add.f32 [tilespmem:s18], [sflag:$0x9], $0x20, s12, s28, $0xb8;
	[tilespmem:$0x1BB20] =	vst v63  }
0xfe: {  	s1 =	sadd.s32 $0x1, s1;
	s12 =	smul.u32 $0x7D, s24;
	_ =	swait.ge [sflag:s23], $0xFA0  }
0xff: {  	p0 =	sne.s32 s1, $0x27;
	[sflag:s23] =	ssyncset.done $0x0  }
0x100: {  	s25 =	sshll.u32 s24, $0x7;
	s12 =	sadd.s32 s8, s12;
	[sflag:s23] =	ssyncadd.s32 $0xFFFFF060  }
0x101: {  	[tilespmem:s26], [sflag:$0x2] =	stream.indirect.gather [spmem:s2], $0x20, s25, s28, $0xb8;
	[tilespmem:$0x1BB20] =	vst v63  }
.Ltmp5:
0x102: {  	s12 =	sshll.u32 s12, $0x2;
	(pc) =	sbr.rel @p0 .LBB2_8-.Ltmp5, $4  }
0x103: {  	s21 =	sadd.s32 $0x2800, s25;
	s12 =	sand.u32 $0x1FFFFFFC, s12  }
0x104: {  	[tilespmem:s0], [sflag:$0x4] =	stream.indirect.gather [hbm4b:s5+s28], $0x20, s21, s28, $0xb8;
	[tilespmem:$0x1BB20] =	vst v63  }
0x105: {  	s12 =	sadd.s32 s6, s12  }
0x106: {  	[tilespmem:s9], [sflag:$0x6] =	stream.linear.gather [hbm4b:s12+s4], $0xFA0, $0x38;
	[tilespmem:$0x1BB20] =	vst v63  }
0x107: {  	_ =	swait.ge [sflag:s10], $0xFA0  }
0x108: {  	[sflag:s10] =	ssyncset.done $0x0  }
0x109: {  	[sflag:s10] =	ssyncadd.s32 $0xFFFFF060  }
0x10a: {  	_ =	swait.ge [sflag:s11], $0xFA0  }
0x10b: {  	[sflag:s11] =	ssyncset.done $0x0  }
0x10c: {  	[sflag:s11] =	ssyncadd.s32 $0xFFFFF060  }
0x10d: {  	_ =	swait.ge [sflag:s13], $0xFA0  }
0x10e: {  	[sflag:s13] =	ssyncset.done $0x0  }
0x10f: {  	[sflag:s13] =	ssyncadd.s32 $0xFFFFF060  }
0x110: {  	_ =	swait.ge [sflag:s19], $0xFA0  }
0x111: {  	[sflag:s19] =	ssyncset.done $0x0  }
0x112: {  	s1 =	simm.s32 $0x0;
	[sflag:s19] =	ssyncadd.s32 $0xFFFFF060  }
0x113: {  	v3 =	vld [tilespmem:s1+$0x8E90]  }
0x114: {  	v4 =	vld [tilespmem:s1+$0x5010]  }
0x115: {  	v6 =	vld [tilespmem:s1+$0x8E80]  }
0x116: {  	v5 =	vld [tilespmem:s1+$0x6F50]  }
0x117: {  	v7 =	vld [tilespmem:s1+$0x5000]  }
0x118: {  	s12 =	simm.s32 $0x20;
	v1 =	vld [tilespmem:s1+$0x6F40]  }
0x119: {  	v2 =	vld [tilespmem:s12+$0x8E90];
	v8 =	vadd.f32 v4, v3  }
0x11a: {  	v4 =	vld [tilespmem:s12+$0x5010]  }
0x11b: {  	v3 =	vld [tilespmem:s12+$0x8E80];
	v8 =	vadd.f32 v5, v8  }
0x11c: {  	v7 =	vadd.f32 v7, v6;
	v5 =	vld [tilespmem:s12+$0x6F50]  }
0x11d: {  	s22 =	simm.s32 $0x100;
	v6 =	vld [tilespmem:s12+$0x5000];
	v8 =	vmax.f32 v8, $0.0e+00  }
.LBB2_14:
0x11e: {  	s21 =	sshra.s32 s22, $0x2;
	v7 =	vadd.f32 v1, v7;
	v1 =	vld [tilespmem:s12+$0x6F40];
	[tilespmem:s1+$0xADD0] =	vst v8;
	p0 =	sne.s32 s22, $0x3E00  }
.Ltmp6:
0x11f: {  	s22 =	sadd.s32 $0x80, s22;
	v8 =	vadd.f32 v4, v2;
	v2 =	vld [tilespmem:s21+$0x8E90];
	(pc) =	sbr.rel @p0 .LBB2_14-.Ltmp6, $4  }
0x120: {  	v4 =	vld [tilespmem:s21+$0x5010];
	v7 =	vmax.f32 v7, $0.0e+00;
	v9 =	vmov v3  }
0x121: {  	v3 =	vld [tilespmem:s21+$0x8E80];
	v8 =	vadd.f32 v5, v8;
	[tilespmem:s1+$0xADC0] =	vst v7;
	s1 =	smov.u32 s12;
	s12 =	smov.u32 s21  }
0x122: {  	v5 =	vld [tilespmem:s12+$0x6F50];
	v7 =	vadd.f32 v6, v9  }
0x123: {  	v6 =	vld [tilespmem:s12+$0x5000];
	v8 =	vmax.f32 v8, $0.0e+00  }
0x124: {  	_ = 	snop  }
0x125: {  	v9 =	vld [tilespmem:s12+$0x6F40];
	_ =	sdelay $0x1  }
0x126: {  	v2 =	vadd.f32 v4, v2  }
0x127: {  	v1 =	vadd.f32 v1, v7;
	v3 =	vadd.f32 v6, v3  }
0x128: {  	v2 =	vadd.f32 v5, v2  }
0x129: {  	[tilespmem:s1+$0xADD0] =	vst v8;
	v1 =	vmax.f32 v1, $0.0e+00;
	v3 =	vadd.f32 v9, v3  }
0x12a: {  	[tilespmem:s1+$0xADC0] =	vst v1;
	v1 =	vmax.f32 v2, $0.0e+00  }
0x12b: {  	[tilespmem:s12+$0xADD0] =	vst v1;
	v1 =	vmax.f32 v3, $0.0e+00  }
0x12c: {  	s22 =	simm.s32 $0x0;
	s24 =	rddreg [dreg:$0xf];
	[tilespmem:s12+$0xADC0] =	vst v1  }
0x12d: {  	[hbm4b:s24+s22] =	stream.linear.scatter [tilespmem:s14], [sflag:$0x7], $0xFA0, $0x38;
	[tilespmem:$0x1BB20] =	vst v63  }
0x12e: {  	s25 =	simm.s32 $0x4F00  }
0x12f: {  	[spmem:s3] =	stream.indirect.scatter.add.f32 [tilespmem:s14], [sflag:$0x9], $0x20, s25, s28, $0xb8;
	[tilespmem:$0x1BB20] =	vst v63  }
0x130: {  	_ =	swait.ge [sflag:s23], $0xFA0  }
0x131: {  	[sflag:s23] =	ssyncset.done $0x0  }
0x132: {  	[sflag:s23] =	ssyncadd.s32 $0xFFFFF060  }
0x133: {  	_ =	swait.ge [sflag:s15], $0xFA0  }
0x134: {  	[sflag:s15] =	ssyncset.done $0x0  }
0x135: {  	[sflag:s15] =	ssyncadd.s32 $0xFFFFF060  }
0x136: {  	_ =	swait.ge [sflag:s16], $0xFA0  }
0x137: {  	[sflag:s16] =	ssyncset.done $0x0  }
0x138: {  	[sflag:s16] =	ssyncadd.s32 $0xFFFFF060  }
0x139: {  	_ =	swait.ge [sflag:s17], $0xFA0  }
0x13a: {  	[sflag:s17] =	ssyncset.done $0x0  }
0x13b: {  	[sflag:s17] =	ssyncadd.s32 $0xFFFFF060  }
0x13c: {  	_ =	swait.ge [sflag:s20], $0xFA0  }
0x13d: {  	[sflag:s20] =	ssyncset.done $0x0  }
0x13e: {  	s1 =	simm.s32 $0x0;
	[sflag:s20] =	ssyncadd.s32 $0xFFFFF060  }
0x13f: {  	v3 =	vld [tilespmem:s1+$0x9E30]  }
0x140: {  	v4 =	vld [tilespmem:s1+$0x5FB0]  }
0x141: {  	v6 =	vld [tilespmem:s1+$0x9E20]  }
0x142: {  	v5 =	vld [tilespmem:s1+$0x7EF0]  }
0x143: {  	v7 =	vld [tilespmem:s1+$0x5FA0]  }
0x144: {  	s12 =	simm.s32 $0x20;
	v1 =	vld [tilespmem:s1+$0x7EE0]  }
0x145: {  	v2 =	vld [tilespmem:s12+$0x9E30];
	v8 =	vadd.f32 v4, v3  }
0x146: {  	v4 =	vld [tilespmem:s12+$0x5FB0]  }
0x147: {  	v3 =	vld [tilespmem:s12+$0x9E20];
	v8 =	vadd.f32 v5, v8  }
0x148: {  	v7 =	vadd.f32 v7, v6;
	v5 =	vld [tilespmem:s12+$0x7EF0]  }
0x149: {  	s22 =	simm.s32 $0x100;
	s25 =	simm.s32 $0x2800;
	v6 =	vld [tilespmem:s12+$0x5FA0];
	v8 =	vmax.f32 v8, $0.0e+00  }
.LBB2_16:
0x14a: {  	s21 =	sshra.s32 s22, $0x2;
	v7 =	vadd.f32 v1, v7;
	v1 =	vld [tilespmem:s12+$0x7EE0];
	[tilespmem:s1+$0xBD70] =	vst v8;
	p0 =	sne.s32 s22, $0x3E00  }
.Ltmp7:
0x14b: {  	s22 =	sadd.s32 $0x80, s22;
	v8 =	vadd.f32 v4, v2;
	v2 =	vld [tilespmem:s21+$0x9E30];
	(pc) =	sbr.rel @p0 .LBB2_16-.Ltmp7, $4  }
0x14c: {  	v4 =	vld [tilespmem:s21+$0x5FB0];
	v7 =	vmax.f32 v7, $0.0e+00;
	v9 =	vmov v3  }
0x14d: {  	v3 =	vld [tilespmem:s21+$0x9E20];
	v8 =	vadd.f32 v5, v8;
	[tilespmem:s1+$0xBD60] =	vst v7;
	s1 =	smov.u32 s12;
	s12 =	smov.u32 s21  }
0x14e: {  	v5 =	vld [tilespmem:s12+$0x7EF0];
	v7 =	vadd.f32 v6, v9  }
0x14f: {  	v6 =	vld [tilespmem:s12+$0x5FA0];
	v8 =	vmax.f32 v8, $0.0e+00  }
0x150: {  	_ = 	snop  }
0x151: {  	v9 =	vld [tilespmem:s12+$0x7EE0];
	_ =	sdelay $0x1  }
0x152: {  	v2 =	vadd.f32 v4, v2  }
0x153: {  	v1 =	vadd.f32 v1, v7;
	v3 =	vadd.f32 v6, v3  }
0x154: {  	v2 =	vadd.f32 v5, v2  }
0x155: {  	[tilespmem:s1+$0xBD70] =	vst v8;
	v1 =	vmax.f32 v1, $0.0e+00;
	v3 =	vadd.f32 v9, v3  }
0x156: {  	[tilespmem:s1+$0xBD60] =	vst v1;
	v1 =	vmax.f32 v2, $0.0e+00  }
0x157: {  	[tilespmem:s12+$0xBD70] =	vst v1;
	v1 =	vmax.f32 v3, $0.0e+00  }
0x158: {  	s22 =	rddreg [dreg:$0x10];
	[tilespmem:s12+$0xBD60] =	vst v1  }
0x159: {  	[hbm4b:s22+s4] =	stream.linear.scatter [tilespmem:s18], [sflag:$0x8], $0xFA0, $0x38;
	[tilespmem:$0x1BB20] =	vst v63  }
0x15a: {  	s24 =	simm.s32 $0x4F80  }
0x15b: {  	[spmem:s3] =	stream.indirect.scatter.add.f32 [tilespmem:s18], [sflag:$0x9], $0x20, s24, s28, $0xb8;
	[tilespmem:$0x1BB20] =	vst v63  }
0x15c: {  	_ =	swait.ge [sflag:s23], $0xFA0  }
0x15d: {  	[sflag:s23] =	ssyncset.done $0x0  }
0x15e: {  	[sflag:s23] =	ssyncadd.s32 $0xFFFFF060  }
0x15f: {  	_ =	swait.ge [sflag:s19], $0xFA0  }
0x160: {  	[sflag:s19] =	ssyncset.done $0x0  }
0x161: {  	[sflag:s19] =	ssyncadd.s32 $0xFFFFF060  }
0x162: {  	_ =	swait.ge [sflag:s20], $0xFA0  }
0x163: {  	[sflag:s20] =	ssyncset.done $0x0  }
0x164: {  	[sflag:s20] =	ssyncadd.s32 $0xFFFFF060  }
0x165: {  	[bflag:$0x0] =	sbarrier.arrive $0xFFFF  }
0x166: {  	s21 =	rddreg [dreg:$0x8]  }
0x167: {  	s24 =	rddreg [dreg:$0x11]  }
0x168: {  	s22 =	rddreg [dreg:$0x15];
	s12 =	sshrl.u32 s21, $0x3  }
0x169: {  	[hbm:s24], [sflag:s22] =	dma.local [spmem:s12], $0xA00  }
0x16a: {  	_ =	swait.ge [sflag:s23], $0xA00  }
0x16b: {  	s22 =	rddreg [dreg:$0x14]  }
0x16c: {  	s24 =	rddreg [dreg:$0x12];
	s12 =	sadd.s32 $0x1, s22  }
0x16d: {  	p0 =	sne.s32 s12, s24  }
.Ltmp8:
0x16e: {  	_ = 	snop;
	(pc) =	sbr.rel @p0 .LBB2_1-.Ltmp8, $3  }
0x16f: {  	_ =	sdelay $0x1  }
0x170: {  	[sflag:s23] =	ssyncset.done $0x0  }
0x171: {  	[sflag:s23] =	ssyncadd.s32 $0xFFFFF600  }
0x172: {  	_ =	sfence.sel $0x180000  }
0x173: {  	[bflag:$0x0] =	sbarrier.arrive $0xFFFF  }
0x174: {  	_ =	strace $0x90000047  }
0x175: {  	s0 =	stileid.u32;
	[bflag:$0x2] =	sbarrier.arrive $0xFFFF  }
0x176: {  	p0 =	sne.s32 s0, $0x0;
	s0 =	rddreg [dreg:$0x4]  }
0x177: {  	s0 =	sadd.s32 @!p0 $0x100000, s0  }
0x178: {  	[sflag:s0] =	ssyncadd.tile.s32 @!p0 $0x1;
	_ =	shalt  }
.Lfunc_end2:
_tile_overlayer_lowered:
.L_overlay_start_2:
0x179: {  	(tag) =	ssettag $0x2  }
0x17a: {  	s0 =	rddreg [dreg:$0x0];
	s2 =	stileid.u32  }
0x17b: {  	s1 =	rddreg [dreg:$0x1];
	p0 =	sne.s32 s2, $0x0  }
0x17c: {  	s3 =	rddreg [dreg:$0x2];
	[bflag:$0x3] =	sbarrier.arrive $0xFFFF;
	s2 =	simm.s32 @!p0 $0x1C09  }
0x17d: {  	[timem:s3], [sflag:s2] =	dma.local @!p0 [hbm:s0], s1  }
0x17e: {  	s0 =	simm.s32 @!p0 $0x9  }
0x17f: {  	_ =	swait.ge @!p0 [sflag:s0], s1  }
0x180: {  	s1 =	ssub.s32 @!p0 $0x0, s1;
	[sflag:s0] =	ssyncset.done @!p0 $0x0  }
0x181: {  	[sflag:s0] =	ssyncadd.s32 @!p0 s1  }
0x182: {  	[bflag:$0x3] =	sbarrier.arrive $0xFFFF  }
0x183: {  	_ =	shalt  }

// kernel: kernel.17.cloned.1.call-start
scs
__scs_entry_jumppad:
0x0: {  	(pc) =	sbr.rel $0x88, $3  }
0x1: {  	(tag) =	ssettag $0x0;
	lr =	simm.s32 $0x1  }
0x2: {  	[smem:$0x3F92] =	sst lr;
	_ =	strace $0xD0000000  }
0x3: {  	_ = 	snop  }
0x4: {  	_ = 	snop  }
0x5: {  	_ = 	snop  }
0x6: {  	_ = 	snop  }
0x7: {  	_ = 	snop  }
__scs_overlays_trampoline_lowered:
0x8: {  	[smem:$0x3FA1] =	sst s0  }
0x9: {  	[smem:$0x3FA2] =	sst s1  }
0xa: {  	[smem:$0x3FA3] =	sst s2  }
0xb: {  	[smem:$0x3FA4] =	sst s3  }
0xc: {  	[smem:$0x3FA5] =	sst s4  }
0xd: {  	[smem:$0x3FA6] =	sst s5  }
0xe: {  	[smem:$0x3FA7] =	sst s6  }
0xf: {  	[smem:$0x3FA8] =	sst s7  }
0x10: {  	[smem:$0x3FA9] =	sst s8  }
0x11: {  	[smem:$0x3FAA] =	sst s9;
	s0 =	simm.s32 @!p0 $0x0  }
0x12: {  	s1 =	sld [smem:$0x3F90];
	s0 =	simm.s32 @p0 $0x1  }
0x13: {  	[smem:$0x3FAB] =	sst s0;
	s0 =	simm.s32 @!p1 $0x0  }
0x14: {  	s2 =	sld [smem:$0x3F8F];
	s0 =	simm.s32 @p1 $0x1  }
0x15: {  	[smem:$0x3FAC] =	sst s0;
	s0 =	simm.s32 @!p2 $0x0  }
0x16: {  	s3 =	sld [smem:$0x3FDB];
	s0 =	simm.s32 @p2 $0x1  }
0x17: {  	s4 =	simm.s32 $0x1BF5;
	[smem:$0x3FAE] =	sst s0  }
0x18: {  	s0 =	sld [smem:$0x3F91];
	_ =	swait.ge [sflag:s4], $0x0  }
0x19: {  	s7 =	sld [smem:$0x3F92]  }
0x1a: {  	s8 =	sadd.s32 $0xFFFFE003, lr  }
0x1b: {  	s9 =	sadd.s32 $0xFFFFFEF7, lr;
	s5 =	simm.s32 $0xFFFFFFFF;
	p2 =	slt.u32 s8, $0xFFFFF086  }
0x1c: {  	p1 =	slt.u32 s9, $0xF7A;
	s5 =	simm.s32 @!p2 $0x0  }
0x1d: {  	s5 =	simm.s32 @p1 $0x1;
	p0 =	seq.s32 s7, s2  }
0x1e: {  	s7 =	smul.u32 @!p0 $0xF7A, s2;
	p2 =	seq.s32 @!p0 s5, $0x0  }
0x1f: {  	s9 =	smul.u32 $0xF7A, s1;
	s8 =	simm.s32 @!p0 $0x1BF5;
	p2 =	por !p2, p0  }
0x20: {  	[sflag:s8] =	ssyncset.s32 @!p0 $0xFFFFF086;
	s6 =	sadd.s32 @!p0 s3, s7;
	s7 =	simm.s32 @!p0 $0x108  }
0x21: {  	s3 =	sadd.s32 s3, s9;
	s6 =	sadd.s32 @!p0 $0x88, s6;
	s7 =	simm.s32 @p2 $0x1082  }
0x22: {  	[simem:s7], [sflag:s8] =	dma.local @!p0 [hbm:s6], $0xF7A  }
0x23: {  	s9 =	sor.u32 $0xD0000000, s2;
	s6 =	simm.s32 $0x108;
	_ =	swait.ge @!p0 [sflag:s8], $0x0  }
0x24: {  	s3 =	sadd.s32 $0x88, s3;
	s6 =	simm.s32 @!p1 $0x1082;
	[sflag:s4] =	ssyncset.s32 $0xFFFFF086  }
0x25: {  	[simem:s6], [sflag:s4] =	dma.local [hbm:s3], $0xF7A  }
0x26: {  	[smem:$0x3F92] =	sst s1;
	(tag) =	ssettag s2;
	_ =	strace s9  }
0x27: {  	s1 =	sld [smem:$0x3FA2]  }
0x28: {  	s2 =	sld [smem:$0x3FA3]  }
0x29: {  	s4 =	sld [smem:$0x3FA5]  }
0x2a: {  	p0 =	seq.s32 s5, $0x0;
	s5 =	sld [smem:$0x3FA6]  }
0x2b: {  	s6 =	sld [smem:$0x3FA7]  }
0x2c: {  	s7 =	sld [smem:$0x3FA8]  }
0x2d: {  	s3 =	simm.s32 $0x108;
	s8 =	sld [smem:$0x3FA9]  }
0x2e: {  	s3 =	simm.s32 @!p0 $0x1082;
	s9 =	sld [smem:$0x3FAA]  }
0x2f: {  	lr =	sadd.s32 s0, s3;
	s0 =	sld [smem:$0x3FA1]  }
0x30: {  	s3 =	sld [smem:$0x3FA4]  }
0x31: {  	[smem:$0x3FAD] =	sst s10  }
0x32: {  	s10 =	sld [smem:$0x3FAB];
	_ =	sdelay $0x3  }
0x33: {  	p0 =	seq.s32 s10, $0x1;
	s10 =	sld [smem:$0x3FAD];
	_ =	sdelay $0x3  }
0x34: {  	[smem:$0x3FAD] =	sst s10  }
0x35: {  	s10 =	sld [smem:$0x3FAC];
	_ =	sdelay $0x3  }
0x36: {  	p1 =	seq.s32 s10, $0x1;
	s10 =	sld [smem:$0x3FAD];
	_ =	sdelay $0x3  }
0x37: {  	[smem:$0x3FAD] =	sst s10  }
0x38: {  	s10 =	sld [smem:$0x3FAE]  }
0x39: {  	_ = 	snop;
	(pc) =	sbr.ind lr, $3  }
0x3a: {  	_ = 	snop  }
0x3b: {  	_ = 	snop  }
0x3c: {  	p2 =	seq.s32 s10, $0x1;
	s10 =	sld [smem:$0x3FAD]  }
0x3d: {  	_ =	shalt  }
0x3e: {  	_ =	shalt  }
0x3f: {  	_ =	shalt  }
0x40: {  	_ =	shalt  }
0x41: {  	_ =	shalt  }
0x42: {  	_ =	shalt  }
0x43: {  	_ =	shalt  }
0x44: {  	_ =	shalt  }
0x45: {  	_ =	shalt  }
0x46: {  	_ =	shalt  }
0x47: {  	_ =	shalt  }
0x48: {  	_ =	shalt  }
0x49: {  	_ =	shalt  }
0x4a: {  	_ =	shalt  }
0x4b: {  	_ =	shalt  }
0x4c: {  	_ =	shalt  }
0x4d: {  	_ =	shalt  }
0x4e: {  	_ =	shalt  }
0x4f: {  	_ =	shalt  }
0x50: {  	_ =	shalt  }
0x51: {  	_ =	shalt  }
0x52: {  	_ =	shalt  }
0x53: {  	_ =	shalt  }
0x54: {  	_ =	shalt  }
0x55: {  	_ =	shalt  }
0x56: {  	_ =	shalt  }
0x57: {  	_ =	shalt  }
0x58: {  	_ =	shalt  }
0x59: {  	_ =	shalt  }
0x5a: {  	_ =	shalt  }
0x5b: {  	_ =	shalt  }
0x5c: {  	_ =	shalt  }
0x5d: {  	_ =	shalt  }
0x5e: {  	_ =	shalt  }
0x5f: {  	_ =	shalt  }
0x60: {  	_ =	shalt  }
0x61: {  	_ =	shalt  }
0x62: {  	_ =	shalt  }
0x63: {  	_ =	shalt  }
0x64: {  	_ =	shalt  }
0x65: {  	_ =	shalt  }
0x66: {  	_ =	shalt  }
0x67: {  	_ =	shalt  }
0x68: {  	_ =	shalt  }
0x69: {  	_ =	shalt  }
0x6a: {  	_ =	shalt  }
0x6b: {  	_ =	shalt  }
0x6c: {  	_ =	shalt  }
0x6d: {  	_ =	shalt  }
0x6e: {  	_ =	shalt  }
0x6f: {  	_ =	shalt  }
0x70: {  	_ =	shalt  }
0x71: {  	_ =	shalt  }
0x72: {  	_ =	shalt  }
0x73: {  	_ =	shalt  }
0x74: {  	_ =	shalt  }
0x75: {  	_ =	shalt  }
0x76: {  	_ =	shalt  }
0x77: {  	_ =	shalt  }
0x78: {  	_ =	shalt  }
0x79: {  	_ =	shalt  }
0x7a: {  	_ =	shalt  }
0x7b: {  	_ =	shalt  }
0x7c: {  	_ =	shalt  }
0x7d: {  	_ =	shalt  }
0x7e: {  	_ =	shalt  }
0x7f: {  	_ =	shalt  }
0x80: {  	_ =	shalt  }
0x81: {  	_ =	shalt  }
0x82: {  	_ =	shalt  }
0x83: {  	_ =	shalt  }
0x84: {  	_ =	shalt  }
0x85: {  	_ =	shalt  }
0x86: {  	_ =	shalt  }
0x87: {  	_ =	shalt  }
.Lfunc_end0:
.L_simem_size_0:
called_computation.1_lowered:
.L_overlay_start_0:
0x88: {  	s2 =	sld [smem:$0x3FD9]  }
0x89: {  	s3 =	sld [smem:$0x3FFE];
	_ =	sdelay $0x1  }
0x8a: {  	s1 =	srdreg.scid  }
0x8b: {  	s0 =	sand.u32 $0x1, s1  }
0x8c: {  	s17 =	sshll.u32 s0, $0xA;
	s2 =	sadd.s32 s3, s2  }
0x8d: {  	s2 =	sadd.s32 s2, s17  }
0x8e: {  	[smem:$0x3FB9] =	sst s2  }
0x8f: {  	_ = 	snop  }
0x90: {  	s2 =	sld [smem:$0x3FD0];
	(tm) =	ssettm $0x1  }
0x91: {  	s18 =	sld [smem:$0x3FFB];
	_ =	sdelay $0x3  }
0x92: {  	_ =	strace s18  }
0x93: {  	s3 =	sld [smem:$0x3FFC];
	_ =	sdelay $0x3  }
0x94: {  	_ =	strace s3  }
0x95: {  	s3 =	sld [smem:$0x3FFD];
	_ =	sdelay $0x3  }
0x96: {  	_ =	strace s3  }
0x97: {  	_ =	strace $0x8FFFFFFF  }
0x98: {  	s19 =	sld [smem:$0x3FDB];
	_ =	sdelay $0x1  }
0x99: {  	s4 =	simm.s32 $_scs_section_size  }
0x9a: {  	s5 =	simm.s32 $_size__tile_overlayer_lowered;
	s6 =	simm.s32 $_tile_overlayer_lowered  }
0x9b: {  	s22 =	simm.s32 $0x1BFF;
	s21 =	sshll.u32 s6, $0x1;
	s3 =	sadd.s32 s4, s19  }
0x9c: {  	s7 =	simm.s32 $0x0;
	s20 =	sshll.u32 s5, $0x1;
	s5 =	sadd.s32 s21, s3  }
0x9d: {  	[timem:s7], [sflag:s22] =	dma.local [hbm:s5], s20  }
0x9e: {  	_ =	swait.ge [sflag:s22], s20  }
0x9f: {  	s4 =	ssub.s32 $0x0, s20;
	[sflag:s22] =	ssyncset.done $0x0  }
0xa0: {  	[sflag:s22] =	ssyncadd.s32 s4;
	_ =	sdelay $0x1  }
0xa1: {  	s23 =	simm.s32 $0x1B8B  }
0xa2: {  	_ =	swait.ge [sflag:s23], $0x1  }
0xa3: {  	[sflag:s23] =	ssyncset.done $0x0  }
0xa4: {  	s25 =	simm.s32 $0x1B8E;
	s24 =	sld [smem:$0x3FFE];
	[sflag:s23] =	ssyncadd.s32 $0xFFFFFFFF  }
0xa5: {  	s26 =	simm.s32 $execute0_lowered;
	[smem:$0x3FD2] =	sst s25  }
0xa6: {  	s5 =	sshll.u32 s26, $0x1;
	_ =	strace $0x80000049;
	[dreg:$0x1] =	wrdreg $0xFFFFFFFF  }
0xa7: {  	s28 =	simm.s32 $_size_execute0_lowered;
	s3 =	sadd.s32 s3, s5;
	[dreg:$0x0] =	wrdreg $0x0  }
0xa8: {  	s5 =	sshll.u32 s28, $0x1;
	[dreg:$0x2] =	wrdreg s3  }
0xa9: {  	[dreg:$0x3] =	wrdreg s5  }
0xaa: {  	[dreg:$0x4] =	wrdreg $0xC0  }
0xab: {  	_ =	task [dreg:s7], $0x5FFFF  }
0xac: {  	[dreg:$0x1] =	wrdreg $0xFFFFFFFF  }
0xad: {  	[dreg:$0x0] =	wrdreg $0x60  }
0xae: {  	[dreg:$0x2] =	wrdreg s2  }
0xaf: {  	[dreg:$0x3] =	wrdreg s24  }
0xb0: {  	[dreg:$0x4] =	wrdreg $0xCD000  }
0xb1: {  	[dreg:$0x5] =	wrdreg $0x16B200  }
0xb2: {  	[dreg:$0x6] =	wrdreg $0x9  }
0xb3: {  	_ =	task.clear_ibuf [dreg:s7], $0x7FFFF;
	_ =	strace $0x90000049  }
0xb4: {  	s29 =	simm.s32 $0x9;
	_ =	strace $0x8000004B  }
0xb5: {  	_ =	swait.ge [sflag:s29], $0x1  }
0xb6: {  	[sflag:s29] =	ssyncadd.s32 $0xFFFFFFFF  }
0xb7: {  	_ =	strace $0x9000004B  }
0xb8: {  	_ =	sfence  }
0xb9: {  	s30 =	sld [smem:$0x0];
	_ =	sdelay $0x2  }
0xba: {  	s31 =	sshll.u32 s1, $0xD;
	s1 =	sshrl.u32 s1, $0x2  }
0xbb: {  	s3 =	sand.u32 $0x4000, s31;
	s1 =	sadd.s32 s1, s30  }
0xbc: {  	s0 =	sor.u32 s3, s0;
	s1 =	sshll.u32 s1, $0x11  }
0xbd: {  	s0 =	sor.u32 s1, s0  }
0xbe: {  	s0 =	sadd.s32 $0x8F2B, s0  }
0xbf: {  	[sflag:s0] =	ssyncadd.remote.s32 $0x1  }
0xc0: {  	_ =	sfence.sel $0xFFFF  }
0xc1: {  	[dreg:$0x0] =	wrdreg $0xFFFFFFFF;
	(pc) =	sbr.abs _section_cstart, $3  }
0xc2: {  	[dreg:$0x1] =	wrdreg $0xFFFFFFFF  }
0xc3: {  	_ =	task.clear_ibuf [dreg:s7], $0x2FFFF;
	_ =	strace $0x9FFFFFFF  }
0xc4: {  	(tm) =	ssettm $0x7FFFFFFF  }
0xc5: {  	_ =	shalt  }
tec
execute0_lowered:
.L_overlay_start_1:
0x0: {  	(tag) =	ssettag $0x1  }
0x1: {  	s0 =	rddreg [dreg:$0x0]  }
0x2: {  	s1 =	rddreg [dreg:$0x1]  }
0x3: {  	s2 =	rddreg [dreg:$0x2];
	s4 =	srdreg.scid  }
0x4: {  	s15 =	stileid.u32;
	s3 =	rddreg [dreg:$0x3];
	s28 =	simm.s32 $0x7D  }
0x5: {  	s29 =	simm.s32 $0x5000;
	s30 =	simm.s32 $0x6F40;
	s10 =	smul.u32 $0x5000, s15  }
0x6: {  	s8 =	sand.u32 $0x1, s4;
	s5 =	sshll.u32 s15, $0x1;
	s15 =	smul.u32 $0x4E20, s15  }
0x7: {  	s4 =	simm.s32 $0x0;
	s9 =	sor.u32 s8, s5;
	s11 =	smul.u32 $0x50000, s8  }
0x8: {  	s31 =	simm.s32 $0x8E80;
	[smem:$0x7FF] =	sst s4;
	s7 =	smul.u32 $0x500, s9  }
0x9: {  	s5 =	sadd.s32 $0x15DA00, s1;
	s13 =	ssub.s32 $0x2, s8;
	s8 =	smul.u32 $0x2710, s9  }
0xa: {  	s6 =	sadd.s32 $0x11000, s1;
	_ =	strace $0x8000004A;
	s24 =	smul.u32 $0x4E200, s9  }
0xb: {  	s14 =	sshrl.u32 s13, $0x1;
	s26 =	sshrl.u32 s15, $0x3;
	s9 =	smul.u32 $0x9C40, s9  }
0xc: {  	s21 =	sadd.s32 s10, s3;
	s11 =	sadd.s32 s10, s11;
	s0 =	sadd.s32 s0, s26  }
0xd: {  	s10 =	simm.s32 $0x1;
	[dreg:$0x8] =	wrdreg s21;
	s12 =	sadd.s32 s7, s1  }
0xe: {  	s7 =	sadd.s32 $0x17B800, s1;
	s11 =	sshrl.u32 s11, $0x3;
	[dreg:$0x7] =	wrdreg s0  }
0xf: {  	s1 =	sadd.s32 s11, s1;
	s11 =	ssub.s32 s13, s14;
	s25 =	sadd.s32 $0x153A00, s12  }
0x10: {  	s12 =	sadd.s32 $0x149A00, s12;
	s13 =	sshrl.u32 s24, $0x3;
	[dreg:$0x5] =	wrdreg s25  }
0x11: {  	[dreg:$0x6] =	wrdreg s12;
	s12 =	sadd.s32 s15, s2;
	s14 =	sadd.s32 $0x1F4, s13  }
0x12: {  	s15 =	sadd.s32 s6, s9;
	s17 =	sadd.s32 s6, s13;
	s9 =	sadd.s32 s7, s9  }
0x13: {  	s19 =	sadd.s32 s7, s13;
	s24 =	sadd.s32 $0x167800, s1;
	[dreg:$0x9] =	wrdreg s15  }
0x14: {  	s25 =	smax.u32 s11, $0x1;
	s11 =	simm.s32 $0x3;
	[dreg:$0xb] =	wrdreg s9  }
0x15: {  	s13 =	simm.s32 $0x5;
	s16 =	sadd.s32 s6, s14;
	[dreg:$0x11] =	wrdreg s24  }
0x16: {  	s18 =	sadd.s32 $0x3E8, s17;
	s0 =	sadd.s32 s7, s14;
	[dreg:$0x12] =	wrdreg s25  }
0x17: {  	s20 =	sadd.s32 $0x5DC, s17;
	s22 =	sadd.s32 $0x9858, s19;
	[dreg:$0xa] =	wrdreg s16  }
0x18: {  	s23 =	sadd.s32 $0x9A4C, s19;
	s25 =	simm.s32 $0x2800;
	[dreg:$0xc] =	wrdreg s18  }
0x19: {  	s26 =	sshrl.u32 s12, $0x3;
	s9 =	simm.s32 $0x9E20;
	[dreg:$0xd] =	wrdreg s0  }
0x1a: {  	s14 =	simm.s32 $0xADC0;
	s15 =	simm.s32 $0x2;
	[dreg:$0xe] =	wrdreg s20  }
0x1b: {  	s17 =	simm.s32 $0x6;
	s19 =	simm.s32 $0x7;
	[dreg:$0xf] =	wrdreg s22  }
0x1c: {  	s12 =	simm.s32 $0x0;
	[dreg:$0x10] =	wrdreg s23;
	s23 =	simm.s32 $0x9  }
0x1d: {  	[dreg:$0x13] =	wrdreg s26;
	s26 =	simm.s32 $0x5FA0;
	s0 =	simm.s32 $0x7EE0  }
0x1e: {  	v0 =	vimm.f32 $0.0e+00;
	s16 =	simm.s32 $0x4;
	s18 =	simm.s32 $0xBD60;
	s20 =	simm.s32 $0x8  }
.LBB2_1:
0x1f: {  	[dreg:$0x14] =	wrdreg s12  }
0x20: {  	s1 =	rddreg [dreg:$0x5]  }
0x21: {  	[tilespmem:s4], [sflag:$0x9] =	stream.linear.gather [hbm4b:s1+s4], $0x2800, $0x38;
	[tilespmem:$0x1BB20] =	vst v63  }
0x22: {  	_ =	swait.ge [sflag:s23], $0x2800  }
0x23: {  	s24 =	stileid.u32;
	[sflag:s23] =	ssyncset.done $0x0  }
0x24: {  	s1 =	sshll.u32 s24, $0x6;
	s22 =	rddreg [dreg:$0x6];
	[sflag:s23] =	ssyncadd.s32 $0xFFFFD800  }
0x25: {  	[tilespmem:s25], [sflag:$0x9] =	stream.linear.gather [hbm4b:s22+s4], $0x2800, $0x38;
	[tilespmem:$0x1BB20] =	vst v63  }
0x26: {  	s22 =	sor.u32 $0x1C09, s1  }
0x27: {  	_ =	swait.ge [sflag:s23], $0x2800;
	[dreg:$0x15] =	wrdreg s22  }
0x28: {  	[sflag:s23] =	ssyncset.done $0x0;
	s12 =	rddreg [dreg:$0x7]  }
0x29: {  	s24 =	rddreg [dreg:$0x13];
	[sflag:s23] =	ssyncadd.s32 $0xFFFFD800  }
0x2a: {  	[spmem:s24], [sflag:s22] =	dma.local [hbm:s12], $0x9C4  }
0x2b: {  	_ =	swait.ge [sflag:s23], $0x9C4  }
0x2c: {  	[sflag:s23] =	ssyncset.done $0x0  }
0x2d: {  	[sflag:s23] =	ssyncadd.s32 $0xFFFFF63C  }
0x2e: {  	s1 =	simm.s32 $0x80;
	s12 =	simm.s32 $0x0;
	[bflag:$0x0] =	sbarrier.arrive $0xFFFF  }
.LBB2_2:
0x2f: {  	p0 =	sne.s32 s1, $0x13F80;
	[tilespmem:s12+$0x11B20] =	vst v0;
	s22 =	smov.u32 s1;
	s1 =	sadd.s32 $0x80, s1  }
.Ltmp0:
0x30: {  	[tilespmem:s12+$0x11B30] =	vst v0;
	(pc) =	sbr.rel @p0 .LBB2_2-.Ltmp0, $2  }
0x31: {  	_ =	sdelay $0x2  }
0x32: {  	s12 =	sshra.s32 s22, $0x2  }
0x33: {  	[tilespmem:s12+$0x11B20] =	vst v0  }
0x34: {  	[tilespmem:s12+$0x11B30] =	vst v0;
	s1 =	simm.s32 $0x11B20  }
0x35: {  	[spmem:s21] =	stream.linear.scatter [tilespmem:s1], [sflag:$0x9], $0x5000, $0x38;
	[tilespmem:$0x1BB20] =	vst v63  }
0x36: {  	_ =	swait.ge [sflag:s23], $0x5000  }
0x37: {  	[sflag:s23] =	ssyncset.done $0x0  }
0x38: {  	[sflag:s23] =	ssyncadd.s32 $0xFFFFB000  }
0x39: {  	s1 =	simm.s32 $0x0;
	[bflag:$0x0] =	sbarrier.arrive $0xFFFF  }
0x3a: {  	[tilespmem:s29], [sflag:$0x1] =	stream.indirect.gather [spmem:s2], $0x20, s1, s28, $0xb8;
	[tilespmem:$0x1BB20] =	vst v63  }
0x3b: {  	_ = 	snop  }
0x3c: {  	[tilespmem:s30], [sflag:$0x3] =	stream.indirect.gather [hbm4b:s5+s28], $0x20, s25, s28, $0xb8;
	[tilespmem:$0x1BB20] =	vst v63  }
0x3d: {  	s24 =	rddreg [dreg:$0x9]  }
0x3e: {  	[tilespmem:s31], [sflag:$0x5] =	stream.linear.gather [hbm4b:s24+s1], $0xFA0, $0x38;
	[tilespmem:$0x1BB20] =	vst v63  }
0x3f: {  	s21 =	simm.s32 $0x80  }
0x40: {  	[tilespmem:s26], [sflag:$0x2] =	stream.indirect.gather [spmem:s2], $0x20, s21, s28, $0xb8;
	[tilespmem:$0x1BB20] =	vst v63  }
0x41: {  	s22 =	simm.s32 $0x2880  }
0x42: {  	[tilespmem:s0], [sflag:$0x4] =	stream.indirect.gather [hbm4b:s5+s28], $0x20, s22, s28, $0xb8;
	[tilespmem:$0x1BB20] =	vst v63  }
0x43: {  	s24 =	rddreg [dreg:$0xa]  }
0x44: {  	[tilespmem:s9], [sflag:$0x6] =	stream.linear.gather [hbm4b:s24+s1], $0xFA0, $0x38;
	[tilespmem:$0x1BB20] =	vst v63  }
0x45: {  	_ =	swait.ge [sflag:s10], $0xFA0  }
0x46: {  	[sflag:s10] =	ssyncset.done $0x0  }
0x47: {  	[sflag:s10] =	ssyncadd.s32 $0xFFFFF060  }
0x48: {  	_ =	swait.ge [sflag:s11], $0xFA0  }
0x49: {  	[sflag:s11] =	ssyncset.done $0x0  }
0x4a: {  	[sflag:s11] =	ssyncadd.s32 $0xFFFFF060  }
0x4b: {  	_ =	swait.ge [sflag:s13], $0xFA0  }
0x4c: {  	[sflag:s13] =	ssyncset.done $0x0  }
0x4d: {  	s1 =	simm.s32 $0x0;
	[sflag:s13] =	ssyncadd.s32 $0xFFFFF060  }
0x4e: {  	v3 =	vld [tilespmem:s1+$0x8E90]  }
0x4f: {  	v4 =	vld [tilespmem:s1+$0x5010]  }
0x50: {  	v6 =	vld [tilespmem:s1+$0x8E80]  }
0x51: {  	v5 =	vld [tilespmem:s1+$0x6F50]  }
0x52: {  	v7 =	vld [tilespmem:s1+$0x5000]  }
0x53: {  	s12 =	simm.s32 $0x20;
	v1 =	vld [tilespmem:s1+$0x6F40]  }
0x54: {  	v2 =	vld [tilespmem:s12+$0x8E90];
	v8 =	vadd.f32 v4, v3  }
0x55: {  	v4 =	vld [tilespmem:s12+$0x5010]  }
0x56: {  	v3 =	vld [tilespmem:s12+$0x8E80];
	v8 =	vadd.f32 v5, v8  }
0x57: {  	v7 =	vadd.f32 v7, v6;
	v5 =	vld [tilespmem:s12+$0x6F50]  }
0x58: {  	s24 =	simm.s32 $0x100;
	v6 =	vld [tilespmem:s12+$0x5000];
	v8 =	vmax.f32 v8, $0.0e+00  }
.LBB2_4:
0x59: {  	s22 =	sshra.s32 s24, $0x2;
	v7 =	vadd.f32 v1, v7;
	v1 =	vld [tilespmem:s12+$0x6F40];
	[tilespmem:s1+$0xADD0] =	vst v8;
	p0 =	sne.s32 s24, $0x3E00  }
.Ltmp1:
0x5a: {  	s24 =	sadd.s32 $0x80, s24;
	v8 =	vadd.f32 v4, v2;
	v2 =	vld [tilespmem:s22+$0x8E90];
	(pc) =	sbr.rel @p0 .LBB2_4-.Ltmp1, $4  }
0x5b: {  	v4 =	vld [tilespmem:s22+$0x5010];
	v7 =	vmax.f32 v7, $0.0e+00;
	v9 =	vmov v3  }
0x5c: {  	v3 =	vld [tilespmem:s22+$0x8E80];
	v8 =	vadd.f32 v5, v8;
	[tilespmem:s1+$0xADC0] =	vst v7;
	s1 =	smov.u32 s12;
	s12 =	smov.u32 s22  }
0x5d: {  	v5 =	vld [tilespmem:s12+$0x6F50];
	v7 =	vadd.f32 v6, v9  }
0x5e: {  	v6 =	vld [tilespmem:s12+$0x5000];
	v8 =	vmax.f32 v8, $0.0e+00  }
0x5f: {  	_ = 	snop  }
0x60: {  	v9 =	vld [tilespmem:s12+$0x6F40];
	_ =	sdelay $0x1  }
0x61: {  	v2 =	vadd.f32 v4, v2  }
0x62: {  	v1 =	vadd.f32 v1, v7;
	v3 =	vadd.f32 v6, v3  }
0x63: {  	v2 =	vadd.f32 v5, v2  }
0x64: {  	[tilespmem:s1+$0xADD0] =	vst v8;
	v1 =	vmax.f32 v1, $0.0e+00;
	v3 =	vadd.f32 v9, v3  }
0x65: {  	[tilespmem:s1+$0xADC0] =	vst v1;
	v1 =	vmax.f32 v2, $0.0e+00  }
0x66: {  	[tilespmem:s12+$0xADD0] =	vst v1;
	v1 =	vmax.f32 v3, $0.0e+00  }
0x67: {  	s21 =	rddreg [dreg:$0xb];
	s1 =	simm.s32 $0x0;
	[tilespmem:s12+$0xADC0] =	vst v1  }
0x68: {  	[hbm4b:s21+s1] =	stream.linear.scatter [tilespmem:s14], [sflag:$0x7], $0xFA0, $0x38;
	[tilespmem:$0x1BB20] =	vst v63  }
0x69: {  	_ = 	snop  }
0x6a: {  	[spmem:s3] =	stream.indirect.scatter.add.f32 [tilespmem:s14], [sflag:$0x9], $0x20, s25, s28, $0xb8;
	[tilespmem:$0x1BB20] =	vst v63  }
0x6b: {  	_ =	swait.ge [sflag:s23], $0xFA0  }
0x6c: {  	[sflag:s23] =	ssyncset.done $0x0  }
0x6d: {  	s22 =	simm.s32 $0x100;
	[sflag:s23] =	ssyncadd.s32 $0xFFFFF060  }
0x6e: {  	[tilespmem:s29], [sflag:$0x1] =	stream.indirect.gather [spmem:s2], $0x20, s22, s28, $0xb8;
	[tilespmem:$0x1BB20] =	vst v63  }
0x6f: {  	s24 =	simm.s32 $0x2900  }
0x70: {  	[tilespmem:s30], [sflag:$0x3] =	stream.indirect.gather [hbm4b:s5+s28], $0x20, s24, s28, $0xb8;
	[tilespmem:$0x1BB20] =	vst v63  }
0x71: {  	s25 =	rddreg [dreg:$0xc]  }
0x72: {  	[tilespmem:s31], [sflag:$0x5] =	stream.linear.gather [hbm4b:s25+s1], $0xFA0, $0x38;
	[tilespmem:$0x1BB20] =	vst v63  }
0x73: {  	_ =	swait.ge [sflag:s15], $0xFA0  }
0x74: {  	[sflag:s15] =	ssyncset.done $0x0  }
0x75: {  	[sflag:s15] =	ssyncadd.s32 $0xFFFFF060  }
0x76: {  	_ =	swait.ge [sflag:s16], $0xFA0  }
0x77: {  	[sflag:s16] =	ssyncset.done $0x0  }
0x78: {  	[sflag:s16] =	ssyncadd.s32 $0xFFFFF060  }
0x79: {  	_ =	swait.ge [sflag:s17], $0xFA0  }
0x7a: {  	[sflag:s17] =	ssyncset.done $0x0  }
0x7b: {  	s1 =	simm.s32 $0x0;
	[sflag:s17] =	ssyncadd.s32 $0xFFFFF060  }
0x7c: {  	v3 =	vld [tilespmem:s1+$0x9E30]  }
0x7d: {  	v4 =	vld [tilespmem:s1+$0x5FB0]  }
0x7e: {  	v6 =	vld [tilespmem:s1+$0x9E20]  }
0x7f: {  	v5 =	vld [tilespmem:s1+$0x7EF0]  }
0x80: {  	v7 =	vld [tilespmem:s1+$0x5FA0]  }
0x81: {  	s12 =	simm.s32 $0x20;
	v1 =	vld [tilespmem:s1+$0x7EE0]  }
0x82: {  	v2 =	vld [tilespmem:s12+$0x9E30];
	v8 =	vadd.f32 v4, v3  }
0x83: {  	v4 =	vld [tilespmem:s12+$0x5FB0]  }
0x84: {  	v3 =	vld [tilespmem:s12+$0x9E20];
	v8 =	vadd.f32 v5, v8  }
0x85: {  	v7 =	vadd.f32 v7, v6;
	v5 =	vld [tilespmem:s12+$0x7EF0]  }
0x86: {  	s24 =	simm.s32 $0x100;
	v6 =	vld [tilespmem:s12+$0x5FA0];
	v8 =	vmax.f32 v8, $0.0e+00  }
.LBB2_6:
0x87: {  	s22 =	sshra.s32 s24, $0x2;
	v7 =	vadd.f32 v1, v7;
	v1 =	vld [tilespmem:s12+$0x7EE0];
	[tilespmem:s1+$0xBD70] =	vst v8;
	p0 =	sne.s32 s24, $0x3E00  }
.Ltmp2:
0x88: {  	s24 =	sadd.s32 $0x80, s24;
	v8 =	vadd.f32 v4, v2;
	v2 =	vld [tilespmem:s22+$0x9E30];
	(pc) =	sbr.rel @p0 .LBB2_6-.Ltmp2, $4  }
0x89: {  	v4 =	vld [tilespmem:s22+$0x5FB0];
	v7 =	vmax.f32 v7, $0.0e+00;
	v9 =	vmov v3  }
0x8a: {  	v3 =	vld [tilespmem:s22+$0x9E20];
	v8 =	vadd.f32 v5, v8;
	[tilespmem:s1+$0xBD60] =	vst v7;
	s1 =	smov.u32 s12;
	s12 =	smov.u32 s22  }
0x8b: {  	v5 =	vld [tilespmem:s12+$0x7EF0];
	v7 =	vadd.f32 v6, v9  }
0x8c: {  	v6 =	vld [tilespmem:s12+$0x5FA0];
	v8 =	vmax.f32 v8, $0.0e+00  }
0x8d: {  	_ = 	snop  }
0x8e: {  	v9 =	vld [tilespmem:s12+$0x7EE0];
	_ =	sdelay $0x1  }
0x8f: {  	v2 =	vadd.f32 v4, v2  }
0x90: {  	v1 =	vadd.f32 v1, v7;
	v3 =	vadd.f32 v6, v3  }
0x91: {  	v2 =	vadd.f32 v5, v2  }
0x92: {  	[tilespmem:s1+$0xBD70] =	vst v8;
	v1 =	vmax.f32 v1, $0.0e+00;
	v3 =	vadd.f32 v9, v3  }
0x93: {  	[tilespmem:s1+$0xBD60] =	vst v1;
	v1 =	vmax.f32 v2, $0.0e+00  }
0x94: {  	[tilespmem:s12+$0xBD70] =	vst v1;
	v1 =	vmax.f32 v3, $0.0e+00  }
0x95: {  	[tilespmem:s12+$0xBD60] =	vst v1;
	s12 =	rddreg [dreg:$0xd]  }
0x96: {  	[hbm4b:s12+s4] =	stream.linear.scatter [tilespmem:s18], [sflag:$0x8], $0xFA0, $0x38;
	[tilespmem:$0x1BB20] =	vst v63  }
0x97: {  	s21 =	simm.s32 $0x2880  }
0x98: {  	[spmem:s3] =	stream.indirect.scatter.add.f32 [tilespmem:s18], [sflag:$0x9], $0x20, s21, s28, $0xb8;
	[tilespmem:$0x1BB20] =	vst v63  }
0x99: {  	_ =	swait.ge [sflag:s23], $0xFA0  }
0x9a: {  	[sflag:s23] =	ssyncset.done $0x0  }
0x9b: {  	s22 =	simm.s32 $0x180;
	[sflag:s23] =	ssyncadd.s32 $0xFFFFF060  }
0x9c: {  	[tilespmem:s26], [sflag:$0x2] =	stream.indirect.gather [spmem:s2], $0x20, s22, s28, $0xb8;
	[tilespmem:$0x1BB20] =	vst v63  }
0x9d: {  	s24 =	simm.s32 $0x2980  }
0x9e: {  	[tilespmem:s0], [sflag:$0x4] =	stream.indirect.gather [hbm4b:s5+s28], $0x20, s24, s28, $0xb8;
	[tilespmem:$0x1BB20] =	vst v63  }
0x9f: {  	s1 =	simm.s32 $0x1;
	s25 =	rddreg [dreg:$0xe]  }
0xa0: {  	[tilespmem:s9], [sflag:$0x6] =	stream.linear.gather [hbm4b:s25+s4], $0xFA0, $0x38;
	[tilespmem:$0x1BB20] =	vst v63  }
.LBB2_8:
0xa1: {  	_ =	swait.ge [sflag:s10], $0xFA0  }
0xa2: {  	[sflag:s10] =	ssyncset.done $0x0  }
0xa3: {  	[sflag:s10] =	ssyncadd.s32 $0xFFFFF060  }
0xa4: {  	_ =	swait.ge [sflag:s11], $0xFA0  }
0xa5: {  	[sflag:s11] =	ssyncset.done $0x0  }
0xa6: {  	[sflag:s11] =	ssyncadd.s32 $0xFFFFF060  }
0xa7: {  	_ =	swait.ge [sflag:s13], $0xFA0  }
0xa8: {  	[sflag:s13] =	ssyncset.done $0x0  }
0xa9: {  	[sflag:s13] =	ssyncadd.s32 $0xFFFFF060  }
0xaa: {  	_ =	swait.ge [sflag:s19], $0xFA0  }
0xab: {  	[sflag:s19] =	ssyncset.done $0x0  }
0xac: {  	s24 =	simm.s32 $0x0;
	[sflag:s19] =	ssyncadd.s32 $0xFFFFF060  }
0xad: {  	v3 =	vld [tilespmem:s24+$0x8E90]  }
0xae: {  	v4 =	vld [tilespmem:s24+$0x5010]  }
0xaf: {  	v6 =	vld [tilespmem:s24+$0x8E80]  }
0xb0: {  	v5 =	vld [tilespmem:s24+$0x6F50]  }
0xb1: {  	v7 =	vld [tilespmem:s24+$0x5000]  }
0xb2: {  	s12 =	simm.s32 $0x20;
	v1 =	vld [tilespmem:s24+$0x6F40]  }
0xb3: {  	v2 =	vld [tilespmem:s12+$0x8E90];
	v8 =	vadd.f32 v4, v3  }
0xb4: {  	v4 =	vld [tilespmem:s12+$0x5010]  }
0xb5: {  	v3 =	vld [tilespmem:s12+$0x8E80];
	v9 =	vadd.f32 v5, v8  }
0xb6: {  	v5 =	vld [tilespmem:s12+$0x6F50];
	v8 =	vadd.f32 v7, v6  }
0xb7: {  	s25 =	simm.s32 $0x100;
	v6 =	vld [tilespmem:s12+$0x5000];
	v7 =	vmax.f32 v9, $0.0e+00  }
.LBB2_9:
0xb8: {  	s22 =	sshra.s32 s25, $0x2;
	v8 =	vadd.f32 v1, v8;
	v1 =	vld [tilespmem:s12+$0x6F40];
	[tilespmem:s24+$0xADD0] =	vst v7;
	p0 =	sne.s32 s25, $0x3E00  }
.Ltmp3:
0xb9: {  	s25 =	sadd.s32 $0x80, s25;
	v7 =	vadd.f32 v4, v2;
	v2 =	vld [tilespmem:s22+$0x8E90];
	(pc) =	sbr.rel @p0 .LBB2_9-.Ltmp3, $4  }
0xba: {  	v4 =	vld [tilespmem:s22+$0x5010];
	v8 =	vmax.f32 v8, $0.0e+00;
	v9 =	vmov v3  }
0xbb: {  	v3 =	vld [tilespmem:s22+$0x8E80];
	v7 =	vadd.f32 v5, v7;
	[tilespmem:s24+$0xADC0] =	vst v8;
	s24 =	smov.u32 s12;
	s12 =	smov.u32 s22  }
0xbc: {  	v5 =	vld [tilespmem:s12+$0x6F50];
	v8 =	vadd.f32 v6, v9  }
0xbd: {  	v6 =	vld [tilespmem:s12+$0x5000];
	v7 =	vmax.f32 v7, $0.0e+00  }
0xbe: {  	_ = 	snop  }
0xbf: {  	v9 =	vld [tilespmem:s12+$0x6F40];
	_ =	sdelay $0x1  }
0xc0: {  	v2 =	vadd.f32 v4, v2  }
0xc1: {  	v1 =	vadd.f32 v1, v8;
	s22 =	smul.u32 $0xFA, s1;
	v3 =	vadd.f32 v6, v3  }
0xc2: {  	v2 =	vadd.f32 v5, v2  }
0xc3: {  	[tilespmem:s24+$0xADD0] =	vst v7;
	v1 =	vmax.f32 v1, $0.0e+00;
	s22 =	sadd.s32 s8, s22;
	v3 =	vadd.f32 v9, v3  }
0xc4: {  	[tilespmem:s24+$0xADC0] =	vst v1;
	s22 =	sshll.u32 s22, $0x2;
	v1 =	vmax.f32 v2, $0.0e+00  }
0xc5: {  	s25 =	sshll.u32 s1, $0x8;
	s22 =	sand.u32 $0x1FFFFFF8, s22;
	[tilespmem:s12+$0xADD0] =	vst v1;
	v1 =	vmax.f32 v3, $0.0e+00  }
0xc6: {  	s24 =	sadd.s32 s7, s22;
	s22 =	simm.s32 $0x0;
	[tilespmem:s12+$0xADC0] =	vst v1;
	s12 =	sand.u32 $0x3FFFFF00, s25  }
0xc7: {  	[hbm4b:s24+s22] =	stream.linear.scatter [tilespmem:s14], [sflag:$0x7], $0xFA0, $0x38;
	[tilespmem:$0x1BB20] =	vst v63  }
0xc8: {  	s25 =	sshll.u32 s1, $0x1;
	s12 =	sadd.s32 $0x2800, s12  }
0xc9: {  	[spmem:s3] =	stream.indirect.scatter.add.f32 [tilespmem:s14], [sflag:$0x9], $0x20, s12, s28, $0xb8;
	[tilespmem:$0x1BB20] =	vst v63  }
0xca: {  	s12 =	sadd.s32 $0x2, s25  }
0xcb: {  	_ =	swait.ge [sflag:s23], $0xFA0;
	s21 =	sshll.u32 s12, $0x7;
	s12 =	smul.u32 $0x7D, s12  }
0xcc: {  	[sflag:s23] =	ssyncset.done $0x0  }
0xcd: {  	[sflag:s23] =	ssyncadd.s32 $0xFFFFF060;
	s12 =	sadd.s32 s8, s12  }
0xce: {  	[tilespmem:s29], [sflag:$0x1] =	stream.indirect.gather [spmem:s2], $0x20, s21, s28, $0xb8;
	[tilespmem:$0x1BB20] =	vst v63  }
0xcf: {  	s12 =	sshll.u32 s12, $0x2  }
0xd0: {  	s24 =	sadd.s32 $0x2800, s21;
	s12 =	sand.u32 $0x1FFFFFF8, s12  }
0xd1: {  	[tilespmem:s30], [sflag:$0x3] =	stream.indirect.gather [hbm4b:s5+s28], $0x20, s24, s28, $0xb8;
	[tilespmem:$0x1BB20] =	vst v63  }
0xd2: {  	s12 =	sadd.s32 s6, s12  }
0xd3: {  	[tilespmem:s31], [sflag:$0x5] =	stream.linear.gather [hbm4b:s12+s22], $0xFA0, $0x38;
	[tilespmem:$0x1BB20] =	vst v63  }
0xd4: {  	_ =	swait.ge [sflag:s15], $0xFA0  }
0xd5: {  	[sflag:s15] =	ssyncset.done $0x0  }
0xd6: {  	[sflag:s15] =	ssyncadd.s32 $0xFFFFF060  }
0xd7: {  	_ =	swait.ge [sflag:s16], $0xFA0  }
0xd8: {  	[sflag:s16] =	ssyncset.done $0x0  }
0xd9: {  	[sflag:s16] =	ssyncadd.s32 $0xFFFFF060  }
0xda: {  	_ =	swait.ge [sflag:s17], $0xFA0  }
0xdb: {  	[sflag:s17] =	ssyncset.done $0x0  }
0xdc: {  	[sflag:s17] =	ssyncadd.s32 $0xFFFFF060  }
0xdd: {  	_ =	swait.ge [sflag:s20], $0xFA0  }
0xde: {  	[sflag:s20] =	ssyncset.done $0x0  }
0xdf: {  	s12 =	simm.s32 $0x0;
	[sflag:s20] =	ssyncadd.s32 $0xFFFFF060  }
0xe0: {  	v3 =	vld [tilespmem:s12+$0x9E30]  }
0xe1: {  	v4 =	vld [tilespmem:s12+$0x5FB0]  }
0xe2: {  	v6 =	vld [tilespmem:s12+$0x9E20]  }
0xe3: {  	v5 =	vld [tilespmem:s12+$0x7EF0]  }
0xe4: {  	v7 =	vld [tilespmem:s12+$0x5FA0]  }
0xe5: {  	s24 =	simm.s32 $0x20;
	v1 =	vld [tilespmem:s12+$0x7EE0]  }
0xe6: {  	v2 =	vld [tilespmem:s24+$0x9E30];
	v8 =	vadd.f32 v4, v3  }
0xe7: {  	v4 =	vld [tilespmem:s24+$0x5FB0]  }
0xe8: {  	v3 =	vld [tilespmem:s24+$0x9E20];
	v9 =	vadd.f32 v5, v8  }
0xe9: {  	v5 =	vld [tilespmem:s24+$0x7EF0];
	v8 =	vadd.f32 v7, v6  }
0xea: {  	s22 =	simm.s32 $0x100;
	v6 =	vld [tilespmem:s24+$0x5FA0];
	v7 =	vmax.f32 v9, $0.0e+00  }
.LBB2_11:
0xeb: {  	s21 =	sshra.s32 s22, $0x2;
	v8 =	vadd.f32 v1, v8;
	v1 =	vld [tilespmem:s24+$0x7EE0];
	[tilespmem:s12+$0xBD70] =	vst v7;
	p0 =	sne.s32 s22, $0x3E00  }
.Ltmp4:
0xec: {  	s22 =	sadd.s32 $0x80, s22;
	v7 =	vadd.f32 v4, v2;
	v2 =	vld [tilespmem:s21+$0x9E30];
	(pc) =	sbr.rel @p0 .LBB2_11-.Ltmp4, $4  }
0xed: {  	v4 =	vld [tilespmem:s21+$0x5FB0];
	v8 =	vmax.f32 v8, $0.0e+00;
	v9 =	vmov v3  }
0xee: {  	v3 =	vld [tilespmem:s21+$0x9E20];
	v7 =	vadd.f32 v5, v7;
	[tilespmem:s12+$0xBD60] =	vst v8;
	s12 =	smov.u32 s24;
	s24 =	smov.u32 s21  }
0xef: {  	v5 =	vld [tilespmem:s24+$0x7EF0];
	v8 =	vadd.f32 v6, v9  }
0xf0: {  	v6 =	vld [tilespmem:s24+$0x5FA0];
	v7 =	vmax.f32 v7, $0.0e+00  }
0xf1: {  	_ = 	snop  }
0xf2: {  	v9 =	vld [tilespmem:s24+$0x7EE0];
	_ =	sdelay $0x1  }
0xf3: {  	s21 =	sor.u32 $0x1, s25;
	v2 =	vadd.f32 v4, v2  }
0xf4: {  	v1 =	vadd.f32 v1, v8;
	s22 =	smul.u32 $0x7D, s21;
	v3 =	vadd.f32 v6, v3  }
0xf5: {  	v2 =	vadd.f32 v5, v2  }
0xf6: {  	[tilespmem:s12+$0xBD70] =	vst v7;
	v1 =	vmax.f32 v1, $0.0e+00;
	s22 =	sadd.s32 s8, s22;
	v3 =	vadd.f32 v9, v3  }
0xf7: {  	[tilespmem:s12+$0xBD60] =	vst v1;
	s22 =	sshll.u32 s22, $0x2;
	v1 =	vmax.f32 v2, $0.0e+00  }
0xf8: {  	s12 =	sand.u32 $0x1FFFFFFC, s22;
	[tilespmem:s24+$0xBD70] =	vst v1;
	v1 =	vmax.f32 v3, $0.0e+00  }
0xf9: {  	s22 =	sshll.u32 s21, $0x7;
	s12 =	sadd.s32 s7, s12;
	[tilespmem:s24+$0xBD60] =	vst v1  }
0xfa: {  	[hbm4b:s12+s4] =	stream.linear.scatter [tilespmem:s18], [sflag:$0x8], $0xFA0, $0x38;
	[tilespmem:$0x1BB20] =	vst v63  }
0xfb: {  	s12 =	sand.u32 $0x3FFFFF80, s22  }
0xfc: {  	s24 =	sadd.s32 $0x3, s25;
	s12 =	sadd.s32 $0x2800, s12  }
0xfd: {  	[spmem:s3] =	stream.indirect.scatter.add.f32 [tilespmem:s18], [sflag:$0x9], $0x20, s12, s28, $0xb8;
	[tilespmem:$0x1BB20] =	vst v63  }
0xfe: {  	s1 =	sadd.s32 $0x1, s1;
	s12 =	smul.u32 $0x7D, s24;
	_ =	swait.ge [sflag:s23], $0xFA0  }
0xff: {  	p0 =	sne.s32 s1, $0x27;
	[sflag:s23] =	ssyncset.done $0x0  }
0x100: {  	s25 =	sshll.u32 s24, $0x7;
	s12 =	sadd.s32 s8, s12;
	[sflag:s23] =	ssyncadd.s32 $0xFFFFF060  }
0x101: {  	[tilespmem:s26], [sflag:$0x2] =	stream.indirect.gather [spmem:s2], $0x20, s25, s28, $0xb8;
	[tilespmem:$0x1BB20] =	vst v63  }
.Ltmp5:
0x102: {  	s12 =	sshll.u32 s12, $0x2;
	(pc) =	sbr.rel @p0 .LBB2_8-.Ltmp5, $4  }
0x103: {  	s21 =	sadd.s32 $0x2800, s25;
	s12 =	sand.u32 $0x1FFFFFFC, s12  }
0x104: {  	[tilespmem:s0], [sflag:$0x4] =	stream.indirect.gather [hbm4b:s5+s28], $0x20, s21, s28, $0xb8;
	[tilespmem:$0x1BB20] =	vst v63  }
0x105: {  	s12 =	sadd.s32 s6, s12  }
0x106: {  	[tilespmem:s9], [sflag:$0x6] =	stream.linear.gather [hbm4b:s12+s4], $0xFA0, $0x38;
	[tilespmem:$0x1BB20] =	vst v63  }
0x107: {  	_ =	swait.ge [sflag:s10], $0xFA0  }
0x108: {  	[sflag:s10] =	ssyncset.done $0x0  }
0x109: {  	[sflag:s10] =	ssyncadd.s32 $0xFFFFF060  }
0x10a: {  	_ =	swait.ge [sflag:s11], $0xFA0  }
0x10b: {  	[sflag:s11] =	ssyncset.done $0x0  }
0x10c: {  	[sflag:s11] =	ssyncadd.s32 $0xFFFFF060  }
0x10d: {  	_ =	swait.ge [sflag:s13], $0xFA0  }
0x10e: {  	[sflag:s13] =	ssyncset.done $0x0  }
0x10f: {  	[sflag:s13] =	ssyncadd.s32 $0xFFFFF060  }
0x110: {  	_ =	swait.ge [sflag:s19], $0xFA0  }
0x111: {  	[sflag:s19] =	ssyncset.done $0x0  }
0x112: {  	s1 =	simm.s32 $0x0;
	[sflag:s19] =	ssyncadd.s32 $0xFFFFF060  }
0x113: {  	v3 =	vld [tilespmem:s1+$0x8E90]  }
0x114: {  	v4 =	vld [tilespmem:s1+$0x5010]  }
0x115: {  	v6 =	vld [tilespmem:s1+$0x8E80]  }
0x116: {  	v5 =	vld [tilespmem:s1+$0x6F50]  }
0x117: {  	v7 =	vld [tilespmem:s1+$0x5000]  }
0x118: {  	s12 =	simm.s32 $0x20;
	v1 =	vld [tilespmem:s1+$0x6F40]  }
0x119: {  	v2 =	vld [tilespmem:s12+$0x8E90];
	v8 =	vadd.f32 v4, v3  }
0x11a: {  	v4 =	vld [tilespmem:s12+$0x5010]  }
0x11b: {  	v3 =	vld [tilespmem:s12+$0x8E80];
	v8 =	vadd.f32 v5, v8  }
0x11c: {  	v7 =	vadd.f32 v7, v6;
	v5 =	vld [tilespmem:s12+$0x6F50]  }
0x11d: {  	s22 =	simm.s32 $0x100;
	v6 =	vld [tilespmem:s12+$0x5000];
	v8 =	vmax.f32 v8, $0.0e+00  }
.LBB2_14:
0x11e: {  	s21 =	sshra.s32 s22, $0x2;
	v7 =	vadd.f32 v1, v7;
	v1 =	vld [tilespmem:s12+$0x6F40];
	[tilespmem:s1+$0xADD0] =	vst v8;
	p0 =	sne.s32 s22, $0x3E00  }
.Ltmp6:
0x11f: {  	s22 =	sadd.s32 $0x80, s22;
	v8 =	vadd.f32 v4, v2;
	v2 =	vld [tilespmem:s21+$0x8E90];
	(pc) =	sbr.rel @p0 .LBB2_14-.Ltmp6, $4  }
0x120: {  	v4 =	vld [tilespmem:s21+$0x5010];
	v7 =	vmax.f32 v7, $0.0e+00;
	v9 =	vmov v3  }
0x121: {  	v3 =	vld [tilespmem:s21+$0x8E80];
	v8 =	vadd.f32 v5, v8;
	[tilespmem:s1+$0xADC0] =	vst v7;
	s1 =	smov.u32 s12;
	s12 =	smov.u32 s21  }
0x122: {  	v5 =	vld [tilespmem:s12+$0x6F50];
	v7 =	vadd.f32 v6, v9  }
0x123: {  	v6 =	vld [tilespmem:s12+$0x5000];
	v8 =	vmax.f32 v8, $0.0e+00  }
0x124: {  	_ = 	snop  }
0x125: {  	v9 =	vld [tilespmem:s12+$0x6F40];
	_ =	sdelay $0x1  }
0x126: {  	v2 =	vadd.f32 v4, v2  }
0x127: {  	v1 =	vadd.f32 v1, v7;
	v3 =	vadd.f32 v6, v3  }
0x128: {  	v2 =	vadd.f32 v5, v2  }
0x129: {  	[tilespmem:s1+$0xADD0] =	vst v8;
	v1 =	vmax.f32 v1, $0.0e+00;
	v3 =	vadd.f32 v9, v3  }
0x12a: {  	[tilespmem:s1+$0xADC0] =	vst v1;
	v1 =	vmax.f32 v2, $0.0e+00  }
0x12b: {  	[tilespmem:s12+$0xADD0] =	vst v1;
	v1 =	vmax.f32 v3, $0.0e+00  }
0x12c: {  	s22 =	simm.s32 $0x0;
	s24 =	rddreg [dreg:$0xf];
	[tilespmem:s12+$0xADC0] =	vst v1  }
0x12d: {  	[hbm4b:s24+s22] =	stream.linear.scatter [tilespmem:s14], [sflag:$0x7], $0xFA0, $0x38;
	[tilespmem:$0x1BB20] =	vst v63  }
0x12e: {  	s25 =	simm.s32 $0x4F00  }
0x12f: {  	[spmem:s3] =	stream.indirect.scatter.add.f32 [tilespmem:s14], [sflag:$0x9], $0x20, s25, s28, $0xb8;
	[tilespmem:$0x1BB20] =	vst v63  }
0x130: {  	_ =	swait.ge [sflag:s23], $0xFA0  }
0x131: {  	[sflag:s23] =	ssyncset.done $0x0  }
0x132: {  	[sflag:s23] =	ssyncadd.s32 $0xFFFFF060  }
0x133: {  	_ =	swait.ge [sflag:s15], $0xFA0  }
0x134: {  	[sflag:s15] =	ssyncset.done $0x0  }
0x135: {  	[sflag:s15] =	ssyncadd.s32 $0xFFFFF060  }
0x136: {  	_ =	swait.ge [sflag:s16], $0xFA0  }
0x137: {  	[sflag:s16] =	ssyncset.done $0x0  }
0x138: {  	[sflag:s16] =	ssyncadd.s32 $0xFFFFF060  }
0x139: {  	_ =	swait.ge [sflag:s17], $0xFA0  }
0x13a: {  	[sflag:s17] =	ssyncset.done $0x0  }
0x13b: {  	[sflag:s17] =	ssyncadd.s32 $0xFFFFF060  }
0x13c: {  	_ =	swait.ge [sflag:s20], $0xFA0  }
0x13d: {  	[sflag:s20] =	ssyncset.done $0x0  }
0x13e: {  	s1 =	simm.s32 $0x0;
	[sflag:s20] =	ssyncadd.s32 $0xFFFFF060  }
0x13f: {  	v3 =	vld [tilespmem:s1+$0x9E30]  }
0x140: {  	v4 =	vld [tilespmem:s1+$0x5FB0]  }
0x141: {  	v6 =	vld [tilespmem:s1+$0x9E20]  }
0x142: {  	v5 =	vld [tilespmem:s1+$0x7EF0]  }
0x143: {  	v7 =	vld [tilespmem:s1+$0x5FA0]  }
0x144: {  	s12 =	simm.s32 $0x20;
	v1 =	vld [tilespmem:s1+$0x7EE0]  }
0x145: {  	v2 =	vld [tilespmem:s12+$0x9E30];
	v8 =	vadd.f32 v4, v3  }
0x146: {  	v4 =	vld [tilespmem:s12+$0x5FB0]  }
0x147: {  	v3 =	vld [tilespmem:s12+$0x9E20];
	v8 =	vadd.f32 v5, v8  }
0x148: {  	v7 =	vadd.f32 v7, v6;
	v5 =	vld [tilespmem:s12+$0x7EF0]  }
0x149: {  	s22 =	simm.s32 $0x100;
	s25 =	simm.s32 $0x2800;
	v6 =	vld [tilespmem:s12+$0x5FA0];
	v8 =	vmax.f32 v8, $0.0e+00  }
.LBB2_16:
0x14a: {  	s21 =	sshra.s32 s22, $0x2;
	v7 =	vadd.f32 v1, v7;
	v1 =	vld [tilespmem:s12+$0x7EE0];
	[tilespmem:s1+$0xBD70] =	vst v8;
	p0 =	sne.s32 s22, $0x3E00  }
.Ltmp7:
0x14b: {  	s22 =	sadd.s32 $0x80, s22;
	v8 =	vadd.f32 v4, v2;
	v2 =	vld [tilespmem:s21+$0x9E30];
	(pc) =	sbr.rel @p0 .LBB2_16-.Ltmp7, $4  }
0x14c: {  	v4 =	vld [tilespmem:s21+$0x5FB0];
	v7 =	vmax.f32 v7, $0.0e+00;
	v9 =	vmov v3  }
0x14d: {  	v3 =	vld [tilespmem:s21+$0x9E20];
	v8 =	vadd.f32 v5, v8;
	[tilespmem:s1+$0xBD60] =	vst v7;
	s1 =	smov.u32 s12;
	s12 =	smov.u32 s21  }
0x14e: {  	v5 =	vld [tilespmem:s12+$0x7EF0];
	v7 =	vadd.f32 v6, v9  }
0x14f: {  	v6 =	vld [tilespmem:s12+$0x5FA0];
	v8 =	vmax.f32 v8, $0.0e+00  }
0x150: {  	_ = 	snop  }
0x151: {  	v9 =	vld [tilespmem:s12+$0x7EE0];
	_ =	sdelay $0x1  }
0x152: {  	v2 =	vadd.f32 v4, v2  }
0x153: {  	v1 =	vadd.f32 v1, v7;
	v3 =	vadd.f32 v6, v3  }
0x154: {  	v2 =	vadd.f32 v5, v2  }
0x155: {  	[tilespmem:s1+$0xBD70] =	vst v8;
	v1 =	vmax.f32 v1, $0.0e+00;
	v3 =	vadd.f32 v9, v3  }
0x156: {  	[tilespmem:s1+$0xBD60] =	vst v1;
	v1 =	vmax.f32 v2, $0.0e+00  }
0x157: {  	[tilespmem:s12+$0xBD70] =	vst v1;
	v1 =	vmax.f32 v3, $0.0e+00  }
0x158: {  	s22 =	rddreg [dreg:$0x10];
	[tilespmem:s12+$0xBD60] =	vst v1  }
0x159: {  	[hbm4b:s22+s4] =	stream.linear.scatter [tilespmem:s18], [sflag:$0x8], $0xFA0, $0x38;
	[tilespmem:$0x1BB20] =	vst v63  }
0x15a: {  	s24 =	simm.s32 $0x4F80  }
0x15b: {  	[spmem:s3] =	stream.indirect.scatter.add.f32 [tilespmem:s18], [sflag:$0x9], $0x20, s24, s28, $0xb8;
	[tilespmem:$0x1BB20] =	vst v63  }
0x15c: {  	_ =	swait.ge [sflag:s23], $0xFA0  }
0x15d: {  	[sflag:s23] =	ssyncset.done $0x0  }
0x15e: {  	[sflag:s23] =	ssyncadd.s32 $0xFFFFF060  }
0x15f: {  	_ =	swait.ge [sflag:s19], $0xFA0  }
0x160: {  	[sflag:s19] =	ssyncset.done $0x0  }
0x161: {  	[sflag:s19] =	ssyncadd.s32 $0xFFFFF060  }
0x162: {  	_ =	swait.ge [sflag:s20], $0xFA0  }
0x163: {  	[sflag:s20] =	ssyncset.done $0x0  }
0x164: {  	[sflag:s20] =	ssyncadd.s32 $0xFFFFF060  }
0x165: {  	[bflag:$0x0] =	sbarrier.arrive $0xFFFF  }
0x166: {  	s21 =	rddreg [dreg:$0x8]  }
0x167: {  	s24 =	rddreg [dreg:$0x11]  }
0x168: {  	s22 =	rddreg [dreg:$0x15];
	s12 =	sshrl.u32 s21, $0x3  }
0x169: {  	[hbm:s24], [sflag:s22] =	dma.local [spmem:s12], $0xA00  }
0x16a: {  	_ =	swait.ge [sflag:s23], $0xA00  }
0x16b: {  	s22 =	rddreg [dreg:$0x14]  }
0x16c: {  	s24 =	rddreg [dreg:$0x12];
	s12 =	sadd.s32 $0x1, s22  }
0x16d: {  	p0 =	sne.s32 s12, s24  }
.Ltmp8:
0x16e: {  	_ = 	snop;
	(pc) =	sbr.rel @p0 .LBB2_1-.Ltmp8, $3  }
0x16f: {  	_ =	sdelay $0x1  }
0x170: {  	[sflag:s23] =	ssyncset.done $0x0  }
0x171: {  	[sflag:s23] =	ssyncadd.s32 $0xFFFFF600  }
0x172: {  	_ =	sfence.sel $0x180000  }
0x173: {  	[bflag:$0x0] =	sbarrier.arrive $0xFFFF  }
0x174: {  	_ =	strace $0x9000004A  }
0x175: {  	s0 =	stileid.u32;
	[bflag:$0x2] =	sbarrier.arrive $0xFFFF  }
0x176: {  	p0 =	sne.s32 s0, $0x0;
	s0 =	rddreg [dreg:$0x4]  }
0x177: {  	s0 =	sadd.s32 @!p0 $0x100000, s0  }
0x178: {  	[sflag:s0] =	ssyncadd.tile.s32 @!p0 $0x1;
	_ =	shalt  }
.Lfunc_end2:
_tile_overlayer_lowered:
.L_overlay_start_2:
0x179: {  	(tag) =	ssettag $0x2  }
0x17a: {  	s0 =	rddreg [dreg:$0x0];
	s2 =	stileid.u32  }
0x17b: {  	s1 =	rddreg [dreg:$0x1];
	p0 =	sne.s32 s2, $0x0  }
0x17c: {  	s3 =	rddreg [dreg:$0x2];
	[bflag:$0x3] =	sbarrier.arrive $0xFFFF;
	s2 =	simm.s32 @!p0 $0x1C09  }
0x17d: {  	[timem:s3], [sflag:s2] =	dma.local @!p0 [hbm:s0], s1  }
0x17e: {  	s0 =	simm.s32 @!p0 $0x9  }
0x17f: {  	_ =	swait.ge @!p0 [sflag:s0], s1  }
0x180: {  	s1 =	ssub.s32 @!p0 $0x0, s1;
	[sflag:s0] =	ssyncset.done @!p0 $0x0  }
0x181: {  	[sflag:s0] =	ssyncadd.s32 @!p0 s1  }
0x182: {  	[bflag:$0x3] =	sbarrier.arrive $0xFFFF  }
0x183: {  	_ =	shalt  }

// kernel: kernel.20.cloned.1.call-start
scs
__scs_entry_jumppad:
0x0: {  	(pc) =	sbr.rel $0x88, $3  }
0x1: {  	(tag) =	ssettag $0x0;
	lr =	simm.s32 $0x1  }
0x2: {  	[smem:$0x3F92] =	sst lr;
	_ =	strace $0xD0000000  }
0x3: {  	_ = 	snop  }
0x4: {  	_ = 	snop  }
0x5: {  	_ = 	snop  }
0x6: {  	_ = 	snop  }
0x7: {  	_ = 	snop  }
__scs_overlays_trampoline_lowered:
0x8: {  	[smem:$0x3FA1] =	sst s0  }
0x9: {  	[smem:$0x3FA2] =	sst s1  }
0xa: {  	[smem:$0x3FA3] =	sst s2  }
0xb: {  	[smem:$0x3FA4] =	sst s3  }
0xc: {  	[smem:$0x3FA5] =	sst s4  }
0xd: {  	[smem:$0x3FA6] =	sst s5  }
0xe: {  	[smem:$0x3FA7] =	sst s6  }
0xf: {  	[smem:$0x3FA8] =	sst s7  }
0x10: {  	[smem:$0x3FA9] =	sst s8  }
0x11: {  	[smem:$0x3FAA] =	sst s9;
	s0 =	simm.s32 @!p0 $0x0  }
0x12: {  	s1 =	sld [smem:$0x3F90];
	s0 =	simm.s32 @p0 $0x1  }
0x13: {  	[smem:$0x3FAB] =	sst s0;
	s0 =	simm.s32 @!p1 $0x0  }
0x14: {  	s2 =	sld [smem:$0x3F8F];
	s0 =	simm.s32 @p1 $0x1  }
0x15: {  	[smem:$0x3FAC] =	sst s0;
	s0 =	simm.s32 @!p2 $0x0  }
0x16: {  	s3 =	sld [smem:$0x3FDB];
	s0 =	simm.s32 @p2 $0x1  }
0x17: {  	s4 =	simm.s32 $0x1BF5;
	[smem:$0x3FAE] =	sst s0  }
0x18: {  	s0 =	sld [smem:$0x3F91];
	_ =	swait.ge [sflag:s4], $0x0  }
0x19: {  	s7 =	sld [smem:$0x3F92]  }
0x1a: {  	s8 =	sadd.s32 $0xFFFFE003, lr  }
0x1b: {  	s9 =	sadd.s32 $0xFFFFFEF7, lr;
	s5 =	simm.s32 $0xFFFFFFFF;
	p2 =	slt.u32 s8, $0xFFFFF086  }
0x1c: {  	p1 =	slt.u32 s9, $0xF7A;
	s5 =	simm.s32 @!p2 $0x0  }
0x1d: {  	s5 =	simm.s32 @p1 $0x1;
	p0 =	seq.s32 s7, s2  }
0x1e: {  	s7 =	smul.u32 @!p0 $0xF7A, s2;
	p2 =	seq.s32 @!p0 s5, $0x0  }
0x1f: {  	s9 =	smul.u32 $0xF7A, s1;
	s8 =	simm.s32 @!p0 $0x1BF5;
	p2 =	por !p2, p0  }
0x20: {  	[sflag:s8] =	ssyncset.s32 @!p0 $0xFFFFF086;
	s6 =	sadd.s32 @!p0 s3, s7;
	s7 =	simm.s32 @!p0 $0x108  }
0x21: {  	s3 =	sadd.s32 s3, s9;
	s6 =	sadd.s32 @!p0 $0x88, s6;
	s7 =	simm.s32 @p2 $0x1082  }
0x22: {  	[simem:s7], [sflag:s8] =	dma.local @!p0 [hbm:s6], $0xF7A  }
0x23: {  	s9 =	sor.u32 $0xD0000000, s2;
	s6 =	simm.s32 $0x108;
	_ =	swait.ge @!p0 [sflag:s8], $0x0  }
0x24: {  	s3 =	sadd.s32 $0x88, s3;
	s6 =	simm.s32 @!p1 $0x1082;
	[sflag:s4] =	ssyncset.s32 $0xFFFFF086  }
0x25: {  	[simem:s6], [sflag:s4] =	dma.local [hbm:s3], $0xF7A  }
0x26: {  	[smem:$0x3F92] =	sst s1;
	(tag) =	ssettag s2;
	_ =	strace s9  }
0x27: {  	s1 =	sld [smem:$0x3FA2]  }
0x28: {  	s2 =	sld [smem:$0x3FA3]  }
0x29: {  	s4 =	sld [smem:$0x3FA5]  }
0x2a: {  	p0 =	seq.s32 s5, $0x0;
	s5 =	sld [smem:$0x3FA6]  }
0x2b: {  	s6 =	sld [smem:$0x3FA7]  }
0x2c: {  	s7 =	sld [smem:$0x3FA8]  }
0x2d: {  	s3 =	simm.s32 $0x108;
	s8 =	sld [smem:$0x3FA9]  }
0x2e: {  	s3 =	simm.s32 @!p0 $0x1082;
	s9 =	sld [smem:$0x3FAA]  }
0x2f: {  	lr =	sadd.s32 s0, s3;
	s0 =	sld [smem:$0x3FA1]  }
0x30: {  	s3 =	sld [smem:$0x3FA4]  }
0x31: {  	[smem:$0x3FAD] =	sst s10  }
0x32: {  	s10 =	sld [smem:$0x3FAB];
	_ =	sdelay $0x3  }
0x33: {  	p0 =	seq.s32 s10, $0x1;
	s10 =	sld [smem:$0x3FAD];
	_ =	sdelay $0x3  }
0x34: {  	[smem:$0x3FAD] =	sst s10  }
0x35: {  	s10 =	sld [smem:$0x3FAC];
	_ =	sdelay $0x3  }
0x36: {  	p1 =	seq.s32 s10, $0x1;
	s10 =	sld [smem:$0x3FAD];
	_ =	sdelay $0x3  }
0x37: {  	[smem:$0x3FAD] =	sst s10  }
0x38: {  	s10 =	sld [smem:$0x3FAE]  }
0x39: {  	_ = 	snop;
	(pc) =	sbr.ind lr, $3  }
0x3a: {  	_ = 	snop  }
0x3b: {  	_ = 	snop  }
0x3c: {  	p2 =	seq.s32 s10, $0x1;
	s10 =	sld [smem:$0x3FAD]  }
0x3d: {  	_ =	shalt  }
0x3e: {  	_ =	shalt  }
0x3f: {  	_ =	shalt  }
0x40: {  	_ =	shalt  }
0x41: {  	_ =	shalt  }
0x42: {  	_ =	shalt  }
0x43: {  	_ =	shalt  }
0x44: {  	_ =	shalt  }
0x45: {  	_ =	shalt  }
0x46: {  	_ =	shalt  }
0x47: {  	_ =	shalt  }
0x48: {  	_ =	shalt  }
0x49: {  	_ =	shalt  }
0x4a: {  	_ =	shalt  }
0x4b: {  	_ =	shalt  }
0x4c: {  	_ =	shalt  }
0x4d: {  	_ =	shalt  }
0x4e: {  	_ =	shalt  }
0x4f: {  	_ =	shalt  }
0x50: {  	_ =	shalt  }
0x51: {  	_ =	shalt  }
0x52: {  	_ =	shalt  }
0x53: {  	_ =	shalt  }
0x54: {  	_ =	shalt  }
0x55: {  	_ =	shalt  }
0x56: {  	_ =	shalt  }
0x57: {  	_ =	shalt  }
0x58: {  	_ =	shalt  }
0x59: {  	_ =	shalt  }
0x5a: {  	_ =	shalt  }
0x5b: {  	_ =	shalt  }
0x5c: {  	_ =	shalt  }
0x5d: {  	_ =	shalt  }
0x5e: {  	_ =	shalt  }
0x5f: {  	_ =	shalt  }
0x60: {  	_ =	shalt  }
0x61: {  	_ =	shalt  }
0x62: {  	_ =	shalt  }
0x63: {  	_ =	shalt  }
0x64: {  	_ =	shalt  }
0x65: {  	_ =	shalt  }
0x66: {  	_ =	shalt  }
0x67: {  	_ =	shalt  }
0x68: {  	_ =	shalt  }
0x69: {  	_ =	shalt  }
0x6a: {  	_ =	shalt  }
0x6b: {  	_ =	shalt  }
0x6c: {  	_ =	shalt  }
0x6d: {  	_ =	shalt  }
0x6e: {  	_ =	shalt  }
0x6f: {  	_ =	shalt  }
0x70: {  	_ =	shalt  }
0x71: {  	_ =	shalt  }
0x72: {  	_ =	shalt  }
0x73: {  	_ =	shalt  }
0x74: {  	_ =	shalt  }
0x75: {  	_ =	shalt  }
0x76: {  	_ =	shalt  }
0x77: {  	_ =	shalt  }
0x78: {  	_ =	shalt  }
0x79: {  	_ =	shalt  }
0x7a: {  	_ =	shalt  }
0x7b: {  	_ =	shalt  }
0x7c: {  	_ =	shalt  }
0x7d: {  	_ =	shalt  }
0x7e: {  	_ =	shalt  }
0x7f: {  	_ =	shalt  }
0x80: {  	_ =	shalt  }
0x81: {  	_ =	shalt  }
0x82: {  	_ =	shalt  }
0x83: {  	_ =	shalt  }
0x84: {  	_ =	shalt  }
0x85: {  	_ =	shalt  }
0x86: {  	_ =	shalt  }
0x87: {  	_ =	shalt  }
.Lfunc_end0:
.L_simem_size_0:
called_computation.2_lowered:
.L_overlay_start_0:
0x88: {  	s2 =	sld [smem:$0x3FD9]  }
0x89: {  	s3 =	sld [smem:$0x3FFE];
	_ =	sdelay $0x1  }
0x8a: {  	s1 =	srdreg.scid  }
0x8b: {  	s0 =	sand.u32 $0x1, s1  }
0x8c: {  	s17 =	sshll.u32 s0, $0xA;
	s2 =	sadd.s32 s3, s2  }
0x8d: {  	s2 =	sadd.s32 s2, s17  }
0x8e: {  	[smem:$0x3FB9] =	sst s2  }
0x8f: {  	_ = 	snop  }
0x90: {  	s2 =	sld [smem:$0x3FD0];
	(tm) =	ssettm $0x1  }
0x91: {  	s18 =	sld [smem:$0x3FFB];
	_ =	sdelay $0x3  }
0x92: {  	_ =	strace s18  }
0x93: {  	s3 =	sld [smem:$0x3FFC];
	_ =	sdelay $0x3  }
0x94: {  	_ =	strace s3  }
0x95: {  	s3 =	sld [smem:$0x3FFD];
	_ =	sdelay $0x3  }
0x96: {  	_ =	strace s3  }
0x97: {  	_ =	strace $0x8FFFFFFF  }
0x98: {  	s19 =	sld [smem:$0x3FDB];
	_ =	sdelay $0x1  }
0x99: {  	s4 =	simm.s32 $_scs_section_size  }
0x9a: {  	s5 =	simm.s32 $_size__tile_overlayer_lowered;
	s6 =	simm.s32 $_tile_overlayer_lowered  }
0x9b: {  	s22 =	simm.s32 $0x1BFF;
	s21 =	sshll.u32 s6, $0x1;
	s3 =	sadd.s32 s4, s19  }
0x9c: {  	s7 =	simm.s32 $0x0;
	s20 =	sshll.u32 s5, $0x1;
	s5 =	sadd.s32 s21, s3  }
0x9d: {  	[timem:s7], [sflag:s22] =	dma.local [hbm:s5], s20  }
0x9e: {  	_ =	swait.ge [sflag:s22], s20  }
0x9f: {  	s4 =	ssub.s32 $0x0, s20;
	[sflag:s22] =	ssyncset.done $0x0  }
0xa0: {  	[sflag:s22] =	ssyncadd.s32 s4;
	_ =	sdelay $0x1  }
0xa1: {  	s23 =	simm.s32 $0x1B8B  }
0xa2: {  	_ =	swait.ge [sflag:s23], $0x1  }
0xa3: {  	[sflag:s23] =	ssyncset.done $0x0  }
0xa4: {  	s25 =	simm.s32 $0x1B8E;
	s24 =	sld [smem:$0x3FFE];
	[sflag:s23] =	ssyncadd.s32 $0xFFFFFFFF  }
0xa5: {  	s26 =	simm.s32 $execute0_lowered;
	[smem:$0x3FD2] =	sst s25  }
0xa6: {  	s5 =	sshll.u32 s26, $0x1;
	_ =	strace $0x8000004C;
	[dreg:$0x1] =	wrdreg $0xFFFFFFFF  }
0xa7: {  	s28 =	simm.s32 $_size_execute0_lowered;
	s3 =	sadd.s32 s3, s5;
	[dreg:$0x0] =	wrdreg $0x0  }
0xa8: {  	s5 =	sshll.u32 s28, $0x1;
	[dreg:$0x2] =	wrdreg s3  }
0xa9: {  	[dreg:$0x3] =	wrdreg s5  }
0xaa: {  	[dreg:$0x4] =	wrdreg $0xC0  }
0xab: {  	_ =	task [dreg:s7], $0x5FFFF  }
0xac: {  	[dreg:$0x1] =	wrdreg $0xFFFFFFFF  }
0xad: {  	[dreg:$0x0] =	wrdreg $0x60  }
0xae: {  	[dreg:$0x2] =	wrdreg s2  }
0xaf: {  	[dreg:$0x3] =	wrdreg s24  }
0xb0: {  	[dreg:$0x4] =	wrdreg $0xCD000  }
0xb1: {  	[dreg:$0x5] =	wrdreg $0x9  }
0xb2: {  	_ =	task.clear_ibuf [dreg:s7], $0x6FFFF;
	_ =	strace $0x9000004C  }
0xb3: {  	s29 =	simm.s32 $0x9;
	_ =	strace $0x8000004E  }
0xb4: {  	_ =	swait.ge [sflag:s29], $0x1  }
0xb5: {  	[sflag:s29] =	ssyncadd.s32 $0xFFFFFFFF  }
0xb6: {  	_ =	strace $0x9000004E  }
0xb7: {  	_ =	sfence  }
0xb8: {  	s30 =	sld [smem:$0x0];
	_ =	sdelay $0x2  }
0xb9: {  	s31 =	sshll.u32 s1, $0xD;
	s1 =	sshrl.u32 s1, $0x2  }
0xba: {  	s3 =	sand.u32 $0x4000, s31;
	s1 =	sadd.s32 s1, s30  }
0xbb: {  	s0 =	sor.u32 s3, s0;
	s1 =	sshll.u32 s1, $0x11  }
0xbc: {  	s0 =	sor.u32 s1, s0  }
0xbd: {  	s0 =	sadd.s32 $0x8F2B, s0  }
0xbe: {  	[sflag:s0] =	ssyncadd.remote.s32 $0x1  }
0xbf: {  	_ =	sfence.sel $0xFFFF  }
0xc0: {  	[dreg:$0x0] =	wrdreg $0xFFFFFFFF;
	(pc) =	sbr.abs _section_cstart, $3  }
0xc1: {  	[dreg:$0x1] =	wrdreg $0xFFFFFFFF  }
0xc2: {  	_ =	task.clear_ibuf [dreg:s7], $0x2FFFF;
	_ =	strace $0x9FFFFFFF  }
0xc3: {  	(tm) =	ssettm $0x7FFFFFFF  }
tec
execute0_lowered:
.L_overlay_start_1:
0x0: {  	(tag) =	ssettag $0x1  }
0x1: {  	s0 =	rddreg [dreg:$0x0]  }
0x2: {  	s1 =	rddreg [dreg:$0x1]  }
0x3: {  	s2 =	rddreg [dreg:$0x2]  }
0x4: {  	s4 =	srdreg.scid;
	s11 =	stileid.u32  }
0x5: {  	s3 =	simm.s32 $0x0;
	s28 =	simm.s32 $0x8E80;
	s30 =	simm.s32 $0x5FA0  }
0x6: {  	s29 =	simm.s32 $0x9E20;
	s31 =	simm.s32 $0x3;
	s7 =	sand.u32 $0x1, s4  }
0x7: {  	s12 =	sshll.u32 s11, $0x1;
	[smem:$0x7FF] =	sst s3;
	s4 =	sadd.s32 $0x15DA00, s1  }
0x8: {  	s5 =	sadd.s32 $0x11000, s1;
	s11 =	smul.u32 $0x4E20, s11;
	s8 =	sor.u32 s7, s12  }
0x9: {  	_ =	strace $0x8000004D;
	s10 =	ssub.s32 $0x2, s7;
	s9 =	smul.u32 $0x500, s8  }
0xa: {  	s7 =	sadd.s32 $0x167800, s1;
	s6 =	smul.u32 $0x2710, s8;
	s13 =	sshrl.u32 s10, $0x1  }
0xb: {  	s12 =	smul.u32 $0x4E200, s8;
	s15 =	sshrl.u32 s11, $0x3;
	s11 =	sadd.s32 s11, s2  }
0xc: {  	s8 =	smul.u32 $0x9C40, s8;
	s0 =	sadd.s32 s0, s15;
	s26 =	sshrl.u32 s11, $0x3  }
0xd: {  	s11 =	simm.s32 $0x4;
	s9 =	sadd.s32 s9, s1;
	s1 =	ssub.s32 s10, s13  }
0xe: {  	s16 =	sshrl.u32 s12, $0x3;
	[dreg:$0x6] =	wrdreg s0;
	s18 =	sadd.s32 s5, s8  }
0xf: {  	s8 =	sadd.s32 s7, s8;
	[dreg:$0x10] =	wrdreg s26;
	s26 =	simm.s32 $0x6F40  }
0x10: {  	s10 =	simm.s32 $0x2;
	s12 =	simm.s32 $0x6;
	s13 =	simm.s32 $0xBD60  }
0x11: {  	s14 =	sadd.s32 $0x153A00, s9;
	s9 =	sadd.s32 $0x149A00, s9;
	[dreg:$0x7] =	wrdreg s18  }
0x12: {  	s17 =	sadd.s32 $0x1F4, s16;
	s20 =	sadd.s32 s5, s16;
	[dreg:$0x9] =	wrdreg s8  }
0x13: {  	s23 =	sadd.s32 s7, s16;
	s25 =	smax.u32 s1, $0x1;
	[dreg:$0x4] =	wrdreg s14  }
0x14: {  	s1 =	simm.s32 $0x1;
	s8 =	simm.s32 $0x5;
	[dreg:$0x5] =	wrdreg s9  }
0x15: {  	s16 =	simm.s32 $0x0;
	s19 =	sadd.s32 s5, s17;
	[dreg:$0xf] =	wrdreg s25  }
0x16: {  	s21 =	sadd.s32 $0x3E8, s20;
	s0 =	sadd.s32 s7, s17;
	[dreg:$0x8] =	wrdreg s19  }
0x17: {  	s22 =	sadd.s32 $0x5DC, s20;
	s17 =	sadd.s32 $0x7D, s6;
	[dreg:$0xa] =	wrdreg s21  }
0x18: {  	s24 =	sadd.s32 $0x9858, s23;
	s25 =	simm.s32 $0x5000;
	[dreg:$0xb] =	wrdreg s0  }
0x19: {  	s9 =	simm.s32 $0xADC0;
	s14 =	simm.s32 $0x7;
	[dreg:$0xc] =	wrdreg s22  }
0x1a: {  	[dreg:$0xd] =	wrdreg s24;
	s0 =	sadd.s32 $0x9A4C, s23;
	s24 =	simm.s32 $0x7D  }
0x1b: {  	s22 =	simm.s32 $0x8;
	[dreg:$0xe] =	wrdreg s0;
	s0 =	simm.s32 $0x7EE0  }
.LBB2_1:
0x1c: {  	[dreg:$0x11] =	wrdreg s16  }
0x1d: {  	s15 =	rddreg [dreg:$0x4];
	s18 =	simm.s32 $0x9  }
0x1e: {  	[tilespmem:s3], [sflag:$0x9] =	stream.linear.gather [hbm4b:s15+s3], $0x2800, $0x38;
	[tilespmem:$0x11B20] =	vst v63  }
0x1f: {  	_ =	swait.ge [sflag:s18], $0x2800  }
0x20: {  	[sflag:s18] =	ssyncset.done $0x0  }
0x21: {  	s19 =	simm.s32 $0x2800;
	s16 =	rddreg [dreg:$0x5];
	[sflag:s18] =	ssyncadd.s32 $0xFFFFD800  }
0x22: {  	[tilespmem:s19], [sflag:$0x9] =	stream.linear.gather [hbm4b:s16+s3], $0x2800, $0x38;
	[tilespmem:$0x11B20] =	vst v63  }
0x23: {  	s20 =	stileid.u32;
	_ =	swait.ge [sflag:s18], $0x2800  }
0x24: {  	s21 =	sshll.u32 s20, $0x6;
	[sflag:s18] =	ssyncset.done $0x0;
	s23 =	rddreg [dreg:$0x6]  }
0x25: {  	s16 =	sor.u32 $0x1C09, s21;
	s20 =	rddreg [dreg:$0x10];
	[sflag:s18] =	ssyncadd.s32 $0xFFFFD800  }
0x26: {  	[spmem:s20], [sflag:s16] =	dma.local [hbm:s23], $0x9C4  }
0x27: {  	_ =	swait.ge [sflag:s18], $0x9C4  }
0x28: {  	[sflag:s18] =	ssyncset.done $0x0  }
0x29: {  	[sflag:s18] =	ssyncadd.s32 $0xFFFFF63C  }
0x2a: {  	[bflag:$0x0] =	sbarrier.arrive $0xFFFF  }
0x2b: {  	[tilespmem:s25], [sflag:$0x1] =	stream.indirect.gather [spmem:s2], $0x20, s3, s24, $0xb8;
	[tilespmem:$0x11B20] =	vst v63  }
0x2c: {  	_ = 	snop  }
0x2d: {  	[tilespmem:s26], [sflag:$0x3] =	stream.indirect.gather [hbm4b:s4+s24], $0x20, s19, s24, $0xb8;
	[tilespmem:$0x11B20] =	vst v63  }
0x2e: {  	s19 =	rddreg [dreg:$0x7]  }
0x2f: {  	[tilespmem:s28], [sflag:$0x5] =	stream.linear.gather [hbm4b:s19+s3], $0xFA0, $0x38;
	[tilespmem:$0x11B20] =	vst v63  }
0x30: {  	s20 =	simm.s32 $0x80  }
0x31: {  	[tilespmem:s30], [sflag:$0x2] =	stream.indirect.gather [spmem:s2], $0x20, s20, s24, $0xb8;
	[tilespmem:$0x11B20] =	vst v63  }
0x32: {  	s21 =	simm.s32 $0x2880  }
0x33: {  	[tilespmem:s0], [sflag:$0x4] =	stream.indirect.gather [hbm4b:s4+s24], $0x20, s21, s24, $0xb8;
	[tilespmem:$0x11B20] =	vst v63  }
0x34: {  	s23 =	rddreg [dreg:$0x8]  }
0x35: {  	[tilespmem:s29], [sflag:$0x6] =	stream.linear.gather [hbm4b:s23+s3], $0xFA0, $0x38;
	[tilespmem:$0x11B20] =	vst v63  }
0x36: {  	_ =	swait.ge [sflag:s1], $0xFA0  }
0x37: {  	[sflag:s1] =	ssyncset.done $0x0  }
0x38: {  	[sflag:s1] =	ssyncadd.s32 $0xFFFFF060  }
0x39: {  	_ =	swait.ge [sflag:s31], $0xFA0  }
0x3a: {  	[sflag:s31] =	ssyncset.done $0x0  }
0x3b: {  	[sflag:s31] =	ssyncadd.s32 $0xFFFFF060  }
0x3c: {  	_ =	swait.ge [sflag:s8], $0xFA0  }
0x3d: {  	[sflag:s8] =	ssyncset.done $0x0  }
0x3e: {  	s16 =	simm.s32 $0x0;
	[sflag:s8] =	ssyncadd.s32 $0xFFFFF060  }
0x3f: {  	v2 =	vld [tilespmem:s16+$0x8E90]  }
0x40: {  	v3 =	vld [tilespmem:s16+$0x5010]  }
0x41: {  	v5 =	vld [tilespmem:s16+$0x8E80]  }
0x42: {  	v4 =	vld [tilespmem:s16+$0x6F50]  }
0x43: {  	v6 =	vld [tilespmem:s16+$0x5000]  }
0x44: {  	s18 =	simm.s32 $0x20;
	v0 =	vld [tilespmem:s16+$0x6F40]  }
0x45: {  	v1 =	vld [tilespmem:s18+$0x8E90];
	v7 =	vadd.f32 v3, v2  }
0x46: {  	v3 =	vld [tilespmem:s18+$0x5010]  }
0x47: {  	v2 =	vld [tilespmem:s18+$0x8E80];
	v7 =	vadd.f32 v4, v7  }
0x48: {  	v6 =	vadd.f32 v6, v5;
	v4 =	vld [tilespmem:s18+$0x6F50]  }
0x49: {  	s19 =	simm.s32 $0x100;
	v5 =	vld [tilespmem:s18+$0x5000];
	v7 =	vmax.f32 v7, $0.0e+00  }
.LBB2_2:
0x4a: {  	s20 =	sshra.s32 s19, $0x2;
	v6 =	vadd.f32 v0, v6;
	v0 =	vld [tilespmem:s18+$0x6F40];
	[tilespmem:s16+$0xADD0] =	vst v7;
	p0 =	sne.s32 s19, $0x3E00  }
.Ltmp0:
0x4b: {  	s19 =	sadd.s32 $0x80, s19;
	v7 =	vadd.f32 v3, v1;
	v1 =	vld [tilespmem:s20+$0x8E90];
	(pc) =	sbr.rel @p0 .LBB2_2-.Ltmp0, $4  }
0x4c: {  	v3 =	vld [tilespmem:s20+$0x5010];
	v6 =	vmax.f32 v6, $0.0e+00;
	v8 =	vmov v2  }
0x4d: {  	v2 =	vld [tilespmem:s20+$0x8E80];
	v7 =	vadd.f32 v4, v7;
	[tilespmem:s16+$0xADC0] =	vst v6;
	s16 =	smov.u32 s18;
	s18 =	smov.u32 s20  }
0x4e: {  	v4 =	vld [tilespmem:s18+$0x6F50];
	v6 =	vadd.f32 v5, v8  }
0x4f: {  	v5 =	vld [tilespmem:s18+$0x5000];
	v7 =	vmax.f32 v7, $0.0e+00  }
0x50: {  	_ = 	snop  }
0x51: {  	v8 =	vld [tilespmem:s18+$0x6F40];
	_ =	sdelay $0x1  }
0x52: {  	v1 =	vadd.f32 v3, v1  }
0x53: {  	v0 =	vadd.f32 v0, v6;
	v2 =	vadd.f32 v5, v2  }
0x54: {  	v1 =	vadd.f32 v4, v1  }
0x55: {  	[tilespmem:s16+$0xADD0] =	vst v7;
	v0 =	vmax.f32 v0, $0.0e+00;
	v2 =	vadd.f32 v8, v2  }
0x56: {  	[tilespmem:s16+$0xADC0] =	vst v0;
	v0 =	vmax.f32 v1, $0.0e+00  }
0x57: {  	[tilespmem:s18+$0xADD0] =	vst v0;
	v0 =	vmax.f32 v2, $0.0e+00  }
0x58: {  	s19 =	simm.s32 $0x0;
	s15 =	rddreg [dreg:$0x9];
	[tilespmem:s18+$0xADC0] =	vst v0  }
0x59: {  	[hbm4b:s15+s19] =	stream.linear.scatter [tilespmem:s9], [sflag:$0x7], $0xFA0, $0x38;
	[tilespmem:$0x11B20] =	vst v63  }
0x5a: {  	s20 =	simm.s32 $0x100  }
0x5b: {  	[tilespmem:s25], [sflag:$0x1] =	stream.indirect.gather [spmem:s2], $0x20, s20, s24, $0xb8;
	[tilespmem:$0x11B20] =	vst v63  }
0x5c: {  	s21 =	simm.s32 $0x2900  }
0x5d: {  	[tilespmem:s26], [sflag:$0x3] =	stream.indirect.gather [hbm4b:s4+s24], $0x20, s21, s24, $0xb8;
	[tilespmem:$0x11B20] =	vst v63  }
0x5e: {  	s23 =	rddreg [dreg:$0xa]  }
0x5f: {  	[tilespmem:s28], [sflag:$0x5] =	stream.linear.gather [hbm4b:s23+s19], $0xFA0, $0x38;
	[tilespmem:$0x11B20] =	vst v63  }
0x60: {  	_ =	swait.ge [sflag:s10], $0xFA0  }
0x61: {  	[sflag:s10] =	ssyncset.done $0x0  }
0x62: {  	[sflag:s10] =	ssyncadd.s32 $0xFFFFF060  }
0x63: {  	_ =	swait.ge [sflag:s11], $0xFA0  }
0x64: {  	[sflag:s11] =	ssyncset.done $0x0  }
0x65: {  	[sflag:s11] =	ssyncadd.s32 $0xFFFFF060  }
0x66: {  	_ =	swait.ge [sflag:s12], $0xFA0  }
0x67: {  	[sflag:s12] =	ssyncset.done $0x0  }
0x68: {  	s16 =	simm.s32 $0x0;
	[sflag:s12] =	ssyncadd.s32 $0xFFFFF060  }
0x69: {  	v2 =	vld [tilespmem:s16+$0x9E30]  }
0x6a: {  	v3 =	vld [tilespmem:s16+$0x5FB0]  }
0x6b: {  	v5 =	vld [tilespmem:s16+$0x9E20]  }
0x6c: {  	v4 =	vld [tilespmem:s16+$0x7EF0]  }
0x6d: {  	v6 =	vld [tilespmem:s16+$0x5FA0]  }
0x6e: {  	s18 =	simm.s32 $0x20;
	v0 =	vld [tilespmem:s16+$0x7EE0]  }
0x6f: {  	v1 =	vld [tilespmem:s18+$0x9E30];
	v7 =	vadd.f32 v3, v2  }
0x70: {  	v3 =	vld [tilespmem:s18+$0x5FB0]  }
0x71: {  	v2 =	vld [tilespmem:s18+$0x9E20];
	v7 =	vadd.f32 v4, v7  }
0x72: {  	v6 =	vadd.f32 v6, v5;
	v4 =	vld [tilespmem:s18+$0x7EF0]  }
0x73: {  	s19 =	simm.s32 $0x100;
	v5 =	vld [tilespmem:s18+$0x5FA0];
	v7 =	vmax.f32 v7, $0.0e+00  }
.LBB2_4:
0x74: {  	s20 =	sshra.s32 s19, $0x2;
	v6 =	vadd.f32 v0, v6;
	v0 =	vld [tilespmem:s18+$0x7EE0];
	[tilespmem:s16+$0xBD70] =	vst v7;
	p0 =	sne.s32 s19, $0x3E00  }
.Ltmp1:
0x75: {  	s19 =	sadd.s32 $0x80, s19;
	v7 =	vadd.f32 v3, v1;
	v1 =	vld [tilespmem:s20+$0x9E30];
	(pc) =	sbr.rel @p0 .LBB2_4-.Ltmp1, $4  }
0x76: {  	v3 =	vld [tilespmem:s20+$0x5FB0];
	v6 =	vmax.f32 v6, $0.0e+00;
	v8 =	vmov v2  }
0x77: {  	v2 =	vld [tilespmem:s20+$0x9E20];
	v7 =	vadd.f32 v4, v7;
	[tilespmem:s16+$0xBD60] =	vst v6;
	s16 =	smov.u32 s18;
	s18 =	smov.u32 s20  }
0x78: {  	v4 =	vld [tilespmem:s18+$0x7EF0];
	v6 =	vadd.f32 v5, v8  }
0x79: {  	v5 =	vld [tilespmem:s18+$0x5FA0];
	v7 =	vmax.f32 v7, $0.0e+00  }
0x7a: {  	_ = 	snop  }
0x7b: {  	v8 =	vld [tilespmem:s18+$0x7EE0];
	_ =	sdelay $0x1  }
0x7c: {  	v1 =	vadd.f32 v3, v1  }
0x7d: {  	v0 =	vadd.f32 v0, v6;
	v2 =	vadd.f32 v5, v2  }
0x7e: {  	v1 =	vadd.f32 v4, v1  }
0x7f: {  	[tilespmem:s16+$0xBD70] =	vst v7;
	v0 =	vmax.f32 v0, $0.0e+00;
	v2 =	vadd.f32 v8, v2  }
0x80: {  	[tilespmem:s16+$0xBD60] =	vst v0;
	v62 =	vmax.f32 v1, $0.0e+00  }
0x81: {  	[tilespmem:s18+$0xBD70] =	vst v62;
	v63 =	vmax.f32 v2, $0.0e+00  }
0x82: {  	s15 =	rddreg [dreg:$0xb];
	[tilespmem:s18+$0xBD60] =	vst v63  }
0x83: {  	[hbm4b:s15+s3] =	stream.linear.scatter [tilespmem:s13], [sflag:$0x8], $0xFA0, $0x38;
	[tilespmem:$0x11B20] =	vst v63  }
0x84: {  	s20 =	simm.s32 $0x180  }
0x85: {  	[tilespmem:s30], [sflag:$0x2] =	stream.indirect.gather [spmem:s2], $0x20, s20, s24, $0xb8;
	[tilespmem:$0x11B20] =	vst v63  }
0x86: {  	s21 =	simm.s32 $0x2980  }
0x87: {  	[tilespmem:s0], [sflag:$0x4] =	stream.indirect.gather [hbm4b:s4+s24], $0x20, s21, s24, $0xb8;
	[tilespmem:$0x11B20] =	vst v63  }
0x88: {  	s23 =	rddreg [dreg:$0xc];
	s16 =	simm.s32 $0x1  }
0x89: {  	[tilespmem:s29], [sflag:$0x6] =	stream.linear.gather [hbm4b:s23+s3], $0xFA0, $0x38;
	[tilespmem:$0x11B20] =	vst v63  }
.LBB2_6:
0x8a: {  	_ =	swait.ge [sflag:s1], $0xFA0  }
0x8b: {  	[sflag:s1] =	ssyncset.done $0x0  }
0x8c: {  	[sflag:s1] =	ssyncadd.s32 $0xFFFFF060  }
0x8d: {  	_ =	swait.ge [sflag:s31], $0xFA0  }
0x8e: {  	[sflag:s31] =	ssyncset.done $0x0  }
0x8f: {  	[sflag:s31] =	ssyncadd.s32 $0xFFFFF060  }
0x90: {  	_ =	swait.ge [sflag:s8], $0xFA0  }
0x91: {  	[sflag:s8] =	ssyncset.done $0x0  }
0x92: {  	[sflag:s8] =	ssyncadd.s32 $0xFFFFF060  }
0x93: {  	_ =	swait.ge [sflag:s14], $0xFA0  }
0x94: {  	[sflag:s14] =	ssyncset.done $0x0  }
0x95: {  	s20 =	simm.s32 $0x0;
	[sflag:s14] =	ssyncadd.s32 $0xFFFFF060  }
0x96: {  	v2 =	vld [tilespmem:s20+$0x8E90]  }
0x97: {  	v3 =	vld [tilespmem:s20+$0x5010]  }
0x98: {  	v5 =	vld [tilespmem:s20+$0x8E80]  }
0x99: {  	v4 =	vld [tilespmem:s20+$0x6F50]  }
0x9a: {  	v6 =	vld [tilespmem:s20+$0x5000]  }
0x9b: {  	s19 =	simm.s32 $0x20;
	v0 =	vld [tilespmem:s20+$0x6F40]  }
0x9c: {  	v1 =	vld [tilespmem:s19+$0x8E90];
	v7 =	vadd.f32 v3, v2  }
0x9d: {  	v3 =	vld [tilespmem:s19+$0x5010]  }
0x9e: {  	v2 =	vld [tilespmem:s19+$0x8E80];
	v8 =	vadd.f32 v4, v7  }
0x9f: {  	v4 =	vld [tilespmem:s19+$0x6F50];
	v7 =	vadd.f32 v6, v5  }
0xa0: {  	s18 =	simm.s32 $0x100;
	v5 =	vld [tilespmem:s19+$0x5000];
	v6 =	vmax.f32 v8, $0.0e+00  }
.LBB2_7:
0xa1: {  	s21 =	sshra.s32 s18, $0x2;
	v7 =	vadd.f32 v0, v7;
	v0 =	vld [tilespmem:s19+$0x6F40];
	[tilespmem:s20+$0xADD0] =	vst v6;
	p0 =	sne.s32 s18, $0x3E00  }
.Ltmp2:
0xa2: {  	s18 =	sadd.s32 $0x80, s18;
	v6 =	vadd.f32 v3, v1;
	v1 =	vld [tilespmem:s21+$0x8E90];
	(pc) =	sbr.rel @p0 .LBB2_7-.Ltmp2, $4  }
0xa3: {  	v3 =	vld [tilespmem:s21+$0x5010];
	v7 =	vmax.f32 v7, $0.0e+00;
	v8 =	vmov v2  }
0xa4: {  	v2 =	vld [tilespmem:s21+$0x8E80];
	v6 =	vadd.f32 v4, v6;
	[tilespmem:s20+$0xADC0] =	vst v7;
	s20 =	smov.u32 s19;
	s19 =	smov.u32 s21  }
0xa5: {  	v4 =	vld [tilespmem:s19+$0x6F50];
	v7 =	vadd.f32 v5, v8  }
0xa6: {  	v5 =	vld [tilespmem:s19+$0x5000];
	v6 =	vmax.f32 v6, $0.0e+00  }
0xa7: {  	_ = 	snop  }
0xa8: {  	v8 =	vld [tilespmem:s19+$0x6F40];
	_ =	sdelay $0x1  }
0xa9: {  	v1 =	vadd.f32 v3, v1  }
0xaa: {  	v0 =	vadd.f32 v0, v7;
	s18 =	smul.u32 $0xFA, s16;
	v2 =	vadd.f32 v5, v2  }
0xab: {  	v1 =	vadd.f32 v4, v1  }
0xac: {  	[tilespmem:s20+$0xADD0] =	vst v6;
	v0 =	vmax.f32 v0, $0.0e+00;
	s21 =	sadd.s32 s6, s18;
	v2 =	vadd.f32 v8, v2  }
0xad: {  	[tilespmem:s20+$0xADC0] =	vst v0;
	s21 =	sshll.u32 s21, $0x2;
	v0 =	vmax.f32 v1, $0.0e+00  }
0xae: {  	s20 =	sand.u32 $0x1FFFFFF8, s21;
	[tilespmem:s19+$0xADD0] =	vst v0;
	v0 =	vmax.f32 v2, $0.0e+00  }
0xaf: {  	s23 =	sadd.s32 s7, s20;
	s20 =	simm.s32 $0x0;
	[tilespmem:s19+$0xADC0] =	vst v0;
	s19 =	sshll.u32 s16, $0x1  }
0xb0: {  	[hbm4b:s23+s20] =	stream.linear.scatter [tilespmem:s9], [sflag:$0x7], $0xFA0, $0x38;
	[tilespmem:$0x11B20] =	vst v63  }
0xb1: {  	s15 =	sadd.s32 $0x2, s19  }
0xb2: {  	s23 =	sshll.u32 s15, $0x7;
	s21 =	smul.u32 $0x7D, s15  }
0xb3: {  	[tilespmem:s25], [sflag:$0x1] =	stream.indirect.gather [spmem:s2], $0x20, s23, s24, $0xb8;
	[tilespmem:$0x11B20] =	vst v63  }
0xb4: {  	s23 =	sadd.s32 $0x2800, s23;
	s21 =	sadd.s32 s6, s21  }
0xb5: {  	[tilespmem:s26], [sflag:$0x3] =	stream.indirect.gather [hbm4b:s4+s24], $0x20, s23, s24, $0xb8;
	[tilespmem:$0x11B20] =	vst v63  }
0xb6: {  	s21 =	sshll.u32 s21, $0x2  }
0xb7: {  	s21 =	sand.u32 $0x1FFFFFF8, s21  }
0xb8: {  	s21 =	sadd.s32 s5, s21  }
0xb9: {  	[tilespmem:s28], [sflag:$0x5] =	stream.linear.gather [hbm4b:s21+s20], $0xFA0, $0x38;
	[tilespmem:$0x11B20] =	vst v63  }
0xba: {  	_ =	swait.ge [sflag:s10], $0xFA0  }
0xbb: {  	[sflag:s10] =	ssyncset.done $0x0  }
0xbc: {  	[sflag:s10] =	ssyncadd.s32 $0xFFFFF060  }
0xbd: {  	_ =	swait.ge [sflag:s11], $0xFA0  }
0xbe: {  	[sflag:s11] =	ssyncset.done $0x0  }
0xbf: {  	[sflag:s11] =	ssyncadd.s32 $0xFFFFF060  }
0xc0: {  	_ =	swait.ge [sflag:s12], $0xFA0  }
0xc1: {  	[sflag:s12] =	ssyncset.done $0x0  }
0xc2: {  	[sflag:s12] =	ssyncadd.s32 $0xFFFFF060  }
0xc3: {  	_ =	swait.ge [sflag:s22], $0xFA0  }
0xc4: {  	[sflag:s22] =	ssyncset.done $0x0  }
0xc5: {  	s23 =	simm.s32 $0x0;
	[sflag:s22] =	ssyncadd.s32 $0xFFFFF060  }
0xc6: {  	v2 =	vld [tilespmem:s23+$0x9E30]  }
0xc7: {  	v3 =	vld [tilespmem:s23+$0x5FB0]  }
0xc8: {  	v5 =	vld [tilespmem:s23+$0x9E20]  }
0xc9: {  	v4 =	vld [tilespmem:s23+$0x7EF0]  }
0xca: {  	v6 =	vld [tilespmem:s23+$0x5FA0]  }
0xcb: {  	s20 =	simm.s32 $0x20;
	v0 =	vld [tilespmem:s23+$0x7EE0]  }
0xcc: {  	v1 =	vld [tilespmem:s20+$0x9E30];
	v7 =	vadd.f32 v3, v2  }
0xcd: {  	v3 =	vld [tilespmem:s20+$0x5FB0]  }
0xce: {  	v2 =	vld [tilespmem:s20+$0x9E20];
	v7 =	vadd.f32 v4, v7  }
0xcf: {  	v6 =	vadd.f32 v6, v5;
	v4 =	vld [tilespmem:s20+$0x7EF0]  }
0xd0: {  	s21 =	simm.s32 $0x100;
	v5 =	vld [tilespmem:s20+$0x5FA0];
	v7 =	vmax.f32 v7, $0.0e+00  }
.LBB2_9:
0xd1: {  	s15 =	sshra.s32 s21, $0x2;
	v6 =	vadd.f32 v0, v6;
	v0 =	vld [tilespmem:s20+$0x7EE0];
	[tilespmem:s23+$0xBD70] =	vst v7;
	p0 =	sne.s32 s21, $0x3E00  }
.Ltmp3:
0xd2: {  	s21 =	sadd.s32 $0x80, s21;
	v7 =	vadd.f32 v3, v1;
	v1 =	vld [tilespmem:s15+$0x9E30];
	(pc) =	sbr.rel @p0 .LBB2_9-.Ltmp3, $4  }
0xd3: {  	v3 =	vld [tilespmem:s15+$0x5FB0];
	v6 =	vmax.f32 v6, $0.0e+00;
	v8 =	vmov v2  }
0xd4: {  	v2 =	vld [tilespmem:s15+$0x9E20];
	v7 =	vadd.f32 v4, v7;
	[tilespmem:s23+$0xBD60] =	vst v6;
	s23 =	smov.u32 s20;
	s20 =	smov.u32 s15  }
0xd5: {  	v4 =	vld [tilespmem:s20+$0x7EF0];
	v6 =	vadd.f32 v5, v8  }
0xd6: {  	v5 =	vld [tilespmem:s20+$0x5FA0];
	v7 =	vmax.f32 v7, $0.0e+00  }
0xd7: {  	_ = 	snop  }
0xd8: {  	v8 =	vld [tilespmem:s20+$0x7EE0];
	_ =	sdelay $0x1  }
0xd9: {  	v1 =	vadd.f32 v3, v1  }
0xda: {  	v0 =	vadd.f32 v0, v6;
	v2 =	vadd.f32 v5, v2  }
0xdb: {  	v1 =	vadd.f32 v4, v1  }
0xdc: {  	[tilespmem:s23+$0xBD70] =	vst v7;
	s15 =	sadd.s32 s18, s17;
	v0 =	vmax.f32 v0, $0.0e+00;
	v2 =	vadd.f32 v8, v2  }
0xdd: {  	s15 =	sshll.u32 s15, $0x2;
	[tilespmem:s23+$0xBD60] =	vst v0;
	v62 =	vmax.f32 v1, $0.0e+00  }
0xde: {  	s15 =	sand.u32 $0x1FFFFFFC, s15;
	[tilespmem:s20+$0xBD70] =	vst v62;
	v63 =	vmax.f32 v2, $0.0e+00  }
0xdf: {  	s21 =	sadd.s32 $0x3, s19;
	s15 =	sadd.s32 s7, s15;
	[tilespmem:s20+$0xBD60] =	vst v63  }
0xe0: {  	[hbm4b:s15+s3] =	stream.linear.scatter [tilespmem:s13], [sflag:$0x8], $0xFA0, $0x38;
	[tilespmem:$0x11B20] =	vst v63  }
0xe1: {  	s16 =	sadd.s32 $0x1, s16;
	s23 =	sshll.u32 s21, $0x7;
	s15 =	smul.u32 $0x7D, s21  }
0xe2: {  	[tilespmem:s30], [sflag:$0x2] =	stream.indirect.gather [spmem:s2], $0x20, s23, s24, $0xb8;
	[tilespmem:$0x11B20] =	vst v63  }
0xe3: {  	p0 =	sne.s32 s16, $0x27;
	s15 =	sadd.s32 s6, s15  }
.Ltmp4:
0xe4: {  	s18 =	sadd.s32 $0x2800, s23;
	s15 =	sshll.u32 s15, $0x2;
	(pc) =	sbr.rel @p0 .LBB2_6-.Ltmp4, $4  }
0xe5: {  	[tilespmem:s0], [sflag:$0x4] =	stream.indirect.gather [hbm4b:s4+s24], $0x20, s18, s24, $0xb8;
	[tilespmem:$0x11B20] =	vst v63  }
0xe6: {  	s15 =	sand.u32 $0x1FFFFFFC, s15  }
0xe7: {  	s15 =	sadd.s32 s5, s15  }
0xe8: {  	[tilespmem:s29], [sflag:$0x6] =	stream.linear.gather [hbm4b:s15+s3], $0xFA0, $0x38;
	[tilespmem:$0x11B20] =	vst v63  }
0xe9: {  	_ =	swait.ge [sflag:s1], $0xFA0  }
0xea: {  	[sflag:s1] =	ssyncset.done $0x0  }
0xeb: {  	[sflag:s1] =	ssyncadd.s32 $0xFFFFF060  }
0xec: {  	_ =	swait.ge [sflag:s31], $0xFA0  }
0xed: {  	[sflag:s31] =	ssyncset.done $0x0  }
0xee: {  	[sflag:s31] =	ssyncadd.s32 $0xFFFFF060  }
0xef: {  	_ =	swait.ge [sflag:s8], $0xFA0  }
0xf0: {  	[sflag:s8] =	ssyncset.done $0x0  }
0xf1: {  	[sflag:s8] =	ssyncadd.s32 $0xFFFFF060  }
0xf2: {  	_ =	swait.ge [sflag:s14], $0xFA0  }
0xf3: {  	[sflag:s14] =	ssyncset.done $0x0  }
0xf4: {  	s16 =	simm.s32 $0x0;
	[sflag:s14] =	ssyncadd.s32 $0xFFFFF060  }
0xf5: {  	v2 =	vld [tilespmem:s16+$0x8E90]  }
0xf6: {  	v3 =	vld [tilespmem:s16+$0x5010]  }
0xf7: {  	v5 =	vld [tilespmem:s16+$0x8E80]  }
0xf8: {  	v4 =	vld [tilespmem:s16+$0x6F50]  }
0xf9: {  	v6 =	vld [tilespmem:s16+$0x5000]  }
0xfa: {  	s18 =	simm.s32 $0x20;
	v0 =	vld [tilespmem:s16+$0x6F40]  }
0xfb: {  	v1 =	vld [tilespmem:s18+$0x8E90];
	v7 =	vadd.f32 v3, v2  }
0xfc: {  	v3 =	vld [tilespmem:s18+$0x5010]  }
0xfd: {  	v2 =	vld [tilespmem:s18+$0x8E80];
	v7 =	vadd.f32 v4, v7  }
0xfe: {  	v6 =	vadd.f32 v6, v5;
	v4 =	vld [tilespmem:s18+$0x6F50]  }
0xff: {  	s19 =	simm.s32 $0x100;
	v5 =	vld [tilespmem:s18+$0x5000];
	v7 =	vmax.f32 v7, $0.0e+00  }
.LBB2_12:
0x100: {  	s15 =	sshra.s32 s19, $0x2;
	v6 =	vadd.f32 v0, v6;
	v0 =	vld [tilespmem:s18+$0x6F40];
	[tilespmem:s16+$0xADD0] =	vst v7;
	p0 =	sne.s32 s19, $0x3E00  }
.Ltmp5:
0x101: {  	s19 =	sadd.s32 $0x80, s19;
	v7 =	vadd.f32 v3, v1;
	v1 =	vld [tilespmem:s15+$0x8E90];
	(pc) =	sbr.rel @p0 .LBB2_12-.Ltmp5, $4  }
0x102: {  	v3 =	vld [tilespmem:s15+$0x5010];
	v6 =	vmax.f32 v6, $0.0e+00;
	v8 =	vmov v2  }
0x103: {  	v2 =	vld [tilespmem:s15+$0x8E80];
	v7 =	vadd.f32 v4, v7;
	[tilespmem:s16+$0xADC0] =	vst v6;
	s16 =	smov.u32 s18;
	s18 =	smov.u32 s15  }
0x104: {  	v4 =	vld [tilespmem:s18+$0x6F50];
	v6 =	vadd.f32 v5, v8  }
0x105: {  	v5 =	vld [tilespmem:s18+$0x5000];
	v7 =	vmax.f32 v7, $0.0e+00  }
0x106: {  	_ = 	snop  }
0x107: {  	v8 =	vld [tilespmem:s18+$0x6F40];
	_ =	sdelay $0x1  }
0x108: {  	v1 =	vadd.f32 v3, v1  }
0x109: {  	v0 =	vadd.f32 v0, v6;
	v2 =	vadd.f32 v5, v2  }
0x10a: {  	v1 =	vadd.f32 v4, v1  }
0x10b: {  	[tilespmem:s16+$0xADD0] =	vst v7;
	v0 =	vmax.f32 v0, $0.0e+00;
	v2 =	vadd.f32 v8, v2  }
0x10c: {  	[tilespmem:s16+$0xADC0] =	vst v0;
	v0 =	vmax.f32 v1, $0.0e+00  }
0x10d: {  	[tilespmem:s18+$0xADD0] =	vst v0;
	v0 =	vmax.f32 v2, $0.0e+00  }
0x10e: {  	s15 =	simm.s32 $0x0;
	s23 =	rddreg [dreg:$0xd];
	[tilespmem:s18+$0xADC0] =	vst v0  }
0x10f: {  	[hbm4b:s23+s15] =	stream.linear.scatter [tilespmem:s9], [sflag:$0x7], $0xFA0, $0x38;
	[tilespmem:$0x11B20] =	vst v63  }
0x110: {  	_ =	swait.ge [sflag:s10], $0xFA0  }
0x111: {  	[sflag:s10] =	ssyncset.done $0x0  }
0x112: {  	[sflag:s10] =	ssyncadd.s32 $0xFFFFF060  }
0x113: {  	_ =	swait.ge [sflag:s11], $0xFA0  }
0x114: {  	[sflag:s11] =	ssyncset.done $0x0  }
0x115: {  	[sflag:s11] =	ssyncadd.s32 $0xFFFFF060  }
0x116: {  	_ =	swait.ge [sflag:s12], $0xFA0  }
0x117: {  	[sflag:s12] =	ssyncset.done $0x0  }
0x118: {  	[sflag:s12] =	ssyncadd.s32 $0xFFFFF060  }
0x119: {  	_ =	swait.ge [sflag:s22], $0xFA0  }
0x11a: {  	[sflag:s22] =	ssyncset.done $0x0  }
0x11b: {  	s16 =	simm.s32 $0x0;
	[sflag:s22] =	ssyncadd.s32 $0xFFFFF060  }
0x11c: {  	v2 =	vld [tilespmem:s16+$0x9E30]  }
0x11d: {  	v3 =	vld [tilespmem:s16+$0x5FB0]  }
0x11e: {  	v5 =	vld [tilespmem:s16+$0x9E20]  }
0x11f: {  	v4 =	vld [tilespmem:s16+$0x7EF0]  }
0x120: {  	v6 =	vld [tilespmem:s16+$0x5FA0]  }
0x121: {  	s18 =	simm.s32 $0x20;
	v0 =	vld [tilespmem:s16+$0x7EE0]  }
0x122: {  	v1 =	vld [tilespmem:s18+$0x9E30];
	v7 =	vadd.f32 v3, v2  }
0x123: {  	v3 =	vld [tilespmem:s18+$0x5FB0]  }
0x124: {  	v2 =	vld [tilespmem:s18+$0x9E20];
	v7 =	vadd.f32 v4, v7  }
0x125: {  	v6 =	vadd.f32 v6, v5;
	v4 =	vld [tilespmem:s18+$0x7EF0]  }
0x126: {  	s19 =	simm.s32 $0x100;
	v5 =	vld [tilespmem:s18+$0x5FA0];
	v7 =	vmax.f32 v7, $0.0e+00  }
.LBB2_14:
0x127: {  	s15 =	sshra.s32 s19, $0x2;
	v6 =	vadd.f32 v0, v6;
	v0 =	vld [tilespmem:s18+$0x7EE0];
	[tilespmem:s16+$0xBD70] =	vst v7;
	p0 =	sne.s32 s19, $0x3E00  }
.Ltmp6:
0x128: {  	s19 =	sadd.s32 $0x80, s19;
	v7 =	vadd.f32 v3, v1;
	v1 =	vld [tilespmem:s15+$0x9E30];
	(pc) =	sbr.rel @p0 .LBB2_14-.Ltmp6, $4  }
0x129: {  	v3 =	vld [tilespmem:s15+$0x5FB0];
	v6 =	vmax.f32 v6, $0.0e+00;
	v8 =	vmov v2  }
0x12a: {  	v2 =	vld [tilespmem:s15+$0x9E20];
	v7 =	vadd.f32 v4, v7;
	[tilespmem:s16+$0xBD60] =	vst v6;
	s16 =	smov.u32 s18;
	s18 =	smov.u32 s15  }
0x12b: {  	v4 =	vld [tilespmem:s18+$0x7EF0];
	v6 =	vadd.f32 v5, v8  }
0x12c: {  	v5 =	vld [tilespmem:s18+$0x5FA0];
	v7 =	vmax.f32 v7, $0.0e+00  }
0x12d: {  	_ = 	snop  }
0x12e: {  	v8 =	vld [tilespmem:s18+$0x7EE0];
	_ =	sdelay $0x1  }
0x12f: {  	v1 =	vadd.f32 v3, v1  }
0x130: {  	v0 =	vadd.f32 v0, v6;
	v2 =	vadd.f32 v5, v2  }
0x131: {  	v1 =	vadd.f32 v4, v1  }
0x132: {  	[tilespmem:s16+$0xBD70] =	vst v7;
	v0 =	vmax.f32 v0, $0.0e+00;
	v2 =	vadd.f32 v8, v2  }
0x133: {  	[tilespmem:s16+$0xBD60] =	vst v0;
	v62 =	vmax.f32 v1, $0.0e+00  }
0x134: {  	[tilespmem:s18+$0xBD70] =	vst v62;
	v63 =	vmax.f32 v2, $0.0e+00  }
0x135: {  	s15 =	rddreg [dreg:$0xe];
	[tilespmem:s18+$0xBD60] =	vst v63  }
0x136: {  	[hbm4b:s15+s3] =	stream.linear.scatter [tilespmem:s13], [sflag:$0x8], $0xFA0, $0x38;
	[tilespmem:$0x11B20] =	vst v63  }
0x137: {  	_ =	swait.ge [sflag:s14], $0xFA0  }
0x138: {  	[sflag:s14] =	ssyncset.done $0x0  }
0x139: {  	[sflag:s14] =	ssyncadd.s32 $0xFFFFF060  }
0x13a: {  	_ =	swait.ge [sflag:s22], $0xFA0  }
0x13b: {  	s21 =	rddreg [dreg:$0x11]  }
0x13c: {  	s23 =	rddreg [dreg:$0xf];
	s16 =	sadd.s32 $0x1, s21  }
0x13d: {  	p0 =	sne.s32 s16, s23  }
.Ltmp7:
0x13e: {  	_ = 	snop;
	(pc) =	sbr.rel @p0 .LBB2_1-.Ltmp7, $3  }
0x13f: {  	_ =	sdelay $0x1  }
0x140: {  	[sflag:s22] =	ssyncset.done $0x0  }
0x141: {  	[sflag:s22] =	ssyncadd.s32 $0xFFFFF060  }
0x142: {  	_ =	sfence.sel $0x180000  }
0x143: {  	[bflag:$0x0] =	sbarrier.arrive $0xFFFF  }
0x144: {  	_ =	strace $0x9000004D  }
0x145: {  	s0 =	stileid.u32;
	[bflag:$0x2] =	sbarrier.arrive $0xFFFF  }
0x146: {  	p0 =	sne.s32 s0, $0x0;
	s0 =	rddreg [dreg:$0x3]  }
0x147: {  	s0 =	sadd.s32 @!p0 $0x100000, s0  }
0x148: {  	[sflag:s0] =	ssyncadd.tile.s32 @!p0 $0x1;
	_ =	shalt  }
.Lfunc_end2:
_tile_overlayer_lowered:
.L_overlay_start_2:
0x149: {  	(tag) =	ssettag $0x2  }
0x14a: {  	s0 =	rddreg [dreg:$0x0];
	s2 =	stileid.u32  }
0x14b: {  	s1 =	rddreg [dreg:$0x1];
	p0 =	sne.s32 s2, $0x0  }
0x14c: {  	s3 =	rddreg [dreg:$0x2];
	[bflag:$0x3] =	sbarrier.arrive $0xFFFF;
	s2 =	simm.s32 @!p0 $0x1C09  }
0x14d: {  	[timem:s3], [sflag:s2] =	dma.local @!p0 [hbm:s0], s1  }
0x14e: {  	s0 =	simm.s32 @!p0 $0x9  }
0x14f: {  	_ =	swait.ge @!p0 [sflag:s0], s1  }
0x150: {  	s1 =	ssub.s32 @!p0 $0x0, s1;
	[sflag:s0] =	ssyncset.done @!p0 $0x0  }
0x151: {  	[sflag:s0] =	ssyncadd.s32 @!p0 s1  }
0x152: {  	[bflag:$0x3] =	sbarrier.arrive $0xFFFF  }
0x153: {  	_ =	shalt  }

</sc_bundles>
